<compile_context>
chip_gen: v7x
topology: tpu7x:2x2x1
jax: 0.10.2.dev20260603
libtpu: 0.0.44.dev20260713+nightly
codegen_flags: <defaults>
</compile_context>

<pallas_src>
import dataclasses
import functools

import jax
import jax.numpy as jnp
from jax import lax
from jax.experimental import pallas as pl
from jax.experimental.pallas import tpu as pltpu
from jax.experimental.pallas import tpu_sc as plsc

_NC, _NS, _L = 2, 16, 16
_NW = _NC * _NS


def _uv_render_sc(vvv, bary_p, vt_to_v, fuv_c, pf_flat, *, B, V, D, F, H, W):
    P = H * W
    C = 32
    OPITCH = 40
    PW = P // _NW
    NCHUNK = PW // C
    ROWS_PER_H = W // C
    BD = B * D
    NVTP = vt_to_v.shape[0]
    mesh = plsc.VectorSubcoreMesh(core_axis_name="c", subcore_axis_name="s")
    cp = pltpu.CompilerParams()
    if "needs_layout_passes" in pltpu.CompilerParams.__dataclass_fields__:
        cp = dataclasses.replace(cp, needs_layout_passes=False)
    if "use_tc_tiling_on_sc" in pltpu.CompilerParams.__dataclass_fields__:
        cp = dataclasses.replace(cp, use_tc_tiling_on_sc=False)

    @functools.partial(
        pl.kernel,
        compiler_params=cp,
        out_type=jax.ShapeDtypeStruct((B, H, D, W), jnp.float32),
        mesh=mesh,
        scratch_types=[
            pltpu.VMEM((NVTP,), jnp.int32),
            pltpu.VMEM((3, F), jnp.int32),
            pltpu.VMEM((PW,), jnp.int32),
            pltpu.VMEM((3, 16 + PW), jnp.float32),
            pltpu.VMEM((2, 3 * C), jnp.int32),
            pltpu.VMEM((2 * 3 * C, BD), jnp.float32),
            pltpu.VMEM((2, B, D, OPITCH), jnp.float32),
            pltpu.SemaphoreType.DMA,
            pltpu.SemaphoreType.DMA,
            pltpu.SemaphoreType.DMA,
            pltpu.SemaphoreType.DMA,
            pltpu.SemaphoreType.DMA,
        ],
    )
    def k(vvv_hbm, bary0_hbm, bary1_hbm, bary2_hbm, vt_hbm,
          fuv0_hbm, fuv1_hbm, fuv2_hbm, pf_hbm, out_hbm,
          vt_v, fuv_v, pf_all, bary_v, idx_v, gbuf, obuf,
          sem_in, sem_g0, sem_g1, sem_o0, sem_o1):
        wid = lax.axis_index("s") * _NC + lax.axis_index("c")
        iota = lax.iota(jnp.int32, _L)
        bary_hbms = [bary0_hbm, bary1_hbm, bary2_hbm]
        fuv_hbms = [fuv0_hbm, fuv1_hbm, fuv2_hbm]

        def splat(v):
            return jnp.full((_L,), v, jnp.int32)

        lane_c = [iota + (b * D + h * _L) for b in range(B) for h in range(D // _L)]
        dvec_c = [iota + h * _L for h in range(D // _L)]
        b_c = [splat(b) for b in range(B)]
        par_c = [splat(0), splat(1)]

        ins = [
            pltpu.async_copy(vt_hbm, vt_v, sem_in),
            pltpu.async_copy(pf_hbm.at[pl.ds(wid * PW, PW)], pf_all, sem_in),
        ]
        ins += [pltpu.async_copy(fuv_hbms[kk], fuv_v.at[kk], sem_in)
                for kk in range(3)]
        ins += [pltpu.async_copy(bary_hbms[kk].at[pl.ds(wid * PW, PW)],
                                 bary_v.at[kk, pl.ds(16, PW)], sem_in)
                for kk in range(3)]
        for h_ in ins:
            h_.wait()

        def gather_copies(par, sem):
            return [
                pltpu.make_async_copy(
                    vvv_hbm.at[idx_v.at[par, pl.ds(48 * i, 48)]],
                    gbuf.at[pl.ds(par * 3 * C + 48 * i, 48)], sem)
                for i in range(2)
            ]

        def fire(c, par):
            sem = sem_g0 if par == 0 else sem_g1
            for g in range(C // _L):
                pfv = plsc.load_gather(pf_all, [splat(c * C + g * _L) + iota])
                pfv = jnp.minimum(jnp.maximum(pfv, 0), F - 1)
                for kk in range(3):
                    uv = plsc.load_gather(fuv_v.at[kk], [pfv])
                    vi = plsc.load_gather(vt_v, [uv])
                    plsc.store_scatter(
                        idx_v, [splat(par), splat(kk * C + g * _L) + iota], vi)
            for cpd in gather_copies(par, sem):
                cpd.start()

        def drain(par):
            sem = sem_g0 if par == 0 else sem_g1
            for cpd in gather_copies(par, sem):
                cpd.wait()

        def combine(c, par):
            @plsc.parallel_loop(0, C, unroll=2)
            def _(p):
                wbase = splat(16 + c * C + p)
                w = [plsc.load_gather(bary_v.at[kk], [wbase])
                     for kk in range(3)]
                rows = [splat(par * 3 * C + kk * C + p) for kk in range(3)]
                pvec = splat(p)
                for b in range(B):
                    for h in range(D // _L):
                        r = [plsc.load_gather(
                                gbuf, [rows[kk], lane_c[b * (D // _L) + h]])
                             for kk in range(3)]
                        acc = w[0] * r[0] + w[1] * r[1] + w[2] * r[2]
                        plsc.store_scatter(
                            obuf,
                            [par_c[par], b_c[b], dvec_c[h], pvec],
                            acc)

        def out_copies(c, par, sem):
            hrow = wid * (PW // W) + c // ROWS_PER_H
            w0 = (c % ROWS_PER_H) * C
            return [
                pltpu.make_async_copy(
                    obuf.at[par, b, :, pl.ds(0, C)],
                    out_hbm.at[b, hrow, :, pl.ds(w0, C)], sem)
                for b in range(B)
            ]

        fire(0, 0)

        @pl.loop(0, NCHUNK, step=2)
        def _(c0):
            fire(c0 + 1, 1)
            drain(0)

            @pl.when(c0 >= 2)
            def _():
                for cpd in out_copies(c0 - 2, 0, sem_o0):
                    cpd.wait()

            combine(c0, 0)
            for cpd in out_copies(c0, 0, sem_o0):
                cpd.start()

            @pl.when(c0 + 2 < NCHUNK)
            def _():
                fire(c0 + 2, 0)

            drain(1)

            @pl.when(c0 >= 2)
            def _():
                for cpd in out_copies(c0 - 1, 1, sem_o1):
                    cpd.wait()

            combine(c0 + 1, 1)
            for cpd in out_copies(c0 + 1, 1, sem_o1):
                cpd.start()

        for cpd in out_copies(NCHUNK - 2, 0, sem_o0):
            cpd.wait()
        for cpd in out_copies(NCHUNK - 1, 1, sem_o1):
            cpd.wait()

    return k(vvv, bary_p[0], bary_p[1], bary_p[2], vt_to_v,
             fuv_c[0], fuv_c[1], fuv_c[2], pf_flat)


def kernel(verts_attr, bary_coords, vt_to_v_index, faces_uv, pix_to_face):
    B, V, D = verts_attr.shape
    F = faces_uv.shape[0]
    H, W = pix_to_face.shape
    P = H * W
    vt = vt_to_v_index.astype(jnp.int32)
    vt_pad = (-vt.shape[0]) % 16
    if vt_pad:
        vt = jnp.pad(vt, (0, vt_pad))
    bary = bary_coords.astype(jnp.float32)
    fuv = faces_uv.astype(jnp.int32)
    out = _uv_render_sc(
        verts_attr.transpose(1, 0, 2).reshape(V, B * D),
        [bary[:, :, kk].reshape(P) for kk in range(3)],
        vt,
        [fuv[:, kk] for kk in range(3)],
        pix_to_face.astype(jnp.int32).reshape(P),
        B=B, V=V, D=D, F=F, H=H, W=W,
    )
    return out.swapaxes(2, 3)

# --- scband reference (transcript-rebuilt; emitter-appended) ---
"""Pipeline reference for scband-uvrenderer-7567732375924 (READ-ONLY COPY).

The authoritative reference and input builder live on the scoring server;
editing this copy changes nothing except your own understanding.
"""

import jax, jax.numpy as jnp
import numpy as np

# SMPL-like mesh constants: 6890 verts, 7576 UV verts, 13776 faces, 256x256 UV map

def setup_inputs(seed: int = 0) -> dict:
    key = jax.random.key(seed)
    ks = jax.random.split(key, 5)
    B, V, D = 8, 6890, 32
    NVT, F, H, W = 7576, 13776, 256, 256
    verts_attr = jax.random.normal(ks[0], (B, V, D), dtype=jnp.float32)
    bary = jax.random.uniform(ks[1], (H, W, 3), dtype=jnp.float32)
    bary_coords = bary / jnp.sum(bary, axis=-1, keepdims=True)
    vt_to_v_index = jax.random.randint(ks[2], (NVT,), 0, V)
    faces_uv = jax.random.randint(ks[3], (F, 3), 0, NVT)
    pix_to_face = jax.random.randint(ks[4], (H, W), 0, F)
    return {
        "verts_attr": verts_attr,
        "bary_coords": bary_coords,
        "vt_to_v_index": vt_to_v_index,
        "faces_uv": faces_uv,
        "pix_to_face": pix_to_face,
    }


def reference(verts_attr, bary_coords, vt_to_v_index, faces_uv, pix_to_face):
    # verts_attr: [B, V, D]; vt_to_v_index: [NVT]; faces_uv: [F, 3];
    # pix_to_face: [H, W]; bary_coords: [H, W, 3]
    B, V, D = verts_attr.shape
    F = faces_uv.shape[0]
    H, W = pix_to_face.shape
    # UV-vertex attribute lookup (gather): vt_attr[b, i] = verts_attr[b, vt_to_v_index[i]]
    vt_attr = jnp.take(verts_attr, vt_to_v_index, axis=1)  # [B, NVT, D]
    # face attribute gather: [B, F, 3, D]
    face_attr = jnp.take(vt_attr, faces_uv.reshape(-1), axis=1).reshape(B, F, 3, D)
    # per-pixel face gather: [B, H, W, 3, D]
    pix_idx = jnp.clip(pix_to_face, 0, F - 1)
    pix_attr = jnp.take(face_attr, pix_idx.reshape(-1), axis=1).reshape(B, H, W, 3, D)
    # barycentric interpolation of face attributes (pytorch3d interpolate_face_attributes)
    out = jnp.sum(bary_coords[None, :, :, :, None] * pix_attr, axis=3)  # [B, H, W, D]
    mask = (pix_to_face >= 0)[None, :, :, None]
    out = jnp.where(mask, out, 0.0)
    return out

if __name__ == "__main__":
    import jax
    _d = setup_inputs()
    print(jax.jit(kernel)(*tuple(_d.values())))

</pallas_src>

<mosaic_0001>
#map = affine_map<(d0, d1) -> (0, 0)>
#map1 = affine_map<(d0, d1) -> (0)>
#map2 = affine_map<(d0, d1) -> (0, 0, 0, 0)>
module attributes {stable_mosaic.version = 14 : i64} {
  func.func @k(%arg0: i32, %arg1: i32, %arg2: memref<6890x256xf32, #tpu.memory_space<hbm>>, %arg3: memref<65536xf32, #tpu.memory_space<hbm>>, %arg4: memref<65536xf32, #tpu.memory_space<hbm>>, %arg5: memref<65536xf32, #tpu.memory_space<hbm>>, %arg6: memref<7584xi32, #tpu.memory_space<hbm>>, %arg7: memref<13776xi32, #tpu.memory_space<hbm>>, %arg8: memref<13776xi32, #tpu.memory_space<hbm>>, %arg9: memref<13776xi32, #tpu.memory_space<hbm>>, %arg10: memref<65536xi32, #tpu.memory_space<hbm>>, %arg11: memref<8x256x32x256xf32, #tpu.memory_space<hbm>>, %arg12: memref<7584xi32, #tpu.memory_space<vmem>>, %arg13: memref<3x13776xi32, #tpu.memory_space<vmem>>, %arg14: memref<2048xi32, #tpu.memory_space<vmem>>, %arg15: memref<3x2064xf32, #tpu.memory_space<vmem>>, %arg16: memref<2x96xi32, #tpu.memory_space<vmem>>, %arg17: memref<192x256xf32, #tpu.memory_space<vmem>>, %arg18: memref<2x8x32x40xf32, #tpu.memory_space<vmem>>, %arg19: memref<!tpu.dma_semaphore, #tpu.memory_space<semaphore_mem>>, %arg20: memref<!tpu.dma_semaphore, #tpu.memory_space<semaphore_mem>>, %arg21: memref<!tpu.dma_semaphore, #tpu.memory_space<semaphore_mem>>, %arg22: memref<!tpu.dma_semaphore, #tpu.memory_space<semaphore_mem>>, %arg23: memref<!tpu.dma_semaphore, #tpu.memory_space<semaphore_mem>>) attributes {dimension_semantics = [#tpu.dimension_semantics<core_parallel>, #tpu.dimension_semantics<subcore_parallel>], iteration_bounds = array<i64: 2, 16>, scalar_prefetch = 0 : i64, scratch_operands = 12 : i64, tpu.core_type = #tpu.core_type<sc_vector_subcore>, window_params = [{transform_indices = #map}, {transform_indices = #map1}, {transform_indices = #map1}, {transform_indices = #map1}, {transform_indices = #map1}, {transform_indices = #map1}, {transform_indices = #map1}, {transform_indices = #map1}, {transform_indices = #map1}, {transform_indices = #map2}]} {
    %mul3A = arith.constant 2 : i32
    %mul3A_0 = arith.muli %arg1, %mul3A : i32
    %add3A = arith.addi %mul3A_0, %arg0 : i32
    %iota3A = tpu.iota {dimensions = array<i32: 0>} : vector<16xi32>
    %add3A_1 = arith.constant 0 : i32
    %add3A_2 = vector.broadcast %add3A_1 : i32 to vector<16xi32>
    %add3A_3 = arith.addi %iota3A, %add3A_2 : vector<16xi32>
    %add3A_4 = arith.constant 16 : i32
    %add3A_5 = vector.broadcast %add3A_4 : i32 to vector<16xi32>
    %add3A_6 = arith.addi %iota3A, %add3A_5 : vector<16xi32>
    %add3A_7 = arith.constant 32 : i32
    %add3A_8 = vector.broadcast %add3A_7 : i32 to vector<16xi32>
    %add3A_9 = arith.addi %iota3A, %add3A_8 : vector<16xi32>
    %add3A_10 = arith.constant 48 : i32
    %add3A_11 = vector.broadcast %add3A_10 : i32 to vector<16xi32>
    %add3A_12 = arith.addi %iota3A, %add3A_11 : vector<16xi32>
    %add3A_13 = arith.constant 64 : i32
    %add3A_14 = vector.broadcast %add3A_13 : i32 to vector<16xi32>
    %add3A_15 = arith.addi %iota3A, %add3A_14 : vector<16xi32>
    %add3A_16 = arith.constant 80 : i32
    %add3A_17 = vector.broadcast %add3A_16 : i32 to vector<16xi32>
    %add3A_18 = arith.addi %iota3A, %add3A_17 : vector<16xi32>
    %add3A_19 = arith.constant 96 : i32
    %add3A_20 = vector.broadcast %add3A_19 : i32 to vector<16xi32>
    %add3A_21 = arith.addi %iota3A, %add3A_20 : vector<16xi32>
    %add3A_22 = arith.constant 112 : i32
    %add3A_23 = vector.broadcast %add3A_22 : i32 to vector<16xi32>
    %add3A_24 = arith.addi %iota3A, %add3A_23 : vector<16xi32>
    %add3A_25 = arith.constant 128 : i32
    %add3A_26 = vector.broadcast %add3A_25 : i32 to vector<16xi32>
    %add3A_27 = arith.addi %iota3A, %add3A_26 : vector<16xi32>
    %add3A_28 = arith.constant 144 : i32
    %add3A_29 = vector.broadcast %add3A_28 : i32 to vector<16xi32>
    %add3A_30 = arith.addi %iota3A, %add3A_29 : vector<16xi32>
    %add3A_31 = arith.constant 160 : i32
    %add3A_32 = vector.broadcast %add3A_31 : i32 to vector<16xi32>
    %add3A_33 = arith.addi %iota3A, %add3A_32 : vector<16xi32>
    %add3A_34 = arith.constant 176 : i32
    %add3A_35 = vector.broadcast %add3A_34 : i32 to vector<16xi32>
    %add3A_36 = arith.addi %iota3A, %add3A_35 : vector<16xi32>
    %add3A_37 = arith.constant 192 : i32
    %add3A_38 = vector.broadcast %add3A_37 : i32 to vector<16xi32>
    %add3A_39 = arith.addi %iota3A, %add3A_38 : vector<16xi32>
    %add3A_40 = arith.constant 208 : i32
    %add3A_41 = vector.broadcast %add3A_40 : i32 to vector<16xi32>
    %add3A_42 = arith.addi %iota3A, %add3A_41 : vector<16xi32>
    %add3A_43 = arith.constant 224 : i32
    %add3A_44 = vector.broadcast %add3A_43 : i32 to vector<16xi32>
    %add3A_45 = arith.addi %iota3A, %add3A_44 : vector<16xi32>
    %add3A_46 = arith.constant 240 : i32
    %add3A_47 = vector.broadcast %add3A_46 : i32 to vector<16xi32>
    %add3A_48 = arith.addi %iota3A, %add3A_47 : vector<16xi32>
    %add3A_49 = arith.constant 0 : i32
    %add3A_50 = vector.broadcast %add3A_49 : i32 to vector<16xi32>
    %add3A_51 = arith.addi %iota3A, %add3A_50 : vector<16xi32>
    %add3A_52 = arith.constant 16 : i32
    %add3A_53 = vector.broadcast %add3A_52 : i32 to vector<16xi32>
    %add3A_54 = arith.addi %iota3A, %add3A_53 : vector<16xi32>
    %broadcast_in_dim3A = arith.constant 0 : i32
    %broadcast_in_dim3A_55 = vector.broadcast %broadcast_in_dim3A : i32 to vector<16xi32>
    %broadcast_in_dim3A_56 = arith.constant 1 : i32
    %broadcast_in_dim3A_57 = vector.broadcast %broadcast_in_dim3A_56 : i32 to vector<16xi32>
    %broadcast_in_dim3A_58 = arith.constant 2 : i32
    %broadcast_in_dim3A_59 = vector.broadcast %broadcast_in_dim3A_58 : i32 to vector<16xi32>
    %broadcast_in_dim3A_60 = arith.constant 3 : i32
    %broadcast_in_dim3A_61 = vector.broadcast %broadcast_in_dim3A_60 : i32 to vector<16xi32>
    %broadcast_in_dim3A_62 = arith.constant 4 : i32
    %broadcast_in_dim3A_63 = vector.broadcast %broadcast_in_dim3A_62 : i32 to vector<16xi32>
    %broadcast_in_dim3A_64 = arith.constant 5 : i32
    %broadcast_in_dim3A_65 = vector.broadcast %broadcast_in_dim3A_64 : i32 to vector<16xi32>
    %broadcast_in_dim3A_66 = arith.constant 6 : i32
    %broadcast_in_dim3A_67 = vector.broadcast %broadcast_in_dim3A_66 : i32 to vector<16xi32>
    %broadcast_in_dim3A_68 = arith.constant 7 : i32
    %broadcast_in_dim3A_69 = vector.broadcast %broadcast_in_dim3A_68 : i32 to vector<16xi32>
    %broadcast_in_dim3A_70 = arith.constant 0 : i32
    %broadcast_in_dim3A_71 = vector.broadcast %broadcast_in_dim3A_70 : i32 to vector<16xi32>
    %broadcast_in_dim3A_72 = arith.constant 1 : i32
    %broadcast_in_dim3A_73 = vector.broadcast %broadcast_in_dim3A_72 : i32 to vector<16xi32>
    tpu.enqueue_dma source(%arg6 : memref<7584xi32, #tpu.memory_space<hbm>>) target(%arg12 : memref<7584xi32, #tpu.memory_space<vmem>>) target_semaphore(%arg19 : memref<!tpu.dma_semaphore, #tpu.memory_space<semaphore_mem>>)
    %mul3A_74 = arith.constant 2048 : i32
    %mul3A_75 = arith.muli %add3A, %mul3A_74 : i32
    %dma_start3A = tpu.memref_slice %arg10[%mul3A_75] : memref<65536xi32, #tpu.memory_space<hbm>> -> memref<2048xi32, #tpu.memory_space<hbm>>
    %dma_start3A_76 = tpu.memref_slice %arg10[%mul3A_75] : memref<65536xi32, #tpu.memory_space<hbm>> -> memref<2048xi32, #tpu.memory_space<hbm>>
    tpu.enqueue_dma source(%dma_start3A_76 : memref<2048xi32, #tpu.memory_space<hbm>>) target(%arg14 : memref<2048xi32, #tpu.memory_space<vmem>>) target_semaphore(%arg19 : memref<!tpu.dma_semaphore, #tpu.memory_space<semaphore_mem>>)
    %dma_start3A_77 = arith.constant 0 : i32
    %dma_start3A_78 = arith.constant 0 : i32
    %dma_start3A_79 = tpu.memref_slice %arg13[%dma_start3A_77, %dma_start3A_78] : memref<3x13776xi32, #tpu.memory_space<vmem>> -> memref<1x13776xi32, #tpu.memory_space<vmem>>
    %dma_start3A_80 = tpu.memref_squeeze %dma_start3A_79 : memref<1x13776xi32, #tpu.memory_space<vmem>> -> memref<13776xi32, #tpu.memory_space<vmem>>
    %dma_start3A_81 = arith.constant 0 : i32
    %dma_start3A_82 = tpu.memref_slice %arg13[%dma_start3A_77, %dma_start3A_81] : memref<3x13776xi32, #tpu.memory_space<vmem>> -> memref<1x13776xi32, #tpu.memory_space<vmem>>
    %dma_start3A_83 = tpu.memref_squeeze %dma_start3A_82 : memref<1x13776xi32, #tpu.memory_space<vmem>> -> memref<13776xi32, #tpu.memory_space<vmem>>
    tpu.enqueue_dma source(%arg7 : memref<13776xi32, #tpu.memory_space<hbm>>) target(%dma_start3A_83 : memref<13776xi32, #tpu.memory_space<vmem>>) target_semaphore(%arg19 : memref<!tpu.dma_semaphore, #tpu.memory_space<semaphore_mem>>)
    %dma_start3A_84 = arith.constant 1 : i32
    %dma_start3A_85 = arith.constant 0 : i32
    %dma_start3A_86 = tpu.memref_slice %arg13[%dma_start3A_84, %dma_start3A_85] : memref<3x13776xi32, #tpu.memory_space<vmem>> -> memref<1x13776xi32, #tpu.memory_space<vmem>>
    %dma_start3A_87 = tpu.memref_squeeze %dma_start3A_86 : memref<1x13776xi32, #tpu.memory_space<vmem>> -> memref<13776xi32, #tpu.memory_space<vmem>>
    %dma_start3A_88 = arith.constant 0 : i32
    %dma_start3A_89 = tpu.memref_slice %arg13[%dma_start3A_84, %dma_start3A_88] : memref<3x13776xi32, #tpu.memory_space<vmem>> -> memref<1x13776xi32, #tpu.memory_space<vmem>>
    %dma_start3A_90 = tpu.memref_squeeze %dma_start3A_89 : memref<1x13776xi32, #tpu.memory_space<vmem>> -> memref<13776xi32, #tpu.memory_space<vmem>>
    tpu.enqueue_dma source(%arg8 : memref<13776xi32, #tpu.memory_space<hbm>>) target(%dma_start3A_90 : memref<13776xi32, #tpu.memory_space<vmem>>) target_semaphore(%arg19 : memref<!tpu.dma_semaphore, #tpu.memory_space<semaphore_mem>>)
    %dma_start3A_91 = arith.constant 2 : i32
    %dma_start3A_92 = arith.constant 0 : i32
    %dma_start3A_93 = tpu.memref_slice %arg13[%dma_start3A_91, %dma_start3A_92] : memref<3x13776xi32, #tpu.memory_space<vmem>> -> memref<1x13776xi32, #tpu.memory_space<vmem>>
    %dma_start3A_94 = tpu.memref_squeeze %dma_start3A_93 : memref<1x13776xi32, #tpu.memory_space<vmem>> -> memref<13776xi32, #tpu.memory_space<vmem>>
    %dma_start3A_95 = arith.constant 0 : i32
    %dma_start3A_96 = tpu.memref_slice %arg13[%dma_start3A_91, %dma_start3A_95] : memref<3x13776xi32, #tpu.memory_space<vmem>> -> memref<1x13776xi32, #tpu.memory_space<vmem>>
    %dma_start3A_97 = tpu.memref_squeeze %dma_start3A_96 : memref<1x13776xi32, #tpu.memory_space<vmem>> -> memref<13776xi32, #tpu.memory_space<vmem>>
    tpu.enqueue_dma source(%arg9 : memref<13776xi32, #tpu.memory_space<hbm>>) target(%dma_start3A_97 : memref<13776xi32, #tpu.memory_space<vmem>>) target_semaphore(%arg19 : memref<!tpu.dma_semaphore, #tpu.memory_space<semaphore_mem>>)
    %mul3A_98 = arith.constant 2048 : i32
    %mul3A_99 = arith.muli %add3A, %mul3A_98 : i32
    %dma_start3A_100 = arith.constant 0 : i32
    %dma_start3A_101 = arith.constant 16 : i32
    %dma_start3A_102 = tpu.memref_slice %arg15[%dma_start3A_100, %dma_start3A_101] : memref<3x2064xf32, #tpu.memory_space<vmem>> -> memref<1x2048xf32, #tpu.memory_space<vmem>>
    %dma_start3A_103 = tpu.memref_squeeze %dma_start3A_102 : memref<1x2048xf32, #tpu.memory_space<vmem>> -> memref<2048xf32, #tpu.memory_space<vmem>>
    %dma_start3A_104 = tpu.memref_slice %arg3[%mul3A_99] : memref<65536xf32, #tpu.memory_space<hbm>> -> memref<2048xf32, #tpu.memory_space<hbm>>
    %dma_start3A_105 = arith.constant 16 : i32
    %dma_start3A_106 = tpu.memref_slice %arg15[%dma_start3A_100, %dma_start3A_105] : memref<3x2064xf32, #tpu.memory_space<vmem>> -> memref<1x2048xf32, #tpu.memory_space<vmem>>
    %dma_start3A_107 = tpu.memref_squeeze %dma_start3A_106 : memref<1x2048xf32, #tpu.memory_space<vmem>> -> memref<2048xf32, #tpu.memory_space<vmem>>
    %dma_start3A_108 = tpu.memref_slice %arg3[%mul3A_99] : memref<65536xf32, #tpu.memory_space<hbm>> -> memref<2048xf32, #tpu.memory_space<hbm>>
    tpu.enqueue_dma source(%dma_start3A_108 : memref<2048xf32, #tpu.memory_space<hbm>>) target(%dma_start3A_107 : memref<2048xf32, #tpu.memory_space<vmem>>) target_semaphore(%arg19 : memref<!tpu.dma_semaphore, #tpu.memory_space<semaphore_mem>>)
    %mul3A_109 = arith.constant 2048 : i32
    %mul3A_110 = arith.muli %add3A, %mul3A_109 : i32
    %dma_start3A_111 = arith.constant 1 : i32
    %dma_start3A_112 = arith.constant 16 : i32
    %dma_start3A_113 = tpu.memref_slice %arg15[%dma_start3A_111, %dma_start3A_112] : memref<3x2064xf32, #tpu.memory_space<vmem>> -> memref<1x2048xf32, #tpu.memory_space<vmem>>
    %dma_start3A_114 = tpu.memref_squeeze %dma_start3A_113 : memref<1x2048xf32, #tpu.memory_space<vmem>> -> memref<2048xf32, #tpu.memory_space<vmem>>
    %dma_start3A_115 = tpu.memref_slice %arg4[%mul3A_110] : memref<65536xf32, #tpu.memory_space<hbm>> -> memref<2048xf32, #tpu.memory_space<hbm>>
    %dma_start3A_116 = arith.constant 16 : i32
    %dma_start3A_117 = tpu.memref_slice %arg15[%dma_start3A_111, %dma_start3A_116] : memref<3x2064xf32, #tpu.memory_space<vmem>> -> memref<1x2048xf32, #tpu.memory_space<vmem>>
    %dma_start3A_118 = tpu.memref_squeeze %dma_start3A_117 : memref<1x2048xf32, #tpu.memory_space<vmem>> -> memref<2048xf32, #tpu.memory_space<vmem>>
    %dma_start3A_119 = tpu.memref_slice %arg4[%mul3A_110] : memref<65536xf32, #tpu.memory_space<hbm>> -> memref<2048xf32, #tpu.memory_space<hbm>>
    tpu.enqueue_dma source(%dma_start3A_119 : memref<2048xf32, #tpu.memory_space<hbm>>) target(%dma_start3A_118 : memref<2048xf32, #tpu.memory_space<vmem>>) target_semaphore(%arg19 : memref<!tpu.dma_semaphore, #tpu.memory_space<semaphore_mem>>)
    %mul3A_120 = arith.constant 2048 : i32
    %mul3A_121 = arith.muli %add3A, %mul3A_120 : i32
    %dma_start3A_122 = arith.constant 2 : i32
    %dma_start3A_123 = arith.constant 16 : i32
    %dma_start3A_124 = tpu.memref_slice %arg15[%dma_start3A_122, %dma_start3A_123] : memref<3x2064xf32, #tpu.memory_space<vmem>> -> memref<1x2048xf32, #tpu.memory_space<vmem>>
    %dma_start3A_125 = tpu.memref_squeeze %dma_start3A_124 : memref<1x2048xf32, #tpu.memory_space<vmem>> -> memref<2048xf32, #tpu.memory_space<vmem>>
    %dma_start3A_126 = tpu.memref_slice %arg5[%mul3A_121] : memref<65536xf32, #tpu.memory_space<hbm>> -> memref<2048xf32, #tpu.memory_space<hbm>>
    %dma_start3A_127 = arith.constant 16 : i32
    %dma_start3A_128 = tpu.memref_slice %arg15[%dma_start3A_122, %dma_start3A_127] : memref<3x2064xf32, #tpu.memory_space<vmem>> -> memref<1x2048xf32, #tpu.memory_space<vmem>>
    %dma_start3A_129 = tpu.memref_squeeze %dma_start3A_128 : memref<1x2048xf32, #tpu.memory_space<vmem>> -> memref<2048xf32, #tpu.memory_space<vmem>>
    %dma_start3A_130 = tpu.memref_slice %arg5[%mul3A_121] : memref<65536xf32, #tpu.memory_space<hbm>> -> memref<2048xf32, #tpu.memory_space<hbm>>
    tpu.enqueue_dma source(%dma_start3A_130 : memref<2048xf32, #tpu.memory_space<hbm>>) target(%dma_start3A_129 : memref<2048xf32, #tpu.memory_space<vmem>>) target_semaphore(%arg19 : memref<!tpu.dma_semaphore, #tpu.memory_space<semaphore_mem>>)
    tpu.wait_dma2 semaphore(%arg19 : memref<!tpu.dma_semaphore, #tpu.memory_space<semaphore_mem>>) src(%arg6 : memref<7584xi32, #tpu.memory_space<hbm>>) dst(%arg12 : memref<7584xi32, #tpu.memory_space<vmem>>)
    %dma_wait3A = tpu.memref_slice %arg10[%mul3A_75] : memref<65536xi32, #tpu.memory_space<hbm>> -> memref<2048xi32, #tpu.memory_space<hbm>>
    %dma_wait3A_131 = tpu.memref_slice %arg10[%mul3A_75] : memref<65536xi32, #tpu.memory_space<hbm>> -> memref<2048xi32, #tpu.memory_space<hbm>>
    tpu.wait_dma2 semaphore(%arg19 : memref<!tpu.dma_semaphore, #tpu.memory_space<semaphore_mem>>) src(%dma_wait3A_131 : memref<2048xi32, #tpu.memory_space<hbm>>) dst(%arg14 : memref<2048xi32, #tpu.memory_space<vmem>>)
    %dma_wait3A_132 = arith.constant 0 : i32
    %dma_wait3A_133 = arith.constant 0 : i32
    %dma_wait3A_134 = tpu.memref_slice %arg13[%dma_wait3A_132, %dma_wait3A_133] : memref<3x13776xi32, #tpu.memory_space<vmem>> -> memref<1x13776xi32, #tpu.memory_space<vmem>>
    %dma_wait3A_135 = tpu.memref_squeeze %dma_wait3A_134 : memref<1x13776xi32, #tpu.memory_space<vmem>> -> memref<13776xi32, #tpu.memory_space<vmem>>
    %dma_wait3A_136 = arith.constant 0 : i32
    %dma_wait3A_137 = tpu.memref_slice %arg13[%dma_wait3A_132, %dma_wait3A_136] : memref<3x13776xi32, #tpu.memory_space<vmem>> -> memref<1x13776xi32, #tpu.memory_space<vmem>>
    %dma_wait3A_138 = tpu.memref_squeeze %dma_wait3A_137 : memref<1x13776xi32, #tpu.memory_space<vmem>> -> memref<13776xi32, #tpu.memory_space<vmem>>
    tpu.wait_dma2 semaphore(%arg19 : memref<!tpu.dma_semaphore, #tpu.memory_space<semaphore_mem>>) src(%arg7 : memref<13776xi32, #tpu.memory_space<hbm>>) dst(%dma_wait3A_138 : memref<13776xi32, #tpu.memory_space<vmem>>)
    %dma_wait3A_139 = arith.constant 1 : i32
    %dma_wait3A_140 = arith.constant 0 : i32
    %dma_wait3A_141 = tpu.memref_slice %arg13[%dma_wait3A_139, %dma_wait3A_140] : memref<3x13776xi32, #tpu.memory_space<vmem>> -> memref<1x13776xi32, #tpu.memory_space<vmem>>
    %dma_wait3A_142 = tpu.memref_squeeze %dma_wait3A_141 : memref<1x13776xi32, #tpu.memory_space<vmem>> -> memref<13776xi32, #tpu.memory_space<vmem>>
    %dma_wait3A_143 = arith.constant 0 : i32
    %dma_wait3A_144 = tpu.memref_slice %arg13[%dma_wait3A_139, %dma_wait3A_143] : memref<3x13776xi32, #tpu.memory_space<vmem>> -> memref<1x13776xi32, #tpu.memory_space<vmem>>
    %dma_wait3A_145 = tpu.memref_squeeze %dma_wait3A_144 : memref<1x13776xi32, #tpu.memory_space<vmem>> -> memref<13776xi32, #tpu.memory_space<vmem>>
    tpu.wait_dma2 semaphore(%arg19 : memref<!tpu.dma_semaphore, #tpu.memory_space<semaphore_mem>>) src(%arg8 : memref<13776xi32, #tpu.memory_space<hbm>>) dst(%dma_wait3A_145 : memref<13776xi32, #tpu.memory_space<vmem>>)
    %dma_wait3A_146 = arith.constant 2 : i32
    %dma_wait3A_147 = arith.constant 0 : i32
    %dma_wait3A_148 = tpu.memref_slice %arg13[%dma_wait3A_146, %dma_wait3A_147] : memref<3x13776xi32, #tpu.memory_space<vmem>> -> memref<1x13776xi32, #tpu.memory_space<vmem>>
    %dma_wait3A_149 = tpu.memref_squeeze %dma_wait3A_148 : memref<1x13776xi32, #tpu.memory_space<vmem>> -> memref<13776xi32, #tpu.memory_space<vmem>>
    %dma_wait3A_150 = arith.constant 0 : i32
    %dma_wait3A_151 = tpu.memref_slice %arg13[%dma_wait3A_146, %dma_wait3A_150] : memref<3x13776xi32, #tpu.memory_space<vmem>> -> memref<1x13776xi32, #tpu.memory_space<vmem>>
    %dma_wait3A_152 = tpu.memref_squeeze %dma_wait3A_151 : memref<1x13776xi32, #tpu.memory_space<vmem>> -> memref<13776xi32, #tpu.memory_space<vmem>>
    tpu.wait_dma2 semaphore(%arg19 : memref<!tpu.dma_semaphore, #tpu.memory_space<semaphore_mem>>) src(%arg9 : memref<13776xi32, #tpu.memory_space<hbm>>) dst(%dma_wait3A_152 : memref<13776xi32, #tpu.memory_space<vmem>>)
    %dma_wait3A_153 = arith.constant 0 : i32
    %dma_wait3A_154 = arith.constant 16 : i32
    %dma_wait3A_155 = tpu.memref_slice %arg15[%dma_wait3A_153, %dma_wait3A_154] : memref<3x2064xf32, #tpu.memory_space<vmem>> -> memref<1x2048xf32, #tpu.memory_space<vmem>>
    %dma_wait3A_156 = tpu.memref_squeeze %dma_wait3A_155 : memref<1x2048xf32, #tpu.memory_space<vmem>> -> memref<2048xf32, #tpu.memory_space<vmem>>
    %dma_wait3A_157 = tpu.memref_slice %arg3[%mul3A_99] : memref<65536xf32, #tpu.memory_space<hbm>> -> memref<2048xf32, #tpu.memory_space<hbm>>
    %dma_wait3A_158 = arith.constant 16 : i32
    %dma_wait3A_159 = tpu.memref_slice %arg15[%dma_wait3A_153, %dma_wait3A_158] : memref<3x2064xf32, #tpu.memory_space<vmem>> -> memref<1x2048xf32, #tpu.memory_space<vmem>>
    %dma_wait3A_160 = tpu.memref_squeeze %dma_wait3A_159 : memref<1x2048xf32, #tpu.memory_space<vmem>> -> memref<2048xf32, #tpu.memory_space<vmem>>
    %dma_wait3A_161 = tpu.memref_slice %arg3[%mul3A_99] : memref<65536xf32, #tpu.memory_space<hbm>> -> memref<2048xf32, #tpu.memory_space<hbm>>
    tpu.wait_dma2 semaphore(%arg19 : memref<!tpu.dma_semaphore, #tpu.memory_space<semaphore_mem>>) src(%dma_wait3A_161 : memref<2048xf32, #tpu.memory_space<hbm>>) dst(%dma_wait3A_160 : memref<2048xf32, #tpu.memory_space<vmem>>)
    %dma_wait3A_162 = arith.constant 1 : i32
    %dma_wait3A_163 = arith.constant 16 : i32
    %dma_wait3A_164 = tpu.memref_slice %arg15[%dma_wait3A_162, %dma_wait3A_163] : memref<3x2064xf32, #tpu.memory_space<vmem>> -> memref<1x2048xf32, #tpu.memory_space<vmem>>
    %dma_wait3A_165 = tpu.memref_squeeze %dma_wait3A_164 : memref<1x2048xf32, #tpu.memory_space<vmem>> -> memref<2048xf32, #tpu.memory_space<vmem>>
    %dma_wait3A_166 = tpu.memref_slice %arg4[%mul3A_110] : memref<65536xf32, #tpu.memory_space<hbm>> -> memref<2048xf32, #tpu.memory_space<hbm>>
    %dma_wait3A_167 = arith.constant 16 : i32
    %dma_wait3A_168 = tpu.memref_slice %arg15[%dma_wait3A_162, %dma_wait3A_167] : memref<3x2064xf32, #tpu.memory_space<vmem>> -> memref<1x2048xf32, #tpu.memory_space<vmem>>
    %dma_wait3A_169 = tpu.memref_squeeze %dma_wait3A_168 : memref<1x2048xf32, #tpu.memory_space<vmem>> -> memref<2048xf32, #tpu.memory_space<vmem>>
    %dma_wait3A_170 = tpu.memref_slice %arg4[%mul3A_110] : memref<65536xf32, #tpu.memory_space<hbm>> -> memref<2048xf32, #tpu.memory_space<hbm>>
    tpu.wait_dma2 semaphore(%arg19 : memref<!tpu.dma_semaphore, #tpu.memory_space<semaphore_mem>>) src(%dma_wait3A_170 : memref<2048xf32, #tpu.memory_space<hbm>>) dst(%dma_wait3A_169 : memref<2048xf32, #tpu.memory_space<vmem>>)
    %dma_wait3A_171 = arith.constant 2 : i32
    %dma_wait3A_172 = arith.constant 16 : i32
    %dma_wait3A_173 = tpu.memref_slice %arg15[%dma_wait3A_171, %dma_wait3A_172] : memref<3x2064xf32, #tpu.memory_space<vmem>> -> memref<1x2048xf32, #tpu.memory_space<vmem>>
    %dma_wait3A_174 = tpu.memref_squeeze %dma_wait3A_173 : memref<1x2048xf32, #tpu.memory_space<vmem>> -> memref<2048xf32, #tpu.memory_space<vmem>>
    %dma_wait3A_175 = tpu.memref_slice %arg5[%mul3A_121] : memref<65536xf32, #tpu.memory_space<hbm>> -> memref<2048xf32, #tpu.memory_space<hbm>>
    %dma_wait3A_176 = arith.constant 16 : i32
    %dma_wait3A_177 = tpu.memref_slice %arg15[%dma_wait3A_171, %dma_wait3A_176] : memref<3x2064xf32, #tpu.memory_space<vmem>> -> memref<1x2048xf32, #tpu.memory_space<vmem>>
    %dma_wait3A_178 = tpu.memref_squeeze %dma_wait3A_177 : memref<1x2048xf32, #tpu.memory_space<vmem>> -> memref<2048xf32, #tpu.memory_space<vmem>>
    %dma_wait3A_179 = tpu.memref_slice %arg5[%mul3A_121] : memref<65536xf32, #tpu.memory_space<hbm>> -> memref<2048xf32, #tpu.memory_space<hbm>>
    tpu.wait_dma2 semaphore(%arg19 : memref<!tpu.dma_semaphore, #tpu.memory_space<semaphore_mem>>) src(%dma_wait3A_179 : memref<2048xf32, #tpu.memory_space<hbm>>) dst(%dma_wait3A_178 : memref<2048xf32, #tpu.memory_space<vmem>>)
    %broadcast_in_dim3A_180 = arith.constant 0 : i32
    %broadcast_in_dim3A_181 = vector.broadcast %broadcast_in_dim3A_180 : i32 to vector<16xi32>
    %add3A_182 = arith.addi %broadcast_in_dim3A_181, %iota3A : vector<16xi32>
    %gather3A = tpu.vector_load_idx %arg14[%add3A_182] : memref<2048xi32, #tpu.memory_space<vmem>>[vector<16xi32>], vector<16xi32>,
    %max3A = arith.constant 0 : i32
    %max3A_183 = vector.broadcast %max3A : i32 to vector<16xi32>
    %max3A_184 = arith.maxsi %gather3A, %max3A_183 : vector<16xi32>
    %min3A = arith.constant 13775 : i32
    %min3A_185 = vector.broadcast %min3A : i32 to vector<16xi32>
    %min3A_186 = arith.minsi %max3A_184, %min3A_185 : vector<16xi32>
    %gather3A_187 = arith.constant 0 : i32
    %gather3A_188 = arith.constant 0 : i32
    %gather3A_189 = tpu.memref_slice %arg13[%gather3A_187, %gather3A_188] : memref<3x13776xi32, #tpu.memory_space<vmem>> -> memref<1x13776xi32, #tpu.memory_space<vmem>>
    %gather3A_190 = tpu.memref_squeeze %gather3A_189 : memref<1x13776xi32, #tpu.memory_space<vmem>> -> memref<13776xi32, #tpu.memory_space<vmem>>
    %gather3A_191 = tpu.vector_load_idx %gather3A_190[%min3A_186] : memref<13776xi32, #tpu.memory_space<vmem>>[vector<16xi32>], vector<16xi32>,
    %gather3A_192 = tpu.vector_load_idx %arg12[%gather3A_191] : memref<7584xi32, #tpu.memory_space<vmem>>[vector<16xi32>], vector<16xi32>,
    %broadcast_in_dim3A_193 = arith.constant 0 : i32
    %broadcast_in_dim3A_194 = vector.broadcast %broadcast_in_dim3A_193 : i32 to vector<16xi32>
    %broadcast_in_dim3A_195 = arith.constant 0 : i32
    %broadcast_in_dim3A_196 = vector.broadcast %broadcast_in_dim3A_195 : i32 to vector<16xi32>
    %add3A_197 = arith.addi %broadcast_in_dim3A_196, %iota3A : vector<16xi32>
    tpu.vector_store_idx %arg16[%broadcast_in_dim3A_194, %add3A_197], %gather3A_192 : memref<2x96xi32, #tpu.memory_space<vmem>>[vector<16xi32>, vector<16xi32>], vector<16xi32>,
    %gather3A_198 = arith.constant 1 : i32
    %gather3A_199 = arith.constant 0 : i32
    %gather3A_200 = tpu.memref_slice %arg13[%gather3A_198, %gather3A_199] : memref<3x13776xi32, #tpu.memory_space<vmem>> -> memref<1x13776xi32, #tpu.memory_space<vmem>>
    %gather3A_201 = tpu.memref_squeeze %gather3A_200 : memref<1x13776xi32, #tpu.memory_space<vmem>> -> memref<13776xi32, #tpu.memory_space<vmem>>
    %gather3A_202 = tpu.vector_load_idx %gather3A_201[%min3A_186] : memref<13776xi32, #tpu.memory_space<vmem>>[vector<16xi32>], vector<16xi32>,
    %gather3A_203 = tpu.vector_load_idx %arg12[%gather3A_202] : memref<7584xi32, #tpu.memory_space<vmem>>[vector<16xi32>], vector<16xi32>,
    %broadcast_in_dim3A_204 = arith.constant 0 : i32
    %broadcast_in_dim3A_205 = vector.broadcast %broadcast_in_dim3A_204 : i32 to vector<16xi32>
    %broadcast_in_dim3A_206 = arith.constant 32 : i32
    %broadcast_in_dim3A_207 = vector.broadcast %broadcast_in_dim3A_206 : i32 to vector<16xi32>
    %add3A_208 = arith.addi %broadcast_in_dim3A_207, %iota3A : vector<16xi32>
    tpu.vector_store_idx %arg16[%broadcast_in_dim3A_205, %add3A_208], %gather3A_203 : memref<2x96xi32, #tpu.memory_space<vmem>>[vector<16xi32>, vector<16xi32>], vector<16xi32>,
    %gather3A_209 = arith.constant 2 : i32
    %gather3A_210 = arith.constant 0 : i32
    %gather3A_211 = tpu.memref_slice %arg13[%gather3A_209, %gather3A_210] : memref<3x13776xi32, #tpu.memory_space<vmem>> -> memref<1x13776xi32, #tpu.memory_space<vmem>>
    %gather3A_212 = tpu.memref_squeeze %gather3A_211 : memref<1x13776xi32, #tpu.memory_space<vmem>> -> memref<13776xi32, #tpu.memory_space<vmem>>
    %gather3A_213 = tpu.vector_load_idx %gather3A_212[%min3A_186] : memref<13776xi32, #tpu.memory_space<vmem>>[vector<16xi32>], vector<16xi32>,
    %gather3A_214 = tpu.vector_load_idx %arg12[%gather3A_213] : memref<7584xi32, #tpu.memory_space<vmem>>[vector<16xi32>], vector<16xi32>,
    %broadcast_in_dim3A_215 = arith.constant 0 : i32
    %broadcast_in_dim3A_216 = vector.broadcast %broadcast_in_dim3A_215 : i32 to vector<16xi32>
    %broadcast_in_dim3A_217 = arith.constant 64 : i32
    %broadcast_in_dim3A_218 = vector.broadcast %broadcast_in_dim3A_217 : i32 to vector<16xi32>
    %add3A_219 = arith.addi %broadcast_in_dim3A_218, %iota3A : vector<16xi32>
    tpu.vector_store_idx %arg16[%broadcast_in_dim3A_216, %add3A_219], %gather3A_214 : memref<2x96xi32, #tpu.memory_space<vmem>>[vector<16xi32>, vector<16xi32>], vector<16xi32>,
    %broadcast_in_dim3A_220 = arith.constant 16 : i32
    %broadcast_in_dim3A_221 = vector.broadcast %broadcast_in_dim3A_220 : i32 to vector<16xi32>
    %add3A_222 = arith.addi %broadcast_in_dim3A_221, %iota3A : vector<16xi32>
    %gather3A_223 = tpu.vector_load_idx %arg14[%add3A_222] : memref<2048xi32, #tpu.memory_space<vmem>>[vector<16xi32>], vector<16xi32>,
    %max3A_224 = arith.constant 0 : i32
    %max3A_225 = vector.broadcast %max3A_224 : i32 to vector<16xi32>
    %max3A_226 = arith.maxsi %gather3A_223, %max3A_225 : vector<16xi32>
    %min3A_227 = arith.constant 13775 : i32
    %min3A_228 = vector.broadcast %min3A_227 : i32 to vector<16xi32>
    %min3A_229 = arith.minsi %max3A_226, %min3A_228 : vector<16xi32>
    %gather3A_230 = arith.constant 0 : i32
    %gather3A_231 = arith.constant 0 : i32
    %gather3A_232 = tpu.memref_slice %arg13[%gather3A_230, %gather3A_231] : memref<3x13776xi32, #tpu.memory_space<vmem>> -> memref<1x13776xi32, #tpu.memory_space<vmem>>
    %gather3A_233 = tpu.memref_squeeze %gather3A_232 : memref<1x13776xi32, #tpu.memory_space<vmem>> -> memref<13776xi32, #tpu.memory_space<vmem>>
    %gather3A_234 = tpu.vector_load_idx %gather3A_233[%min3A_229] : memref<13776xi32, #tpu.memory_space<vmem>>[vector<16xi32>], vector<16xi32>,
    %gather3A_235 = tpu.vector_load_idx %arg12[%gather3A_234] : memref<7584xi32, #tpu.memory_space<vmem>>[vector<16xi32>], vector<16xi32>,
    %broadcast_in_dim3A_236 = arith.constant 0 : i32
    %broadcast_in_dim3A_237 = vector.broadcast %broadcast_in_dim3A_236 : i32 to vector<16xi32>
    %broadcast_in_dim3A_238 = arith.constant 16 : i32
    %broadcast_in_dim3A_239 = vector.broadcast %broadcast_in_dim3A_238 : i32 to vector<16xi32>
    %add3A_240 = arith.addi %broadcast_in_dim3A_239, %iota3A : vector<16xi32>
    tpu.vector_store_idx %arg16[%broadcast_in_dim3A_237, %add3A_240], %gather3A_235 : memref<2x96xi32, #tpu.memory_space<vmem>>[vector<16xi32>, vector<16xi32>], vector<16xi32>,
    %gather3A_241 = arith.constant 1 : i32
    %gather3A_242 = arith.constant 0 : i32
    %gather3A_243 = tpu.memref_slice %arg13[%gather3A_241, %gather3A_242] : memref<3x13776xi32, #tpu.memory_space<vmem>> -> memref<1x13776xi32, #tpu.memory_space<vmem>>
    %gather3A_244 = tpu.memref_squeeze %gather3A_243 : memref<1x13776xi32, #tpu.memory_space<vmem>> -> memref<13776xi32, #tpu.memory_space<vmem>>
    %gather3A_245 = tpu.vector_load_idx %gather3A_244[%min3A_229] : memref<13776xi32, #tpu.memory_space<vmem>>[vector<16xi32>], vector<16xi32>,
    %gather3A_246 = tpu.vector_load_idx %arg12[%gather3A_245] : memref<7584xi32, #tpu.memory_space<vmem>>[vector<16xi32>], vector<16xi32>,
    %broadcast_in_dim3A_247 = arith.constant 0 : i32
    %broadcast_in_dim3A_248 = vector.broadcast %broadcast_in_dim3A_247 : i32 to vector<16xi32>
    %broadcast_in_dim3A_249 = arith.constant 48 : i32
    %broadcast_in_dim3A_250 = vector.broadcast %broadcast_in_dim3A_249 : i32 to vector<16xi32>
    %add3A_251 = arith.addi %broadcast_in_dim3A_250, %iota3A : vector<16xi32>
    tpu.vector_store_idx %arg16[%broadcast_in_dim3A_248, %add3A_251], %gather3A_246 : memref<2x96xi32, #tpu.memory_space<vmem>>[vector<16xi32>, vector<16xi32>], vector<16xi32>,
    %gather3A_252 = arith.constant 2 : i32
    %gather3A_253 = arith.constant 0 : i32
    %gather3A_254 = tpu.memref_slice %arg13[%gather3A_252, %gather3A_253] : memref<3x13776xi32, #tpu.memory_space<vmem>> -> memref<1x13776xi32, #tpu.memory_space<vmem>>
    %gather3A_255 = tpu.memref_squeeze %gather3A_254 : memref<1x13776xi32, #tpu.memory_space<vmem>> -> memref<13776xi32, #tpu.memory_space<vmem>>
    %gather3A_256 = tpu.vector_load_idx %gather3A_255[%min3A_229] : memref<13776xi32, #tpu.memory_space<vmem>>[vector<16xi32>], vector<16xi32>,
    %gather3A_257 = tpu.vector_load_idx %arg12[%gather3A_256] : memref<7584xi32, #tpu.memory_space<vmem>>[vector<16xi32>], vector<16xi32>,
    %broadcast_in_dim3A_258 = arith.constant 0 : i32
    %broadcast_in_dim3A_259 = vector.broadcast %broadcast_in_dim3A_258 : i32 to vector<16xi32>
    %broadcast_in_dim3A_260 = arith.constant 80 : i32
    %broadcast_in_dim3A_261 = vector.broadcast %broadcast_in_dim3A_260 : i32 to vector<16xi32>
    %add3A_262 = arith.addi %broadcast_in_dim3A_261, %iota3A : vector<16xi32>
    tpu.vector_store_idx %arg16[%broadcast_in_dim3A_259, %add3A_262], %gather3A_257 : memref<2x96xi32, #tpu.memory_space<vmem>>[vector<16xi32>, vector<16xi32>], vector<16xi32>,
    %dma_start3A_263 = arith.constant 0 : i32
    %dma_start3A_264 = arith.constant 0 : i32
    %dma_start3A_265 = arith.constant 0 : i32
    %dma_start3A_266 = tpu.memref_slice %arg17[%dma_start3A_264, %dma_start3A_265] : memref<192x256xf32, #tpu.memory_space<vmem>> -> memref<48x256xf32, #tpu.memory_space<vmem>>
    %dma_start3A_267 = arith.constant 0 : i32
    %dma_start3A_268 = tpu.memref_slice %arg16[%dma_start3A_263, %dma_start3A_267] : memref<2x96xi32, #tpu.memory_space<vmem>> -> memref<1x48xi32, #tpu.memory_space<vmem>>
    %dma_start3A_269 = tpu.memref_squeeze %dma_start3A_268 : memref<1x48xi32, #tpu.memory_space<vmem>> -> memref<48xi32, #tpu.memory_space<vmem>>
    %dma_start3A_270 = arith.constant 0 : i32
    %dma_start3A_271 = arith.constant 0 : i32
    %dma_start3A_272 = tpu.memref_slice %arg2[%dma_start3A_270, %dma_start3A_271] : memref<6890x256xf32, #tpu.memory_space<hbm>> -> memref<6890x256xf32, #tpu.memory_space<hbm>>
    tpu.enqueue_indirect_dma source(%dma_start3A_272 : memref<6890x256xf32, #tpu.memory_space<hbm>>) target(%dma_start3A_266 : memref<48x256xf32, #tpu.memory_space<vmem>>) offsets(%dma_start3A_269 : memref<48xi32, #tpu.memory_space<vmem>>) semaphore(%arg20 : memref<!tpu.dma_semaphore, #tpu.memory_space<semaphore_mem>>)
    %dma_start3A_273 = arith.constant 0 : i32
    %dma_start3A_274 = arith.constant 48 : i32
    %dma_start3A_275 = arith.constant 0 : i32
    %dma_start3A_276 = tpu.memref_slice %arg17[%dma_start3A_274, %dma_start3A_275] : memref<192x256xf32, #tpu.memory_space<vmem>> -> memref<48x256xf32, #tpu.memory_space<vmem>>
    %dma_start3A_277 = arith.constant 48 : i32
    %dma_start3A_278 = tpu.memref_slice %arg16[%dma_start3A_273, %dma_start3A_277] : memref<2x96xi32, #tpu.memory_space<vmem>> -> memref<1x48xi32, #tpu.memory_space<vmem>>
    %dma_start3A_279 = tpu.memref_squeeze %dma_start3A_278 : memref<1x48xi32, #tpu.memory_space<vmem>> -> memref<48xi32, #tpu.memory_space<vmem>>
    %dma_start3A_280 = arith.constant 0 : i32
    %dma_start3A_281 = arith.constant 0 : i32
    %dma_start3A_282 = tpu.memref_slice %arg2[%dma_start3A_280, %dma_start3A_281] : memref<6890x256xf32, #tpu.memory_space<hbm>> -> memref<6890x256xf32, #tpu.memory_space<hbm>>
    tpu.enqueue_indirect_dma source(%dma_start3A_282 : memref<6890x256xf32, #tpu.memory_space<hbm>>) target(%dma_start3A_276 : memref<48x256xf32, #tpu.memory_space<vmem>>) offsets(%dma_start3A_279 : memref<48xi32, #tpu.memory_space<vmem>>) semaphore(%arg20 : memref<!tpu.dma_semaphore, #tpu.memory_space<semaphore_mem>>)
    %scan3A = arith.constant 0 : i32
    %scan3A_283 = arith.constant 32 : i32
    %scan3A_284 = arith.addi %scan3A, %scan3A_283 : i32
    %scan3A_285 = arith.constant 1 : i32
    scf.for %scan3A_599 = %scan3A to %scan3A_284 step %scan3A_285  : i32 {
      %mul3A_600 = arith.constant 2 : i32
      %mul3A_601 = arith.muli %scan3A_599, %mul3A_600 : i32
      %add3A_602 = arith.constant 0 : i32
      %add3A_603 = arith.addi %add3A_602, %mul3A_601 : i32
      %add3A_604 = arith.constant 1 : i32
      %add3A_605 = arith.addi %add3A_603, %add3A_604 : i32
      %mul3A_606 = arith.constant 32 : i32
      %mul3A_607 = arith.muli %add3A_605, %mul3A_606 : i32
      %add3A_608 = arith.constant 0 : i32
      %add3A_609 = arith.addi %mul3A_607, %add3A_608 : i32
      %broadcast_in_dim3A_610 = vector.broadcast %add3A_609 : i32 to vector<16xi32>
      %add3A_611 = arith.addi %broadcast_in_dim3A_610, %iota3A : vector<16xi32>
      %gather3A_612 = tpu.vector_load_idx %arg14[%add3A_611] : memref<2048xi32, #tpu.memory_space<vmem>>[vector<16xi32>], vector<16xi32>,
      %max3A_613 = arith.constant 0 : i32
      %max3A_614 = vector.broadcast %max3A_613 : i32 to vector<16xi32>
      %max3A_615 = arith.maxsi %gather3A_612, %max3A_614 : vector<16xi32>
      %min3A_616 = arith.constant 13775 : i32
      %min3A_617 = vector.broadcast %min3A_616 : i32 to vector<16xi32>
      %min3A_618 = arith.minsi %max3A_615, %min3A_617 : vector<16xi32>
      %gather3A_619 = arith.constant 0 : i32
      %gather3A_620 = arith.constant 0 : i32
      %gather3A_621 = tpu.memref_slice %arg13[%gather3A_619, %gather3A_620] : memref<3x13776xi32, #tpu.memory_space<vmem>> -> memref<1x13776xi32, #tpu.memory_space<vmem>>
      %gather3A_622 = tpu.memref_squeeze %gather3A_621 : memref<1x13776xi32, #tpu.memory_space<vmem>> -> memref<13776xi32, #tpu.memory_space<vmem>>
      %gather3A_623 = tpu.vector_load_idx %gather3A_622[%min3A_618] : memref<13776xi32, #tpu.memory_space<vmem>>[vector<16xi32>], vector<16xi32>,
      %gather3A_624 = tpu.vector_load_idx %arg12[%gather3A_623] : memref<7584xi32, #tpu.memory_space<vmem>>[vector<16xi32>], vector<16xi32>,
      %broadcast_in_dim3A_625 = arith.constant 1 : i32
      %broadcast_in_dim3A_626 = vector.broadcast %broadcast_in_dim3A_625 : i32 to vector<16xi32>
      %broadcast_in_dim3A_627 = arith.constant 0 : i32
      %broadcast_in_dim3A_628 = vector.broadcast %broadcast_in_dim3A_627 : i32 to vector<16xi32>
      %add3A_629 = arith.addi %broadcast_in_dim3A_628, %iota3A : vector<16xi32>
      tpu.vector_store_idx %arg16[%broadcast_in_dim3A_626, %add3A_629], %gather3A_624 : memref<2x96xi32, #tpu.memory_space<vmem>>[vector<16xi32>, vector<16xi32>], vector<16xi32>,
      %gather3A_630 = arith.constant 1 : i32
      %gather3A_631 = arith.constant 0 : i32
      %gather3A_632 = tpu.memref_slice %arg13[%gather3A_630, %gather3A_631] : memref<3x13776xi32, #tpu.memory_space<vmem>> -> memref<1x13776xi32, #tpu.memory_space<vmem>>
      %gather3A_633 = tpu.memref_squeeze %gather3A_632 : memref<1x13776xi32, #tpu.memory_space<vmem>> -> memref<13776xi32, #tpu.memory_space<vmem>>
      %gather3A_634 = tpu.vector_load_idx %gather3A_633[%min3A_618] : memref<13776xi32, #tpu.memory_space<vmem>>[vector<16xi32>], vector<16xi32>,
      %gather3A_635 = tpu.vector_load_idx %arg12[%gather3A_634] : memref<7584xi32, #tpu.memory_space<vmem>>[vector<16xi32>], vector<16xi32>,
      %broadcast_in_dim3A_636 = arith.constant 1 : i32
      %broadcast_in_dim3A_637 = vector.broadcast %broadcast_in_dim3A_636 : i32 to vector<16xi32>
      %broadcast_in_dim3A_638 = arith.constant 32 : i32
      %broadcast_in_dim3A_639 = vector.broadcast %broadcast_in_dim3A_638 : i32 to vector<16xi32>
      %add3A_640 = arith.addi %broadcast_in_dim3A_639, %iota3A : vector<16xi32>
      tpu.vector_store_idx %arg16[%broadcast_in_dim3A_637, %add3A_640], %gather3A_635 : memref<2x96xi32, #tpu.memory_space<vmem>>[vector<16xi32>, vector<16xi32>], vector<16xi32>,
      %gather3A_641 = arith.constant 2 : i32
      %gather3A_642 = arith.constant 0 : i32
      %gather3A_643 = tpu.memref_slice %arg13[%gather3A_641, %gather3A_642] : memref<3x13776xi32, #tpu.memory_space<vmem>> -> memref<1x13776xi32, #tpu.memory_space<vmem>>
      %gather3A_644 = tpu.memref_squeeze %gather3A_643 : memref<1x13776xi32, #tpu.memory_space<vmem>> -> memref<13776xi32, #tpu.memory_space<vmem>>
      %gather3A_645 = tpu.vector_load_idx %gather3A_644[%min3A_618] : memref<13776xi32, #tpu.memory_space<vmem>>[vector<16xi32>], vector<16xi32>,
      %gather3A_646 = tpu.vector_load_idx %arg12[%gather3A_645] : memref<7584xi32, #tpu.memory_space<vmem>>[vector<16xi32>], vector<16xi32>,
      %broadcast_in_dim3A_647 = arith.constant 1 : i32
      %broadcast_in_dim3A_648 = vector.broadcast %broadcast_in_dim3A_647 : i32 to vector<16xi32>
      %broadcast_in_dim3A_649 = arith.constant 64 : i32
      %broadcast_in_dim3A_650 = vector.broadcast %broadcast_in_dim3A_649 : i32 to vector<16xi32>
      %add3A_651 = arith.addi %broadcast_in_dim3A_650, %iota3A : vector<16xi32>
      tpu.vector_store_idx %arg16[%broadcast_in_dim3A_648, %add3A_651], %gather3A_646 : memref<2x96xi32, #tpu.memory_space<vmem>>[vector<16xi32>, vector<16xi32>], vector<16xi32>,
      %mul3A_652 = arith.constant 32 : i32
      %mul3A_653 = arith.muli %add3A_605, %mul3A_652 : i32
      %add3A_654 = arith.constant 16 : i32
      %add3A_655 = arith.addi %mul3A_653, %add3A_654 : i32
      %broadcast_in_dim3A_656 = vector.broadcast %add3A_655 : i32 to vector<16xi32>
      %add3A_657 = arith.addi %broadcast_in_dim3A_656, %iota3A : vector<16xi32>
      %gather3A_658 = tpu.vector_load_idx %arg14[%add3A_657] : memref<2048xi32, #tpu.memory_space<vmem>>[vector<16xi32>], vector<16xi32>,
      %max3A_659 = arith.constant 0 : i32
      %max3A_660 = vector.broadcast %max3A_659 : i32 to vector<16xi32>
      %max3A_661 = arith.maxsi %gather3A_658, %max3A_660 : vector<16xi32>
      %min3A_662 = arith.constant 13775 : i32
      %min3A_663 = vector.broadcast %min3A_662 : i32 to vector<16xi32>
      %min3A_664 = arith.minsi %max3A_661, %min3A_663 : vector<16xi32>
      %gather3A_665 = arith.constant 0 : i32
      %gather3A_666 = arith.constant 0 : i32
      %gather3A_667 = tpu.memref_slice %arg13[%gather3A_665, %gather3A_666] : memref<3x13776xi32, #tpu.memory_space<vmem>> -> memref<1x13776xi32, #tpu.memory_space<vmem>>
      %gather3A_668 = tpu.memref_squeeze %gather3A_667 : memref<1x13776xi32, #tpu.memory_space<vmem>> -> memref<13776xi32, #tpu.memory_space<vmem>>
      %gather3A_669 = tpu.vector_load_idx %gather3A_668[%min3A_664] : memref<13776xi32, #tpu.memory_space<vmem>>[vector<16xi32>], vector<16xi32>,
      %gather3A_670 = tpu.vector_load_idx %arg12[%gather3A_669] : memref<7584xi32, #tpu.memory_space<vmem>>[vector<16xi32>], vector<16xi32>,
      %broadcast_in_dim3A_671 = arith.constant 1 : i32
      %broadcast_in_dim3A_672 = vector.broadcast %broadcast_in_dim3A_671 : i32 to vector<16xi32>
      %broadcast_in_dim3A_673 = arith.constant 16 : i32
      %broadcast_in_dim3A_674 = vector.broadcast %broadcast_in_dim3A_673 : i32 to vector<16xi32>
      %add3A_675 = arith.addi %broadcast_in_dim3A_674, %iota3A : vector<16xi32>
      tpu.vector_store_idx %arg16[%broadcast_in_dim3A_672, %add3A_675], %gather3A_670 : memref<2x96xi32, #tpu.memory_space<vmem>>[vector<16xi32>, vector<16xi32>], vector<16xi32>,
      %gather3A_676 = arith.constant 1 : i32
      %gather3A_677 = arith.constant 0 : i32
      %gather3A_678 = tpu.memref_slice %arg13[%gather3A_676, %gather3A_677] : memref<3x13776xi32, #tpu.memory_space<vmem>> -> memref<1x13776xi32, #tpu.memory_space<vmem>>
      %gather3A_679 = tpu.memref_squeeze %gather3A_678 : memref<1x13776xi32, #tpu.memory_space<vmem>> -> memref<13776xi32, #tpu.memory_space<vmem>>
      %gather3A_680 = tpu.vector_load_idx %gather3A_679[%min3A_664] : memref<13776xi32, #tpu.memory_space<vmem>>[vector<16xi32>], vector<16xi32>,
      %gather3A_681 = tpu.vector_load_idx %arg12[%gather3A_680] : memref<7584xi32, #tpu.memory_space<vmem>>[vector<16xi32>], vector<16xi32>,
      %broadcast_in_dim3A_682 = arith.constant 1 : i32
      %broadcast_in_dim3A_683 = vector.broadcast %broadcast_in_dim3A_682 : i32 to vector<16xi32>
      %broadcast_in_dim3A_684 = arith.constant 48 : i32
      %broadcast_in_dim3A_685 = vector.broadcast %broadcast_in_dim3A_684 : i32 to vector<16xi32>
      %add3A_686 = arith.addi %broadcast_in_dim3A_685, %iota3A : vector<16xi32>
      tpu.vector_store_idx %arg16[%broadcast_in_dim3A_683, %add3A_686], %gather3A_681 : memref<2x96xi32, #tpu.memory_space<vmem>>[vector<16xi32>, vector<16xi32>], vector<16xi32>,
      %gather3A_687 = arith.constant 2 : i32
      %gather3A_688 = arith.constant 0 : i32
      %gather3A_689 = tpu.memref_slice %arg13[%gather3A_687, %gather3A_688] : memref<3x13776xi32, #tpu.memory_space<vmem>> -> memref<1x13776xi32, #tpu.memory_space<vmem>>
      %gather3A_690 = tpu.memref_squeeze %gather3A_689 : memref<1x13776xi32, #tpu.memory_space<vmem>> -> memref<13776xi32, #tpu.memory_space<vmem>>
      %gather3A_691 = tpu.vector_load_idx %gather3A_690[%min3A_664] : memref<13776xi32, #tpu.memory_space<vmem>>[vector<16xi32>], vector<16xi32>,
      %gather3A_692 = tpu.vector_load_idx %arg12[%gather3A_691] : memref<7584xi32, #tpu.memory_space<vmem>>[vector<16xi32>], vector<16xi32>,
      %broadcast_in_dim3A_693 = arith.constant 1 : i32
      %broadcast_in_dim3A_694 = vector.broadcast %broadcast_in_dim3A_693 : i32 to vector<16xi32>
      %broadcast_in_dim3A_695 = arith.constant 80 : i32
      %broadcast_in_dim3A_696 = vector.broadcast %broadcast_in_dim3A_695 : i32 to vector<16xi32>
      %add3A_697 = arith.addi %broadcast_in_dim3A_696, %iota3A : vector<16xi32>
      tpu.vector_store_idx %arg16[%broadcast_in_dim3A_694, %add3A_697], %gather3A_692 : memref<2x96xi32, #tpu.memory_space<vmem>>[vector<16xi32>, vector<16xi32>], vector<16xi32>,
      %dma_start3A_698 = arith.constant 1 : i32
      %dma_start3A_699 = arith.constant 96 : i32
      %dma_start3A_700 = arith.constant 0 : i32
      %dma_start3A_701 = tpu.memref_slice %arg17[%dma_start3A_699, %dma_start3A_700] : memref<192x256xf32, #tpu.memory_space<vmem>> -> memref<48x256xf32, #tpu.memory_space<vmem>>
      %dma_start3A_702 = arith.constant 0 : i32
      %dma_start3A_703 = tpu.memref_slice %arg16[%dma_start3A_698, %dma_start3A_702] : memref<2x96xi32, #tpu.memory_space<vmem>> -> memref<1x48xi32, #tpu.memory_space<vmem>>
      %dma_start3A_704 = tpu.memref_squeeze %dma_start3A_703 : memref<1x48xi32, #tpu.memory_space<vmem>> -> memref<48xi32, #tpu.memory_space<vmem>>
      %dma_start3A_705 = arith.constant 0 : i32
      %dma_start3A_706 = arith.constant 0 : i32
      %dma_start3A_707 = tpu.memref_slice %arg2[%dma_start3A_705, %dma_start3A_706] : memref<6890x256xf32, #tpu.memory_space<hbm>> -> memref<6890x256xf32, #tpu.memory_space<hbm>>
      tpu.enqueue_indirect_dma source(%dma_start3A_707 : memref<6890x256xf32, #tpu.memory_space<hbm>>) target(%dma_start3A_701 : memref<48x256xf32, #tpu.memory_space<vmem>>) offsets(%dma_start3A_704 : memref<48xi32, #tpu.memory_space<vmem>>) semaphore(%arg21 : memref<!tpu.dma_semaphore, #tpu.memory_space<semaphore_mem>>)
      %dma_start3A_708 = arith.constant 1 : i32
      %dma_start3A_709 = arith.constant 144 : i32
      %dma_start3A_710 = arith.constant 0 : i32
      %dma_start3A_711 = tpu.memref_slice %arg17[%dma_start3A_709, %dma_start3A_710] : memref<192x256xf32, #tpu.memory_space<vmem>> -> memref<48x256xf32, #tpu.memory_space<vmem>>
      %dma_start3A_712 = arith.constant 48 : i32
      %dma_start3A_713 = tpu.memref_slice %arg16[%dma_start3A_708, %dma_start3A_712] : memref<2x96xi32, #tpu.memory_space<vmem>> -> memref<1x48xi32, #tpu.memory_space<vmem>>
      %dma_start3A_714 = tpu.memref_squeeze %dma_start3A_713 : memref<1x48xi32, #tpu.memory_space<vmem>> -> memref<48xi32, #tpu.memory_space<vmem>>
      %dma_start3A_715 = arith.constant 0 : i32
      %dma_start3A_716 = arith.constant 0 : i32
      %dma_start3A_717 = tpu.memref_slice %arg2[%dma_start3A_715, %dma_start3A_716] : memref<6890x256xf32, #tpu.memory_space<hbm>> -> memref<6890x256xf32, #tpu.memory_space<hbm>>
      tpu.enqueue_indirect_dma source(%dma_start3A_717 : memref<6890x256xf32, #tpu.memory_space<hbm>>) target(%dma_start3A_711 : memref<48x256xf32, #tpu.memory_space<vmem>>) offsets(%dma_start3A_714 : memref<48xi32, #tpu.memory_space<vmem>>) semaphore(%arg21 : memref<!tpu.dma_semaphore, #tpu.memory_space<semaphore_mem>>)
      %dma_wait3A_718 = arith.constant 0 : i32
      %dma_wait3A_719 = arith.constant 0 : i32
      %dma_wait3A_720 = arith.constant 0 : i32
      %dma_wait3A_721 = tpu.memref_slice %arg17[%dma_wait3A_719, %dma_wait3A_720] : memref<192x256xf32, #tpu.memory_space<vmem>> -> memref<48x256xf32, #tpu.memory_space<vmem>>
      %dma_wait3A_722 = arith.constant 0 : i32
      %dma_wait3A_723 = tpu.memref_slice %arg16[%dma_wait3A_718, %dma_wait3A_722] : memref<2x96xi32, #tpu.memory_space<vmem>> -> memref<1x48xi32, #tpu.memory_space<vmem>>
      %dma_wait3A_724 = tpu.memref_squeeze %dma_wait3A_723 : memref<1x48xi32, #tpu.memory_space<vmem>> -> memref<48xi32, #tpu.memory_space<vmem>>
      %dma_wait3A_725 = arith.constant 0 : i32
      %dma_wait3A_726 = arith.constant 0 : i32
      %dma_wait3A_727 = tpu.memref_slice %arg2[%dma_wait3A_725, %dma_wait3A_726] : memref<6890x256xf32, #tpu.memory_space<hbm>> -> memref<6890x256xf32, #tpu.memory_space<hbm>>
      tpu.wait_indirect_dma semaphore(%arg20 : memref<!tpu.dma_semaphore, #tpu.memory_space<semaphore_mem>>) src(%dma_wait3A_727 : memref<6890x256xf32, #tpu.memory_space<hbm>>) dst(%dma_wait3A_721 : memref<48x256xf32, #tpu.memory_space<vmem>>)
      %dma_wait3A_728 = arith.constant 0 : i32
      %dma_wait3A_729 = arith.constant 48 : i32
      %dma_wait3A_730 = arith.constant 0 : i32
      %dma_wait3A_731 = tpu.memref_slice %arg17[%dma_wait3A_729, %dma_wait3A_730] : memref<192x256xf32, #tpu.memory_space<vmem>> -> memref<48x256xf32, #tpu.memory_space<vmem>>
      %dma_wait3A_732 = arith.constant 48 : i32
      %dma_wait3A_733 = tpu.memref_slice %arg16[%dma_wait3A_728, %dma_wait3A_732] : memref<2x96xi32, #tpu.memory_space<vmem>> -> memref<1x48xi32, #tpu.memory_space<vmem>>
      %dma_wait3A_734 = tpu.memref_squeeze %dma_wait3A_733 : memref<1x48xi32, #tpu.memory_space<vmem>> -> memref<48xi32, #tpu.memory_space<vmem>>
      %dma_wait3A_735 = arith.constant 0 : i32
      %dma_wait3A_736 = arith.constant 0 : i32
      %dma_wait3A_737 = tpu.memref_slice %arg2[%dma_wait3A_735, %dma_wait3A_736] : memref<6890x256xf32, #tpu.memory_space<hbm>> -> memref<6890x256xf32, #tpu.memory_space<hbm>>
      tpu.wait_indirect_dma semaphore(%arg20 : memref<!tpu.dma_semaphore, #tpu.memory_space<semaphore_mem>>) src(%dma_wait3A_737 : memref<6890x256xf32, #tpu.memory_space<hbm>>) dst(%dma_wait3A_731 : memref<48x256xf32, #tpu.memory_space<vmem>>)
      %ge3A = arith.constant 2 : i32
      %ge3A_738 = arith.cmpi sge, %add3A_603, %ge3A : i32
      %convert_element_type3A = arith.extui %ge3A_738 : i1 to i32
      %cond3A = arith.constant 0 : i32
      %cond3A_739 = arith.cmpi ne, %convert_element_type3A, %cond3A : i32
      scf.if %cond3A_739 {
        %sub3A_1133 = arith.constant 2 : i32
        %sub3A_1134 = arith.subi %add3A_603, %sub3A_1133 : i32
        %mul3A_1135 = arith.constant 8 : i32
        %mul3A_1136 = arith.muli %add3A, %mul3A_1135 : i32
        %jit3A_1137 = arith.constant 8 : i32
        %div3A_1138 = arith.divsi %sub3A_1134, %jit3A_1137 : i32
        %sign3A_1139 = arith.constant 0 : i32
        %sign3A_1140 = arith.cmpi sgt, %sub3A_1134, %sign3A_1139 : i32
        %sign3A_1141 = arith.extui %sign3A_1140 : i1 to i32
        %sign3A_1142 = arith.constant 0 : i32
        %sign3A_1143 = arith.cmpi slt, %sub3A_1134, %sign3A_1142 : i32
        %sign3A_1144 = arith.extui %sign3A_1143 : i1 to i32
        %sign3A_1145 = arith.subi %sign3A_1141, %sign3A_1144 : i32
        %sign3A_1146 = arith.constant 0 : i32
        %sign3A_1147 = arith.cmpi sgt, %jit3A_1137, %sign3A_1146 : i32
        %sign3A_1148 = arith.extui %sign3A_1147 : i1 to i32
        %sign3A_1149 = arith.constant 0 : i32
        %sign3A_1150 = arith.cmpi slt, %jit3A_1137, %sign3A_1149 : i32
        %sign3A_1151 = arith.extui %sign3A_1150 : i1 to i32
        %sign3A_1152 = arith.subi %sign3A_1148, %sign3A_1151 : i32
        %ne3A_1153 = arith.cmpi ne, %sign3A_1145, %sign3A_1152 : i32
        %rem3A_1154 = arith.remsi %sub3A_1134, %jit3A_1137 : i32
        %ne3A_1155 = arith.constant 0 : i32
        %ne3A_1156 = arith.cmpi ne, %rem3A_1154, %ne3A_1155 : i32
        %and3A_1157 = arith.andi %ne3A_1153, %ne3A_1156 : i1
        %sub3A_1158 = arith.constant 1 : i32
        %sub3A_1159 = arith.subi %div3A_1138, %sub3A_1158 : i32
        %select_n3A_1160 = arith.select %and3A_1157, %sub3A_1159, %div3A_1138 : i32
        %add3A_1161 = arith.addi %mul3A_1136, %select_n3A_1160 : i32
        %jit3A_1162 = arith.constant 8 : i32
        %eq3A_1163 = arith.constant 0 : i32
        %eq3A_1164 = arith.cmpi eq, %jit3A_1162, %eq3A_1163 : i32
        %jit3A_1165 = arith.constant 1 : i32
        %select_n3A_1166 = arith.select %eq3A_1164, %jit3A_1165, %jit3A_1162 : i32
        %rem3A_1167 = arith.remsi %sub3A_1134, %select_n3A_1166 : i32
        %ne3A_1168 = arith.constant 0 : i32
        %ne3A_1169 = arith.cmpi ne, %rem3A_1167, %ne3A_1168 : i32
        %lt3A_1170 = arith.constant 0 : i32
        %lt3A_1171 = arith.cmpi slt, %rem3A_1167, %lt3A_1170 : i32
        %lt3A_1172 = arith.constant 0 : i32
        %lt3A_1173 = arith.cmpi slt, %select_n3A_1166, %lt3A_1172 : i32
        %ne3A_1174 = arith.xori %lt3A_1171, %lt3A_1173 : i1
        %and3A_1175 = arith.andi %ne3A_1174, %ne3A_1169 : i1
        %add3A_1176 = arith.addi %rem3A_1167, %select_n3A_1166 : i32
        %select_n3A_1177 = arith.select %and3A_1175, %add3A_1176, %rem3A_1167 : i32
        %mul3A_1178 = arith.constant 32 : i32
        %mul3A_1179 = arith.muli %select_n3A_1177, %mul3A_1178 : i32
        %dma_wait3A_1180 = arith.constant 0 : i32
        %dma_wait3A_1181 = arith.constant 0 : i32
        %dma_wait3A_1182 = arith.constant 0 : i32
        %dma_wait3A_1183 = arith.constant 0 : i32
        %dma_wait3A_1184 = arith.constant 0 : i32
        %dma_wait3A_1185 = tpu.memref_slice %arg18[%dma_wait3A_1180, %dma_wait3A_1181, %dma_wait3A_1183, %dma_wait3A_1184] : memref<2x8x32x40xf32, #tpu.memory_space<vmem>> -> memref<1x1x32x32xf32, #tpu.memory_space<vmem>>
        %dma_wait3A_1186 = tpu.memref_squeeze %dma_wait3A_1185 : memref<1x1x32x32xf32, #tpu.memory_space<vmem>> -> memref<32x32xf32, #tpu.memory_space<vmem>>
        %dma_wait3A_1187 = arith.constant 0 : i32
        %dma_wait3A_1188 = tpu.memref_slice %arg11[%dma_wait3A_1182, %add3A_1161, %dma_wait3A_1187, %mul3A_1179] : memref<8x256x32x256xf32, #tpu.memory_space<hbm>> -> memref<1x1x32x32xf32, #tpu.memory_space<hbm>>
        %dma_wait3A_1189 = tpu.memref_squeeze %dma_wait3A_1188 : memref<1x1x32x32xf32, #tpu.memory_space<hbm>> -> memref<32x32xf32, #tpu.memory_space<hbm>>
        %dma_wait3A_1190 = arith.constant 0 : i32
        %dma_wait3A_1191 = tpu.memref_slice %arg11[%dma_wait3A_1182, %add3A_1161, %dma_wait3A_1190, %mul3A_1179] : memref<8x256x32x256xf32, #tpu.memory_space<hbm>> -> memref<1x1x32x32xf32, #tpu.memory_space<hbm>>
        %dma_wait3A_1192 = tpu.memref_squeeze %dma_wait3A_1191 : memref<1x1x32x32xf32, #tpu.memory_space<hbm>> -> memref<32x32xf32, #tpu.memory_space<hbm>>
        %dma_wait3A_1193 = arith.constant 0 : i32
        %dma_wait3A_1194 = arith.constant 0 : i32
        %dma_wait3A_1195 = tpu.memref_slice %arg18[%dma_wait3A_1180, %dma_wait3A_1181, %dma_wait3A_1193, %dma_wait3A_1194] : memref<2x8x32x40xf32, #tpu.memory_space<vmem>> -> memref<1x1x32x32xf32, #tpu.memory_space<vmem>>
        %dma_wait3A_1196 = tpu.memref_squeeze %dma_wait3A_1195 : memref<1x1x32x32xf32, #tpu.memory_space<vmem>> -> memref<32x32xf32, #tpu.memory_space<vmem>>
        tpu.wait_dma2 semaphore(%arg22 : memref<!tpu.dma_semaphore, #tpu.memory_space<semaphore_mem>>) src(%dma_wait3A_1196 : memref<32x32xf32, #tpu.memory_space<vmem>>) dst(%dma_wait3A_1192 : memref<32x32xf32, #tpu.memory_space<hbm>>)
        %dma_wait3A_1197 = arith.constant 0 : i32
        %dma_wait3A_1198 = arith.constant 1 : i32
        %dma_wait3A_1199 = arith.constant 1 : i32
        %dma_wait3A_1200 = arith.constant 0 : i32
        %dma_wait3A_1201 = arith.constant 0 : i32
        %dma_wait3A_1202 = tpu.memref_slice %arg18[%dma_wait3A_1197, %dma_wait3A_1198, %dma_wait3A_1200, %dma_wait3A_1201] : memref<2x8x32x40xf32, #tpu.memory_space<vmem>> -> memref<1x1x32x32xf32, #tpu.memory_space<vmem>>
        %dma_wait3A_1203 = tpu.memref_squeeze %dma_wait3A_1202 : memref<1x1x32x32xf32, #tpu.memory_space<vmem>> -> memref<32x32xf32, #tpu.memory_space<vmem>>
        %dma_wait3A_1204 = arith.constant 0 : i32
        %dma_wait3A_1205 = tpu.memref_slice %arg11[%dma_wait3A_1199, %add3A_1161, %dma_wait3A_1204, %mul3A_1179] : memref<8x256x32x256xf32, #tpu.memory_space<hbm>> -> memref<1x1x32x32xf32, #tpu.memory_space<hbm>>
        %dma_wait3A_1206 = tpu.memref_squeeze %dma_wait3A_1205 : memref<1x1x32x32xf32, #tpu.memory_space<hbm>> -> memref<32x32xf32, #tpu.memory_space<hbm>>
        %dma_wait3A_1207 = arith.constant 0 : i32
        %dma_wait3A_1208 = tpu.memref_slice %arg11[%dma_wait3A_1199, %add3A_1161, %dma_wait3A_1207, %mul3A_1179] : memref<8x256x32x256xf32, #tpu.memory_space<hbm>> -> memref<1x1x32x32xf32, #tpu.memory_space<hbm>>
        %dma_wait3A_1209 = tpu.memref_squeeze %dma_wait3A_1208 : memref<1x1x32x32xf32, #tpu.memory_space<hbm>> -> memref<32x32xf32, #tpu.memory_space<hbm>>
        %dma_wait3A_1210 = arith.constant 0 : i32
        %dma_wait3A_1211 = arith.constant 0 : i32
        %dma_wait3A_1212 = tpu.memref_slice %arg18[%dma_wait3A_1197, %dma_wait3A_1198, %dma_wait3A_1210, %dma_wait3A_1211] : memref<2x8x32x40xf32, #tpu.memory_space<vmem>> -> memref<1x1x32x32xf32, #tpu.memory_space<vmem>>
        %dma_wait3A_1213 = tpu.memref_squeeze %dma_wait3A_1212 : memref<1x1x32x32xf32, #tpu.memory_space<vmem>> -> memref<32x32xf32, #tpu.memory_space<vmem>>
        tpu.wait_dma2 semaphore(%arg22 : memref<!tpu.dma_semaphore, #tpu.memory_space<semaphore_mem>>) src(%dma_wait3A_1213 : memref<32x32xf32, #tpu.memory_space<vmem>>) dst(%dma_wait3A_1209 : memref<32x32xf32, #tpu.memory_space<hbm>>)
        %dma_wait3A_1214 = arith.constant 0 : i32
        %dma_wait3A_1215 = arith.constant 2 : i32
        %dma_wait3A_1216 = arith.constant 2 : i32
        %dma_wait3A_1217 = arith.constant 0 : i32
        %dma_wait3A_1218 = arith.constant 0 : i32
        %dma_wait3A_1219 = tpu.memref_slice %arg18[%dma_wait3A_1214, %dma_wait3A_1215, %dma_wait3A_1217, %dma_wait3A_1218] : memref<2x8x32x40xf32, #tpu.memory_space<vmem>> -> memref<1x1x32x32xf32, #tpu.memory_space<vmem>>
        %dma_wait3A_1220 = tpu.memref_squeeze %dma_wait3A_1219 : memref<1x1x32x32xf32, #tpu.memory_space<vmem>> -> memref<32x32xf32, #tpu.memory_space<vmem>>
        %dma_wait3A_1221 = arith.constant 0 : i32
        %dma_wait3A_1222 = tpu.memref_slice %arg11[%dma_wait3A_1216, %add3A_1161, %dma_wait3A_1221, %mul3A_1179] : memref<8x256x32x256xf32, #tpu.memory_space<hbm>> -> memref<1x1x32x32xf32, #tpu.memory_space<hbm>>
        %dma_wait3A_1223 = tpu.memref_squeeze %dma_wait3A_1222 : memref<1x1x32x32xf32, #tpu.memory_space<hbm>> -> memref<32x32xf32, #tpu.memory_space<hbm>>
        %dma_wait3A_1224 = arith.constant 0 : i32
        %dma_wait3A_1225 = tpu.memref_slice %arg11[%dma_wait3A_1216, %add3A_1161, %dma_wait3A_1224, %mul3A_1179] : memref<8x256x32x256xf32, #tpu.memory_space<hbm>> -> memref<1x1x32x32xf32, #tpu.memory_space<hbm>>
        %dma_wait3A_1226 = tpu.memref_squeeze %dma_wait3A_1225 : memref<1x1x32x32xf32, #tpu.memory_space<hbm>> -> memref<32x32xf32, #tpu.memory_space<hbm>>
        %dma_wait3A_1227 = arith.constant 0 : i32
        %dma_wait3A_1228 = arith.constant 0 : i32
        %dma_wait3A_1229 = tpu.memref_slice %arg18[%dma_wait3A_1214, %dma_wait3A_1215, %dma_wait3A_1227, %dma_wait3A_1228] : memref<2x8x32x40xf32, #tpu.memory_space<vmem>> -> memref<1x1x32x32xf32, #tpu.memory_space<vmem>>
        %dma_wait3A_1230 = tpu.memref_squeeze %dma_wait3A_1229 : memref<1x1x32x32xf32, #tpu.memory_space<vmem>> -> memref<32x32xf32, #tpu.memory_space<vmem>>
        tpu.wait_dma2 semaphore(%arg22 : memref<!tpu.dma_semaphore, #tpu.memory_space<semaphore_mem>>) src(%dma_wait3A_1230 : memref<32x32xf32, #tpu.memory_space<vmem>>) dst(%dma_wait3A_1226 : memref<32x32xf32, #tpu.memory_space<hbm>>)
        %dma_wait3A_1231 = arith.constant 0 : i32
        %dma_wait3A_1232 = arith.constant 3 : i32
        %dma_wait3A_1233 = arith.constant 3 : i32
        %dma_wait3A_1234 = arith.constant 0 : i32
        %dma_wait3A_1235 = arith.constant 0 : i32
        %dma_wait3A_1236 = tpu.memref_slice %arg18[%dma_wait3A_1231, %dma_wait3A_1232, %dma_wait3A_1234, %dma_wait3A_1235] : memref<2x8x32x40xf32, #tpu.memory_space<vmem>> -> memref<1x1x32x32xf32, #tpu.memory_space<vmem>>
        %dma_wait3A_1237 = tpu.memref_squeeze %dma_wait3A_1236 : memref<1x1x32x32xf32, #tpu.memory_space<vmem>> -> memref<32x32xf32, #tpu.memory_space<vmem>>
        %dma_wait3A_1238 = arith.constant 0 : i32
        %dma_wait3A_1239 = tpu.memref_slice %arg11[%dma_wait3A_1233, %add3A_1161, %dma_wait3A_1238, %mul3A_1179] : memref<8x256x32x256xf32, #tpu.memory_space<hbm>> -> memref<1x1x32x32xf32, #tpu.memory_space<hbm>>
        %dma_wait3A_1240 = tpu.memref_squeeze %dma_wait3A_1239 : memref<1x1x32x32xf32, #tpu.memory_space<hbm>> -> memref<32x32xf32, #tpu.memory_space<hbm>>
        %dma_wait3A_1241 = arith.constant 0 : i32
        %dma_wait3A_1242 = tpu.memref_slice %arg11[%dma_wait3A_1233, %add3A_1161, %dma_wait3A_1241, %mul3A_1179] : memref<8x256x32x256xf32, #tpu.memory_space<hbm>> -> memref<1x1x32x32xf32, #tpu.memory_space<hbm>>
        %dma_wait3A_1243 = tpu.memref_squeeze %dma_wait3A_1242 : memref<1x1x32x32xf32, #tpu.memory_space<hbm>> -> memref<32x32xf32, #tpu.memory_space<hbm>>
        %dma_wait3A_1244 = arith.constant 0 : i32
        %dma_wait3A_1245 = arith.constant 0 : i32
        %dma_wait3A_1246 = tpu.memref_slice %arg18[%dma_wait3A_1231, %dma_wait3A_1232, %dma_wait3A_1244, %dma_wait3A_1245] : memref<2x8x32x40xf32, #tpu.memory_space<vmem>> -> memref<1x1x32x32xf32, #tpu.memory_space<vmem>>
        %dma_wait3A_1247 = tpu.memref_squeeze %dma_wait3A_1246 : memref<1x1x32x32xf32, #tpu.memory_space<vmem>> -> memref<32x32xf32, #tpu.memory_space<vmem>>
        tpu.wait_dma2 semaphore(%arg22 : memref<!tpu.dma_semaphore, #tpu.memory_space<semaphore_mem>>) src(%dma_wait3A_1247 : memref<32x32xf32, #tpu.memory_space<vmem>>) dst(%dma_wait3A_1243 : memref<32x32xf32, #tpu.memory_space<hbm>>)
        %dma_wait3A_1248 = arith.constant 0 : i32
        %dma_wait3A_1249 = arith.constant 4 : i32
        %dma_wait3A_1250 = arith.constant 4 : i32
        %dma_wait3A_1251 = arith.constant 0 : i32
        %dma_wait3A_1252 = arith.constant 0 : i32
        %dma_wait3A_1253 = tpu.memref_slice %arg18[%dma_wait3A_1248, %dma_wait3A_1249, %dma_wait3A_1251, %dma_wait3A_1252] : memref<2x8x32x40xf32, #tpu.memory_space<vmem>> -> memref<1x1x32x32xf32, #tpu.memory_space<vmem>>
        %dma_wait3A_1254 = tpu.memref_squeeze %dma_wait3A_1253 : memref<1x1x32x32xf32, #tpu.memory_space<vmem>> -> memref<32x32xf32, #tpu.memory_space<vmem>>
        %dma_wait3A_1255 = arith.constant 0 : i32
        %dma_wait3A_1256 = tpu.memref_slice %arg11[%dma_wait3A_1250, %add3A_1161, %dma_wait3A_1255, %mul3A_1179] : memref<8x256x32x256xf32, #tpu.memory_space<hbm>> -> memref<1x1x32x32xf32, #tpu.memory_space<hbm>>
        %dma_wait3A_1257 = tpu.memref_squeeze %dma_wait3A_1256 : memref<1x1x32x32xf32, #tpu.memory_space<hbm>> -> memref<32x32xf32, #tpu.memory_space<hbm>>
        %dma_wait3A_1258 = arith.constant 0 : i32
        %dma_wait3A_1259 = tpu.memref_slice %arg11[%dma_wait3A_1250, %add3A_1161, %dma_wait3A_1258, %mul3A_1179] : memref<8x256x32x256xf32, #tpu.memory_space<hbm>> -> memref<1x1x32x32xf32, #tpu.memory_space<hbm>>
        %dma_wait3A_1260 = tpu.memref_squeeze %dma_wait3A_1259 : memref<1x1x32x32xf32, #tpu.memory_space<hbm>> -> memref<32x32xf32, #tpu.memory_space<hbm>>
        %dma_wait3A_1261 = arith.constant 0 : i32
        %dma_wait3A_1262 = arith.constant 0 : i32
        %dma_wait3A_1263 = tpu.memref_slice %arg18[%dma_wait3A_1248, %dma_wait3A_1249, %dma_wait3A_1261, %dma_wait3A_1262] : memref<2x8x32x40xf32, #tpu.memory_space<vmem>> -> memref<1x1x32x32xf32, #tpu.memory_space<vmem>>
        %dma_wait3A_1264 = tpu.memref_squeeze %dma_wait3A_1263 : memref<1x1x32x32xf32, #tpu.memory_space<vmem>> -> memref<32x32xf32, #tpu.memory_space<vmem>>
        tpu.wait_dma2 semaphore(%arg22 : memref<!tpu.dma_semaphore, #tpu.memory_space<semaphore_mem>>) src(%dma_wait3A_1264 : memref<32x32xf32, #tpu.memory_space<vmem>>) dst(%dma_wait3A_1260 : memref<32x32xf32, #tpu.memory_space<hbm>>)
        %dma_wait3A_1265 = arith.constant 0 : i32
        %dma_wait3A_1266 = arith.constant 5 : i32
        %dma_wait3A_1267 = arith.constant 5 : i32
        %dma_wait3A_1268 = arith.constant 0 : i32
        %dma_wait3A_1269 = arith.constant 0 : i32
        %dma_wait3A_1270 = tpu.memref_slice %arg18[%dma_wait3A_1265, %dma_wait3A_1266, %dma_wait3A_1268, %dma_wait3A_1269] : memref<2x8x32x40xf32, #tpu.memory_space<vmem>> -> memref<1x1x32x32xf32, #tpu.memory_space<vmem>>
        %dma_wait3A_1271 = tpu.memref_squeeze %dma_wait3A_1270 : memref<1x1x32x32xf32, #tpu.memory_space<vmem>> -> memref<32x32xf32, #tpu.memory_space<vmem>>
        %dma_wait3A_1272 = arith.constant 0 : i32
        %dma_wait3A_1273 = tpu.memref_slice %arg11[%dma_wait3A_1267, %add3A_1161, %dma_wait3A_1272, %mul3A_1179] : memref<8x256x32x256xf32, #tpu.memory_space<hbm>> -> memref<1x1x32x32xf32, #tpu.memory_space<hbm>>
        %dma_wait3A_1274 = tpu.memref_squeeze %dma_wait3A_1273 : memref<1x1x32x32xf32, #tpu.memory_space<hbm>> -> memref<32x32xf32, #tpu.memory_space<hbm>>
        %dma_wait3A_1275 = arith.constant 0 : i32
        %dma_wait3A_1276 = tpu.memref_slice %arg11[%dma_wait3A_1267, %add3A_1161, %dma_wait3A_1275, %mul3A_1179] : memref<8x256x32x256xf32, #tpu.memory_space<hbm>> -> memref<1x1x32x32xf32, #tpu.memory_space<hbm>>
        %dma_wait3A_1277 = tpu.memref_squeeze %dma_wait3A_1276 : memref<1x1x32x32xf32, #tpu.memory_space<hbm>> -> memref<32x32xf32, #tpu.memory_space<hbm>>
        %dma_wait3A_1278 = arith.constant 0 : i32
        %dma_wait3A_1279 = arith.constant 0 : i32
        %dma_wait3A_1280 = tpu.memref_slice %arg18[%dma_wait3A_1265, %dma_wait3A_1266, %dma_wait3A_1278, %dma_wait3A_1279] : memref<2x8x32x40xf32, #tpu.memory_space<vmem>> -> memref<1x1x32x32xf32, #tpu.memory_space<vmem>>
        %dma_wait3A_1281 = tpu.memref_squeeze %dma_wait3A_1280 : memref<1x1x32x32xf32, #tpu.memory_space<vmem>> -> memref<32x32xf32, #tpu.memory_space<vmem>>
        tpu.wait_dma2 semaphore(%arg22 : memref<!tpu.dma_semaphore, #tpu.memory_space<semaphore_mem>>) src(%dma_wait3A_1281 : memref<32x32xf32, #tpu.memory_space<vmem>>) dst(%dma_wait3A_1277 : memref<32x32xf32, #tpu.memory_space<hbm>>)
        %dma_wait3A_1282 = arith.constant 0 : i32
        %dma_wait3A_1283 = arith.constant 6 : i32
        %dma_wait3A_1284 = arith.constant 6 : i32
        %dma_wait3A_1285 = arith.constant 0 : i32
        %dma_wait3A_1286 = arith.constant 0 : i32
        %dma_wait3A_1287 = tpu.memref_slice %arg18[%dma_wait3A_1282, %dma_wait3A_1283, %dma_wait3A_1285, %dma_wait3A_1286] : memref<2x8x32x40xf32, #tpu.memory_space<vmem>> -> memref<1x1x32x32xf32, #tpu.memory_space<vmem>>
        %dma_wait3A_1288 = tpu.memref_squeeze %dma_wait3A_1287 : memref<1x1x32x32xf32, #tpu.memory_space<vmem>> -> memref<32x32xf32, #tpu.memory_space<vmem>>
        %dma_wait3A_1289 = arith.constant 0 : i32
        %dma_wait3A_1290 = tpu.memref_slice %arg11[%dma_wait3A_1284, %add3A_1161, %dma_wait3A_1289, %mul3A_1179] : memref<8x256x32x256xf32, #tpu.memory_space<hbm>> -> memref<1x1x32x32xf32, #tpu.memory_space<hbm>>
        %dma_wait3A_1291 = tpu.memref_squeeze %dma_wait3A_1290 : memref<1x1x32x32xf32, #tpu.memory_space<hbm>> -> memref<32x32xf32, #tpu.memory_space<hbm>>
        %dma_wait3A_1292 = arith.constant 0 : i32
        %dma_wait3A_1293 = tpu.memref_slice %arg11[%dma_wait3A_1284, %add3A_1161, %dma_wait3A_1292, %mul3A_1179] : memref<8x256x32x256xf32, #tpu.memory_space<hbm>> -> memref<1x1x32x32xf32, #tpu.memory_space<hbm>>
        %dma_wait3A_1294 = tpu.memref_squeeze %dma_wait3A_1293 : memref<1x1x32x32xf32, #tpu.memory_space<hbm>> -> memref<32x32xf32, #tpu.memory_space<hbm>>
        %dma_wait3A_1295 = arith.constant 0 : i32
        %dma_wait3A_1296 = arith.constant 0 : i32
        %dma_wait3A_1297 = tpu.memref_slice %arg18[%dma_wait3A_1282, %dma_wait3A_1283, %dma_wait3A_1295, %dma_wait3A_1296] : memref<2x8x32x40xf32, #tpu.memory_space<vmem>> -> memref<1x1x32x32xf32, #tpu.memory_space<vmem>>
        %dma_wait3A_1298 = tpu.memref_squeeze %dma_wait3A_1297 : memref<1x1x32x32xf32, #tpu.memory_space<vmem>> -> memref<32x32xf32, #tpu.memory_space<vmem>>
        tpu.wait_dma2 semaphore(%arg22 : memref<!tpu.dma_semaphore, #tpu.memory_space<semaphore_mem>>) src(%dma_wait3A_1298 : memref<32x32xf32, #tpu.memory_space<vmem>>) dst(%dma_wait3A_1294 : memref<32x32xf32, #tpu.memory_space<hbm>>)
        %dma_wait3A_1299 = arith.constant 0 : i32
        %dma_wait3A_1300 = arith.constant 7 : i32
        %dma_wait3A_1301 = arith.constant 7 : i32
        %dma_wait3A_1302 = arith.constant 0 : i32
        %dma_wait3A_1303 = arith.constant 0 : i32
        %dma_wait3A_1304 = tpu.memref_slice %arg18[%dma_wait3A_1299, %dma_wait3A_1300, %dma_wait3A_1302, %dma_wait3A_1303] : memref<2x8x32x40xf32, #tpu.memory_space<vmem>> -> memref<1x1x32x32xf32, #tpu.memory_space<vmem>>
        %dma_wait3A_1305 = tpu.memref_squeeze %dma_wait3A_1304 : memref<1x1x32x32xf32, #tpu.memory_space<vmem>> -> memref<32x32xf32, #tpu.memory_space<vmem>>
        %dma_wait3A_1306 = arith.constant 0 : i32
        %dma_wait3A_1307 = tpu.memref_slice %arg11[%dma_wait3A_1301, %add3A_1161, %dma_wait3A_1306, %mul3A_1179] : memref<8x256x32x256xf32, #tpu.memory_space<hbm>> -> memref<1x1x32x32xf32, #tpu.memory_space<hbm>>
        %dma_wait3A_1308 = tpu.memref_squeeze %dma_wait3A_1307 : memref<1x1x32x32xf32, #tpu.memory_space<hbm>> -> memref<32x32xf32, #tpu.memory_space<hbm>>
        %dma_wait3A_1309 = arith.constant 0 : i32
        %dma_wait3A_1310 = tpu.memref_slice %arg11[%dma_wait3A_1301, %add3A_1161, %dma_wait3A_1309, %mul3A_1179] : memref<8x256x32x256xf32, #tpu.memory_space<hbm>> -> memref<1x1x32x32xf32, #tpu.memory_space<hbm>>
        %dma_wait3A_1311 = tpu.memref_squeeze %dma_wait3A_1310 : memref<1x1x32x32xf32, #tpu.memory_space<hbm>> -> memref<32x32xf32, #tpu.memory_space<hbm>>
        %dma_wait3A_1312 = arith.constant 0 : i32
        %dma_wait3A_1313 = arith.constant 0 : i32
        %dma_wait3A_1314 = tpu.memref_slice %arg18[%dma_wait3A_1299, %dma_wait3A_1300, %dma_wait3A_1312, %dma_wait3A_1313] : memref<2x8x32x40xf32, #tpu.memory_space<vmem>> -> memref<1x1x32x32xf32, #tpu.memory_space<vmem>>
        %dma_wait3A_1315 = tpu.memref_squeeze %dma_wait3A_1314 : memref<1x1x32x32xf32, #tpu.memory_space<vmem>> -> memref<32x32xf32, #tpu.memory_space<vmem>>
        tpu.wait_dma2 semaphore(%arg22 : memref<!tpu.dma_semaphore, #tpu.memory_space<semaphore_mem>>) src(%dma_wait3A_1315 : memref<32x32xf32, #tpu.memory_space<vmem>>) dst(%dma_wait3A_1311 : memref<32x32xf32, #tpu.memory_space<hbm>>)
      } else {
      }
      %parallel_loop3A = arith.constant 0 : i32
      %parallel_loop3A_740 = arith.constant 32 : i32
      %parallel_loop3A_741 = arith.constant 1 : i32
      scf.for %parallel_loop3A_1133 = %parallel_loop3A to %parallel_loop3A_740 step %parallel_loop3A_741  : i32 {
        %parallel_loop3A_1134 = arith.constant 32 : i32
        %parallel_loop3A_1135 = arith.muli %add3A_603, %parallel_loop3A_1134 : i32
        %parallel_loop3A_1136 = arith.constant 16 : i32
        %parallel_loop3A_1137 = arith.addi %parallel_loop3A_1136, %parallel_loop3A_1135 : i32
        %parallel_loop3A_1138 = arith.addi %parallel_loop3A_1137, %parallel_loop3A_1133 : i32
        %parallel_loop3A_1139 = vector.broadcast %parallel_loop3A_1138 : i32 to vector<16xi32>
        %parallel_loop3A_1140 = arith.constant 0 : i32
        %parallel_loop3A_1141 = arith.constant 0 : i32
        %parallel_loop3A_1142 = tpu.memref_slice %arg15[%parallel_loop3A_1140, %parallel_loop3A_1141] : memref<3x2064xf32, #tpu.memory_space<vmem>> -> memref<1x2064xf32, #tpu.memory_space<vmem>>
        %parallel_loop3A_1143 = tpu.memref_squeeze %parallel_loop3A_1142 : memref<1x2064xf32, #tpu.memory_space<vmem>> -> memref<2064xf32, #tpu.memory_space<vmem>>
        %parallel_loop3A_1144 = tpu.vector_load_idx %parallel_loop3A_1143[%parallel_loop3A_1139] : memref<2064xf32, #tpu.memory_space<vmem>>[vector<16xi32>], vector<16xf32>,
        %parallel_loop3A_1145 = arith.constant 1 : i32
        %parallel_loop3A_1146 = arith.constant 0 : i32
        %parallel_loop3A_1147 = tpu.memref_slice %arg15[%parallel_loop3A_1145, %parallel_loop3A_1146] : memref<3x2064xf32, #tpu.memory_space<vmem>> -> memref<1x2064xf32, #tpu.memory_space<vmem>>
        %parallel_loop3A_1148 = tpu.memref_squeeze %parallel_loop3A_1147 : memref<1x2064xf32, #tpu.memory_space<vmem>> -> memref<2064xf32, #tpu.memory_space<vmem>>
        %parallel_loop3A_1149 = tpu.vector_load_idx %parallel_loop3A_1148[%parallel_loop3A_1139] : memref<2064xf32, #tpu.memory_space<vmem>>[vector<16xi32>], vector<16xf32>,
        %parallel_loop3A_1150 = arith.constant 2 : i32
        %parallel_loop3A_1151 = arith.constant 0 : i32
        %parallel_loop3A_1152 = tpu.memref_slice %arg15[%parallel_loop3A_1150, %parallel_loop3A_1151] : memref<3x2064xf32, #tpu.memory_space<vmem>> -> memref<1x2064xf32, #tpu.memory_space<vmem>>
        %parallel_loop3A_1153 = tpu.memref_squeeze %parallel_loop3A_1152 : memref<1x2064xf32, #tpu.memory_space<vmem>> -> memref<2064xf32, #tpu.memory_space<vmem>>
        %parallel_loop3A_1154 = tpu.vector_load_idx %parallel_loop3A_1153[%parallel_loop3A_1139] : memref<2064xf32, #tpu.memory_space<vmem>>[vector<16xi32>], vector<16xf32>,
        %parallel_loop3A_1155 = arith.constant 0 : i32
        %parallel_loop3A_1156 = arith.addi %parallel_loop3A_1155, %parallel_loop3A_1133 : i32
        %parallel_loop3A_1157 = vector.broadcast %parallel_loop3A_1156 : i32 to vector<16xi32>
        %parallel_loop3A_1158 = arith.constant 32 : i32
        %parallel_loop3A_1159 = arith.addi %parallel_loop3A_1158, %parallel_loop3A_1133 : i32
        %parallel_loop3A_1160 = vector.broadcast %parallel_loop3A_1159 : i32 to vector<16xi32>
        %parallel_loop3A_1161 = arith.constant 64 : i32
        %parallel_loop3A_1162 = arith.addi %parallel_loop3A_1161, %parallel_loop3A_1133 : i32
        %parallel_loop3A_1163 = vector.broadcast %parallel_loop3A_1162 : i32 to vector<16xi32>
        %parallel_loop3A_1164 = vector.broadcast %parallel_loop3A_1133 : i32 to vector<16xi32>
        %parallel_loop3A_1165 = tpu.vector_load_idx %arg17[%parallel_loop3A_1157, %add3A_3] : memref<192x256xf32, #tpu.memory_space<vmem>>[vector<16xi32>, vector<16xi32>], vector<16xf32>,
        %parallel_loop3A_1166 = tpu.vector_load_idx %arg17[%parallel_loop3A_1160, %add3A_3] : memref<192x256xf32, #tpu.memory_space<vmem>>[vector<16xi32>, vector<16xi32>], vector<16xf32>,
        %parallel_loop3A_1167 = tpu.vector_load_idx %arg17[%parallel_loop3A_1163, %add3A_3] : memref<192x256xf32, #tpu.memory_space<vmem>>[vector<16xi32>, vector<16xi32>], vector<16xf32>,
        %parallel_loop3A_1168 = arith.mulf %parallel_loop3A_1144, %parallel_loop3A_1165 : vector<16xf32>
        %parallel_loop3A_1169 = arith.mulf %parallel_loop3A_1149, %parallel_loop3A_1166 : vector<16xf32>
        %parallel_loop3A_1170 = arith.addf %parallel_loop3A_1168, %parallel_loop3A_1169 : vector<16xf32>
        %parallel_loop3A_1171 = arith.mulf %parallel_loop3A_1154, %parallel_loop3A_1167 : vector<16xf32>
        %parallel_loop3A_1172 = arith.addf %parallel_loop3A_1170, %parallel_loop3A_1171 : vector<16xf32>
        tpu.vector_store_idx %arg18[%broadcast_in_dim3A_71, %broadcast_in_dim3A_55, %add3A_51, %parallel_loop3A_1164], %parallel_loop3A_1172 : memref<2x8x32x40xf32, #tpu.memory_space<vmem>>[vector<16xi32>, vector<16xi32>, vector<16xi32>, vector<16xi32>], vector<16xf32>,
        %parallel_loop3A_1173 = tpu.vector_load_idx %arg17[%parallel_loop3A_1157, %add3A_6] : memref<192x256xf32, #tpu.memory_space<vmem>>[vector<16xi32>, vector<16xi32>], vector<16xf32>,
        %parallel_loop3A_1174 = tpu.vector_load_idx %arg17[%parallel_loop3A_1160, %add3A_6] : memref<192x256xf32, #tpu.memory_space<vmem>>[vector<16xi32>, vector<16xi32>], vector<16xf32>,
        %parallel_loop3A_1175 = tpu.vector_load_idx %arg17[%parallel_loop3A_1163, %add3A_6] : memref<192x256xf32, #tpu.memory_space<vmem>>[vector<16xi32>, vector<16xi32>], vector<16xf32>,
        %parallel_loop3A_1176 = arith.mulf %parallel_loop3A_1144, %parallel_loop3A_1173 : vector<16xf32>
        %parallel_loop3A_1177 = arith.mulf %parallel_loop3A_1149, %parallel_loop3A_1174 : vector<16xf32>
        %parallel_loop3A_1178 = arith.addf %parallel_loop3A_1176, %parallel_loop3A_1177 : vector<16xf32>
        %parallel_loop3A_1179 = arith.mulf %parallel_loop3A_1154, %parallel_loop3A_1175 : vector<16xf32>
        %parallel_loop3A_1180 = arith.addf %parallel_loop3A_1178, %parallel_loop3A_1179 : vector<16xf32>
        tpu.vector_store_idx %arg18[%broadcast_in_dim3A_71, %broadcast_in_dim3A_55, %add3A_54, %parallel_loop3A_1164], %parallel_loop3A_1180 : memref<2x8x32x40xf32, #tpu.memory_space<vmem>>[vector<16xi32>, vector<16xi32>, vector<16xi32>, vector<16xi32>], vector<16xf32>,
        %parallel_loop3A_1181 = tpu.vector_load_idx %arg17[%parallel_loop3A_1157, %add3A_9] : memref<192x256xf32, #tpu.memory_space<vmem>>[vector<16xi32>, vector<16xi32>], vector<16xf32>,
        %parallel_loop3A_1182 = tpu.vector_load_idx %arg17[%parallel_loop3A_1160, %add3A_9] : memref<192x256xf32, #tpu.memory_space<vmem>>[vector<16xi32>, vector<16xi32>], vector<16xf32>,
        %parallel_loop3A_1183 = tpu.vector_load_idx %arg17[%parallel_loop3A_1163, %add3A_9] : memref<192x256xf32, #tpu.memory_space<vmem>>[vector<16xi32>, vector<16xi32>], vector<16xf32>,
        %parallel_loop3A_1184 = arith.mulf %parallel_loop3A_1144, %parallel_loop3A_1181 : vector<16xf32>
        %parallel_loop3A_1185 = arith.mulf %parallel_loop3A_1149, %parallel_loop3A_1182 : vector<16xf32>
        %parallel_loop3A_1186 = arith.addf %parallel_loop3A_1184, %parallel_loop3A_1185 : vector<16xf32>
        %parallel_loop3A_1187 = arith.mulf %parallel_loop3A_1154, %parallel_loop3A_1183 : vector<16xf32>
        %parallel_loop3A_1188 = arith.addf %parallel_loop3A_1186, %parallel_loop3A_1187 : vector<16xf32>
        tpu.vector_store_idx %arg18[%broadcast_in_dim3A_71, %broadcast_in_dim3A_57, %add3A_51, %parallel_loop3A_1164], %parallel_loop3A_1188 : memref<2x8x32x40xf32, #tpu.memory_space<vmem>>[vector<16xi32>, vector<16xi32>, vector<16xi32>, vector<16xi32>], vector<16xf32>,
        %parallel_loop3A_1189 = tpu.vector_load_idx %arg17[%parallel_loop3A_1157, %add3A_12] : memref<192x256xf32, #tpu.memory_space<vmem>>[vector<16xi32>, vector<16xi32>], vector<16xf32>,
        %parallel_loop3A_1190 = tpu.vector_load_idx %arg17[%parallel_loop3A_1160, %add3A_12] : memref<192x256xf32, #tpu.memory_space<vmem>>[vector<16xi32>, vector<16xi32>], vector<16xf32>,
        %parallel_loop3A_1191 = tpu.vector_load_idx %arg17[%parallel_loop3A_1163, %add3A_12] : memref<192x256xf32, #tpu.memory_space<vmem>>[vector<16xi32>, vector<16xi32>], vector<16xf32>,
        %parallel_loop3A_1192 = arith.mulf %parallel_loop3A_1144, %parallel_loop3A_1189 : vector<16xf32>
        %parallel_loop3A_1193 = arith.mulf %parallel_loop3A_1149, %parallel_loop3A_1190 : vector<16xf32>
        %parallel_loop3A_1194 = arith.addf %parallel_loop3A_1192, %parallel_loop3A_1193 : vector<16xf32>
        %parallel_loop3A_1195 = arith.mulf %parallel_loop3A_1154, %parallel_loop3A_1191 : vector<16xf32>
        %parallel_loop3A_1196 = arith.addf %parallel_loop3A_1194, %parallel_loop3A_1195 : vector<16xf32>
        tpu.vector_store_idx %arg18[%broadcast_in_dim3A_71, %broadcast_in_dim3A_57, %add3A_54, %parallel_loop3A_1164], %parallel_loop3A_1196 : memref<2x8x32x40xf32, #tpu.memory_space<vmem>>[vector<16xi32>, vector<16xi32>, vector<16xi32>, vector<16xi32>], vector<16xf32>,
        %parallel_loop3A_1197 = tpu.vector_load_idx %arg17[%parallel_loop3A_1157, %add3A_15] : memref<192x256xf32, #tpu.memory_space<vmem>>[vector<16xi32>, vector<16xi32>], vector<16xf32>,
        %parallel_loop3A_1198 = tpu.vector_load_idx %arg17[%parallel_loop3A_1160, %add3A_15] : memref<192x256xf32, #tpu.memory_space<vmem>>[vector<16xi32>, vector<16xi32>], vector<16xf32>,
        %parallel_loop3A_1199 = tpu.vector_load_idx %arg17[%parallel_loop3A_1163, %add3A_15] : memref<192x256xf32, #tpu.memory_space<vmem>>[vector<16xi32>, vector<16xi32>], vector<16xf32>,
        %parallel_loop3A_1200 = arith.mulf %parallel_loop3A_1144, %parallel_loop3A_1197 : vector<16xf32>
        %parallel_loop3A_1201 = arith.mulf %parallel_loop3A_1149, %parallel_loop3A_1198 : vector<16xf32>
        %parallel_loop3A_1202 = arith.addf %parallel_loop3A_1200, %parallel_loop3A_1201 : vector<16xf32>
        %parallel_loop3A_1203 = arith.mulf %parallel_loop3A_1154, %parallel_loop3A_1199 : vector<16xf32>
        %parallel_loop3A_1204 = arith.addf %parallel_loop3A_1202, %parallel_loop3A_1203 : vector<16xf32>
        tpu.vector_store_idx %arg18[%broadcast_in_dim3A_71, %broadcast_in_dim3A_59, %add3A_51, %parallel_loop3A_1164], %parallel_loop3A_1204 : memref<2x8x32x40xf32, #tpu.memory_space<vmem>>[vector<16xi32>, vector<16xi32>, vector<16xi32>, vector<16xi32>], vector<16xf32>,
        %parallel_loop3A_1205 = tpu.vector_load_idx %arg17[%parallel_loop3A_1157, %add3A_18] : memref<192x256xf32, #tpu.memory_space<vmem>>[vector<16xi32>, vector<16xi32>], vector<16xf32>,
        %parallel_loop3A_1206 = tpu.vector_load_idx %arg17[%parallel_loop3A_1160, %add3A_18] : memref<192x256xf32, #tpu.memory_space<vmem>>[vector<16xi32>, vector<16xi32>], vector<16xf32>,
        %parallel_loop3A_1207 = tpu.vector_load_idx %arg17[%parallel_loop3A_1163, %add3A_18] : memref<192x256xf32, #tpu.memory_space<vmem>>[vector<16xi32>, vector<16xi32>], vector<16xf32>,
        %parallel_loop3A_1208 = arith.mulf %parallel_loop3A_1144, %parallel_loop3A_1205 : vector<16xf32>
        %parallel_loop3A_1209 = arith.mulf %parallel_loop3A_1149, %parallel_loop3A_1206 : vector<16xf32>
        %parallel_loop3A_1210 = arith.addf %parallel_loop3A_1208, %parallel_loop3A_1209 : vector<16xf32>
        %parallel_loop3A_1211 = arith.mulf %parallel_loop3A_1154, %parallel_loop3A_1207 : vector<16xf32>
        %parallel_loop3A_1212 = arith.addf %parallel_loop3A_1210, %parallel_loop3A_1211 : vector<16xf32>
        tpu.vector_store_idx %arg18[%broadcast_in_dim3A_71, %broadcast_in_dim3A_59, %add3A_54, %parallel_loop3A_1164], %parallel_loop3A_1212 : memref<2x8x32x40xf32, #tpu.memory_space<vmem>>[vector<16xi32>, vector<16xi32>, vector<16xi32>, vector<16xi32>], vector<16xf32>,
        %parallel_loop3A_1213 = tpu.vector_load_idx %arg17[%parallel_loop3A_1157, %add3A_21] : memref<192x256xf32, #tpu.memory_space<vmem>>[vector<16xi32>, vector<16xi32>], vector<16xf32>,
        %parallel_loop3A_1214 = tpu.vector_load_idx %arg17[%parallel_loop3A_1160, %add3A_21] : memref<192x256xf32, #tpu.memory_space<vmem>>[vector<16xi32>, vector<16xi32>], vector<16xf32>,
        %parallel_loop3A_1215 = tpu.vector_load_idx %arg17[%parallel_loop3A_1163, %add3A_21] : memref<192x256xf32, #tpu.memory_space<vmem>>[vector<16xi32>, vector<16xi32>], vector<16xf32>,
        %parallel_loop3A_1216 = arith.mulf %parallel_loop3A_1144, %parallel_loop3A_1213 : vector<16xf32>
        %parallel_loop3A_1217 = arith.mulf %parallel_loop3A_1149, %parallel_loop3A_1214 : vector<16xf32>
        %parallel_loop3A_1218 = arith.addf %parallel_loop3A_1216, %parallel_loop3A_1217 : vector<16xf32>
        %parallel_loop3A_1219 = arith.mulf %parallel_loop3A_1154, %parallel_loop3A_1215 : vector<16xf32>
        %parallel_loop3A_1220 = arith.addf %parallel_loop3A_1218, %parallel_loop3A_1219 : vector<16xf32>
        tpu.vector_store_idx %arg18[%broadcast_in_dim3A_71, %broadcast_in_dim3A_61, %add3A_51, %parallel_loop3A_1164], %parallel_loop3A_1220 : memref<2x8x32x40xf32, #tpu.memory_space<vmem>>[vector<16xi32>, vector<16xi32>, vector<16xi32>, vector<16xi32>], vector<16xf32>,
        %parallel_loop3A_1221 = tpu.vector_load_idx %arg17[%parallel_loop3A_1157, %add3A_24] : memref<192x256xf32, #tpu.memory_space<vmem>>[vector<16xi32>, vector<16xi32>], vector<16xf32>,
        %parallel_loop3A_1222 = tpu.vector_load_idx %arg17[%parallel_loop3A_1160, %add3A_24] : memref<192x256xf32, #tpu.memory_space<vmem>>[vector<16xi32>, vector<16xi32>], vector<16xf32>,
        %parallel_loop3A_1223 = tpu.vector_load_idx %arg17[%parallel_loop3A_1163, %add3A_24] : memref<192x256xf32, #tpu.memory_space<vmem>>[vector<16xi32>, vector<16xi32>], vector<16xf32>,
        %parallel_loop3A_1224 = arith.mulf %parallel_loop3A_1144, %parallel_loop3A_1221 : vector<16xf32>
        %parallel_loop3A_1225 = arith.mulf %parallel_loop3A_1149, %parallel_loop3A_1222 : vector<16xf32>
        %parallel_loop3A_1226 = arith.addf %parallel_loop3A_1224, %parallel_loop3A_1225 : vector<16xf32>
        %parallel_loop3A_1227 = arith.mulf %parallel_loop3A_1154, %parallel_loop3A_1223 : vector<16xf32>
        %parallel_loop3A_1228 = arith.addf %parallel_loop3A_1226, %parallel_loop3A_1227 : vector<16xf32>
        tpu.vector_store_idx %arg18[%broadcast_in_dim3A_71, %broadcast_in_dim3A_61, %add3A_54, %parallel_loop3A_1164], %parallel_loop3A_1228 : memref<2x8x32x40xf32, #tpu.memory_space<vmem>>[vector<16xi32>, vector<16xi32>, vector<16xi32>, vector<16xi32>], vector<16xf32>,
        %parallel_loop3A_1229 = tpu.vector_load_idx %arg17[%parallel_loop3A_1157, %add3A_27] : memref<192x256xf32, #tpu.memory_space<vmem>>[vector<16xi32>, vector<16xi32>], vector<16xf32>,
        %parallel_loop3A_1230 = tpu.vector_load_idx %arg17[%parallel_loop3A_1160, %add3A_27] : memref<192x256xf32, #tpu.memory_space<vmem>>[vector<16xi32>, vector<16xi32>], vector<16xf32>,
        %parallel_loop3A_1231 = tpu.vector_load_idx %arg17[%parallel_loop3A_1163, %add3A_27] : memref<192x256xf32, #tpu.memory_space<vmem>>[vector<16xi32>, vector<16xi32>], vector<16xf32>,
        %parallel_loop3A_1232 = arith.mulf %parallel_loop3A_1144, %parallel_loop3A_1229 : vector<16xf32>
        %parallel_loop3A_1233 = arith.mulf %parallel_loop3A_1149, %parallel_loop3A_1230 : vector<16xf32>
        %parallel_loop3A_1234 = arith.addf %parallel_loop3A_1232, %parallel_loop3A_1233 : vector<16xf32>
        %parallel_loop3A_1235 = arith.mulf %parallel_loop3A_1154, %parallel_loop3A_1231 : vector<16xf32>
        %parallel_loop3A_1236 = arith.addf %parallel_loop3A_1234, %parallel_loop3A_1235 : vector<16xf32>
        tpu.vector_store_idx %arg18[%broadcast_in_dim3A_71, %broadcast_in_dim3A_63, %add3A_51, %parallel_loop3A_1164], %parallel_loop3A_1236 : memref<2x8x32x40xf32, #tpu.memory_space<vmem>>[vector<16xi32>, vector<16xi32>, vector<16xi32>, vector<16xi32>], vector<16xf32>,
        %parallel_loop3A_1237 = tpu.vector_load_idx %arg17[%parallel_loop3A_1157, %add3A_30] : memref<192x256xf32, #tpu.memory_space<vmem>>[vector<16xi32>, vector<16xi32>], vector<16xf32>,
        %parallel_loop3A_1238 = tpu.vector_load_idx %arg17[%parallel_loop3A_1160, %add3A_30] : memref<192x256xf32, #tpu.memory_space<vmem>>[vector<16xi32>, vector<16xi32>], vector<16xf32>,
        %parallel_loop3A_1239 = tpu.vector_load_idx %arg17[%parallel_loop3A_1163, %add3A_30] : memref<192x256xf32, #tpu.memory_space<vmem>>[vector<16xi32>, vector<16xi32>], vector<16xf32>,
        %parallel_loop3A_1240 = arith.mulf %parallel_loop3A_1144, %parallel_loop3A_1237 : vector<16xf32>
        %parallel_loop3A_1241 = arith.mulf %parallel_loop3A_1149, %parallel_loop3A_1238 : vector<16xf32>
        %parallel_loop3A_1242 = arith.addf %parallel_loop3A_1240, %parallel_loop3A_1241 : vector<16xf32>
        %parallel_loop3A_1243 = arith.mulf %parallel_loop3A_1154, %parallel_loop3A_1239 : vector<16xf32>
        %parallel_loop3A_1244 = arith.addf %parallel_loop3A_1242, %parallel_loop3A_1243 : vector<16xf32>
        tpu.vector_store_idx %arg18[%broadcast_in_dim3A_71, %broadcast_in_dim3A_63, %add3A_54, %parallel_loop3A_1164], %parallel_loop3A_1244 : memref<2x8x32x40xf32, #tpu.memory_space<vmem>>[vector<16xi32>, vector<16xi32>, vector<16xi32>, vector<16xi32>], vector<16xf32>,
        %parallel_loop3A_1245 = tpu.vector_load_idx %arg17[%parallel_loop3A_1157, %add3A_33] : memref<192x256xf32, #tpu.memory_space<vmem>>[vector<16xi32>, vector<16xi32>], vector<16xf32>,
        %parallel_loop3A_1246 = tpu.vector_load_idx %arg17[%parallel_loop3A_1160, %add3A_33] : memref<192x256xf32, #tpu.memory_space<vmem>>[vector<16xi32>, vector<16xi32>], vector<16xf32>,
        %parallel_loop3A_1247 = tpu.vector_load_idx %arg17[%parallel_loop3A_1163, %add3A_33] : memref<192x256xf32, #tpu.memory_space<vmem>>[vector<16xi32>, vector<16xi32>], vector<16xf32>,
        %parallel_loop3A_1248 = arith.mulf %parallel_loop3A_1144, %parallel_loop3A_1245 : vector<16xf32>
        %parallel_loop3A_1249 = arith.mulf %parallel_loop3A_1149, %parallel_loop3A_1246 : vector<16xf32>
        %parallel_loop3A_1250 = arith.addf %parallel_loop3A_1248, %parallel_loop3A_1249 : vector<16xf32>
        %parallel_loop3A_1251 = arith.mulf %parallel_loop3A_1154, %parallel_loop3A_1247 : vector<16xf32>
        %parallel_loop3A_1252 = arith.addf %parallel_loop3A_1250, %parallel_loop3A_1251 : vector<16xf32>
        tpu.vector_store_idx %arg18[%broadcast_in_dim3A_71, %broadcast_in_dim3A_65, %add3A_51, %parallel_loop3A_1164], %parallel_loop3A_1252 : memref<2x8x32x40xf32, #tpu.memory_space<vmem>>[vector<16xi32>, vector<16xi32>, vector<16xi32>, vector<16xi32>], vector<16xf32>,
        %parallel_loop3A_1253 = tpu.vector_load_idx %arg17[%parallel_loop3A_1157, %add3A_36] : memref<192x256xf32, #tpu.memory_space<vmem>>[vector<16xi32>, vector<16xi32>], vector<16xf32>,
        %parallel_loop3A_1254 = tpu.vector_load_idx %arg17[%parallel_loop3A_1160, %add3A_36] : memref<192x256xf32, #tpu.memory_space<vmem>>[vector<16xi32>, vector<16xi32>], vector<16xf32>,
        %parallel_loop3A_1255 = tpu.vector_load_idx %arg17[%parallel_loop3A_1163, %add3A_36] : memref<192x256xf32, #tpu.memory_space<vmem>>[vector<16xi32>, vector<16xi32>], vector<16xf32>,
        %parallel_loop3A_1256 = arith.mulf %parallel_loop3A_1144, %parallel_loop3A_1253 : vector<16xf32>
        %parallel_loop3A_1257 = arith.mulf %parallel_loop3A_1149, %parallel_loop3A_1254 : vector<16xf32>
        %parallel_loop3A_1258 = arith.addf %parallel_loop3A_1256, %parallel_loop3A_1257 : vector<16xf32>
        %parallel_loop3A_1259 = arith.mulf %parallel_loop3A_1154, %parallel_loop3A_1255 : vector<16xf32>
        %parallel_loop3A_1260 = arith.addf %parallel_loop3A_1258, %parallel_loop3A_1259 : vector<16xf32>
        tpu.vector_store_idx %arg18[%broadcast_in_dim3A_71, %broadcast_in_dim3A_65, %add3A_54, %parallel_loop3A_1164], %parallel_loop3A_1260 : memref<2x8x32x40xf32, #tpu.memory_space<vmem>>[vector<16xi32>, vector<16xi32>, vector<16xi32>, vector<16xi32>], vector<16xf32>,
        %parallel_loop3A_1261 = tpu.vector_load_idx %arg17[%parallel_loop3A_1157, %add3A_39] : memref<192x256xf32, #tpu.memory_space<vmem>>[vector<16xi32>, vector<16xi32>], vector<16xf32>,
        %parallel_loop3A_1262 = tpu.vector_load_idx %arg17[%parallel_loop3A_1160, %add3A_39] : memref<192x256xf32, #tpu.memory_space<vmem>>[vector<16xi32>, vector<16xi32>], vector<16xf32>,
        %parallel_loop3A_1263 = tpu.vector_load_idx %arg17[%parallel_loop3A_1163, %add3A_39] : memref<192x256xf32, #tpu.memory_space<vmem>>[vector<16xi32>, vector<16xi32>], vector<16xf32>,
        %parallel_loop3A_1264 = arith.mulf %parallel_loop3A_1144, %parallel_loop3A_1261 : vector<16xf32>
        %parallel_loop3A_1265 = arith.mulf %parallel_loop3A_1149, %parallel_loop3A_1262 : vector<16xf32>
        %parallel_loop3A_1266 = arith.addf %parallel_loop3A_1264, %parallel_loop3A_1265 : vector<16xf32>
        %parallel_loop3A_1267 = arith.mulf %parallel_loop3A_1154, %parallel_loop3A_1263 : vector<16xf32>
        %parallel_loop3A_1268 = arith.addf %parallel_loop3A_1266, %parallel_loop3A_1267 : vector<16xf32>
        tpu.vector_store_idx %arg18[%broadcast_in_dim3A_71, %broadcast_in_dim3A_67, %add3A_51, %parallel_loop3A_1164], %parallel_loop3A_1268 : memref<2x8x32x40xf32, #tpu.memory_space<vmem>>[vector<16xi32>, vector<16xi32>, vector<16xi32>, vector<16xi32>], vector<16xf32>,
        %parallel_loop3A_1269 = tpu.vector_load_idx %arg17[%parallel_loop3A_1157, %add3A_42] : memref<192x256xf32, #tpu.memory_space<vmem>>[vector<16xi32>, vector<16xi32>], vector<16xf32>,
        %parallel_loop3A_1270 = tpu.vector_load_idx %arg17[%parallel_loop3A_1160, %add3A_42] : memref<192x256xf32, #tpu.memory_space<vmem>>[vector<16xi32>, vector<16xi32>], vector<16xf32>,
        %parallel_loop3A_1271 = tpu.vector_load_idx %arg17[%parallel_loop3A_1163, %add3A_42] : memref<192x256xf32, #tpu.memory_space<vmem>>[vector<16xi32>, vector<16xi32>], vector<16xf32>,
        %parallel_loop3A_1272 = arith.mulf %parallel_loop3A_1144, %parallel_loop3A_1269 : vector<16xf32>
        %parallel_loop3A_1273 = arith.mulf %parallel_loop3A_1149, %parallel_loop3A_1270 : vector<16xf32>
        %parallel_loop3A_1274 = arith.addf %parallel_loop3A_1272, %parallel_loop3A_1273 : vector<16xf32>
        %parallel_loop3A_1275 = arith.mulf %parallel_loop3A_1154, %parallel_loop3A_1271 : vector<16xf32>
        %parallel_loop3A_1276 = arith.addf %parallel_loop3A_1274, %parallel_loop3A_1275 : vector<16xf32>
        tpu.vector_store_idx %arg18[%broadcast_in_dim3A_71, %broadcast_in_dim3A_67, %add3A_54, %parallel_loop3A_1164], %parallel_loop3A_1276 : memref<2x8x32x40xf32, #tpu.memory_space<vmem>>[vector<16xi32>, vector<16xi32>, vector<16xi32>, vector<16xi32>], vector<16xf32>,
        %parallel_loop3A_1277 = tpu.vector_load_idx %arg17[%parallel_loop3A_1157, %add3A_45] : memref<192x256xf32, #tpu.memory_space<vmem>>[vector<16xi32>, vector<16xi32>], vector<16xf32>,
        %parallel_loop3A_1278 = tpu.vector_load_idx %arg17[%parallel_loop3A_1160, %add3A_45] : memref<192x256xf32, #tpu.memory_space<vmem>>[vector<16xi32>, vector<16xi32>], vector<16xf32>,
        %parallel_loop3A_1279 = tpu.vector_load_idx %arg17[%parallel_loop3A_1163, %add3A_45] : memref<192x256xf32, #tpu.memory_space<vmem>>[vector<16xi32>, vector<16xi32>], vector<16xf32>,
        %parallel_loop3A_1280 = arith.mulf %parallel_loop3A_1144, %parallel_loop3A_1277 : vector<16xf32>
        %parallel_loop3A_1281 = arith.mulf %parallel_loop3A_1149, %parallel_loop3A_1278 : vector<16xf32>
        %parallel_loop3A_1282 = arith.addf %parallel_loop3A_1280, %parallel_loop3A_1281 : vector<16xf32>
        %parallel_loop3A_1283 = arith.mulf %parallel_loop3A_1154, %parallel_loop3A_1279 : vector<16xf32>
        %parallel_loop3A_1284 = arith.addf %parallel_loop3A_1282, %parallel_loop3A_1283 : vector<16xf32>
        tpu.vector_store_idx %arg18[%broadcast_in_dim3A_71, %broadcast_in_dim3A_69, %add3A_51, %parallel_loop3A_1164], %parallel_loop3A_1284 : memref<2x8x32x40xf32, #tpu.memory_space<vmem>>[vector<16xi32>, vector<16xi32>, vector<16xi32>, vector<16xi32>], vector<16xf32>,
        %parallel_loop3A_1285 = tpu.vector_load_idx %arg17[%parallel_loop3A_1157, %add3A_48] : memref<192x256xf32, #tpu.memory_space<vmem>>[vector<16xi32>, vector<16xi32>], vector<16xf32>,
        %parallel_loop3A_1286 = tpu.vector_load_idx %arg17[%parallel_loop3A_1160, %add3A_48] : memref<192x256xf32, #tpu.memory_space<vmem>>[vector<16xi32>, vector<16xi32>], vector<16xf32>,
        %parallel_loop3A_1287 = tpu.vector_load_idx %arg17[%parallel_loop3A_1163, %add3A_48] : memref<192x256xf32, #tpu.memory_space<vmem>>[vector<16xi32>, vector<16xi32>], vector<16xf32>,
        %parallel_loop3A_1288 = arith.mulf %parallel_loop3A_1144, %parallel_loop3A_1285 : vector<16xf32>
        %parallel_loop3A_1289 = arith.mulf %parallel_loop3A_1149, %parallel_loop3A_1286 : vector<16xf32>
        %parallel_loop3A_1290 = arith.addf %parallel_loop3A_1288, %parallel_loop3A_1289 : vector<16xf32>
        %parallel_loop3A_1291 = arith.mulf %parallel_loop3A_1154, %parallel_loop3A_1287 : vector<16xf32>
        %parallel_loop3A_1292 = arith.addf %parallel_loop3A_1290, %parallel_loop3A_1291 : vector<16xf32>
        tpu.vector_store_idx %arg18[%broadcast_in_dim3A_71, %broadcast_in_dim3A_69, %add3A_54, %parallel_loop3A_1164], %parallel_loop3A_1292 : memref<2x8x32x40xf32, #tpu.memory_space<vmem>>[vector<16xi32>, vector<16xi32>, vector<16xi32>, vector<16xi32>], vector<16xf32>,
      } {sc.loop_unroll_factor = 2 : i64, sc.parallel_access}
      %mul3A_742 = arith.constant 8 : i32
      %mul3A_743 = arith.muli %add3A, %mul3A_742 : i32
      %jit3A = arith.constant 8 : i32
      %div3A = arith.divsi %add3A_603, %jit3A : i32
      %sign3A = arith.constant 0 : i32
      %sign3A_744 = arith.cmpi sgt, %add3A_603, %sign3A : i32
      %sign3A_745 = arith.extui %sign3A_744 : i1 to i32
      %sign3A_746 = arith.constant 0 : i32
      %sign3A_747 = arith.cmpi slt, %add3A_603, %sign3A_746 : i32
      %sign3A_748 = arith.extui %sign3A_747 : i1 to i32
      %sign3A_749 = arith.subi %sign3A_745, %sign3A_748 : i32
      %sign3A_750 = arith.constant 0 : i32
      %sign3A_751 = arith.cmpi sgt, %jit3A, %sign3A_750 : i32
      %sign3A_752 = arith.extui %sign3A_751 : i1 to i32
      %sign3A_753 = arith.constant 0 : i32
      %sign3A_754 = arith.cmpi slt, %jit3A, %sign3A_753 : i32
      %sign3A_755 = arith.extui %sign3A_754 : i1 to i32
      %sign3A_756 = arith.subi %sign3A_752, %sign3A_755 : i32
      %ne3A = arith.cmpi ne, %sign3A_749, %sign3A_756 : i32
      %rem3A = arith.remsi %add3A_603, %jit3A : i32
      %ne3A_757 = arith.constant 0 : i32
      %ne3A_758 = arith.cmpi ne, %rem3A, %ne3A_757 : i32
      %and3A = arith.andi %ne3A, %ne3A_758 : i1
      %sub3A = arith.constant 1 : i32
      %sub3A_759 = arith.subi %div3A, %sub3A : i32
      %select_n3A = arith.select %and3A, %sub3A_759, %div3A : i32
      %add3A_760 = arith.addi %mul3A_743, %select_n3A : i32
      %jit3A_761 = arith.constant 8 : i32
      %eq3A = arith.constant 0 : i32
      %eq3A_762 = arith.cmpi eq, %jit3A_761, %eq3A : i32
      %jit3A_763 = arith.constant 1 : i32
      %select_n3A_764 = arith.select %eq3A_762, %jit3A_763, %jit3A_761 : i32
      %rem3A_765 = arith.remsi %add3A_603, %select_n3A_764 : i32
      %ne3A_766 = arith.constant 0 : i32
      %ne3A_767 = arith.cmpi ne, %rem3A_765, %ne3A_766 : i32
      %lt3A = arith.constant 0 : i32
      %lt3A_768 = arith.cmpi slt, %rem3A_765, %lt3A : i32
      %lt3A_769 = arith.constant 0 : i32
      %lt3A_770 = arith.cmpi slt, %select_n3A_764, %lt3A_769 : i32
      %ne3A_771 = arith.xori %lt3A_768, %lt3A_770 : i1
      %and3A_772 = arith.andi %ne3A_771, %ne3A_767 : i1
      %add3A_773 = arith.addi %rem3A_765, %select_n3A_764 : i32
      %select_n3A_774 = arith.select %and3A_772, %add3A_773, %rem3A_765 : i32
      %mul3A_775 = arith.constant 32 : i32
      %mul3A_776 = arith.muli %select_n3A_774, %mul3A_775 : i32
      %dma_start3A_777 = arith.constant 0 : i32
      %dma_start3A_778 = arith.constant 0 : i32
      %dma_start3A_779 = arith.constant 0 : i32
      %dma_start3A_780 = arith.constant 0 : i32
      %dma_start3A_781 = arith.constant 0 : i32
      %dma_start3A_782 = tpu.memref_slice %arg18[%dma_start3A_777, %dma_start3A_778, %dma_start3A_780, %dma_start3A_781] : memref<2x8x32x40xf32, #tpu.memory_space<vmem>> -> memref<1x1x32x32xf32, #tpu.memory_space<vmem>>
      %dma_start3A_783 = tpu.memref_squeeze %dma_start3A_782 : memref<1x1x32x32xf32, #tpu.memory_space<vmem>> -> memref<32x32xf32, #tpu.memory_space<vmem>>
      %dma_start3A_784 = arith.constant 0 : i32
      %dma_start3A_785 = tpu.memref_slice %arg11[%dma_start3A_779, %add3A_760, %dma_start3A_784, %mul3A_776] : memref<8x256x32x256xf32, #tpu.memory_space<hbm>> -> memref<1x1x32x32xf32, #tpu.memory_space<hbm>>
      %dma_start3A_786 = tpu.memref_squeeze %dma_start3A_785 : memref<1x1x32x32xf32, #tpu.memory_space<hbm>> -> memref<32x32xf32, #tpu.memory_space<hbm>>
      %dma_start3A_787 = arith.constant 0 : i32
      %dma_start3A_788 = tpu.memref_slice %arg11[%dma_start3A_779, %add3A_760, %dma_start3A_787, %mul3A_776] : memref<8x256x32x256xf32, #tpu.memory_space<hbm>> -> memref<1x1x32x32xf32, #tpu.memory_space<hbm>>
      %dma_start3A_789 = tpu.memref_squeeze %dma_start3A_788 : memref<1x1x32x32xf32, #tpu.memory_space<hbm>> -> memref<32x32xf32, #tpu.memory_space<hbm>>
      %dma_start3A_790 = arith.constant 0 : i32
      %dma_start3A_791 = arith.constant 0 : i32
      %dma_start3A_792 = tpu.memref_slice %arg18[%dma_start3A_777, %dma_start3A_778, %dma_start3A_790, %dma_start3A_791] : memref<2x8x32x40xf32, #tpu.memory_space<vmem>> -> memref<1x1x32x32xf32, #tpu.memory_space<vmem>>
      %dma_start3A_793 = tpu.memref_squeeze %dma_start3A_792 : memref<1x1x32x32xf32, #tpu.memory_space<vmem>> -> memref<32x32xf32, #tpu.memory_space<vmem>>
      tpu.enqueue_dma source(%dma_start3A_793 : memref<32x32xf32, #tpu.memory_space<vmem>>) target(%dma_start3A_789 : memref<32x32xf32, #tpu.memory_space<hbm>>) target_semaphore(%arg22 : memref<!tpu.dma_semaphore, #tpu.memory_space<semaphore_mem>>)
      %dma_start3A_794 = arith.constant 0 : i32
      %dma_start3A_795 = arith.constant 1 : i32
      %dma_start3A_796 = arith.constant 1 : i32
      %dma_start3A_797 = arith.constant 0 : i32
      %dma_start3A_798 = arith.constant 0 : i32
      %dma_start3A_799 = tpu.memref_slice %arg18[%dma_start3A_794, %dma_start3A_795, %dma_start3A_797, %dma_start3A_798] : memref<2x8x32x40xf32, #tpu.memory_space<vmem>> -> memref<1x1x32x32xf32, #tpu.memory_space<vmem>>
      %dma_start3A_800 = tpu.memref_squeeze %dma_start3A_799 : memref<1x1x32x32xf32, #tpu.memory_space<vmem>> -> memref<32x32xf32, #tpu.memory_space<vmem>>
      %dma_start3A_801 = arith.constant 0 : i32
      %dma_start3A_802 = tpu.memref_slice %arg11[%dma_start3A_796, %add3A_760, %dma_start3A_801, %mul3A_776] : memref<8x256x32x256xf32, #tpu.memory_space<hbm>> -> memref<1x1x32x32xf32, #tpu.memory_space<hbm>>
      %dma_start3A_803 = tpu.memref_squeeze %dma_start3A_802 : memref<1x1x32x32xf32, #tpu.memory_space<hbm>> -> memref<32x32xf32, #tpu.memory_space<hbm>>
      %dma_start3A_804 = arith.constant 0 : i32
      %dma_start3A_805 = tpu.memref_slice %arg11[%dma_start3A_796, %add3A_760, %dma_start3A_804, %mul3A_776] : memref<8x256x32x256xf32, #tpu.memory_space<hbm>> -> memref<1x1x32x32xf32, #tpu.memory_space<hbm>>
      %dma_start3A_806 = tpu.memref_squeeze %dma_start3A_805 : memref<1x1x32x32xf32, #tpu.memory_space<hbm>> -> memref<32x32xf32, #tpu.memory_space<hbm>>
      %dma_start3A_807 = arith.constant 0 : i32
      %dma_start3A_808 = arith.constant 0 : i32
      %dma_start3A_809 = tpu.memref_slice %arg18[%dma_start3A_794, %dma_start3A_795, %dma_start3A_807, %dma_start3A_808] : memref<2x8x32x40xf32, #tpu.memory_space<vmem>> -> memref<1x1x32x32xf32, #tpu.memory_space<vmem>>
      %dma_start3A_810 = tpu.memref_squeeze %dma_start3A_809 : memref<1x1x32x32xf32, #tpu.memory_space<vmem>> -> memref<32x32xf32, #tpu.memory_space<vmem>>
      tpu.enqueue_dma source(%dma_start3A_810 : memref<32x32xf32, #tpu.memory_space<vmem>>) target(%dma_start3A_806 : memref<32x32xf32, #tpu.memory_space<hbm>>) target_semaphore(%arg22 : memref<!tpu.dma_semaphore, #tpu.memory_space<semaphore_mem>>)
      %dma_start3A_811 = arith.constant 0 : i32
      %dma_start3A_812 = arith.constant 2 : i32
      %dma_start3A_813 = arith.constant 2 : i32
      %dma_start3A_814 = arith.constant 0 : i32
      %dma_start3A_815 = arith.constant 0 : i32
      %dma_start3A_816 = tpu.memref_slice %arg18[%dma_start3A_811, %dma_start3A_812, %dma_start3A_814, %dma_start3A_815] : memref<2x8x32x40xf32, #tpu.memory_space<vmem>> -> memref<1x1x32x32xf32, #tpu.memory_space<vmem>>
      %dma_start3A_817 = tpu.memref_squeeze %dma_start3A_816 : memref<1x1x32x32xf32, #tpu.memory_space<vmem>> -> memref<32x32xf32, #tpu.memory_space<vmem>>
      %dma_start3A_818 = arith.constant 0 : i32
      %dma_start3A_819 = tpu.memref_slice %arg11[%dma_start3A_813, %add3A_760, %dma_start3A_818, %mul3A_776] : memref<8x256x32x256xf32, #tpu.memory_space<hbm>> -> memref<1x1x32x32xf32, #tpu.memory_space<hbm>>
      %dma_start3A_820 = tpu.memref_squeeze %dma_start3A_819 : memref<1x1x32x32xf32, #tpu.memory_space<hbm>> -> memref<32x32xf32, #tpu.memory_space<hbm>>
      %dma_start3A_821 = arith.constant 0 : i32
      %dma_start3A_822 = tpu.memref_slice %arg11[%dma_start3A_813, %add3A_760, %dma_start3A_821, %mul3A_776] : memref<8x256x32x256xf32, #tpu.memory_space<hbm>> -> memref<1x1x32x32xf32, #tpu.memory_space<hbm>>
      %dma_start3A_823 = tpu.memref_squeeze %dma_start3A_822 : memref<1x1x32x32xf32, #tpu.memory_space<hbm>> -> memref<32x32xf32, #tpu.memory_space<hbm>>
      %dma_start3A_824 = arith.constant 0 : i32
      %dma_start3A_825 = arith.constant 0 : i32
      %dma_start3A_826 = tpu.memref_slice %arg18[%dma_start3A_811, %dma_start3A_812, %dma_start3A_824, %dma_start3A_825] : memref<2x8x32x40xf32, #tpu.memory_space<vmem>> -> memref<1x1x32x32xf32, #tpu.memory_space<vmem>>
      %dma_start3A_827 = tpu.memref_squeeze %dma_start3A_826 : memref<1x1x32x32xf32, #tpu.memory_space<vmem>> -> memref<32x32xf32, #tpu.memory_space<vmem>>
      tpu.enqueue_dma source(%dma_start3A_827 : memref<32x32xf32, #tpu.memory_space<vmem>>) target(%dma_start3A_823 : memref<32x32xf32, #tpu.memory_space<hbm>>) target_semaphore(%arg22 : memref<!tpu.dma_semaphore, #tpu.memory_space<semaphore_mem>>)
      %dma_start3A_828 = arith.constant 0 : i32
      %dma_start3A_829 = arith.constant 3 : i32
      %dma_start3A_830 = arith.constant 3 : i32
      %dma_start3A_831 = arith.constant 0 : i32
      %dma_start3A_832 = arith.constant 0 : i32
      %dma_start3A_833 = tpu.memref_slice %arg18[%dma_start3A_828, %dma_start3A_829, %dma_start3A_831, %dma_start3A_832] : memref<2x8x32x40xf32, #tpu.memory_space<vmem>> -> memref<1x1x32x32xf32, #tpu.memory_space<vmem>>
      %dma_start3A_834 = tpu.memref_squeeze %dma_start3A_833 : memref<1x1x32x32xf32, #tpu.memory_space<vmem>> -> memref<32x32xf32, #tpu.memory_space<vmem>>
      %dma_start3A_835 = arith.constant 0 : i32
      %dma_start3A_836 = tpu.memref_slice %arg11[%dma_start3A_830, %add3A_760, %dma_start3A_835, %mul3A_776] : memref<8x256x32x256xf32, #tpu.memory_space<hbm>> -> memref<1x1x32x32xf32, #tpu.memory_space<hbm>>
      %dma_start3A_837 = tpu.memref_squeeze %dma_start3A_836 : memref<1x1x32x32xf32, #tpu.memory_space<hbm>> -> memref<32x32xf32, #tpu.memory_space<hbm>>
      %dma_start3A_838 = arith.constant 0 : i32
      %dma_start3A_839 = tpu.memref_slice %arg11[%dma_start3A_830, %add3A_760, %dma_start3A_838, %mul3A_776] : memref<8x256x32x256xf32, #tpu.memory_space<hbm>> -> memref<1x1x32x32xf32, #tpu.memory_space<hbm>>
      %dma_start3A_840 = tpu.memref_squeeze %dma_start3A_839 : memref<1x1x32x32xf32, #tpu.memory_space<hbm>> -> memref<32x32xf32, #tpu.memory_space<hbm>>
      %dma_start3A_841 = arith.constant 0 : i32
      %dma_start3A_842 = arith.constant 0 : i32
      %dma_start3A_843 = tpu.memref_slice %arg18[%dma_start3A_828, %dma_start3A_829, %dma_start3A_841, %dma_start3A_842] : memref<2x8x32x40xf32, #tpu.memory_space<vmem>> -> memref<1x1x32x32xf32, #tpu.memory_space<vmem>>
      %dma_start3A_844 = tpu.memref_squeeze %dma_start3A_843 : memref<1x1x32x32xf32, #tpu.memory_space<vmem>> -> memref<32x32xf32, #tpu.memory_space<vmem>>
      tpu.enqueue_dma source(%dma_start3A_844 : memref<32x32xf32, #tpu.memory_space<vmem>>) target(%dma_start3A_840 : memref<32x32xf32, #tpu.memory_space<hbm>>) target_semaphore(%arg22 : memref<!tpu.dma_semaphore, #tpu.memory_space<semaphore_mem>>)
      %dma_start3A_845 = arith.constant 0 : i32
      %dma_start3A_846 = arith.constant 4 : i32
      %dma_start3A_847 = arith.constant 4 : i32
      %dma_start3A_848 = arith.constant 0 : i32
      %dma_start3A_849 = arith.constant 0 : i32
      %dma_start3A_850 = tpu.memref_slice %arg18[%dma_start3A_845, %dma_start3A_846, %dma_start3A_848, %dma_start3A_849] : memref<2x8x32x40xf32, #tpu.memory_space<vmem>> -> memref<1x1x32x32xf32, #tpu.memory_space<vmem>>
      %dma_start3A_851 = tpu.memref_squeeze %dma_start3A_850 : memref<1x1x32x32xf32, #tpu.memory_space<vmem>> -> memref<32x32xf32, #tpu.memory_space<vmem>>
      %dma_start3A_852 = arith.constant 0 : i32
      %dma_start3A_853 = tpu.memref_slice %arg11[%dma_start3A_847, %add3A_760, %dma_start3A_852, %mul3A_776] : memref<8x256x32x256xf32, #tpu.memory_space<hbm>> -> memref<1x1x32x32xf32, #tpu.memory_space<hbm>>
      %dma_start3A_854 = tpu.memref_squeeze %dma_start3A_853 : memref<1x1x32x32xf32, #tpu.memory_space<hbm>> -> memref<32x32xf32, #tpu.memory_space<hbm>>
      %dma_start3A_855 = arith.constant 0 : i32
      %dma_start3A_856 = tpu.memref_slice %arg11[%dma_start3A_847, %add3A_760, %dma_start3A_855, %mul3A_776] : memref<8x256x32x256xf32, #tpu.memory_space<hbm>> -> memref<1x1x32x32xf32, #tpu.memory_space<hbm>>
      %dma_start3A_857 = tpu.memref_squeeze %dma_start3A_856 : memref<1x1x32x32xf32, #tpu.memory_space<hbm>> -> memref<32x32xf32, #tpu.memory_space<hbm>>
      %dma_start3A_858 = arith.constant 0 : i32
      %dma_start3A_859 = arith.constant 0 : i32
      %dma_start3A_860 = tpu.memref_slice %arg18[%dma_start3A_845, %dma_start3A_846, %dma_start3A_858, %dma_start3A_859] : memref<2x8x32x40xf32, #tpu.memory_space<vmem>> -> memref<1x1x32x32xf32, #tpu.memory_space<vmem>>
      %dma_start3A_861 = tpu.memref_squeeze %dma_start3A_860 : memref<1x1x32x32xf32, #tpu.memory_space<vmem>> -> memref<32x32xf32, #tpu.memory_space<vmem>>
      tpu.enqueue_dma source(%dma_start3A_861 : memref<32x32xf32, #tpu.memory_space<vmem>>) target(%dma_start3A_857 : memref<32x32xf32, #tpu.memory_space<hbm>>) target_semaphore(%arg22 : memref<!tpu.dma_semaphore, #tpu.memory_space<semaphore_mem>>)
      %dma_start3A_862 = arith.constant 0 : i32
      %dma_start3A_863 = arith.constant 5 : i32
      %dma_start3A_864 = arith.constant 5 : i32
      %dma_start3A_865 = arith.constant 0 : i32
      %dma_start3A_866 = arith.constant 0 : i32
      %dma_start3A_867 = tpu.memref_slice %arg18[%dma_start3A_862, %dma_start3A_863, %dma_start3A_865, %dma_start3A_866] : memref<2x8x32x40xf32, #tpu.memory_space<vmem>> -> memref<1x1x32x32xf32, #tpu.memory_space<vmem>>
      %dma_start3A_868 = tpu.memref_squeeze %dma_start3A_867 : memref<1x1x32x32xf32, #tpu.memory_space<vmem>> -> memref<32x32xf32, #tpu.memory_space<vmem>>
      %dma_start3A_869 = arith.constant 0 : i32
      %dma_start3A_870 = tpu.memref_slice %arg11[%dma_start3A_864, %add3A_760, %dma_start3A_869, %mul3A_776] : memref<8x256x32x256xf32, #tpu.memory_space<hbm>> -> memref<1x1x32x32xf32, #tpu.memory_space<hbm>>
      %dma_start3A_871 = tpu.memref_squeeze %dma_start3A_870 : memref<1x1x32x32xf32, #tpu.memory_space<hbm>> -> memref<32x32xf32, #tpu.memory_space<hbm>>
      %dma_start3A_872 = arith.constant 0 : i32
      %dma_start3A_873 = tpu.memref_slice %arg11[%dma_start3A_864, %add3A_760, %dma_start3A_872, %mul3A_776] : memref<8x256x32x256xf32, #tpu.memory_space<hbm>> -> memref<1x1x32x32xf32, #tpu.memory_space<hbm>>
      %dma_start3A_874 = tpu.memref_squeeze %dma_start3A_873 : memref<1x1x32x32xf32, #tpu.memory_space<hbm>> -> memref<32x32xf32, #tpu.memory_space<hbm>>
      %dma_start3A_875 = arith.constant 0 : i32
      %dma_start3A_876 = arith.constant 0 : i32
      %dma_start3A_877 = tpu.memref_slice %arg18[%dma_start3A_862, %dma_start3A_863, %dma_start3A_875, %dma_start3A_876] : memref<2x8x32x40xf32, #tpu.memory_space<vmem>> -> memref<1x1x32x32xf32, #tpu.memory_space<vmem>>
      %dma_start3A_878 = tpu.memref_squeeze %dma_start3A_877 : memref<1x1x32x32xf32, #tpu.memory_space<vmem>> -> memref<32x32xf32, #tpu.memory_space<vmem>>
      tpu.enqueue_dma source(%dma_start3A_878 : memref<32x32xf32, #tpu.memory_space<vmem>>) target(%dma_start3A_874 : memref<32x32xf32, #tpu.memory_space<hbm>>) target_semaphore(%arg22 : memref<!tpu.dma_semaphore, #tpu.memory_space<semaphore_mem>>)
      %dma_start3A_879 = arith.constant 0 : i32
      %dma_start3A_880 = arith.constant 6 : i32
      %dma_start3A_881 = arith.constant 6 : i32
      %dma_start3A_882 = arith.constant 0 : i32
      %dma_start3A_883 = arith.constant 0 : i32
      %dma_start3A_884 = tpu.memref_slice %arg18[%dma_start3A_879, %dma_start3A_880, %dma_start3A_882, %dma_start3A_883] : memref<2x8x32x40xf32, #tpu.memory_space<vmem>> -> memref<1x1x32x32xf32, #tpu.memory_space<vmem>>
      %dma_start3A_885 = tpu.memref_squeeze %dma_start3A_884 : memref<1x1x32x32xf32, #tpu.memory_space<vmem>> -> memref<32x32xf32, #tpu.memory_space<vmem>>
      %dma_start3A_886 = arith.constant 0 : i32
      %dma_start3A_887 = tpu.memref_slice %arg11[%dma_start3A_881, %add3A_760, %dma_start3A_886, %mul3A_776] : memref<8x256x32x256xf32, #tpu.memory_space<hbm>> -> memref<1x1x32x32xf32, #tpu.memory_space<hbm>>
      %dma_start3A_888 = tpu.memref_squeeze %dma_start3A_887 : memref<1x1x32x32xf32, #tpu.memory_space<hbm>> -> memref<32x32xf32, #tpu.memory_space<hbm>>
      %dma_start3A_889 = arith.constant 0 : i32
      %dma_start3A_890 = tpu.memref_slice %arg11[%dma_start3A_881, %add3A_760, %dma_start3A_889, %mul3A_776] : memref<8x256x32x256xf32, #tpu.memory_space<hbm>> -> memref<1x1x32x32xf32, #tpu.memory_space<hbm>>
      %dma_start3A_891 = tpu.memref_squeeze %dma_start3A_890 : memref<1x1x32x32xf32, #tpu.memory_space<hbm>> -> memref<32x32xf32, #tpu.memory_space<hbm>>
      %dma_start3A_892 = arith.constant 0 : i32
      %dma_start3A_893 = arith.constant 0 : i32
      %dma_start3A_894 = tpu.memref_slice %arg18[%dma_start3A_879, %dma_start3A_880, %dma_start3A_892, %dma_start3A_893] : memref<2x8x32x40xf32, #tpu.memory_space<vmem>> -> memref<1x1x32x32xf32, #tpu.memory_space<vmem>>
      %dma_start3A_895 = tpu.memref_squeeze %dma_start3A_894 : memref<1x1x32x32xf32, #tpu.memory_space<vmem>> -> memref<32x32xf32, #tpu.memory_space<vmem>>
      tpu.enqueue_dma source(%dma_start3A_895 : memref<32x32xf32, #tpu.memory_space<vmem>>) target(%dma_start3A_891 : memref<32x32xf32, #tpu.memory_space<hbm>>) target_semaphore(%arg22 : memref<!tpu.dma_semaphore, #tpu.memory_space<semaphore_mem>>)
      %dma_start3A_896 = arith.constant 0 : i32
      %dma_start3A_897 = arith.constant 7 : i32
      %dma_start3A_898 = arith.constant 7 : i32
      %dma_start3A_899 = arith.constant 0 : i32
      %dma_start3A_900 = arith.constant 0 : i32
      %dma_start3A_901 = tpu.memref_slice %arg18[%dma_start3A_896, %dma_start3A_897, %dma_start3A_899, %dma_start3A_900] : memref<2x8x32x40xf32, #tpu.memory_space<vmem>> -> memref<1x1x32x32xf32, #tpu.memory_space<vmem>>
      %dma_start3A_902 = tpu.memref_squeeze %dma_start3A_901 : memref<1x1x32x32xf32, #tpu.memory_space<vmem>> -> memref<32x32xf32, #tpu.memory_space<vmem>>
      %dma_start3A_903 = arith.constant 0 : i32
      %dma_start3A_904 = tpu.memref_slice %arg11[%dma_start3A_898, %add3A_760, %dma_start3A_903, %mul3A_776] : memref<8x256x32x256xf32, #tpu.memory_space<hbm>> -> memref<1x1x32x32xf32, #tpu.memory_space<hbm>>
      %dma_start3A_905 = tpu.memref_squeeze %dma_start3A_904 : memref<1x1x32x32xf32, #tpu.memory_space<hbm>> -> memref<32x32xf32, #tpu.memory_space<hbm>>
      %dma_start3A_906 = arith.constant 0 : i32
      %dma_start3A_907 = tpu.memref_slice %arg11[%dma_start3A_898, %add3A_760, %dma_start3A_906, %mul3A_776] : memref<8x256x32x256xf32, #tpu.memory_space<hbm>> -> memref<1x1x32x32xf32, #tpu.memory_space<hbm>>
      %dma_start3A_908 = tpu.memref_squeeze %dma_start3A_907 : memref<1x1x32x32xf32, #tpu.memory_space<hbm>> -> memref<32x32xf32, #tpu.memory_space<hbm>>
      %dma_start3A_909 = arith.constant 0 : i32
      %dma_start3A_910 = arith.constant 0 : i32
      %dma_start3A_911 = tpu.memref_slice %arg18[%dma_start3A_896, %dma_start3A_897, %dma_start3A_909, %dma_start3A_910] : memref<2x8x32x40xf32, #tpu.memory_space<vmem>> -> memref<1x1x32x32xf32, #tpu.memory_space<vmem>>
      %dma_start3A_912 = tpu.memref_squeeze %dma_start3A_911 : memref<1x1x32x32xf32, #tpu.memory_space<vmem>> -> memref<32x32xf32, #tpu.memory_space<vmem>>
      tpu.enqueue_dma source(%dma_start3A_912 : memref<32x32xf32, #tpu.memory_space<vmem>>) target(%dma_start3A_908 : memref<32x32xf32, #tpu.memory_space<hbm>>) target_semaphore(%arg22 : memref<!tpu.dma_semaphore, #tpu.memory_space<semaphore_mem>>)
      %add3A_913 = arith.constant 2 : i32
      %add3A_914 = arith.addi %add3A_603, %add3A_913 : i32
      %lt3A_915 = arith.constant 64 : i32
      %lt3A_916 = arith.cmpi slt, %add3A_914, %lt3A_915 : i32
      %convert_element_type3A_917 = arith.extui %lt3A_916 : i1 to i32
      %cond3A_918 = arith.constant 0 : i32
      %cond3A_919 = arith.cmpi ne, %convert_element_type3A_917, %cond3A_918 : i32
      scf.if %cond3A_919 {
        %add3A_1133 = arith.constant 2 : i32
        %add3A_1134 = arith.addi %add3A_603, %add3A_1133 : i32
        %mul3A_1135 = arith.constant 32 : i32
        %mul3A_1136 = arith.muli %add3A_1134, %mul3A_1135 : i32
        %add3A_1137 = arith.constant 0 : i32
        %add3A_1138 = arith.addi %mul3A_1136, %add3A_1137 : i32
        %broadcast_in_dim3A_1139 = vector.broadcast %add3A_1138 : i32 to vector<16xi32>
        %add3A_1140 = arith.addi %broadcast_in_dim3A_1139, %iota3A : vector<16xi32>
        %gather3A_1141 = tpu.vector_load_idx %arg14[%add3A_1140] : memref<2048xi32, #tpu.memory_space<vmem>>[vector<16xi32>], vector<16xi32>,
        %max3A_1142 = arith.constant 0 : i32
        %max3A_1143 = vector.broadcast %max3A_1142 : i32 to vector<16xi32>
        %max3A_1144 = arith.maxsi %gather3A_1141, %max3A_1143 : vector<16xi32>
        %min3A_1145 = arith.constant 13775 : i32
        %min3A_1146 = vector.broadcast %min3A_1145 : i32 to vector<16xi32>
        %min3A_1147 = arith.minsi %max3A_1144, %min3A_1146 : vector<16xi32>
        %gather3A_1148 = arith.constant 0 : i32
        %gather3A_1149 = arith.constant 0 : i32
        %gather3A_1150 = tpu.memref_slice %arg13[%gather3A_1148, %gather3A_1149] : memref<3x13776xi32, #tpu.memory_space<vmem>> -> memref<1x13776xi32, #tpu.memory_space<vmem>>
        %gather3A_1151 = tpu.memref_squeeze %gather3A_1150 : memref<1x13776xi32, #tpu.memory_space<vmem>> -> memref<13776xi32, #tpu.memory_space<vmem>>
        %gather3A_1152 = tpu.vector_load_idx %gather3A_1151[%min3A_1147] : memref<13776xi32, #tpu.memory_space<vmem>>[vector<16xi32>], vector<16xi32>,
        %gather3A_1153 = tpu.vector_load_idx %arg12[%gather3A_1152] : memref<7584xi32, #tpu.memory_space<vmem>>[vector<16xi32>], vector<16xi32>,
        %broadcast_in_dim3A_1154 = arith.constant 0 : i32
        %broadcast_in_dim3A_1155 = vector.broadcast %broadcast_in_dim3A_1154 : i32 to vector<16xi32>
        %broadcast_in_dim3A_1156 = arith.constant 0 : i32
        %broadcast_in_dim3A_1157 = vector.broadcast %broadcast_in_dim3A_1156 : i32 to vector<16xi32>
        %add3A_1158 = arith.addi %broadcast_in_dim3A_1157, %iota3A : vector<16xi32>
        tpu.vector_store_idx %arg16[%broadcast_in_dim3A_1155, %add3A_1158], %gather3A_1153 : memref<2x96xi32, #tpu.memory_space<vmem>>[vector<16xi32>, vector<16xi32>], vector<16xi32>,
        %gather3A_1159 = arith.constant 1 : i32
        %gather3A_1160 = arith.constant 0 : i32
        %gather3A_1161 = tpu.memref_slice %arg13[%gather3A_1159, %gather3A_1160] : memref<3x13776xi32, #tpu.memory_space<vmem>> -> memref<1x13776xi32, #tpu.memory_space<vmem>>
        %gather3A_1162 = tpu.memref_squeeze %gather3A_1161 : memref<1x13776xi32, #tpu.memory_space<vmem>> -> memref<13776xi32, #tpu.memory_space<vmem>>
        %gather3A_1163 = tpu.vector_load_idx %gather3A_1162[%min3A_1147] : memref<13776xi32, #tpu.memory_space<vmem>>[vector<16xi32>], vector<16xi32>,
        %gather3A_1164 = tpu.vector_load_idx %arg12[%gather3A_1163] : memref<7584xi32, #tpu.memory_space<vmem>>[vector<16xi32>], vector<16xi32>,
        %broadcast_in_dim3A_1165 = arith.constant 0 : i32
        %broadcast_in_dim3A_1166 = vector.broadcast %broadcast_in_dim3A_1165 : i32 to vector<16xi32>
        %broadcast_in_dim3A_1167 = arith.constant 32 : i32
        %broadcast_in_dim3A_1168 = vector.broadcast %broadcast_in_dim3A_1167 : i32 to vector<16xi32>
        %add3A_1169 = arith.addi %broadcast_in_dim3A_1168, %iota3A : vector<16xi32>
        tpu.vector_store_idx %arg16[%broadcast_in_dim3A_1166, %add3A_1169], %gather3A_1164 : memref<2x96xi32, #tpu.memory_space<vmem>>[vector<16xi32>, vector<16xi32>], vector<16xi32>,
        %gather3A_1170 = arith.constant 2 : i32
        %gather3A_1171 = arith.constant 0 : i32
        %gather3A_1172 = tpu.memref_slice %arg13[%gather3A_1170, %gather3A_1171] : memref<3x13776xi32, #tpu.memory_space<vmem>> -> memref<1x13776xi32, #tpu.memory_space<vmem>>
        %gather3A_1173 = tpu.memref_squeeze %gather3A_1172 : memref<1x13776xi32, #tpu.memory_space<vmem>> -> memref<13776xi32, #tpu.memory_space<vmem>>
        %gather3A_1174 = tpu.vector_load_idx %gather3A_1173[%min3A_1147] : memref<13776xi32, #tpu.memory_space<vmem>>[vector<16xi32>], vector<16xi32>,
        %gather3A_1175 = tpu.vector_load_idx %arg12[%gather3A_1174] : memref<7584xi32, #tpu.memory_space<vmem>>[vector<16xi32>], vector<16xi32>,
        %broadcast_in_dim3A_1176 = arith.constant 0 : i32
        %broadcast_in_dim3A_1177 = vector.broadcast %broadcast_in_dim3A_1176 : i32 to vector<16xi32>
        %broadcast_in_dim3A_1178 = arith.constant 64 : i32
        %broadcast_in_dim3A_1179 = vector.broadcast %broadcast_in_dim3A_1178 : i32 to vector<16xi32>
        %add3A_1180 = arith.addi %broadcast_in_dim3A_1179, %iota3A : vector<16xi32>
        tpu.vector_store_idx %arg16[%broadcast_in_dim3A_1177, %add3A_1180], %gather3A_1175 : memref<2x96xi32, #tpu.memory_space<vmem>>[vector<16xi32>, vector<16xi32>], vector<16xi32>,
        %mul3A_1181 = arith.constant 32 : i32
        %mul3A_1182 = arith.muli %add3A_1134, %mul3A_1181 : i32
        %add3A_1183 = arith.constant 16 : i32
        %add3A_1184 = arith.addi %mul3A_1182, %add3A_1183 : i32
        %broadcast_in_dim3A_1185 = vector.broadcast %add3A_1184 : i32 to vector<16xi32>
        %add3A_1186 = arith.addi %broadcast_in_dim3A_1185, %iota3A : vector<16xi32>
        %gather3A_1187 = tpu.vector_load_idx %arg14[%add3A_1186] : memref<2048xi32, #tpu.memory_space<vmem>>[vector<16xi32>], vector<16xi32>,
        %max3A_1188 = arith.constant 0 : i32
        %max3A_1189 = vector.broadcast %max3A_1188 : i32 to vector<16xi32>
        %max3A_1190 = arith.maxsi %gather3A_1187, %max3A_1189 : vector<16xi32>
        %min3A_1191 = arith.constant 13775 : i32
        %min3A_1192 = vector.broadcast %min3A_1191 : i32 to vector<16xi32>
        %min3A_1193 = arith.minsi %max3A_1190, %min3A_1192 : vector<16xi32>
        %gather3A_1194 = arith.constant 0 : i32
        %gather3A_1195 = arith.constant 0 : i32
        %gather3A_1196 = tpu.memref_slice %arg13[%gather3A_1194, %gather3A_1195] : memref<3x13776xi32, #tpu.memory_space<vmem>> -> memref<1x13776xi32, #tpu.memory_space<vmem>>
        %gather3A_1197 = tpu.memref_squeeze %gather3A_1196 : memref<1x13776xi32, #tpu.memory_space<vmem>> -> memref<13776xi32, #tpu.memory_space<vmem>>
        %gather3A_1198 = tpu.vector_load_idx %gather3A_1197[%min3A_1193] : memref<13776xi32, #tpu.memory_space<vmem>>[vector<16xi32>], vector<16xi32>,
        %gather3A_1199 = tpu.vector_load_idx %arg12[%gather3A_1198] : memref<7584xi32, #tpu.memory_space<vmem>>[vector<16xi32>], vector<16xi32>,
        %broadcast_in_dim3A_1200 = arith.constant 0 : i32
        %broadcast_in_dim3A_1201 = vector.broadcast %broadcast_in_dim3A_1200 : i32 to vector<16xi32>
        %broadcast_in_dim3A_1202 = arith.constant 16 : i32
        %broadcast_in_dim3A_1203 = vector.broadcast %broadcast_in_dim3A_1202 : i32 to vector<16xi32>
        %add3A_1204 = arith.addi %broadcast_in_dim3A_1203, %iota3A : vector<16xi32>
        tpu.vector_store_idx %arg16[%broadcast_in_dim3A_1201, %add3A_1204], %gather3A_1199 : memref<2x96xi32, #tpu.memory_space<vmem>>[vector<16xi32>, vector<16xi32>], vector<16xi32>,
        %gather3A_1205 = arith.constant 1 : i32
        %gather3A_1206 = arith.constant 0 : i32
        %gather3A_1207 = tpu.memref_slice %arg13[%gather3A_1205, %gather3A_1206] : memref<3x13776xi32, #tpu.memory_space<vmem>> -> memref<1x13776xi32, #tpu.memory_space<vmem>>
        %gather3A_1208 = tpu.memref_squeeze %gather3A_1207 : memref<1x13776xi32, #tpu.memory_space<vmem>> -> memref<13776xi32, #tpu.memory_space<vmem>>
        %gather3A_1209 = tpu.vector_load_idx %gather3A_1208[%min3A_1193] : memref<13776xi32, #tpu.memory_space<vmem>>[vector<16xi32>], vector<16xi32>,
        %gather3A_1210 = tpu.vector_load_idx %arg12[%gather3A_1209] : memref<7584xi32, #tpu.memory_space<vmem>>[vector<16xi32>], vector<16xi32>,
        %broadcast_in_dim3A_1211 = arith.constant 0 : i32
        %broadcast_in_dim3A_1212 = vector.broadcast %broadcast_in_dim3A_1211 : i32 to vector<16xi32>
        %broadcast_in_dim3A_1213 = arith.constant 48 : i32
        %broadcast_in_dim3A_1214 = vector.broadcast %broadcast_in_dim3A_1213 : i32 to vector<16xi32>
        %add3A_1215 = arith.addi %broadcast_in_dim3A_1214, %iota3A : vector<16xi32>
        tpu.vector_store_idx %arg16[%broadcast_in_dim3A_1212, %add3A_1215], %gather3A_1210 : memref<2x96xi32, #tpu.memory_space<vmem>>[vector<16xi32>, vector<16xi32>], vector<16xi32>,
        %gather3A_1216 = arith.constant 2 : i32
        %gather3A_1217 = arith.constant 0 : i32
        %gather3A_1218 = tpu.memref_slice %arg13[%gather3A_1216, %gather3A_1217] : memref<3x13776xi32, #tpu.memory_space<vmem>> -> memref<1x13776xi32, #tpu.memory_space<vmem>>
        %gather3A_1219 = tpu.memref_squeeze %gather3A_1218 : memref<1x13776xi32, #tpu.memory_space<vmem>> -> memref<13776xi32, #tpu.memory_space<vmem>>
        %gather3A_1220 = tpu.vector_load_idx %gather3A_1219[%min3A_1193] : memref<13776xi32, #tpu.memory_space<vmem>>[vector<16xi32>], vector<16xi32>,
        %gather3A_1221 = tpu.vector_load_idx %arg12[%gather3A_1220] : memref<7584xi32, #tpu.memory_space<vmem>>[vector<16xi32>], vector<16xi32>,
        %broadcast_in_dim3A_1222 = arith.constant 0 : i32
        %broadcast_in_dim3A_1223 = vector.broadcast %broadcast_in_dim3A_1222 : i32 to vector<16xi32>
        %broadcast_in_dim3A_1224 = arith.constant 80 : i32
        %broadcast_in_dim3A_1225 = vector.broadcast %broadcast_in_dim3A_1224 : i32 to vector<16xi32>
        %add3A_1226 = arith.addi %broadcast_in_dim3A_1225, %iota3A : vector<16xi32>
        tpu.vector_store_idx %arg16[%broadcast_in_dim3A_1223, %add3A_1226], %gather3A_1221 : memref<2x96xi32, #tpu.memory_space<vmem>>[vector<16xi32>, vector<16xi32>], vector<16xi32>,
        %dma_start3A_1227 = arith.constant 0 : i32
        %dma_start3A_1228 = arith.constant 0 : i32
        %dma_start3A_1229 = arith.constant 0 : i32
        %dma_start3A_1230 = tpu.memref_slice %arg17[%dma_start3A_1228, %dma_start3A_1229] : memref<192x256xf32, #tpu.memory_space<vmem>> -> memref<48x256xf32, #tpu.memory_space<vmem>>
        %dma_start3A_1231 = arith.constant 0 : i32
        %dma_start3A_1232 = tpu.memref_slice %arg16[%dma_start3A_1227, %dma_start3A_1231] : memref<2x96xi32, #tpu.memory_space<vmem>> -> memref<1x48xi32, #tpu.memory_space<vmem>>
        %dma_start3A_1233 = tpu.memref_squeeze %dma_start3A_1232 : memref<1x48xi32, #tpu.memory_space<vmem>> -> memref<48xi32, #tpu.memory_space<vmem>>
        %dma_start3A_1234 = arith.constant 0 : i32
        %dma_start3A_1235 = arith.constant 0 : i32
        %dma_start3A_1236 = tpu.memref_slice %arg2[%dma_start3A_1234, %dma_start3A_1235] : memref<6890x256xf32, #tpu.memory_space<hbm>> -> memref<6890x256xf32, #tpu.memory_space<hbm>>
        tpu.enqueue_indirect_dma source(%dma_start3A_1236 : memref<6890x256xf32, #tpu.memory_space<hbm>>) target(%dma_start3A_1230 : memref<48x256xf32, #tpu.memory_space<vmem>>) offsets(%dma_start3A_1233 : memref<48xi32, #tpu.memory_space<vmem>>) semaphore(%arg20 : memref<!tpu.dma_semaphore, #tpu.memory_space<semaphore_mem>>)
        %dma_start3A_1237 = arith.constant 0 : i32
        %dma_start3A_1238 = arith.constant 48 : i32
        %dma_start3A_1239 = arith.constant 0 : i32
        %dma_start3A_1240 = tpu.memref_slice %arg17[%dma_start3A_1238, %dma_start3A_1239] : memref<192x256xf32, #tpu.memory_space<vmem>> -> memref<48x256xf32, #tpu.memory_space<vmem>>
        %dma_start3A_1241 = arith.constant 48 : i32
        %dma_start3A_1242 = tpu.memref_slice %arg16[%dma_start3A_1237, %dma_start3A_1241] : memref<2x96xi32, #tpu.memory_space<vmem>> -> memref<1x48xi32, #tpu.memory_space<vmem>>
        %dma_start3A_1243 = tpu.memref_squeeze %dma_start3A_1242 : memref<1x48xi32, #tpu.memory_space<vmem>> -> memref<48xi32, #tpu.memory_space<vmem>>
        %dma_start3A_1244 = arith.constant 0 : i32
        %dma_start3A_1245 = arith.constant 0 : i32
        %dma_start3A_1246 = tpu.memref_slice %arg2[%dma_start3A_1244, %dma_start3A_1245] : memref<6890x256xf32, #tpu.memory_space<hbm>> -> memref<6890x256xf32, #tpu.memory_space<hbm>>
        tpu.enqueue_indirect_dma source(%dma_start3A_1246 : memref<6890x256xf32, #tpu.memory_space<hbm>>) target(%dma_start3A_1240 : memref<48x256xf32, #tpu.memory_space<vmem>>) offsets(%dma_start3A_1243 : memref<48xi32, #tpu.memory_space<vmem>>) semaphore(%arg20 : memref<!tpu.dma_semaphore, #tpu.memory_space<semaphore_mem>>)
      } else {
      }
      %dma_wait3A_920 = arith.constant 1 : i32
      %dma_wait3A_921 = arith.constant 96 : i32
      %dma_wait3A_922 = arith.constant 0 : i32
      %dma_wait3A_923 = tpu.memref_slice %arg17[%dma_wait3A_921, %dma_wait3A_922] : memref<192x256xf32, #tpu.memory_space<vmem>> -> memref<48x256xf32, #tpu.memory_space<vmem>>
      %dma_wait3A_924 = arith.constant 0 : i32
      %dma_wait3A_925 = tpu.memref_slice %arg16[%dma_wait3A_920, %dma_wait3A_924] : memref<2x96xi32, #tpu.memory_space<vmem>> -> memref<1x48xi32, #tpu.memory_space<vmem>>
      %dma_wait3A_926 = tpu.memref_squeeze %dma_wait3A_925 : memref<1x48xi32, #tpu.memory_space<vmem>> -> memref<48xi32, #tpu.memory_space<vmem>>
      %dma_wait3A_927 = arith.constant 0 : i32
      %dma_wait3A_928 = arith.constant 0 : i32
      %dma_wait3A_929 = tpu.memref_slice %arg2[%dma_wait3A_927, %dma_wait3A_928] : memref<6890x256xf32, #tpu.memory_space<hbm>> -> memref<6890x256xf32, #tpu.memory_space<hbm>>
      tpu.wait_indirect_dma semaphore(%arg21 : memref<!tpu.dma_semaphore, #tpu.memory_space<semaphore_mem>>) src(%dma_wait3A_929 : memref<6890x256xf32, #tpu.memory_space<hbm>>) dst(%dma_wait3A_923 : memref<48x256xf32, #tpu.memory_space<vmem>>)
      %dma_wait3A_930 = arith.constant 1 : i32
      %dma_wait3A_931 = arith.constant 144 : i32
      %dma_wait3A_932 = arith.constant 0 : i32
      %dma_wait3A_933 = tpu.memref_slice %arg17[%dma_wait3A_931, %dma_wait3A_932] : memref<192x256xf32, #tpu.memory_space<vmem>> -> memref<48x256xf32, #tpu.memory_space<vmem>>
      %dma_wait3A_934 = arith.constant 48 : i32
      %dma_wait3A_935 = tpu.memref_slice %arg16[%dma_wait3A_930, %dma_wait3A_934] : memref<2x96xi32, #tpu.memory_space<vmem>> -> memref<1x48xi32, #tpu.memory_space<vmem>>
      %dma_wait3A_936 = tpu.memref_squeeze %dma_wait3A_935 : memref<1x48xi32, #tpu.memory_space<vmem>> -> memref<48xi32, #tpu.memory_space<vmem>>
      %dma_wait3A_937 = arith.constant 0 : i32
      %dma_wait3A_938 = arith.constant 0 : i32
      %dma_wait3A_939 = tpu.memref_slice %arg2[%dma_wait3A_937, %dma_wait3A_938] : memref<6890x256xf32, #tpu.memory_space<hbm>> -> memref<6890x256xf32, #tpu.memory_space<hbm>>
      tpu.wait_indirect_dma semaphore(%arg21 : memref<!tpu.dma_semaphore, #tpu.memory_space<semaphore_mem>>) src(%dma_wait3A_939 : memref<6890x256xf32, #tpu.memory_space<hbm>>) dst(%dma_wait3A_933 : memref<48x256xf32, #tpu.memory_space<vmem>>)
      %ge3A_940 = arith.constant 2 : i32
      %ge3A_941 = arith.cmpi sge, %add3A_603, %ge3A_940 : i32
      %convert_element_type3A_942 = arith.extui %ge3A_941 : i1 to i32
      %cond3A_943 = arith.constant 0 : i32
      %cond3A_944 = arith.cmpi ne, %convert_element_type3A_942, %cond3A_943 : i32
      scf.if %cond3A_944 {
        %sub3A_1133 = arith.constant 1 : i32
        %sub3A_1134 = arith.subi %add3A_603, %sub3A_1133 : i32
        %mul3A_1135 = arith.constant 8 : i32
        %mul3A_1136 = arith.muli %add3A, %mul3A_1135 : i32
        %jit3A_1137 = arith.constant 8 : i32
        %div3A_1138 = arith.divsi %sub3A_1134, %jit3A_1137 : i32
        %sign3A_1139 = arith.constant 0 : i32
        %sign3A_1140 = arith.cmpi sgt, %sub3A_1134, %sign3A_1139 : i32
        %sign3A_1141 = arith.extui %sign3A_1140 : i1 to i32
        %sign3A_1142 = arith.constant 0 : i32
        %sign3A_1143 = arith.cmpi slt, %sub3A_1134, %sign3A_1142 : i32
        %sign3A_1144 = arith.extui %sign3A_1143 : i1 to i32
        %sign3A_1145 = arith.subi %sign3A_1141, %sign3A_1144 : i32
        %sign3A_1146 = arith.constant 0 : i32
        %sign3A_1147 = arith.cmpi sgt, %jit3A_1137, %sign3A_1146 : i32
        %sign3A_1148 = arith.extui %sign3A_1147 : i1 to i32
        %sign3A_1149 = arith.constant 0 : i32
        %sign3A_1150 = arith.cmpi slt, %jit3A_1137, %sign3A_1149 : i32
        %sign3A_1151 = arith.extui %sign3A_1150 : i1 to i32
        %sign3A_1152 = arith.subi %sign3A_1148, %sign3A_1151 : i32
        %ne3A_1153 = arith.cmpi ne, %sign3A_1145, %sign3A_1152 : i32
        %rem3A_1154 = arith.remsi %sub3A_1134, %jit3A_1137 : i32
        %ne3A_1155 = arith.constant 0 : i32
        %ne3A_1156 = arith.cmpi ne, %rem3A_1154, %ne3A_1155 : i32
        %and3A_1157 = arith.andi %ne3A_1153, %ne3A_1156 : i1
        %sub3A_1158 = arith.constant 1 : i32
        %sub3A_1159 = arith.subi %div3A_1138, %sub3A_1158 : i32
        %select_n3A_1160 = arith.select %and3A_1157, %sub3A_1159, %div3A_1138 : i32
        %add3A_1161 = arith.addi %mul3A_1136, %select_n3A_1160 : i32
        %jit3A_1162 = arith.constant 8 : i32
        %eq3A_1163 = arith.constant 0 : i32
        %eq3A_1164 = arith.cmpi eq, %jit3A_1162, %eq3A_1163 : i32
        %jit3A_1165 = arith.constant 1 : i32
        %select_n3A_1166 = arith.select %eq3A_1164, %jit3A_1165, %jit3A_1162 : i32
        %rem3A_1167 = arith.remsi %sub3A_1134, %select_n3A_1166 : i32
        %ne3A_1168 = arith.constant 0 : i32
        %ne3A_1169 = arith.cmpi ne, %rem3A_1167, %ne3A_1168 : i32
        %lt3A_1170 = arith.constant 0 : i32
        %lt3A_1171 = arith.cmpi slt, %rem3A_1167, %lt3A_1170 : i32
        %lt3A_1172 = arith.constant 0 : i32
        %lt3A_1173 = arith.cmpi slt, %select_n3A_1166, %lt3A_1172 : i32
        %ne3A_1174 = arith.xori %lt3A_1171, %lt3A_1173 : i1
        %and3A_1175 = arith.andi %ne3A_1174, %ne3A_1169 : i1
        %add3A_1176 = arith.addi %rem3A_1167, %select_n3A_1166 : i32
        %select_n3A_1177 = arith.select %and3A_1175, %add3A_1176, %rem3A_1167 : i32
        %mul3A_1178 = arith.constant 32 : i32
        %mul3A_1179 = arith.muli %select_n3A_1177, %mul3A_1178 : i32
        %dma_wait3A_1180 = arith.constant 1 : i32
        %dma_wait3A_1181 = arith.constant 0 : i32
        %dma_wait3A_1182 = arith.constant 0 : i32
        %dma_wait3A_1183 = arith.constant 0 : i32
        %dma_wait3A_1184 = arith.constant 0 : i32
        %dma_wait3A_1185 = tpu.memref_slice %arg18[%dma_wait3A_1180, %dma_wait3A_1181, %dma_wait3A_1183, %dma_wait3A_1184] : memref<2x8x32x40xf32, #tpu.memory_space<vmem>> -> memref<1x1x32x32xf32, #tpu.memory_space<vmem>>
        %dma_wait3A_1186 = tpu.memref_squeeze %dma_wait3A_1185 : memref<1x1x32x32xf32, #tpu.memory_space<vmem>> -> memref<32x32xf32, #tpu.memory_space<vmem>>
        %dma_wait3A_1187 = arith.constant 0 : i32
        %dma_wait3A_1188 = tpu.memref_slice %arg11[%dma_wait3A_1182, %add3A_1161, %dma_wait3A_1187, %mul3A_1179] : memref<8x256x32x256xf32, #tpu.memory_space<hbm>> -> memref<1x1x32x32xf32, #tpu.memory_space<hbm>>
        %dma_wait3A_1189 = tpu.memref_squeeze %dma_wait3A_1188 : memref<1x1x32x32xf32, #tpu.memory_space<hbm>> -> memref<32x32xf32, #tpu.memory_space<hbm>>
        %dma_wait3A_1190 = arith.constant 0 : i32
        %dma_wait3A_1191 = tpu.memref_slice %arg11[%dma_wait3A_1182, %add3A_1161, %dma_wait3A_1190, %mul3A_1179] : memref<8x256x32x256xf32, #tpu.memory_space<hbm>> -> memref<1x1x32x32xf32, #tpu.memory_space<hbm>>
        %dma_wait3A_1192 = tpu.memref_squeeze %dma_wait3A_1191 : memref<1x1x32x32xf32, #tpu.memory_space<hbm>> -> memref<32x32xf32, #tpu.memory_space<hbm>>
        %dma_wait3A_1193 = arith.constant 0 : i32
        %dma_wait3A_1194 = arith.constant 0 : i32
        %dma_wait3A_1195 = tpu.memref_slice %arg18[%dma_wait3A_1180, %dma_wait3A_1181, %dma_wait3A_1193, %dma_wait3A_1194] : memref<2x8x32x40xf32, #tpu.memory_space<vmem>> -> memref<1x1x32x32xf32, #tpu.memory_space<vmem>>
        %dma_wait3A_1196 = tpu.memref_squeeze %dma_wait3A_1195 : memref<1x1x32x32xf32, #tpu.memory_space<vmem>> -> memref<32x32xf32, #tpu.memory_space<vmem>>
        tpu.wait_dma2 semaphore(%arg23 : memref<!tpu.dma_semaphore, #tpu.memory_space<semaphore_mem>>) src(%dma_wait3A_1196 : memref<32x32xf32, #tpu.memory_space<vmem>>) dst(%dma_wait3A_1192 : memref<32x32xf32, #tpu.memory_space<hbm>>)
        %dma_wait3A_1197 = arith.constant 1 : i32
        %dma_wait3A_1198 = arith.constant 1 : i32
        %dma_wait3A_1199 = arith.constant 1 : i32
        %dma_wait3A_1200 = arith.constant 0 : i32
        %dma_wait3A_1201 = arith.constant 0 : i32
        %dma_wait3A_1202 = tpu.memref_slice %arg18[%dma_wait3A_1197, %dma_wait3A_1198, %dma_wait3A_1200, %dma_wait3A_1201] : memref<2x8x32x40xf32, #tpu.memory_space<vmem>> -> memref<1x1x32x32xf32, #tpu.memory_space<vmem>>
        %dma_wait3A_1203 = tpu.memref_squeeze %dma_wait3A_1202 : memref<1x1x32x32xf32, #tpu.memory_space<vmem>> -> memref<32x32xf32, #tpu.memory_space<vmem>>
        %dma_wait3A_1204 = arith.constant 0 : i32
        %dma_wait3A_1205 = tpu.memref_slice %arg11[%dma_wait3A_1199, %add3A_1161, %dma_wait3A_1204, %mul3A_1179] : memref<8x256x32x256xf32, #tpu.memory_space<hbm>> -> memref<1x1x32x32xf32, #tpu.memory_space<hbm>>
        %dma_wait3A_1206 = tpu.memref_squeeze %dma_wait3A_1205 : memref<1x1x32x32xf32, #tpu.memory_space<hbm>> -> memref<32x32xf32, #tpu.memory_space<hbm>>
        %dma_wait3A_1207 = arith.constant 0 : i32
        %dma_wait3A_1208 = tpu.memref_slice %arg11[%dma_wait3A_1199, %add3A_1161, %dma_wait3A_1207, %mul3A_1179] : memref<8x256x32x256xf32, #tpu.memory_space<hbm>> -> memref<1x1x32x32xf32, #tpu.memory_space<hbm>>
        %dma_wait3A_1209 = tpu.memref_squeeze %dma_wait3A_1208 : memref<1x1x32x32xf32, #tpu.memory_space<hbm>> -> memref<32x32xf32, #tpu.memory_space<hbm>>
        %dma_wait3A_1210 = arith.constant 0 : i32
        %dma_wait3A_1211 = arith.constant 0 : i32
        %dma_wait3A_1212 = tpu.memref_slice %arg18[%dma_wait3A_1197, %dma_wait3A_1198, %dma_wait3A_1210, %dma_wait3A_1211] : memref<2x8x32x40xf32, #tpu.memory_space<vmem>> -> memref<1x1x32x32xf32, #tpu.memory_space<vmem>>
        %dma_wait3A_1213 = tpu.memref_squeeze %dma_wait3A_1212 : memref<1x1x32x32xf32, #tpu.memory_space<vmem>> -> memref<32x32xf32, #tpu.memory_space<vmem>>
        tpu.wait_dma2 semaphore(%arg23 : memref<!tpu.dma_semaphore, #tpu.memory_space<semaphore_mem>>) src(%dma_wait3A_1213 : memref<32x32xf32, #tpu.memory_space<vmem>>) dst(%dma_wait3A_1209 : memref<32x32xf32, #tpu.memory_space<hbm>>)
        %dma_wait3A_1214 = arith.constant 1 : i32
        %dma_wait3A_1215 = arith.constant 2 : i32
        %dma_wait3A_1216 = arith.constant 2 : i32
        %dma_wait3A_1217 = arith.constant 0 : i32
        %dma_wait3A_1218 = arith.constant 0 : i32
        %dma_wait3A_1219 = tpu.memref_slice %arg18[%dma_wait3A_1214, %dma_wait3A_1215, %dma_wait3A_1217, %dma_wait3A_1218] : memref<2x8x32x40xf32, #tpu.memory_space<vmem>> -> memref<1x1x32x32xf32, #tpu.memory_space<vmem>>
        %dma_wait3A_1220 = tpu.memref_squeeze %dma_wait3A_1219 : memref<1x1x32x32xf32, #tpu.memory_space<vmem>> -> memref<32x32xf32, #tpu.memory_space<vmem>>
        %dma_wait3A_1221 = arith.constant 0 : i32
        %dma_wait3A_1222 = tpu.memref_slice %arg11[%dma_wait3A_1216, %add3A_1161, %dma_wait3A_1221, %mul3A_1179] : memref<8x256x32x256xf32, #tpu.memory_space<hbm>> -> memref<1x1x32x32xf32, #tpu.memory_space<hbm>>
        %dma_wait3A_1223 = tpu.memref_squeeze %dma_wait3A_1222 : memref<1x1x32x32xf32, #tpu.memory_space<hbm>> -> memref<32x32xf32, #tpu.memory_space<hbm>>
        %dma_wait3A_1224 = arith.constant 0 : i32
        %dma_wait3A_1225 = tpu.memref_slice %arg11[%dma_wait3A_1216, %add3A_1161, %dma_wait3A_1224, %mul3A_1179] : memref<8x256x32x256xf32, #tpu.memory_space<hbm>> -> memref<1x1x32x32xf32, #tpu.memory_space<hbm>>
        %dma_wait3A_1226 = tpu.memref_squeeze %dma_wait3A_1225 : memref<1x1x32x32xf32, #tpu.memory_space<hbm>> -> memref<32x32xf32, #tpu.memory_space<hbm>>
        %dma_wait3A_1227 = arith.constant 0 : i32
        %dma_wait3A_1228 = arith.constant 0 : i32
        %dma_wait3A_1229 = tpu.memref_slice %arg18[%dma_wait3A_1214, %dma_wait3A_1215, %dma_wait3A_1227, %dma_wait3A_1228] : memref<2x8x32x40xf32, #tpu.memory_space<vmem>> -> memref<1x1x32x32xf32, #tpu.memory_space<vmem>>
        %dma_wait3A_1230 = tpu.memref_squeeze %dma_wait3A_1229 : memref<1x1x32x32xf32, #tpu.memory_space<vmem>> -> memref<32x32xf32, #tpu.memory_space<vmem>>
        tpu.wait_dma2 semaphore(%arg23 : memref<!tpu.dma_semaphore, #tpu.memory_space<semaphore_mem>>) src(%dma_wait3A_1230 : memref<32x32xf32, #tpu.memory_space<vmem>>) dst(%dma_wait3A_1226 : memref<32x32xf32, #tpu.memory_space<hbm>>)
        %dma_wait3A_1231 = arith.constant 1 : i32
        %dma_wait3A_1232 = arith.constant 3 : i32
        %dma_wait3A_1233 = arith.constant 3 : i32
        %dma_wait3A_1234 = arith.constant 0 : i32
        %dma_wait3A_1235 = arith.constant 0 : i32
        %dma_wait3A_1236 = tpu.memref_slice %arg18[%dma_wait3A_1231, %dma_wait3A_1232, %dma_wait3A_1234, %dma_wait3A_1235] : memref<2x8x32x40xf32, #tpu.memory_space<vmem>> -> memref<1x1x32x32xf32, #tpu.memory_space<vmem>>
        %dma_wait3A_1237 = tpu.memref_squeeze %dma_wait3A_1236 : memref<1x1x32x32xf32, #tpu.memory_space<vmem>> -> memref<32x32xf32, #tpu.memory_space<vmem>>
        %dma_wait3A_1238 = arith.constant 0 : i32
        %dma_wait3A_1239 = tpu.memref_slice %arg11[%dma_wait3A_1233, %add3A_1161, %dma_wait3A_1238, %mul3A_1179] : memref<8x256x32x256xf32, #tpu.memory_space<hbm>> -> memref<1x1x32x32xf32, #tpu.memory_space<hbm>>
        %dma_wait3A_1240 = tpu.memref_squeeze %dma_wait3A_1239 : memref<1x1x32x32xf32, #tpu.memory_space<hbm>> -> memref<32x32xf32, #tpu.memory_space<hbm>>
        %dma_wait3A_1241 = arith.constant 0 : i32
        %dma_wait3A_1242 = tpu.memref_slice %arg11[%dma_wait3A_1233, %add3A_1161, %dma_wait3A_1241, %mul3A_1179] : memref<8x256x32x256xf32, #tpu.memory_space<hbm>> -> memref<1x1x32x32xf32, #tpu.memory_space<hbm>>
        %dma_wait3A_1243 = tpu.memref_squeeze %dma_wait3A_1242 : memref<1x1x32x32xf32, #tpu.memory_space<hbm>> -> memref<32x32xf32, #tpu.memory_space<hbm>>
        %dma_wait3A_1244 = arith.constant 0 : i32
        %dma_wait3A_1245 = arith.constant 0 : i32
        %dma_wait3A_1246 = tpu.memref_slice %arg18[%dma_wait3A_1231, %dma_wait3A_1232, %dma_wait3A_1244, %dma_wait3A_1245] : memref<2x8x32x40xf32, #tpu.memory_space<vmem>> -> memref<1x1x32x32xf32, #tpu.memory_space<vmem>>
        %dma_wait3A_1247 = tpu.memref_squeeze %dma_wait3A_1246 : memref<1x1x32x32xf32, #tpu.memory_space<vmem>> -> memref<32x32xf32, #tpu.memory_space<vmem>>
        tpu.wait_dma2 semaphore(%arg23 : memref<!tpu.dma_semaphore, #tpu.memory_space<semaphore_mem>>) src(%dma_wait3A_1247 : memref<32x32xf32, #tpu.memory_space<vmem>>) dst(%dma_wait3A_1243 : memref<32x32xf32, #tpu.memory_space<hbm>>)
        %dma_wait3A_1248 = arith.constant 1 : i32
        %dma_wait3A_1249 = arith.constant 4 : i32
        %dma_wait3A_1250 = arith.constant 4 : i32
        %dma_wait3A_1251 = arith.constant 0 : i32
        %dma_wait3A_1252 = arith.constant 0 : i32
        %dma_wait3A_1253 = tpu.memref_slice %arg18[%dma_wait3A_1248, %dma_wait3A_1249, %dma_wait3A_1251, %dma_wait3A_1252] : memref<2x8x32x40xf32, #tpu.memory_space<vmem>> -> memref<1x1x32x32xf32, #tpu.memory_space<vmem>>
        %dma_wait3A_1254 = tpu.memref_squeeze %dma_wait3A_1253 : memref<1x1x32x32xf32, #tpu.memory_space<vmem>> -> memref<32x32xf32, #tpu.memory_space<vmem>>
        %dma_wait3A_1255 = arith.constant 0 : i32
        %dma_wait3A_1256 = tpu.memref_slice %arg11[%dma_wait3A_1250, %add3A_1161, %dma_wait3A_1255, %mul3A_1179] : memref<8x256x32x256xf32, #tpu.memory_space<hbm>> -> memref<1x1x32x32xf32, #tpu.memory_space<hbm>>
        %dma_wait3A_1257 = tpu.memref_squeeze %dma_wait3A_1256 : memref<1x1x32x32xf32, #tpu.memory_space<hbm>> -> memref<32x32xf32, #tpu.memory_space<hbm>>
        %dma_wait3A_1258 = arith.constant 0 : i32
        %dma_wait3A_1259 = tpu.memref_slice %arg11[%dma_wait3A_1250, %add3A_1161, %dma_wait3A_1258, %mul3A_1179] : memref<8x256x32x256xf32, #tpu.memory_space<hbm>> -> memref<1x1x32x32xf32, #tpu.memory_space<hbm>>
        %dma_wait3A_1260 = tpu.memref_squeeze %dma_wait3A_1259 : memref<1x1x32x32xf32, #tpu.memory_space<hbm>> -> memref<32x32xf32, #tpu.memory_space<hbm>>
        %dma_wait3A_1261 = arith.constant 0 : i32
        %dma_wait3A_1262 = arith.constant 0 : i32
        %dma_wait3A_1263 = tpu.memref_slice %arg18[%dma_wait3A_1248, %dma_wait3A_1249, %dma_wait3A_1261, %dma_wait3A_1262] : memref<2x8x32x40xf32, #tpu.memory_space<vmem>> -> memref<1x1x32x32xf32, #tpu.memory_space<vmem>>
        %dma_wait3A_1264 = tpu.memref_squeeze %dma_wait3A_1263 : memref<1x1x32x32xf32, #tpu.memory_space<vmem>> -> memref<32x32xf32, #tpu.memory_space<vmem>>
        tpu.wait_dma2 semaphore(%arg23 : memref<!tpu.dma_semaphore, #tpu.memory_space<semaphore_mem>>) src(%dma_wait3A_1264 : memref<32x32xf32, #tpu.memory_space<vmem>>) dst(%dma_wait3A_1260 : memref<32x32xf32, #tpu.memory_space<hbm>>)
        %dma_wait3A_1265 = arith.constant 1 : i32
        %dma_wait3A_1266 = arith.constant 5 : i32
        %dma_wait3A_1267 = arith.constant 5 : i32
        %dma_wait3A_1268 = arith.constant 0 : i32
        %dma_wait3A_1269 = arith.constant 0 : i32
        %dma_wait3A_1270 = tpu.memref_slice %arg18[%dma_wait3A_1265, %dma_wait3A_1266, %dma_wait3A_1268, %dma_wait3A_1269] : memref<2x8x32x40xf32, #tpu.memory_space<vmem>> -> memref<1x1x32x32xf32, #tpu.memory_space<vmem>>
        %dma_wait3A_1271 = tpu.memref_squeeze %dma_wait3A_1270 : memref<1x1x32x32xf32, #tpu.memory_space<vmem>> -> memref<32x32xf32, #tpu.memory_space<vmem>>
        %dma_wait3A_1272 = arith.constant 0 : i32
        %dma_wait3A_1273 = tpu.memref_slice %arg11[%dma_wait3A_1267, %add3A_1161, %dma_wait3A_1272, %mul3A_1179] : memref<8x256x32x256xf32, #tpu.memory_space<hbm>> -> memref<1x1x32x32xf32, #tpu.memory_space<hbm>>
        %dma_wait3A_1274 = tpu.memref_squeeze %dma_wait3A_1273 : memref<1x1x32x32xf32, #tpu.memory_space<hbm>> -> memref<32x32xf32, #tpu.memory_space<hbm>>
        %dma_wait3A_1275 = arith.constant 0 : i32
        %dma_wait3A_1276 = tpu.memref_slice %arg11[%dma_wait3A_1267, %add3A_1161, %dma_wait3A_1275, %mul3A_1179] : memref<8x256x32x256xf32, #tpu.memory_space<hbm>> -> memref<1x1x32x32xf32, #tpu.memory_space<hbm>>
        %dma_wait3A_1277 = tpu.memref_squeeze %dma_wait3A_1276 : memref<1x1x32x32xf32, #tpu.memory_space<hbm>> -> memref<32x32xf32, #tpu.memory_space<hbm>>
        %dma_wait3A_1278 = arith.constant 0 : i32
        %dma_wait3A_1279 = arith.constant 0 : i32
        %dma_wait3A_1280 = tpu.memref_slice %arg18[%dma_wait3A_1265, %dma_wait3A_1266, %dma_wait3A_1278, %dma_wait3A_1279] : memref<2x8x32x40xf32, #tpu.memory_space<vmem>> -> memref<1x1x32x32xf32, #tpu.memory_space<vmem>>
        %dma_wait3A_1281 = tpu.memref_squeeze %dma_wait3A_1280 : memref<1x1x32x32xf32, #tpu.memory_space<vmem>> -> memref<32x32xf32, #tpu.memory_space<vmem>>
        tpu.wait_dma2 semaphore(%arg23 : memref<!tpu.dma_semaphore, #tpu.memory_space<semaphore_mem>>) src(%dma_wait3A_1281 : memref<32x32xf32, #tpu.memory_space<vmem>>) dst(%dma_wait3A_1277 : memref<32x32xf32, #tpu.memory_space<hbm>>)
        %dma_wait3A_1282 = arith.constant 1 : i32
        %dma_wait3A_1283 = arith.constant 6 : i32
        %dma_wait3A_1284 = arith.constant 6 : i32
        %dma_wait3A_1285 = arith.constant 0 : i32
        %dma_wait3A_1286 = arith.constant 0 : i32
        %dma_wait3A_1287 = tpu.memref_slice %arg18[%dma_wait3A_1282, %dma_wait3A_1283, %dma_wait3A_1285, %dma_wait3A_1286] : memref<2x8x32x40xf32, #tpu.memory_space<vmem>> -> memref<1x1x32x32xf32, #tpu.memory_space<vmem>>
        %dma_wait3A_1288 = tpu.memref_squeeze %dma_wait3A_1287 : memref<1x1x32x32xf32, #tpu.memory_space<vmem>> -> memref<32x32xf32, #tpu.memory_space<vmem>>
        %dma_wait3A_1289 = arith.constant 0 : i32
        %dma_wait3A_1290 = tpu.memref_slice %arg11[%dma_wait3A_1284, %add3A_1161, %dma_wait3A_1289, %mul3A_1179] : memref<8x256x32x256xf32, #tpu.memory_space<hbm>> -> memref<1x1x32x32xf32, #tpu.memory_space<hbm>>
        %dma_wait3A_1291 = tpu.memref_squeeze %dma_wait3A_1290 : memref<1x1x32x32xf32, #tpu.memory_space<hbm>> -> memref<32x32xf32, #tpu.memory_space<hbm>>
        %dma_wait3A_1292 = arith.constant 0 : i32
        %dma_wait3A_1293 = tpu.memref_slice %arg11[%dma_wait3A_1284, %add3A_1161, %dma_wait3A_1292, %mul3A_1179] : memref<8x256x32x256xf32, #tpu.memory_space<hbm>> -> memref<1x1x32x32xf32, #tpu.memory_space<hbm>>
        %dma_wait3A_1294 = tpu.memref_squeeze %dma_wait3A_1293 : memref<1x1x32x32xf32, #tpu.memory_space<hbm>> -> memref<32x32xf32, #tpu.memory_space<hbm>>
        %dma_wait3A_1295 = arith.constant 0 : i32
        %dma_wait3A_1296 = arith.constant 0 : i32
        %dma_wait3A_1297 = tpu.memref_slice %arg18[%dma_wait3A_1282, %dma_wait3A_1283, %dma_wait3A_1295, %dma_wait3A_1296] : memref<2x8x32x40xf32, #tpu.memory_space<vmem>> -> memref<1x1x32x32xf32, #tpu.memory_space<vmem>>
        %dma_wait3A_1298 = tpu.memref_squeeze %dma_wait3A_1297 : memref<1x1x32x32xf32, #tpu.memory_space<vmem>> -> memref<32x32xf32, #tpu.memory_space<vmem>>
        tpu.wait_dma2 semaphore(%arg23 : memref<!tpu.dma_semaphore, #tpu.memory_space<semaphore_mem>>) src(%dma_wait3A_1298 : memref<32x32xf32, #tpu.memory_space<vmem>>) dst(%dma_wait3A_1294 : memref<32x32xf32, #tpu.memory_space<hbm>>)
        %dma_wait3A_1299 = arith.constant 1 : i32
        %dma_wait3A_1300 = arith.constant 7 : i32
        %dma_wait3A_1301 = arith.constant 7 : i32
        %dma_wait3A_1302 = arith.constant 0 : i32
        %dma_wait3A_1303 = arith.constant 0 : i32
        %dma_wait3A_1304 = tpu.memref_slice %arg18[%dma_wait3A_1299, %dma_wait3A_1300, %dma_wait3A_1302, %dma_wait3A_1303] : memref<2x8x32x40xf32, #tpu.memory_space<vmem>> -> memref<1x1x32x32xf32, #tpu.memory_space<vmem>>
        %dma_wait3A_1305 = tpu.memref_squeeze %dma_wait3A_1304 : memref<1x1x32x32xf32, #tpu.memory_space<vmem>> -> memref<32x32xf32, #tpu.memory_space<vmem>>
        %dma_wait3A_1306 = arith.constant 0 : i32
        %dma_wait3A_1307 = tpu.memref_slice %arg11[%dma_wait3A_1301, %add3A_1161, %dma_wait3A_1306, %mul3A_1179] : memref<8x256x32x256xf32, #tpu.memory_space<hbm>> -> memref<1x1x32x32xf32, #tpu.memory_space<hbm>>
        %dma_wait3A_1308 = tpu.memref_squeeze %dma_wait3A_1307 : memref<1x1x32x32xf32, #tpu.memory_space<hbm>> -> memref<32x32xf32, #tpu.memory_space<hbm>>
        %dma_wait3A_1309 = arith.constant 0 : i32
        %dma_wait3A_1310 = tpu.memref_slice %arg11[%dma_wait3A_1301, %add3A_1161, %dma_wait3A_1309, %mul3A_1179] : memref<8x256x32x256xf32, #tpu.memory_space<hbm>> -> memref<1x1x32x32xf32, #tpu.memory_space<hbm>>
        %dma_wait3A_1311 = tpu.memref_squeeze %dma_wait3A_1310 : memref<1x1x32x32xf32, #tpu.memory_space<hbm>> -> memref<32x32xf32, #tpu.memory_space<hbm>>
        %dma_wait3A_1312 = arith.constant 0 : i32
        %dma_wait3A_1313 = arith.constant 0 : i32
        %dma_wait3A_1314 = tpu.memref_slice %arg18[%dma_wait3A_1299, %dma_wait3A_1300, %dma_wait3A_1312, %dma_wait3A_1313] : memref<2x8x32x40xf32, #tpu.memory_space<vmem>> -> memref<1x1x32x32xf32, #tpu.memory_space<vmem>>
        %dma_wait3A_1315 = tpu.memref_squeeze %dma_wait3A_1314 : memref<1x1x32x32xf32, #tpu.memory_space<vmem>> -> memref<32x32xf32, #tpu.memory_space<vmem>>
        tpu.wait_dma2 semaphore(%arg23 : memref<!tpu.dma_semaphore, #tpu.memory_space<semaphore_mem>>) src(%dma_wait3A_1315 : memref<32x32xf32, #tpu.memory_space<vmem>>) dst(%dma_wait3A_1311 : memref<32x32xf32, #tpu.memory_space<hbm>>)
      } else {
      }
      %add3A_945 = arith.constant 1 : i32
      %add3A_946 = arith.addi %add3A_603, %add3A_945 : i32
      %parallel_loop3A_947 = arith.constant 0 : i32
      %parallel_loop3A_948 = arith.constant 32 : i32
      %parallel_loop3A_949 = arith.constant 1 : i32
      scf.for %parallel_loop3A_1133 = %parallel_loop3A_947 to %parallel_loop3A_948 step %parallel_loop3A_949  : i32 {
        %parallel_loop3A_1134 = arith.constant 32 : i32
        %parallel_loop3A_1135 = arith.muli %add3A_946, %parallel_loop3A_1134 : i32
        %parallel_loop3A_1136 = arith.constant 16 : i32
        %parallel_loop3A_1137 = arith.addi %parallel_loop3A_1136, %parallel_loop3A_1135 : i32
        %parallel_loop3A_1138 = arith.addi %parallel_loop3A_1137, %parallel_loop3A_1133 : i32
        %parallel_loop3A_1139 = vector.broadcast %parallel_loop3A_1138 : i32 to vector<16xi32>
        %parallel_loop3A_1140 = arith.constant 0 : i32
        %parallel_loop3A_1141 = arith.constant 0 : i32
        %parallel_loop3A_1142 = tpu.memref_slice %arg15[%parallel_loop3A_1140, %parallel_loop3A_1141] : memref<3x2064xf32, #tpu.memory_space<vmem>> -> memref<1x2064xf32, #tpu.memory_space<vmem>>
        %parallel_loop3A_1143 = tpu.memref_squeeze %parallel_loop3A_1142 : memref<1x2064xf32, #tpu.memory_space<vmem>> -> memref<2064xf32, #tpu.memory_space<vmem>>
        %parallel_loop3A_1144 = tpu.vector_load_idx %parallel_loop3A_1143[%parallel_loop3A_1139] : memref<2064xf32, #tpu.memory_space<vmem>>[vector<16xi32>], vector<16xf32>,
        %parallel_loop3A_1145 = arith.constant 1 : i32
        %parallel_loop3A_1146 = arith.constant 0 : i32
        %parallel_loop3A_1147 = tpu.memref_slice %arg15[%parallel_loop3A_1145, %parallel_loop3A_1146] : memref<3x2064xf32, #tpu.memory_space<vmem>> -> memref<1x2064xf32, #tpu.memory_space<vmem>>
        %parallel_loop3A_1148 = tpu.memref_squeeze %parallel_loop3A_1147 : memref<1x2064xf32, #tpu.memory_space<vmem>> -> memref<2064xf32, #tpu.memory_space<vmem>>
        %parallel_loop3A_1149 = tpu.vector_load_idx %parallel_loop3A_1148[%parallel_loop3A_1139] : memref<2064xf32, #tpu.memory_space<vmem>>[vector<16xi32>], vector<16xf32>,
        %parallel_loop3A_1150 = arith.constant 2 : i32
        %parallel_loop3A_1151 = arith.constant 0 : i32
        %parallel_loop3A_1152 = tpu.memref_slice %arg15[%parallel_loop3A_1150, %parallel_loop3A_1151] : memref<3x2064xf32, #tpu.memory_space<vmem>> -> memref<1x2064xf32, #tpu.memory_space<vmem>>
        %parallel_loop3A_1153 = tpu.memref_squeeze %parallel_loop3A_1152 : memref<1x2064xf32, #tpu.memory_space<vmem>> -> memref<2064xf32, #tpu.memory_space<vmem>>
        %parallel_loop3A_1154 = tpu.vector_load_idx %parallel_loop3A_1153[%parallel_loop3A_1139] : memref<2064xf32, #tpu.memory_space<vmem>>[vector<16xi32>], vector<16xf32>,
        %parallel_loop3A_1155 = arith.constant 96 : i32
        %parallel_loop3A_1156 = arith.addi %parallel_loop3A_1155, %parallel_loop3A_1133 : i32
        %parallel_loop3A_1157 = vector.broadcast %parallel_loop3A_1156 : i32 to vector<16xi32>
        %parallel_loop3A_1158 = arith.constant 128 : i32
        %parallel_loop3A_1159 = arith.addi %parallel_loop3A_1158, %parallel_loop3A_1133 : i32
        %parallel_loop3A_1160 = vector.broadcast %parallel_loop3A_1159 : i32 to vector<16xi32>
        %parallel_loop3A_1161 = arith.constant 160 : i32
        %parallel_loop3A_1162 = arith.addi %parallel_loop3A_1161, %parallel_loop3A_1133 : i32
        %parallel_loop3A_1163 = vector.broadcast %parallel_loop3A_1162 : i32 to vector<16xi32>
        %parallel_loop3A_1164 = vector.broadcast %parallel_loop3A_1133 : i32 to vector<16xi32>
        %parallel_loop3A_1165 = tpu.vector_load_idx %arg17[%parallel_loop3A_1157, %add3A_3] : memref<192x256xf32, #tpu.memory_space<vmem>>[vector<16xi32>, vector<16xi32>], vector<16xf32>,
        %parallel_loop3A_1166 = tpu.vector_load_idx %arg17[%parallel_loop3A_1160, %add3A_3] : memref<192x256xf32, #tpu.memory_space<vmem>>[vector<16xi32>, vector<16xi32>], vector<16xf32>,
        %parallel_loop3A_1167 = tpu.vector_load_idx %arg17[%parallel_loop3A_1163, %add3A_3] : memref<192x256xf32, #tpu.memory_space<vmem>>[vector<16xi32>, vector<16xi32>], vector<16xf32>,
        %parallel_loop3A_1168 = arith.mulf %parallel_loop3A_1144, %parallel_loop3A_1165 : vector<16xf32>
        %parallel_loop3A_1169 = arith.mulf %parallel_loop3A_1149, %parallel_loop3A_1166 : vector<16xf32>
        %parallel_loop3A_1170 = arith.addf %parallel_loop3A_1168, %parallel_loop3A_1169 : vector<16xf32>
        %parallel_loop3A_1171 = arith.mulf %parallel_loop3A_1154, %parallel_loop3A_1167 : vector<16xf32>
        %parallel_loop3A_1172 = arith.addf %parallel_loop3A_1170, %parallel_loop3A_1171 : vector<16xf32>
        tpu.vector_store_idx %arg18[%broadcast_in_dim3A_73, %broadcast_in_dim3A_55, %add3A_51, %parallel_loop3A_1164], %parallel_loop3A_1172 : memref<2x8x32x40xf32, #tpu.memory_space<vmem>>[vector<16xi32>, vector<16xi32>, vector<16xi32>, vector<16xi32>], vector<16xf32>,
        %parallel_loop3A_1173 = tpu.vector_load_idx %arg17[%parallel_loop3A_1157, %add3A_6] : memref<192x256xf32, #tpu.memory_space<vmem>>[vector<16xi32>, vector<16xi32>], vector<16xf32>,
        %parallel_loop3A_1174 = tpu.vector_load_idx %arg17[%parallel_loop3A_1160, %add3A_6] : memref<192x256xf32, #tpu.memory_space<vmem>>[vector<16xi32>, vector<16xi32>], vector<16xf32>,
        %parallel_loop3A_1175 = tpu.vector_load_idx %arg17[%parallel_loop3A_1163, %add3A_6] : memref<192x256xf32, #tpu.memory_space<vmem>>[vector<16xi32>, vector<16xi32>], vector<16xf32>,
        %parallel_loop3A_1176 = arith.mulf %parallel_loop3A_1144, %parallel_loop3A_1173 : vector<16xf32>
        %parallel_loop3A_1177 = arith.mulf %parallel_loop3A_1149, %parallel_loop3A_1174 : vector<16xf32>
        %parallel_loop3A_1178 = arith.addf %parallel_loop3A_1176, %parallel_loop3A_1177 : vector<16xf32>
        %parallel_loop3A_1179 = arith.mulf %parallel_loop3A_1154, %parallel_loop3A_1175 : vector<16xf32>
        %parallel_loop3A_1180 = arith.addf %parallel_loop3A_1178, %parallel_loop3A_1179 : vector<16xf32>
        tpu.vector_store_idx %arg18[%broadcast_in_dim3A_73, %broadcast_in_dim3A_55, %add3A_54, %parallel_loop3A_1164], %parallel_loop3A_1180 : memref<2x8x32x40xf32, #tpu.memory_space<vmem>>[vector<16xi32>, vector<16xi32>, vector<16xi32>, vector<16xi32>], vector<16xf32>,
        %parallel_loop3A_1181 = tpu.vector_load_idx %arg17[%parallel_loop3A_1157, %add3A_9] : memref<192x256xf32, #tpu.memory_space<vmem>>[vector<16xi32>, vector<16xi32>], vector<16xf32>,
        %parallel_loop3A_1182 = tpu.vector_load_idx %arg17[%parallel_loop3A_1160, %add3A_9] : memref<192x256xf32, #tpu.memory_space<vmem>>[vector<16xi32>, vector<16xi32>], vector<16xf32>,
        %parallel_loop3A_1183 = tpu.vector_load_idx %arg17[%parallel_loop3A_1163, %add3A_9] : memref<192x256xf32, #tpu.memory_space<vmem>>[vector<16xi32>, vector<16xi32>], vector<16xf32>,
        %parallel_loop3A_1184 = arith.mulf %parallel_loop3A_1144, %parallel_loop3A_1181 : vector<16xf32>
        %parallel_loop3A_1185 = arith.mulf %parallel_loop3A_1149, %parallel_loop3A_1182 : vector<16xf32>
        %parallel_loop3A_1186 = arith.addf %parallel_loop3A_1184, %parallel_loop3A_1185 : vector<16xf32>
        %parallel_loop3A_1187 = arith.mulf %parallel_loop3A_1154, %parallel_loop3A_1183 : vector<16xf32>
        %parallel_loop3A_1188 = arith.addf %parallel_loop3A_1186, %parallel_loop3A_1187 : vector<16xf32>
        tpu.vector_store_idx %arg18[%broadcast_in_dim3A_73, %broadcast_in_dim3A_57, %add3A_51, %parallel_loop3A_1164], %parallel_loop3A_1188 : memref<2x8x32x40xf32, #tpu.memory_space<vmem>>[vector<16xi32>, vector<16xi32>, vector<16xi32>, vector<16xi32>], vector<16xf32>,
        %parallel_loop3A_1189 = tpu.vector_load_idx %arg17[%parallel_loop3A_1157, %add3A_12] : memref<192x256xf32, #tpu.memory_space<vmem>>[vector<16xi32>, vector<16xi32>], vector<16xf32>,
        %parallel_loop3A_1190 = tpu.vector_load_idx %arg17[%parallel_loop3A_1160, %add3A_12] : memref<192x256xf32, #tpu.memory_space<vmem>>[vector<16xi32>, vector<16xi32>], vector<16xf32>,
        %parallel_loop3A_1191 = tpu.vector_load_idx %arg17[%parallel_loop3A_1163, %add3A_12] : memref<192x256xf32, #tpu.memory_space<vmem>>[vector<16xi32>, vector<16xi32>], vector<16xf32>,
        %parallel_loop3A_1192 = arith.mulf %parallel_loop3A_1144, %parallel_loop3A_1189 : vector<16xf32>
        %parallel_loop3A_1193 = arith.mulf %parallel_loop3A_1149, %parallel_loop3A_1190 : vector<16xf32>
        %parallel_loop3A_1194 = arith.addf %parallel_loop3A_1192, %parallel_loop3A_1193 : vector<16xf32>
        %parallel_loop3A_1195 = arith.mulf %parallel_loop3A_1154, %parallel_loop3A_1191 : vector<16xf32>
        %parallel_loop3A_1196 = arith.addf %parallel_loop3A_1194, %parallel_loop3A_1195 : vector<16xf32>
        tpu.vector_store_idx %arg18[%broadcast_in_dim3A_73, %broadcast_in_dim3A_57, %add3A_54, %parallel_loop3A_1164], %parallel_loop3A_1196 : memref<2x8x32x40xf32, #tpu.memory_space<vmem>>[vector<16xi32>, vector<16xi32>, vector<16xi32>, vector<16xi32>], vector<16xf32>,
        %parallel_loop3A_1197 = tpu.vector_load_idx %arg17[%parallel_loop3A_1157, %add3A_15] : memref<192x256xf32, #tpu.memory_space<vmem>>[vector<16xi32>, vector<16xi32>], vector<16xf32>,
        %parallel_loop3A_1198 = tpu.vector_load_idx %arg17[%parallel_loop3A_1160, %add3A_15] : memref<192x256xf32, #tpu.memory_space<vmem>>[vector<16xi32>, vector<16xi32>], vector<16xf32>,
        %parallel_loop3A_1199 = tpu.vector_load_idx %arg17[%parallel_loop3A_1163, %add3A_15] : memref<192x256xf32, #tpu.memory_space<vmem>>[vector<16xi32>, vector<16xi32>], vector<16xf32>,
        %parallel_loop3A_1200 = arith.mulf %parallel_loop3A_1144, %parallel_loop3A_1197 : vector<16xf32>
        %parallel_loop3A_1201 = arith.mulf %parallel_loop3A_1149, %parallel_loop3A_1198 : vector<16xf32>
        %parallel_loop3A_1202 = arith.addf %parallel_loop3A_1200, %parallel_loop3A_1201 : vector<16xf32>
        %parallel_loop3A_1203 = arith.mulf %parallel_loop3A_1154, %parallel_loop3A_1199 : vector<16xf32>
        %parallel_loop3A_1204 = arith.addf %parallel_loop3A_1202, %parallel_loop3A_1203 : vector<16xf32>
        tpu.vector_store_idx %arg18[%broadcast_in_dim3A_73, %broadcast_in_dim3A_59, %add3A_51, %parallel_loop3A_1164], %parallel_loop3A_1204 : memref<2x8x32x40xf32, #tpu.memory_space<vmem>>[vector<16xi32>, vector<16xi32>, vector<16xi32>, vector<16xi32>], vector<16xf32>,
        %parallel_loop3A_1205 = tpu.vector_load_idx %arg17[%parallel_loop3A_1157, %add3A_18] : memref<192x256xf32, #tpu.memory_space<vmem>>[vector<16xi32>, vector<16xi32>], vector<16xf32>,
        %parallel_loop3A_1206 = tpu.vector_load_idx %arg17[%parallel_loop3A_1160, %add3A_18] : memref<192x256xf32, #tpu.memory_space<vmem>>[vector<16xi32>, vector<16xi32>], vector<16xf32>,
        %parallel_loop3A_1207 = tpu.vector_load_idx %arg17[%parallel_loop3A_1163, %add3A_18] : memref<192x256xf32, #tpu.memory_space<vmem>>[vector<16xi32>, vector<16xi32>], vector<16xf32>,
        %parallel_loop3A_1208 = arith.mulf %parallel_loop3A_1144, %parallel_loop3A_1205 : vector<16xf32>
        %parallel_loop3A_1209 = arith.mulf %parallel_loop3A_1149, %parallel_loop3A_1206 : vector<16xf32>
        %parallel_loop3A_1210 = arith.addf %parallel_loop3A_1208, %parallel_loop3A_1209 : vector<16xf32>
        %parallel_loop3A_1211 = arith.mulf %parallel_loop3A_1154, %parallel_loop3A_1207 : vector<16xf32>
        %parallel_loop3A_1212 = arith.addf %parallel_loop3A_1210, %parallel_loop3A_1211 : vector<16xf32>
        tpu.vector_store_idx %arg18[%broadcast_in_dim3A_73, %broadcast_in_dim3A_59, %add3A_54, %parallel_loop3A_1164], %parallel_loop3A_1212 : memref<2x8x32x40xf32, #tpu.memory_space<vmem>>[vector<16xi32>, vector<16xi32>, vector<16xi32>, vector<16xi32>], vector<16xf32>,
        %parallel_loop3A_1213 = tpu.vector_load_idx %arg17[%parallel_loop3A_1157, %add3A_21] : memref<192x256xf32, #tpu.memory_space<vmem>>[vector<16xi32>, vector<16xi32>], vector<16xf32>,
        %parallel_loop3A_1214 = tpu.vector_load_idx %arg17[%parallel_loop3A_1160, %add3A_21] : memref<192x256xf32, #tpu.memory_space<vmem>>[vector<16xi32>, vector<16xi32>], vector<16xf32>,
        %parallel_loop3A_1215 = tpu.vector_load_idx %arg17[%parallel_loop3A_1163, %add3A_21] : memref<192x256xf32, #tpu.memory_space<vmem>>[vector<16xi32>, vector<16xi32>], vector<16xf32>,
        %parallel_loop3A_1216 = arith.mulf %parallel_loop3A_1144, %parallel_loop3A_1213 : vector<16xf32>
        %parallel_loop3A_1217 = arith.mulf %parallel_loop3A_1149, %parallel_loop3A_1214 : vector<16xf32>
        %parallel_loop3A_1218 = arith.addf %parallel_loop3A_1216, %parallel_loop3A_1217 : vector<16xf32>
        %parallel_loop3A_1219 = arith.mulf %parallel_loop3A_1154, %parallel_loop3A_1215 : vector<16xf32>
        %parallel_loop3A_1220 = arith.addf %parallel_loop3A_1218, %parallel_loop3A_1219 : vector<16xf32>
        tpu.vector_store_idx %arg18[%broadcast_in_dim3A_73, %broadcast_in_dim3A_61, %add3A_51, %parallel_loop3A_1164], %parallel_loop3A_1220 : memref<2x8x32x40xf32, #tpu.memory_space<vmem>>[vector<16xi32>, vector<16xi32>, vector<16xi32>, vector<16xi32>], vector<16xf32>,
        %parallel_loop3A_1221 = tpu.vector_load_idx %arg17[%parallel_loop3A_1157, %add3A_24] : memref<192x256xf32, #tpu.memory_space<vmem>>[vector<16xi32>, vector<16xi32>], vector<16xf32>,
        %parallel_loop3A_1222 = tpu.vector_load_idx %arg17[%parallel_loop3A_1160, %add3A_24] : memref<192x256xf32, #tpu.memory_space<vmem>>[vector<16xi32>, vector<16xi32>], vector<16xf32>,
        %parallel_loop3A_1223 = tpu.vector_load_idx %arg17[%parallel_loop3A_1163, %add3A_24] : memref<192x256xf32, #tpu.memory_space<vmem>>[vector<16xi32>, vector<16xi32>], vector<16xf32>,
        %parallel_loop3A_1224 = arith.mulf %parallel_loop3A_1144, %parallel_loop3A_1221 : vector<16xf32>
        %parallel_loop3A_1225 = arith.mulf %parallel_loop3A_1149, %parallel_loop3A_1222 : vector<16xf32>
        %parallel_loop3A_1226 = arith.addf %parallel_loop3A_1224, %parallel_loop3A_1225 : vector<16xf32>
        %parallel_loop3A_1227 = arith.mulf %parallel_loop3A_1154, %parallel_loop3A_1223 : vector<16xf32>
        %parallel_loop3A_1228 = arith.addf %parallel_loop3A_1226, %parallel_loop3A_1227 : vector<16xf32>
        tpu.vector_store_idx %arg18[%broadcast_in_dim3A_73, %broadcast_in_dim3A_61, %add3A_54, %parallel_loop3A_1164], %parallel_loop3A_1228 : memref<2x8x32x40xf32, #tpu.memory_space<vmem>>[vector<16xi32>, vector<16xi32>, vector<16xi32>, vector<16xi32>], vector<16xf32>,
        %parallel_loop3A_1229 = tpu.vector_load_idx %arg17[%parallel_loop3A_1157, %add3A_27] : memref<192x256xf32, #tpu.memory_space<vmem>>[vector<16xi32>, vector<16xi32>], vector<16xf32>,
        %parallel_loop3A_1230 = tpu.vector_load_idx %arg17[%parallel_loop3A_1160, %add3A_27] : memref<192x256xf32, #tpu.memory_space<vmem>>[vector<16xi32>, vector<16xi32>], vector<16xf32>,
        %parallel_loop3A_1231 = tpu.vector_load_idx %arg17[%parallel_loop3A_1163, %add3A_27] : memref<192x256xf32, #tpu.memory_space<vmem>>[vector<16xi32>, vector<16xi32>], vector<16xf32>,
        %parallel_loop3A_1232 = arith.mulf %parallel_loop3A_1144, %parallel_loop3A_1229 : vector<16xf32>
        %parallel_loop3A_1233 = arith.mulf %parallel_loop3A_1149, %parallel_loop3A_1230 : vector<16xf32>
        %parallel_loop3A_1234 = arith.addf %parallel_loop3A_1232, %parallel_loop3A_1233 : vector<16xf32>
        %parallel_loop3A_1235 = arith.mulf %parallel_loop3A_1154, %parallel_loop3A_1231 : vector<16xf32>
        %parallel_loop3A_1236 = arith.addf %parallel_loop3A_1234, %parallel_loop3A_1235 : vector<16xf32>
        tpu.vector_store_idx %arg18[%broadcast_in_dim3A_73, %broadcast_in_dim3A_63, %add3A_51, %parallel_loop3A_1164], %parallel_loop3A_1236 : memref<2x8x32x40xf32, #tpu.memory_space<vmem>>[vector<16xi32>, vector<16xi32>, vector<16xi32>, vector<16xi32>], vector<16xf32>,
        %parallel_loop3A_1237 = tpu.vector_load_idx %arg17[%parallel_loop3A_1157, %add3A_30] : memref<192x256xf32, #tpu.memory_space<vmem>>[vector<16xi32>, vector<16xi32>], vector<16xf32>,
        %parallel_loop3A_1238 = tpu.vector_load_idx %arg17[%parallel_loop3A_1160, %add3A_30] : memref<192x256xf32, #tpu.memory_space<vmem>>[vector<16xi32>, vector<16xi32>], vector<16xf32>,
        %parallel_loop3A_1239 = tpu.vector_load_idx %arg17[%parallel_loop3A_1163, %add3A_30] : memref<192x256xf32, #tpu.memory_space<vmem>>[vector<16xi32>, vector<16xi32>], vector<16xf32>,
        %parallel_loop3A_1240 = arith.mulf %parallel_loop3A_1144, %parallel_loop3A_1237 : vector<16xf32>
        %parallel_loop3A_1241 = arith.mulf %parallel_loop3A_1149, %parallel_loop3A_1238 : vector<16xf32>
        %parallel_loop3A_1242 = arith.addf %parallel_loop3A_1240, %parallel_loop3A_1241 : vector<16xf32>
        %parallel_loop3A_1243 = arith.mulf %parallel_loop3A_1154, %parallel_loop3A_1239 : vector<16xf32>
        %parallel_loop3A_1244 = arith.addf %parallel_loop3A_1242, %parallel_loop3A_1243 : vector<16xf32>
        tpu.vector_store_idx %arg18[%broadcast_in_dim3A_73, %broadcast_in_dim3A_63, %add3A_54, %parallel_loop3A_1164], %parallel_loop3A_1244 : memref<2x8x32x40xf32, #tpu.memory_space<vmem>>[vector<16xi32>, vector<16xi32>, vector<16xi32>, vector<16xi32>], vector<16xf32>,
        %parallel_loop3A_1245 = tpu.vector_load_idx %arg17[%parallel_loop3A_1157, %add3A_33] : memref<192x256xf32, #tpu.memory_space<vmem>>[vector<16xi32>, vector<16xi32>], vector<16xf32>,
        %parallel_loop3A_1246 = tpu.vector_load_idx %arg17[%parallel_loop3A_1160, %add3A_33] : memref<192x256xf32, #tpu.memory_space<vmem>>[vector<16xi32>, vector<16xi32>], vector<16xf32>,
        %parallel_loop3A_1247 = tpu.vector_load_idx %arg17[%parallel_loop3A_1163, %add3A_33] : memref<192x256xf32, #tpu.memory_space<vmem>>[vector<16xi32>, vector<16xi32>], vector<16xf32>,
        %parallel_loop3A_1248 = arith.mulf %parallel_loop3A_1144, %parallel_loop3A_1245 : vector<16xf32>
        %parallel_loop3A_1249 = arith.mulf %parallel_loop3A_1149, %parallel_loop3A_1246 : vector<16xf32>
        %parallel_loop3A_1250 = arith.addf %parallel_loop3A_1248, %parallel_loop3A_1249 : vector<16xf32>
        %parallel_loop3A_1251 = arith.mulf %parallel_loop3A_1154, %parallel_loop3A_1247 : vector<16xf32>
        %parallel_loop3A_1252 = arith.addf %parallel_loop3A_1250, %parallel_loop3A_1251 : vector<16xf32>
        tpu.vector_store_idx %arg18[%broadcast_in_dim3A_73, %broadcast_in_dim3A_65, %add3A_51, %parallel_loop3A_1164], %parallel_loop3A_1252 : memref<2x8x32x40xf32, #tpu.memory_space<vmem>>[vector<16xi32>, vector<16xi32>, vector<16xi32>, vector<16xi32>], vector<16xf32>,
        %parallel_loop3A_1253 = tpu.vector_load_idx %arg17[%parallel_loop3A_1157, %add3A_36] : memref<192x256xf32, #tpu.memory_space<vmem>>[vector<16xi32>, vector<16xi32>], vector<16xf32>,
        %parallel_loop3A_1254 = tpu.vector_load_idx %arg17[%parallel_loop3A_1160, %add3A_36] : memref<192x256xf32, #tpu.memory_space<vmem>>[vector<16xi32>, vector<16xi32>], vector<16xf32>,
        %parallel_loop3A_1255 = tpu.vector_load_idx %arg17[%parallel_loop3A_1163, %add3A_36] : memref<192x256xf32, #tpu.memory_space<vmem>>[vector<16xi32>, vector<16xi32>], vector<16xf32>,
        %parallel_loop3A_1256 = arith.mulf %parallel_loop3A_1144, %parallel_loop3A_1253 : vector<16xf32>
        %parallel_loop3A_1257 = arith.mulf %parallel_loop3A_1149, %parallel_loop3A_1254 : vector<16xf32>
        %parallel_loop3A_1258 = arith.addf %parallel_loop3A_1256, %parallel_loop3A_1257 : vector<16xf32>
        %parallel_loop3A_1259 = arith.mulf %parallel_loop3A_1154, %parallel_loop3A_1255 : vector<16xf32>
        %parallel_loop3A_1260 = arith.addf %parallel_loop3A_1258, %parallel_loop3A_1259 : vector<16xf32>
        tpu.vector_store_idx %arg18[%broadcast_in_dim3A_73, %broadcast_in_dim3A_65, %add3A_54, %parallel_loop3A_1164], %parallel_loop3A_1260 : memref<2x8x32x40xf32, #tpu.memory_space<vmem>>[vector<16xi32>, vector<16xi32>, vector<16xi32>, vector<16xi32>], vector<16xf32>,
        %parallel_loop3A_1261 = tpu.vector_load_idx %arg17[%parallel_loop3A_1157, %add3A_39] : memref<192x256xf32, #tpu.memory_space<vmem>>[vector<16xi32>, vector<16xi32>], vector<16xf32>,
        %parallel_loop3A_1262 = tpu.vector_load_idx %arg17[%parallel_loop3A_1160, %add3A_39] : memref<192x256xf32, #tpu.memory_space<vmem>>[vector<16xi32>, vector<16xi32>], vector<16xf32>,
        %parallel_loop3A_1263 = tpu.vector_load_idx %arg17[%parallel_loop3A_1163, %add3A_39] : memref<192x256xf32, #tpu.memory_space<vmem>>[vector<16xi32>, vector<16xi32>], vector<16xf32>,
        %parallel_loop3A_1264 = arith.mulf %parallel_loop3A_1144, %parallel_loop3A_1261 : vector<16xf32>
        %parallel_loop3A_1265 = arith.mulf %parallel_loop3A_1149, %parallel_loop3A_1262 : vector<16xf32>
        %parallel_loop3A_1266 = arith.addf %parallel_loop3A_1264, %parallel_loop3A_1265 : vector<16xf32>
        %parallel_loop3A_1267 = arith.mulf %parallel_loop3A_1154, %parallel_loop3A_1263 : vector<16xf32>
        %parallel_loop3A_1268 = arith.addf %parallel_loop3A_1266, %parallel_loop3A_1267 : vector<16xf32>
        tpu.vector_store_idx %arg18[%broadcast_in_dim3A_73, %broadcast_in_dim3A_67, %add3A_51, %parallel_loop3A_1164], %parallel_loop3A_1268 : memref<2x8x32x40xf32, #tpu.memory_space<vmem>>[vector<16xi32>, vector<16xi32>, vector<16xi32>, vector<16xi32>], vector<16xf32>,
        %parallel_loop3A_1269 = tpu.vector_load_idx %arg17[%parallel_loop3A_1157, %add3A_42] : memref<192x256xf32, #tpu.memory_space<vmem>>[vector<16xi32>, vector<16xi32>], vector<16xf32>,
        %parallel_loop3A_1270 = tpu.vector_load_idx %arg17[%parallel_loop3A_1160, %add3A_42] : memref<192x256xf32, #tpu.memory_space<vmem>>[vector<16xi32>, vector<16xi32>], vector<16xf32>,
        %parallel_loop3A_1271 = tpu.vector_load_idx %arg17[%parallel_loop3A_1163, %add3A_42] : memref<192x256xf32, #tpu.memory_space<vmem>>[vector<16xi32>, vector<16xi32>], vector<16xf32>,
        %parallel_loop3A_1272 = arith.mulf %parallel_loop3A_1144, %parallel_loop3A_1269 : vector<16xf32>
        %parallel_loop3A_1273 = arith.mulf %parallel_loop3A_1149, %parallel_loop3A_1270 : vector<16xf32>
        %parallel_loop3A_1274 = arith.addf %parallel_loop3A_1272, %parallel_loop3A_1273 : vector<16xf32>
        %parallel_loop3A_1275 = arith.mulf %parallel_loop3A_1154, %parallel_loop3A_1271 : vector<16xf32>
        %parallel_loop3A_1276 = arith.addf %parallel_loop3A_1274, %parallel_loop3A_1275 : vector<16xf32>
        tpu.vector_store_idx %arg18[%broadcast_in_dim3A_73, %broadcast_in_dim3A_67, %add3A_54, %parallel_loop3A_1164], %parallel_loop3A_1276 : memref<2x8x32x40xf32, #tpu.memory_space<vmem>>[vector<16xi32>, vector<16xi32>, vector<16xi32>, vector<16xi32>], vector<16xf32>,
        %parallel_loop3A_1277 = tpu.vector_load_idx %arg17[%parallel_loop3A_1157, %add3A_45] : memref<192x256xf32, #tpu.memory_space<vmem>>[vector<16xi32>, vector<16xi32>], vector<16xf32>,
        %parallel_loop3A_1278 = tpu.vector_load_idx %arg17[%parallel_loop3A_1160, %add3A_45] : memref<192x256xf32, #tpu.memory_space<vmem>>[vector<16xi32>, vector<16xi32>], vector<16xf32>,
        %parallel_loop3A_1279 = tpu.vector_load_idx %arg17[%parallel_loop3A_1163, %add3A_45] : memref<192x256xf32, #tpu.memory_space<vmem>>[vector<16xi32>, vector<16xi32>], vector<16xf32>,
        %parallel_loop3A_1280 = arith.mulf %parallel_loop3A_1144, %parallel_loop3A_1277 : vector<16xf32>
        %parallel_loop3A_1281 = arith.mulf %parallel_loop3A_1149, %parallel_loop3A_1278 : vector<16xf32>
        %parallel_loop3A_1282 = arith.addf %parallel_loop3A_1280, %parallel_loop3A_1281 : vector<16xf32>
        %parallel_loop3A_1283 = arith.mulf %parallel_loop3A_1154, %parallel_loop3A_1279 : vector<16xf32>
        %parallel_loop3A_1284 = arith.addf %parallel_loop3A_1282, %parallel_loop3A_1283 : vector<16xf32>
        tpu.vector_store_idx %arg18[%broadcast_in_dim3A_73, %broadcast_in_dim3A_69, %add3A_51, %parallel_loop3A_1164], %parallel_loop3A_1284 : memref<2x8x32x40xf32, #tpu.memory_space<vmem>>[vector<16xi32>, vector<16xi32>, vector<16xi32>, vector<16xi32>], vector<16xf32>,
        %parallel_loop3A_1285 = tpu.vector_load_idx %arg17[%parallel_loop3A_1157, %add3A_48] : memref<192x256xf32, #tpu.memory_space<vmem>>[vector<16xi32>, vector<16xi32>], vector<16xf32>,
        %parallel_loop3A_1286 = tpu.vector_load_idx %arg17[%parallel_loop3A_1160, %add3A_48] : memref<192x256xf32, #tpu.memory_space<vmem>>[vector<16xi32>, vector<16xi32>], vector<16xf32>,
        %parallel_loop3A_1287 = tpu.vector_load_idx %arg17[%parallel_loop3A_1163, %add3A_48] : memref<192x256xf32, #tpu.memory_space<vmem>>[vector<16xi32>, vector<16xi32>], vector<16xf32>,
        %parallel_loop3A_1288 = arith.mulf %parallel_loop3A_1144, %parallel_loop3A_1285 : vector<16xf32>
        %parallel_loop3A_1289 = arith.mulf %parallel_loop3A_1149, %parallel_loop3A_1286 : vector<16xf32>
        %parallel_loop3A_1290 = arith.addf %parallel_loop3A_1288, %parallel_loop3A_1289 : vector<16xf32>
        %parallel_loop3A_1291 = arith.mulf %parallel_loop3A_1154, %parallel_loop3A_1287 : vector<16xf32>
        %parallel_loop3A_1292 = arith.addf %parallel_loop3A_1290, %parallel_loop3A_1291 : vector<16xf32>
        tpu.vector_store_idx %arg18[%broadcast_in_dim3A_73, %broadcast_in_dim3A_69, %add3A_54, %parallel_loop3A_1164], %parallel_loop3A_1292 : memref<2x8x32x40xf32, #tpu.memory_space<vmem>>[vector<16xi32>, vector<16xi32>, vector<16xi32>, vector<16xi32>], vector<16xf32>,
      } {sc.loop_unroll_factor = 2 : i64, sc.parallel_access}
      %add3A_950 = arith.constant 1 : i32
      %add3A_951 = arith.addi %add3A_603, %add3A_950 : i32
      %mul3A_952 = arith.constant 8 : i32
      %mul3A_953 = arith.muli %add3A, %mul3A_952 : i32
      %jit3A_954 = arith.constant 8 : i32
      %div3A_955 = arith.divsi %add3A_951, %jit3A_954 : i32
      %sign3A_956 = arith.constant 0 : i32
      %sign3A_957 = arith.cmpi sgt, %add3A_951, %sign3A_956 : i32
      %sign3A_958 = arith.extui %sign3A_957 : i1 to i32
      %sign3A_959 = arith.constant 0 : i32
      %sign3A_960 = arith.cmpi slt, %add3A_951, %sign3A_959 : i32
      %sign3A_961 = arith.extui %sign3A_960 : i1 to i32
      %sign3A_962 = arith.subi %sign3A_958, %sign3A_961 : i32
      %sign3A_963 = arith.constant 0 : i32
      %sign3A_964 = arith.cmpi sgt, %jit3A_954, %sign3A_963 : i32
      %sign3A_965 = arith.extui %sign3A_964 : i1 to i32
      %sign3A_966 = arith.constant 0 : i32
      %sign3A_967 = arith.cmpi slt, %jit3A_954, %sign3A_966 : i32
      %sign3A_968 = arith.extui %sign3A_967 : i1 to i32
      %sign3A_969 = arith.subi %sign3A_965, %sign3A_968 : i32
      %ne3A_970 = arith.cmpi ne, %sign3A_962, %sign3A_969 : i32
      %rem3A_971 = arith.remsi %add3A_951, %jit3A_954 : i32
      %ne3A_972 = arith.constant 0 : i32
      %ne3A_973 = arith.cmpi ne, %rem3A_971, %ne3A_972 : i32
      %and3A_974 = arith.andi %ne3A_970, %ne3A_973 : i1
      %sub3A_975 = arith.constant 1 : i32
      %sub3A_976 = arith.subi %div3A_955, %sub3A_975 : i32
      %select_n3A_977 = arith.select %and3A_974, %sub3A_976, %div3A_955 : i32
      %add3A_978 = arith.addi %mul3A_953, %select_n3A_977 : i32
      %jit3A_979 = arith.constant 8 : i32
      %eq3A_980 = arith.constant 0 : i32
      %eq3A_981 = arith.cmpi eq, %jit3A_979, %eq3A_980 : i32
      %jit3A_982 = arith.constant 1 : i32
      %select_n3A_983 = arith.select %eq3A_981, %jit3A_982, %jit3A_979 : i32
      %rem3A_984 = arith.remsi %add3A_951, %select_n3A_983 : i32
      %ne3A_985 = arith.constant 0 : i32
      %ne3A_986 = arith.cmpi ne, %rem3A_984, %ne3A_985 : i32
      %lt3A_987 = arith.constant 0 : i32
      %lt3A_988 = arith.cmpi slt, %rem3A_984, %lt3A_987 : i32
      %lt3A_989 = arith.constant 0 : i32
      %lt3A_990 = arith.cmpi slt, %select_n3A_983, %lt3A_989 : i32
      %ne3A_991 = arith.xori %lt3A_988, %lt3A_990 : i1
      %and3A_992 = arith.andi %ne3A_991, %ne3A_986 : i1
      %add3A_993 = arith.addi %rem3A_984, %select_n3A_983 : i32
      %select_n3A_994 = arith.select %and3A_992, %add3A_993, %rem3A_984 : i32
      %mul3A_995 = arith.constant 32 : i32
      %mul3A_996 = arith.muli %select_n3A_994, %mul3A_995 : i32
      %dma_start3A_997 = arith.constant 1 : i32
      %dma_start3A_998 = arith.constant 0 : i32
      %dma_start3A_999 = arith.constant 0 : i32
      %dma_start3A_1000 = arith.constant 0 : i32
      %dma_start3A_1001 = arith.constant 0 : i32
      %dma_start3A_1002 = tpu.memref_slice %arg18[%dma_start3A_997, %dma_start3A_998, %dma_start3A_1000, %dma_start3A_1001] : memref<2x8x32x40xf32, #tpu.memory_space<vmem>> -> memref<1x1x32x32xf32, #tpu.memory_space<vmem>>
      %dma_start3A_1003 = tpu.memref_squeeze %dma_start3A_1002 : memref<1x1x32x32xf32, #tpu.memory_space<vmem>> -> memref<32x32xf32, #tpu.memory_space<vmem>>
      %dma_start3A_1004 = arith.constant 0 : i32
      %dma_start3A_1005 = tpu.memref_slice %arg11[%dma_start3A_999, %add3A_978, %dma_start3A_1004, %mul3A_996] : memref<8x256x32x256xf32, #tpu.memory_space<hbm>> -> memref<1x1x32x32xf32, #tpu.memory_space<hbm>>
      %dma_start3A_1006 = tpu.memref_squeeze %dma_start3A_1005 : memref<1x1x32x32xf32, #tpu.memory_space<hbm>> -> memref<32x32xf32, #tpu.memory_space<hbm>>
      %dma_start3A_1007 = arith.constant 0 : i32
      %dma_start3A_1008 = tpu.memref_slice %arg11[%dma_start3A_999, %add3A_978, %dma_start3A_1007, %mul3A_996] : memref<8x256x32x256xf32, #tpu.memory_space<hbm>> -> memref<1x1x32x32xf32, #tpu.memory_space<hbm>>
      %dma_start3A_1009 = tpu.memref_squeeze %dma_start3A_1008 : memref<1x1x32x32xf32, #tpu.memory_space<hbm>> -> memref<32x32xf32, #tpu.memory_space<hbm>>
      %dma_start3A_1010 = arith.constant 0 : i32
      %dma_start3A_1011 = arith.constant 0 : i32
      %dma_start3A_1012 = tpu.memref_slice %arg18[%dma_start3A_997, %dma_start3A_998, %dma_start3A_1010, %dma_start3A_1011] : memref<2x8x32x40xf32, #tpu.memory_space<vmem>> -> memref<1x1x32x32xf32, #tpu.memory_space<vmem>>
      %dma_start3A_1013 = tpu.memref_squeeze %dma_start3A_1012 : memref<1x1x32x32xf32, #tpu.memory_space<vmem>> -> memref<32x32xf32, #tpu.memory_space<vmem>>
      tpu.enqueue_dma source(%dma_start3A_1013 : memref<32x32xf32, #tpu.memory_space<vmem>>) target(%dma_start3A_1009 : memref<32x32xf32, #tpu.memory_space<hbm>>) target_semaphore(%arg23 : memref<!tpu.dma_semaphore, #tpu.memory_space<semaphore_mem>>)
      %dma_start3A_1014 = arith.constant 1 : i32
      %dma_start3A_1015 = arith.constant 1 : i32
      %dma_start3A_1016 = arith.constant 1 : i32
      %dma_start3A_1017 = arith.constant 0 : i32
      %dma_start3A_1018 = arith.constant 0 : i32
      %dma_start3A_1019 = tpu.memref_slice %arg18[%dma_start3A_1014, %dma_start3A_1015, %dma_start3A_1017, %dma_start3A_1018] : memref<2x8x32x40xf32, #tpu.memory_space<vmem>> -> memref<1x1x32x32xf32, #tpu.memory_space<vmem>>
      %dma_start3A_1020 = tpu.memref_squeeze %dma_start3A_1019 : memref<1x1x32x32xf32, #tpu.memory_space<vmem>> -> memref<32x32xf32, #tpu.memory_space<vmem>>
      %dma_start3A_1021 = arith.constant 0 : i32
      %dma_start3A_1022 = tpu.memref_slice %arg11[%dma_start3A_1016, %add3A_978, %dma_start3A_1021, %mul3A_996] : memref<8x256x32x256xf32, #tpu.memory_space<hbm>> -> memref<1x1x32x32xf32, #tpu.memory_space<hbm>>
      %dma_start3A_1023 = tpu.memref_squeeze %dma_start3A_1022 : memref<1x1x32x32xf32, #tpu.memory_space<hbm>> -> memref<32x32xf32, #tpu.memory_space<hbm>>
      %dma_start3A_1024 = arith.constant 0 : i32
      %dma_start3A_1025 = tpu.memref_slice %arg11[%dma_start3A_1016, %add3A_978, %dma_start3A_1024, %mul3A_996] : memref<8x256x32x256xf32, #tpu.memory_space<hbm>> -> memref<1x1x32x32xf32, #tpu.memory_space<hbm>>
      %dma_start3A_1026 = tpu.memref_squeeze %dma_start3A_1025 : memref<1x1x32x32xf32, #tpu.memory_space<hbm>> -> memref<32x32xf32, #tpu.memory_space<hbm>>
      %dma_start3A_1027 = arith.constant 0 : i32
      %dma_start3A_1028 = arith.constant 0 : i32
      %dma_start3A_1029 = tpu.memref_slice %arg18[%dma_start3A_1014, %dma_start3A_1015, %dma_start3A_1027, %dma_start3A_1028] : memref<2x8x32x40xf32, #tpu.memory_space<vmem>> -> memref<1x1x32x32xf32, #tpu.memory_space<vmem>>
      %dma_start3A_1030 = tpu.memref_squeeze %dma_start3A_1029 : memref<1x1x32x32xf32, #tpu.memory_space<vmem>> -> memref<32x32xf32, #tpu.memory_space<vmem>>
      tpu.enqueue_dma source(%dma_start3A_1030 : memref<32x32xf32, #tpu.memory_space<vmem>>) target(%dma_start3A_1026 : memref<32x32xf32, #tpu.memory_space<hbm>>) target_semaphore(%arg23 : memref<!tpu.dma_semaphore, #tpu.memory_space<semaphore_mem>>)
      %dma_start3A_1031 = arith.constant 1 : i32
      %dma_start3A_1032 = arith.constant 2 : i32
      %dma_start3A_1033 = arith.constant 2 : i32
      %dma_start3A_1034 = arith.constant 0 : i32
      %dma_start3A_1035 = arith.constant 0 : i32
      %dma_start3A_1036 = tpu.memref_slice %arg18[%dma_start3A_1031, %dma_start3A_1032, %dma_start3A_1034, %dma_start3A_1035] : memref<2x8x32x40xf32, #tpu.memory_space<vmem>> -> memref<1x1x32x32xf32, #tpu.memory_space<vmem>>
      %dma_start3A_1037 = tpu.memref_squeeze %dma_start3A_1036 : memref<1x1x32x32xf32, #tpu.memory_space<vmem>> -> memref<32x32xf32, #tpu.memory_space<vmem>>
      %dma_start3A_1038 = arith.constant 0 : i32
      %dma_start3A_1039 = tpu.memref_slice %arg11[%dma_start3A_1033, %add3A_978, %dma_start3A_1038, %mul3A_996] : memref<8x256x32x256xf32, #tpu.memory_space<hbm>> -> memref<1x1x32x32xf32, #tpu.memory_space<hbm>>
      %dma_start3A_1040 = tpu.memref_squeeze %dma_start3A_1039 : memref<1x1x32x32xf32, #tpu.memory_space<hbm>> -> memref<32x32xf32, #tpu.memory_space<hbm>>
      %dma_start3A_1041 = arith.constant 0 : i32
      %dma_start3A_1042 = tpu.memref_slice %arg11[%dma_start3A_1033, %add3A_978, %dma_start3A_1041, %mul3A_996] : memref<8x256x32x256xf32, #tpu.memory_space<hbm>> -> memref<1x1x32x32xf32, #tpu.memory_space<hbm>>
      %dma_start3A_1043 = tpu.memref_squeeze %dma_start3A_1042 : memref<1x1x32x32xf32, #tpu.memory_space<hbm>> -> memref<32x32xf32, #tpu.memory_space<hbm>>
      %dma_start3A_1044 = arith.constant 0 : i32
      %dma_start3A_1045 = arith.constant 0 : i32
      %dma_start3A_1046 = tpu.memref_slice %arg18[%dma_start3A_1031, %dma_start3A_1032, %dma_start3A_1044, %dma_start3A_1045] : memref<2x8x32x40xf32, #tpu.memory_space<vmem>> -> memref<1x1x32x32xf32, #tpu.memory_space<vmem>>
      %dma_start3A_1047 = tpu.memref_squeeze %dma_start3A_1046 : memref<1x1x32x32xf32, #tpu.memory_space<vmem>> -> memref<32x32xf32, #tpu.memory_space<vmem>>
      tpu.enqueue_dma source(%dma_start3A_1047 : memref<32x32xf32, #tpu.memory_space<vmem>>) target(%dma_start3A_1043 : memref<32x32xf32, #tpu.memory_space<hbm>>) target_semaphore(%arg23 : memref<!tpu.dma_semaphore, #tpu.memory_space<semaphore_mem>>)
      %dma_start3A_1048 = arith.constant 1 : i32
      %dma_start3A_1049 = arith.constant 3 : i32
      %dma_start3A_1050 = arith.constant 3 : i32
      %dma_start3A_1051 = arith.constant 0 : i32
      %dma_start3A_1052 = arith.constant 0 : i32
      %dma_start3A_1053 = tpu.memref_slice %arg18[%dma_start3A_1048, %dma_start3A_1049, %dma_start3A_1051, %dma_start3A_1052] : memref<2x8x32x40xf32, #tpu.memory_space<vmem>> -> memref<1x1x32x32xf32, #tpu.memory_space<vmem>>
      %dma_start3A_1054 = tpu.memref_squeeze %dma_start3A_1053 : memref<1x1x32x32xf32, #tpu.memory_space<vmem>> -> memref<32x32xf32, #tpu.memory_space<vmem>>
      %dma_start3A_1055 = arith.constant 0 : i32
      %dma_start3A_1056 = tpu.memref_slice %arg11[%dma_start3A_1050, %add3A_978, %dma_start3A_1055, %mul3A_996] : memref<8x256x32x256xf32, #tpu.memory_space<hbm>> -> memref<1x1x32x32xf32, #tpu.memory_space<hbm>>
      %dma_start3A_1057 = tpu.memref_squeeze %dma_start3A_1056 : memref<1x1x32x32xf32, #tpu.memory_space<hbm>> -> memref<32x32xf32, #tpu.memory_space<hbm>>
      %dma_start3A_1058 = arith.constant 0 : i32
      %dma_start3A_1059 = tpu.memref_slice %arg11[%dma_start3A_1050, %add3A_978, %dma_start3A_1058, %mul3A_996] : memref<8x256x32x256xf32, #tpu.memory_space<hbm>> -> memref<1x1x32x32xf32, #tpu.memory_space<hbm>>
      %dma_start3A_1060 = tpu.memref_squeeze %dma_start3A_1059 : memref<1x1x32x32xf32, #tpu.memory_space<hbm>> -> memref<32x32xf32, #tpu.memory_space<hbm>>
      %dma_start3A_1061 = arith.constant 0 : i32
      %dma_start3A_1062 = arith.constant 0 : i32
      %dma_start3A_1063 = tpu.memref_slice %arg18[%dma_start3A_1048, %dma_start3A_1049, %dma_start3A_1061, %dma_start3A_1062] : memref<2x8x32x40xf32, #tpu.memory_space<vmem>> -> memref<1x1x32x32xf32, #tpu.memory_space<vmem>>
      %dma_start3A_1064 = tpu.memref_squeeze %dma_start3A_1063 : memref<1x1x32x32xf32, #tpu.memory_space<vmem>> -> memref<32x32xf32, #tpu.memory_space<vmem>>
      tpu.enqueue_dma source(%dma_start3A_1064 : memref<32x32xf32, #tpu.memory_space<vmem>>) target(%dma_start3A_1060 : memref<32x32xf32, #tpu.memory_space<hbm>>) target_semaphore(%arg23 : memref<!tpu.dma_semaphore, #tpu.memory_space<semaphore_mem>>)
      %dma_start3A_1065 = arith.constant 1 : i32
      %dma_start3A_1066 = arith.constant 4 : i32
      %dma_start3A_1067 = arith.constant 4 : i32
      %dma_start3A_1068 = arith.constant 0 : i32
      %dma_start3A_1069 = arith.constant 0 : i32
      %dma_start3A_1070 = tpu.memref_slice %arg18[%dma_start3A_1065, %dma_start3A_1066, %dma_start3A_1068, %dma_start3A_1069] : memref<2x8x32x40xf32, #tpu.memory_space<vmem>> -> memref<1x1x32x32xf32, #tpu.memory_space<vmem>>
      %dma_start3A_1071 = tpu.memref_squeeze %dma_start3A_1070 : memref<1x1x32x32xf32, #tpu.memory_space<vmem>> -> memref<32x32xf32, #tpu.memory_space<vmem>>
      %dma_start3A_1072 = arith.constant 0 : i32
      %dma_start3A_1073 = tpu.memref_slice %arg11[%dma_start3A_1067, %add3A_978, %dma_start3A_1072, %mul3A_996] : memref<8x256x32x256xf32, #tpu.memory_space<hbm>> -> memref<1x1x32x32xf32, #tpu.memory_space<hbm>>
      %dma_start3A_1074 = tpu.memref_squeeze %dma_start3A_1073 : memref<1x1x32x32xf32, #tpu.memory_space<hbm>> -> memref<32x32xf32, #tpu.memory_space<hbm>>
      %dma_start3A_1075 = arith.constant 0 : i32
      %dma_start3A_1076 = tpu.memref_slice %arg11[%dma_start3A_1067, %add3A_978, %dma_start3A_1075, %mul3A_996] : memref<8x256x32x256xf32, #tpu.memory_space<hbm>> -> memref<1x1x32x32xf32, #tpu.memory_space<hbm>>
      %dma_start3A_1077 = tpu.memref_squeeze %dma_start3A_1076 : memref<1x1x32x32xf32, #tpu.memory_space<hbm>> -> memref<32x32xf32, #tpu.memory_space<hbm>>
      %dma_start3A_1078 = arith.constant 0 : i32
      %dma_start3A_1079 = arith.constant 0 : i32
      %dma_start3A_1080 = tpu.memref_slice %arg18[%dma_start3A_1065, %dma_start3A_1066, %dma_start3A_1078, %dma_start3A_1079] : memref<2x8x32x40xf32, #tpu.memory_space<vmem>> -> memref<1x1x32x32xf32, #tpu.memory_space<vmem>>
      %dma_start3A_1081 = tpu.memref_squeeze %dma_start3A_1080 : memref<1x1x32x32xf32, #tpu.memory_space<vmem>> -> memref<32x32xf32, #tpu.memory_space<vmem>>
      tpu.enqueue_dma source(%dma_start3A_1081 : memref<32x32xf32, #tpu.memory_space<vmem>>) target(%dma_start3A_1077 : memref<32x32xf32, #tpu.memory_space<hbm>>) target_semaphore(%arg23 : memref<!tpu.dma_semaphore, #tpu.memory_space<semaphore_mem>>)
      %dma_start3A_1082 = arith.constant 1 : i32
      %dma_start3A_1083 = arith.constant 5 : i32
      %dma_start3A_1084 = arith.constant 5 : i32
      %dma_start3A_1085 = arith.constant 0 : i32
      %dma_start3A_1086 = arith.constant 0 : i32
      %dma_start3A_1087 = tpu.memref_slice %arg18[%dma_start3A_1082, %dma_start3A_1083, %dma_start3A_1085, %dma_start3A_1086] : memref<2x8x32x40xf32, #tpu.memory_space<vmem>> -> memref<1x1x32x32xf32, #tpu.memory_space<vmem>>
      %dma_start3A_1088 = tpu.memref_squeeze %dma_start3A_1087 : memref<1x1x32x32xf32, #tpu.memory_space<vmem>> -> memref<32x32xf32, #tpu.memory_space<vmem>>
      %dma_start3A_1089 = arith.constant 0 : i32
      %dma_start3A_1090 = tpu.memref_slice %arg11[%dma_start3A_1084, %add3A_978, %dma_start3A_1089, %mul3A_996] : memref<8x256x32x256xf32, #tpu.memory_space<hbm>> -> memref<1x1x32x32xf32, #tpu.memory_space<hbm>>
      %dma_start3A_1091 = tpu.memref_squeeze %dma_start3A_1090 : memref<1x1x32x32xf32, #tpu.memory_space<hbm>> -> memref<32x32xf32, #tpu.memory_space<hbm>>
      %dma_start3A_1092 = arith.constant 0 : i32
      %dma_start3A_1093 = tpu.memref_slice %arg11[%dma_start3A_1084, %add3A_978, %dma_start3A_1092, %mul3A_996] : memref<8x256x32x256xf32, #tpu.memory_space<hbm>> -> memref<1x1x32x32xf32, #tpu.memory_space<hbm>>
      %dma_start3A_1094 = tpu.memref_squeeze %dma_start3A_1093 : memref<1x1x32x32xf32, #tpu.memory_space<hbm>> -> memref<32x32xf32, #tpu.memory_space<hbm>>
      %dma_start3A_1095 = arith.constant 0 : i32
      %dma_start3A_1096 = arith.constant 0 : i32
      %dma_start3A_1097 = tpu.memref_slice %arg18[%dma_start3A_1082, %dma_start3A_1083, %dma_start3A_1095, %dma_start3A_1096] : memref<2x8x32x40xf32, #tpu.memory_space<vmem>> -> memref<1x1x32x32xf32, #tpu.memory_space<vmem>>
      %dma_start3A_1098 = tpu.memref_squeeze %dma_start3A_1097 : memref<1x1x32x32xf32, #tpu.memory_space<vmem>> -> memref<32x32xf32, #tpu.memory_space<vmem>>
      tpu.enqueue_dma source(%dma_start3A_1098 : memref<32x32xf32, #tpu.memory_space<vmem>>) target(%dma_start3A_1094 : memref<32x32xf32, #tpu.memory_space<hbm>>) target_semaphore(%arg23 : memref<!tpu.dma_semaphore, #tpu.memory_space<semaphore_mem>>)
      %dma_start3A_1099 = arith.constant 1 : i32
      %dma_start3A_1100 = arith.constant 6 : i32
      %dma_start3A_1101 = arith.constant 6 : i32
      %dma_start3A_1102 = arith.constant 0 : i32
      %dma_start3A_1103 = arith.constant 0 : i32
      %dma_start3A_1104 = tpu.memref_slice %arg18[%dma_start3A_1099, %dma_start3A_1100, %dma_start3A_1102, %dma_start3A_1103] : memref<2x8x32x40xf32, #tpu.memory_space<vmem>> -> memref<1x1x32x32xf32, #tpu.memory_space<vmem>>
      %dma_start3A_1105 = tpu.memref_squeeze %dma_start3A_1104 : memref<1x1x32x32xf32, #tpu.memory_space<vmem>> -> memref<32x32xf32, #tpu.memory_space<vmem>>
      %dma_start3A_1106 = arith.constant 0 : i32
      %dma_start3A_1107 = tpu.memref_slice %arg11[%dma_start3A_1101, %add3A_978, %dma_start3A_1106, %mul3A_996] : memref<8x256x32x256xf32, #tpu.memory_space<hbm>> -> memref<1x1x32x32xf32, #tpu.memory_space<hbm>>
      %dma_start3A_1108 = tpu.memref_squeeze %dma_start3A_1107 : memref<1x1x32x32xf32, #tpu.memory_space<hbm>> -> memref<32x32xf32, #tpu.memory_space<hbm>>
      %dma_start3A_1109 = arith.constant 0 : i32
      %dma_start3A_1110 = tpu.memref_slice %arg11[%dma_start3A_1101, %add3A_978, %dma_start3A_1109, %mul3A_996] : memref<8x256x32x256xf32, #tpu.memory_space<hbm>> -> memref<1x1x32x32xf32, #tpu.memory_space<hbm>>
      %dma_start3A_1111 = tpu.memref_squeeze %dma_start3A_1110 : memref<1x1x32x32xf32, #tpu.memory_space<hbm>> -> memref<32x32xf32, #tpu.memory_space<hbm>>
      %dma_start3A_1112 = arith.constant 0 : i32
      %dma_start3A_1113 = arith.constant 0 : i32
      %dma_start3A_1114 = tpu.memref_slice %arg18[%dma_start3A_1099, %dma_start3A_1100, %dma_start3A_1112, %dma_start3A_1113] : memref<2x8x32x40xf32, #tpu.memory_space<vmem>> -> memref<1x1x32x32xf32, #tpu.memory_space<vmem>>
      %dma_start3A_1115 = tpu.memref_squeeze %dma_start3A_1114 : memref<1x1x32x32xf32, #tpu.memory_space<vmem>> -> memref<32x32xf32, #tpu.memory_space<vmem>>
      tpu.enqueue_dma source(%dma_start3A_1115 : memref<32x32xf32, #tpu.memory_space<vmem>>) target(%dma_start3A_1111 : memref<32x32xf32, #tpu.memory_space<hbm>>) target_semaphore(%arg23 : memref<!tpu.dma_semaphore, #tpu.memory_space<semaphore_mem>>)
      %dma_start3A_1116 = arith.constant 1 : i32
      %dma_start3A_1117 = arith.constant 7 : i32
      %dma_start3A_1118 = arith.constant 7 : i32
      %dma_start3A_1119 = arith.constant 0 : i32
      %dma_start3A_1120 = arith.constant 0 : i32
      %dma_start3A_1121 = tpu.memref_slice %arg18[%dma_start3A_1116, %dma_start3A_1117, %dma_start3A_1119, %dma_start3A_1120] : memref<2x8x32x40xf32, #tpu.memory_space<vmem>> -> memref<1x1x32x32xf32, #tpu.memory_space<vmem>>
      %dma_start3A_1122 = tpu.memref_squeeze %dma_start3A_1121 : memref<1x1x32x32xf32, #tpu.memory_space<vmem>> -> memref<32x32xf32, #tpu.memory_space<vmem>>
      %dma_start3A_1123 = arith.constant 0 : i32
      %dma_start3A_1124 = tpu.memref_slice %arg11[%dma_start3A_1118, %add3A_978, %dma_start3A_1123, %mul3A_996] : memref<8x256x32x256xf32, #tpu.memory_space<hbm>> -> memref<1x1x32x32xf32, #tpu.memory_space<hbm>>
      %dma_start3A_1125 = tpu.memref_squeeze %dma_start3A_1124 : memref<1x1x32x32xf32, #tpu.memory_space<hbm>> -> memref<32x32xf32, #tpu.memory_space<hbm>>
      %dma_start3A_1126 = arith.constant 0 : i32
      %dma_start3A_1127 = tpu.memref_slice %arg11[%dma_start3A_1118, %add3A_978, %dma_start3A_1126, %mul3A_996] : memref<8x256x32x256xf32, #tpu.memory_space<hbm>> -> memref<1x1x32x32xf32, #tpu.memory_space<hbm>>
      %dma_start3A_1128 = tpu.memref_squeeze %dma_start3A_1127 : memref<1x1x32x32xf32, #tpu.memory_space<hbm>> -> memref<32x32xf32, #tpu.memory_space<hbm>>
      %dma_start3A_1129 = arith.constant 0 : i32
      %dma_start3A_1130 = arith.constant 0 : i32
      %dma_start3A_1131 = tpu.memref_slice %arg18[%dma_start3A_1116, %dma_start3A_1117, %dma_start3A_1129, %dma_start3A_1130] : memref<2x8x32x40xf32, #tpu.memory_space<vmem>> -> memref<1x1x32x32xf32, #tpu.memory_space<vmem>>
      %dma_start3A_1132 = tpu.memref_squeeze %dma_start3A_1131 : memref<1x1x32x32xf32, #tpu.memory_space<vmem>> -> memref<32x32xf32, #tpu.memory_space<vmem>>
      tpu.enqueue_dma source(%dma_start3A_1132 : memref<32x32xf32, #tpu.memory_space<vmem>>) target(%dma_start3A_1128 : memref<32x32xf32, #tpu.memory_space<hbm>>) target_semaphore(%arg23 : memref<!tpu.dma_semaphore, #tpu.memory_space<semaphore_mem>>)
    }
    %scan3A_286 = arith.constant 32 : i32
    %mul3A_287 = arith.constant 8 : i32
    %mul3A_288 = arith.muli %add3A, %mul3A_287 : i32
    %add3A_289 = arith.constant 7 : i32
    %add3A_290 = arith.addi %mul3A_288, %add3A_289 : i32
    %dma_wait3A_291 = arith.constant 0 : i32
    %dma_wait3A_292 = arith.constant 0 : i32
    %dma_wait3A_293 = arith.constant 0 : i32
    %dma_wait3A_294 = arith.constant 0 : i32
    %dma_wait3A_295 = arith.constant 0 : i32
    %dma_wait3A_296 = tpu.memref_slice %arg18[%dma_wait3A_291, %dma_wait3A_292, %dma_wait3A_294, %dma_wait3A_295] : memref<2x8x32x40xf32, #tpu.memory_space<vmem>> -> memref<1x1x32x32xf32, #tpu.memory_space<vmem>>
    %dma_wait3A_297 = tpu.memref_squeeze %dma_wait3A_296 : memref<1x1x32x32xf32, #tpu.memory_space<vmem>> -> memref<32x32xf32, #tpu.memory_space<vmem>>
    %dma_wait3A_298 = arith.constant 0 : i32
    %dma_wait3A_299 = arith.constant 192 : i32
    %dma_wait3A_300 = tpu.memref_slice %arg11[%dma_wait3A_293, %add3A_290, %dma_wait3A_298, %dma_wait3A_299] : memref<8x256x32x256xf32, #tpu.memory_space<hbm>> -> memref<1x1x32x32xf32, #tpu.memory_space<hbm>>
    %dma_wait3A_301 = tpu.memref_squeeze %dma_wait3A_300 : memref<1x1x32x32xf32, #tpu.memory_space<hbm>> -> memref<32x32xf32, #tpu.memory_space<hbm>>
    %dma_wait3A_302 = arith.constant 0 : i32
    %dma_wait3A_303 = arith.constant 192 : i32
    %dma_wait3A_304 = tpu.memref_slice %arg11[%dma_wait3A_293, %add3A_290, %dma_wait3A_302, %dma_wait3A_303] : memref<8x256x32x256xf32, #tpu.memory_space<hbm>> -> memref<1x1x32x32xf32, #tpu.memory_space<hbm>>
    %dma_wait3A_305 = tpu.memref_squeeze %dma_wait3A_304 : memref<1x1x32x32xf32, #tpu.memory_space<hbm>> -> memref<32x32xf32, #tpu.memory_space<hbm>>
    %dma_wait3A_306 = arith.constant 0 : i32
    %dma_wait3A_307 = arith.constant 0 : i32
    %dma_wait3A_308 = tpu.memref_slice %arg18[%dma_wait3A_291, %dma_wait3A_292, %dma_wait3A_306, %dma_wait3A_307] : memref<2x8x32x40xf32, #tpu.memory_space<vmem>> -> memref<1x1x32x32xf32, #tpu.memory_space<vmem>>
    %dma_wait3A_309 = tpu.memref_squeeze %dma_wait3A_308 : memref<1x1x32x32xf32, #tpu.memory_space<vmem>> -> memref<32x32xf32, #tpu.memory_space<vmem>>
    tpu.wait_dma2 semaphore(%arg22 : memref<!tpu.dma_semaphore, #tpu.memory_space<semaphore_mem>>) src(%dma_wait3A_309 : memref<32x32xf32, #tpu.memory_space<vmem>>) dst(%dma_wait3A_305 : memref<32x32xf32, #tpu.memory_space<hbm>>)
    %dma_wait3A_310 = arith.constant 0 : i32
    %dma_wait3A_311 = arith.constant 1 : i32
    %dma_wait3A_312 = arith.constant 1 : i32
    %dma_wait3A_313 = arith.constant 0 : i32
    %dma_wait3A_314 = arith.constant 0 : i32
    %dma_wait3A_315 = tpu.memref_slice %arg18[%dma_wait3A_310, %dma_wait3A_311, %dma_wait3A_313, %dma_wait3A_314] : memref<2x8x32x40xf32, #tpu.memory_space<vmem>> -> memref<1x1x32x32xf32, #tpu.memory_space<vmem>>
    %dma_wait3A_316 = tpu.memref_squeeze %dma_wait3A_315 : memref<1x1x32x32xf32, #tpu.memory_space<vmem>> -> memref<32x32xf32, #tpu.memory_space<vmem>>
    %dma_wait3A_317 = arith.constant 0 : i32
    %dma_wait3A_318 = arith.constant 192 : i32
    %dma_wait3A_319 = tpu.memref_slice %arg11[%dma_wait3A_312, %add3A_290, %dma_wait3A_317, %dma_wait3A_318] : memref<8x256x32x256xf32, #tpu.memory_space<hbm>> -> memref<1x1x32x32xf32, #tpu.memory_space<hbm>>
    %dma_wait3A_320 = tpu.memref_squeeze %dma_wait3A_319 : memref<1x1x32x32xf32, #tpu.memory_space<hbm>> -> memref<32x32xf32, #tpu.memory_space<hbm>>
    %dma_wait3A_321 = arith.constant 0 : i32
    %dma_wait3A_322 = arith.constant 192 : i32
    %dma_wait3A_323 = tpu.memref_slice %arg11[%dma_wait3A_312, %add3A_290, %dma_wait3A_321, %dma_wait3A_322] : memref<8x256x32x256xf32, #tpu.memory_space<hbm>> -> memref<1x1x32x32xf32, #tpu.memory_space<hbm>>
    %dma_wait3A_324 = tpu.memref_squeeze %dma_wait3A_323 : memref<1x1x32x32xf32, #tpu.memory_space<hbm>> -> memref<32x32xf32, #tpu.memory_space<hbm>>
    %dma_wait3A_325 = arith.constant 0 : i32
    %dma_wait3A_326 = arith.constant 0 : i32
    %dma_wait3A_327 = tpu.memref_slice %arg18[%dma_wait3A_310, %dma_wait3A_311, %dma_wait3A_325, %dma_wait3A_326] : memref<2x8x32x40xf32, #tpu.memory_space<vmem>> -> memref<1x1x32x32xf32, #tpu.memory_space<vmem>>
    %dma_wait3A_328 = tpu.memref_squeeze %dma_wait3A_327 : memref<1x1x32x32xf32, #tpu.memory_space<vmem>> -> memref<32x32xf32, #tpu.memory_space<vmem>>
    tpu.wait_dma2 semaphore(%arg22 : memref<!tpu.dma_semaphore, #tpu.memory_space<semaphore_mem>>) src(%dma_wait3A_328 : memref<32x32xf32, #tpu.memory_space<vmem>>) dst(%dma_wait3A_324 : memref<32x32xf32, #tpu.memory_space<hbm>>)
    %dma_wait3A_329 = arith.constant 0 : i32
    %dma_wait3A_330 = arith.constant 2 : i32
    %dma_wait3A_331 = arith.constant 2 : i32
    %dma_wait3A_332 = arith.constant 0 : i32
    %dma_wait3A_333 = arith.constant 0 : i32
    %dma_wait3A_334 = tpu.memref_slice %arg18[%dma_wait3A_329, %dma_wait3A_330, %dma_wait3A_332, %dma_wait3A_333] : memref<2x8x32x40xf32, #tpu.memory_space<vmem>> -> memref<1x1x32x32xf32, #tpu.memory_space<vmem>>
    %dma_wait3A_335 = tpu.memref_squeeze %dma_wait3A_334 : memref<1x1x32x32xf32, #tpu.memory_space<vmem>> -> memref<32x32xf32, #tpu.memory_space<vmem>>
    %dma_wait3A_336 = arith.constant 0 : i32
    %dma_wait3A_337 = arith.constant 192 : i32
    %dma_wait3A_338 = tpu.memref_slice %arg11[%dma_wait3A_331, %add3A_290, %dma_wait3A_336, %dma_wait3A_337] : memref<8x256x32x256xf32, #tpu.memory_space<hbm>> -> memref<1x1x32x32xf32, #tpu.memory_space<hbm>>
    %dma_wait3A_339 = tpu.memref_squeeze %dma_wait3A_338 : memref<1x1x32x32xf32, #tpu.memory_space<hbm>> -> memref<32x32xf32, #tpu.memory_space<hbm>>
    %dma_wait3A_340 = arith.constant 0 : i32
    %dma_wait3A_341 = arith.constant 192 : i32
    %dma_wait3A_342 = tpu.memref_slice %arg11[%dma_wait3A_331, %add3A_290, %dma_wait3A_340, %dma_wait3A_341] : memref<8x256x32x256xf32, #tpu.memory_space<hbm>> -> memref<1x1x32x32xf32, #tpu.memory_space<hbm>>
    %dma_wait3A_343 = tpu.memref_squeeze %dma_wait3A_342 : memref<1x1x32x32xf32, #tpu.memory_space<hbm>> -> memref<32x32xf32, #tpu.memory_space<hbm>>
    %dma_wait3A_344 = arith.constant 0 : i32
    %dma_wait3A_345 = arith.constant 0 : i32
    %dma_wait3A_346 = tpu.memref_slice %arg18[%dma_wait3A_329, %dma_wait3A_330, %dma_wait3A_344, %dma_wait3A_345] : memref<2x8x32x40xf32, #tpu.memory_space<vmem>> -> memref<1x1x32x32xf32, #tpu.memory_space<vmem>>
    %dma_wait3A_347 = tpu.memref_squeeze %dma_wait3A_346 : memref<1x1x32x32xf32, #tpu.memory_space<vmem>> -> memref<32x32xf32, #tpu.memory_space<vmem>>
    tpu.wait_dma2 semaphore(%arg22 : memref<!tpu.dma_semaphore, #tpu.memory_space<semaphore_mem>>) src(%dma_wait3A_347 : memref<32x32xf32, #tpu.memory_space<vmem>>) dst(%dma_wait3A_343 : memref<32x32xf32, #tpu.memory_space<hbm>>)
    %dma_wait3A_348 = arith.constant 0 : i32
    %dma_wait3A_349 = arith.constant 3 : i32
    %dma_wait3A_350 = arith.constant 3 : i32
    %dma_wait3A_351 = arith.constant 0 : i32
    %dma_wait3A_352 = arith.constant 0 : i32
    %dma_wait3A_353 = tpu.memref_slice %arg18[%dma_wait3A_348, %dma_wait3A_349, %dma_wait3A_351, %dma_wait3A_352] : memref<2x8x32x40xf32, #tpu.memory_space<vmem>> -> memref<1x1x32x32xf32, #tpu.memory_space<vmem>>
    %dma_wait3A_354 = tpu.memref_squeeze %dma_wait3A_353 : memref<1x1x32x32xf32, #tpu.memory_space<vmem>> -> memref<32x32xf32, #tpu.memory_space<vmem>>
    %dma_wait3A_355 = arith.constant 0 : i32
    %dma_wait3A_356 = arith.constant 192 : i32
    %dma_wait3A_357 = tpu.memref_slice %arg11[%dma_wait3A_350, %add3A_290, %dma_wait3A_355, %dma_wait3A_356] : memref<8x256x32x256xf32, #tpu.memory_space<hbm>> -> memref<1x1x32x32xf32, #tpu.memory_space<hbm>>
    %dma_wait3A_358 = tpu.memref_squeeze %dma_wait3A_357 : memref<1x1x32x32xf32, #tpu.memory_space<hbm>> -> memref<32x32xf32, #tpu.memory_space<hbm>>
    %dma_wait3A_359 = arith.constant 0 : i32
    %dma_wait3A_360 = arith.constant 192 : i32
    %dma_wait3A_361 = tpu.memref_slice %arg11[%dma_wait3A_350, %add3A_290, %dma_wait3A_359, %dma_wait3A_360] : memref<8x256x32x256xf32, #tpu.memory_space<hbm>> -> memref<1x1x32x32xf32, #tpu.memory_space<hbm>>
    %dma_wait3A_362 = tpu.memref_squeeze %dma_wait3A_361 : memref<1x1x32x32xf32, #tpu.memory_space<hbm>> -> memref<32x32xf32, #tpu.memory_space<hbm>>
    %dma_wait3A_363 = arith.constant 0 : i32
    %dma_wait3A_364 = arith.constant 0 : i32
    %dma_wait3A_365 = tpu.memref_slice %arg18[%dma_wait3A_348, %dma_wait3A_349, %dma_wait3A_363, %dma_wait3A_364] : memref<2x8x32x40xf32, #tpu.memory_space<vmem>> -> memref<1x1x32x32xf32, #tpu.memory_space<vmem>>
    %dma_wait3A_366 = tpu.memref_squeeze %dma_wait3A_365 : memref<1x1x32x32xf32, #tpu.memory_space<vmem>> -> memref<32x32xf32, #tpu.memory_space<vmem>>
    tpu.wait_dma2 semaphore(%arg22 : memref<!tpu.dma_semaphore, #tpu.memory_space<semaphore_mem>>) src(%dma_wait3A_366 : memref<32x32xf32, #tpu.memory_space<vmem>>) dst(%dma_wait3A_362 : memref<32x32xf32, #tpu.memory_space<hbm>>)
    %dma_wait3A_367 = arith.constant 0 : i32
    %dma_wait3A_368 = arith.constant 4 : i32
    %dma_wait3A_369 = arith.constant 4 : i32
    %dma_wait3A_370 = arith.constant 0 : i32
    %dma_wait3A_371 = arith.constant 0 : i32
    %dma_wait3A_372 = tpu.memref_slice %arg18[%dma_wait3A_367, %dma_wait3A_368, %dma_wait3A_370, %dma_wait3A_371] : memref<2x8x32x40xf32, #tpu.memory_space<vmem>> -> memref<1x1x32x32xf32, #tpu.memory_space<vmem>>
    %dma_wait3A_373 = tpu.memref_squeeze %dma_wait3A_372 : memref<1x1x32x32xf32, #tpu.memory_space<vmem>> -> memref<32x32xf32, #tpu.memory_space<vmem>>
    %dma_wait3A_374 = arith.constant 0 : i32
    %dma_wait3A_375 = arith.constant 192 : i32
    %dma_wait3A_376 = tpu.memref_slice %arg11[%dma_wait3A_369, %add3A_290, %dma_wait3A_374, %dma_wait3A_375] : memref<8x256x32x256xf32, #tpu.memory_space<hbm>> -> memref<1x1x32x32xf32, #tpu.memory_space<hbm>>
    %dma_wait3A_377 = tpu.memref_squeeze %dma_wait3A_376 : memref<1x1x32x32xf32, #tpu.memory_space<hbm>> -> memref<32x32xf32, #tpu.memory_space<hbm>>
    %dma_wait3A_378 = arith.constant 0 : i32
    %dma_wait3A_379 = arith.constant 192 : i32
    %dma_wait3A_380 = tpu.memref_slice %arg11[%dma_wait3A_369, %add3A_290, %dma_wait3A_378, %dma_wait3A_379] : memref<8x256x32x256xf32, #tpu.memory_space<hbm>> -> memref<1x1x32x32xf32, #tpu.memory_space<hbm>>
    %dma_wait3A_381 = tpu.memref_squeeze %dma_wait3A_380 : memref<1x1x32x32xf32, #tpu.memory_space<hbm>> -> memref<32x32xf32, #tpu.memory_space<hbm>>
    %dma_wait3A_382 = arith.constant 0 : i32
    %dma_wait3A_383 = arith.constant 0 : i32
    %dma_wait3A_384 = tpu.memref_slice %arg18[%dma_wait3A_367, %dma_wait3A_368, %dma_wait3A_382, %dma_wait3A_383] : memref<2x8x32x40xf32, #tpu.memory_space<vmem>> -> memref<1x1x32x32xf32, #tpu.memory_space<vmem>>
    %dma_wait3A_385 = tpu.memref_squeeze %dma_wait3A_384 : memref<1x1x32x32xf32, #tpu.memory_space<vmem>> -> memref<32x32xf32, #tpu.memory_space<vmem>>
    tpu.wait_dma2 semaphore(%arg22 : memref<!tpu.dma_semaphore, #tpu.memory_space<semaphore_mem>>) src(%dma_wait3A_385 : memref<32x32xf32, #tpu.memory_space<vmem>>) dst(%dma_wait3A_381 : memref<32x32xf32, #tpu.memory_space<hbm>>)
    %dma_wait3A_386 = arith.constant 0 : i32
    %dma_wait3A_387 = arith.constant 5 : i32
    %dma_wait3A_388 = arith.constant 5 : i32
    %dma_wait3A_389 = arith.constant 0 : i32
    %dma_wait3A_390 = arith.constant 0 : i32
    %dma_wait3A_391 = tpu.memref_slice %arg18[%dma_wait3A_386, %dma_wait3A_387, %dma_wait3A_389, %dma_wait3A_390] : memref<2x8x32x40xf32, #tpu.memory_space<vmem>> -> memref<1x1x32x32xf32, #tpu.memory_space<vmem>>
    %dma_wait3A_392 = tpu.memref_squeeze %dma_wait3A_391 : memref<1x1x32x32xf32, #tpu.memory_space<vmem>> -> memref<32x32xf32, #tpu.memory_space<vmem>>
    %dma_wait3A_393 = arith.constant 0 : i32
    %dma_wait3A_394 = arith.constant 192 : i32
    %dma_wait3A_395 = tpu.memref_slice %arg11[%dma_wait3A_388, %add3A_290, %dma_wait3A_393, %dma_wait3A_394] : memref<8x256x32x256xf32, #tpu.memory_space<hbm>> -> memref<1x1x32x32xf32, #tpu.memory_space<hbm>>
    %dma_wait3A_396 = tpu.memref_squeeze %dma_wait3A_395 : memref<1x1x32x32xf32, #tpu.memory_space<hbm>> -> memref<32x32xf32, #tpu.memory_space<hbm>>
    %dma_wait3A_397 = arith.constant 0 : i32
    %dma_wait3A_398 = arith.constant 192 : i32
    %dma_wait3A_399 = tpu.memref_slice %arg11[%dma_wait3A_388, %add3A_290, %dma_wait3A_397, %dma_wait3A_398] : memref<8x256x32x256xf32, #tpu.memory_space<hbm>> -> memref<1x1x32x32xf32, #tpu.memory_space<hbm>>
    %dma_wait3A_400 = tpu.memref_squeeze %dma_wait3A_399 : memref<1x1x32x32xf32, #tpu.memory_space<hbm>> -> memref<32x32xf32, #tpu.memory_space<hbm>>
    %dma_wait3A_401 = arith.constant 0 : i32
    %dma_wait3A_402 = arith.constant 0 : i32
    %dma_wait3A_403 = tpu.memref_slice %arg18[%dma_wait3A_386, %dma_wait3A_387, %dma_wait3A_401, %dma_wait3A_402] : memref<2x8x32x40xf32, #tpu.memory_space<vmem>> -> memref<1x1x32x32xf32, #tpu.memory_space<vmem>>
    %dma_wait3A_404 = tpu.memref_squeeze %dma_wait3A_403 : memref<1x1x32x32xf32, #tpu.memory_space<vmem>> -> memref<32x32xf32, #tpu.memory_space<vmem>>
    tpu.wait_dma2 semaphore(%arg22 : memref<!tpu.dma_semaphore, #tpu.memory_space<semaphore_mem>>) src(%dma_wait3A_404 : memref<32x32xf32, #tpu.memory_space<vmem>>) dst(%dma_wait3A_400 : memref<32x32xf32, #tpu.memory_space<hbm>>)
    %dma_wait3A_405 = arith.constant 0 : i32
    %dma_wait3A_406 = arith.constant 6 : i32
    %dma_wait3A_407 = arith.constant 6 : i32
    %dma_wait3A_408 = arith.constant 0 : i32
    %dma_wait3A_409 = arith.constant 0 : i32
    %dma_wait3A_410 = tpu.memref_slice %arg18[%dma_wait3A_405, %dma_wait3A_406, %dma_wait3A_408, %dma_wait3A_409] : memref<2x8x32x40xf32, #tpu.memory_space<vmem>> -> memref<1x1x32x32xf32, #tpu.memory_space<vmem>>
    %dma_wait3A_411 = tpu.memref_squeeze %dma_wait3A_410 : memref<1x1x32x32xf32, #tpu.memory_space<vmem>> -> memref<32x32xf32, #tpu.memory_space<vmem>>
    %dma_wait3A_412 = arith.constant 0 : i32
    %dma_wait3A_413 = arith.constant 192 : i32
    %dma_wait3A_414 = tpu.memref_slice %arg11[%dma_wait3A_407, %add3A_290, %dma_wait3A_412, %dma_wait3A_413] : memref<8x256x32x256xf32, #tpu.memory_space<hbm>> -> memref<1x1x32x32xf32, #tpu.memory_space<hbm>>
    %dma_wait3A_415 = tpu.memref_squeeze %dma_wait3A_414 : memref<1x1x32x32xf32, #tpu.memory_space<hbm>> -> memref<32x32xf32, #tpu.memory_space<hbm>>
    %dma_wait3A_416 = arith.constant 0 : i32
    %dma_wait3A_417 = arith.constant 192 : i32
    %dma_wait3A_418 = tpu.memref_slice %arg11[%dma_wait3A_407, %add3A_290, %dma_wait3A_416, %dma_wait3A_417] : memref<8x256x32x256xf32, #tpu.memory_space<hbm>> -> memref<1x1x32x32xf32, #tpu.memory_space<hbm>>
    %dma_wait3A_419 = tpu.memref_squeeze %dma_wait3A_418 : memref<1x1x32x32xf32, #tpu.memory_space<hbm>> -> memref<32x32xf32, #tpu.memory_space<hbm>>
    %dma_wait3A_420 = arith.constant 0 : i32
    %dma_wait3A_421 = arith.constant 0 : i32
    %dma_wait3A_422 = tpu.memref_slice %arg18[%dma_wait3A_405, %dma_wait3A_406, %dma_wait3A_420, %dma_wait3A_421] : memref<2x8x32x40xf32, #tpu.memory_space<vmem>> -> memref<1x1x32x32xf32, #tpu.memory_space<vmem>>
    %dma_wait3A_423 = tpu.memref_squeeze %dma_wait3A_422 : memref<1x1x32x32xf32, #tpu.memory_space<vmem>> -> memref<32x32xf32, #tpu.memory_space<vmem>>
    tpu.wait_dma2 semaphore(%arg22 : memref<!tpu.dma_semaphore, #tpu.memory_space<semaphore_mem>>) src(%dma_wait3A_423 : memref<32x32xf32, #tpu.memory_space<vmem>>) dst(%dma_wait3A_419 : memref<32x32xf32, #tpu.memory_space<hbm>>)
    %dma_wait3A_424 = arith.constant 0 : i32
    %dma_wait3A_425 = arith.constant 7 : i32
    %dma_wait3A_426 = arith.constant 7 : i32
    %dma_wait3A_427 = arith.constant 0 : i32
    %dma_wait3A_428 = arith.constant 0 : i32
    %dma_wait3A_429 = tpu.memref_slice %arg18[%dma_wait3A_424, %dma_wait3A_425, %dma_wait3A_427, %dma_wait3A_428] : memref<2x8x32x40xf32, #tpu.memory_space<vmem>> -> memref<1x1x32x32xf32, #tpu.memory_space<vmem>>
    %dma_wait3A_430 = tpu.memref_squeeze %dma_wait3A_429 : memref<1x1x32x32xf32, #tpu.memory_space<vmem>> -> memref<32x32xf32, #tpu.memory_space<vmem>>
    %dma_wait3A_431 = arith.constant 0 : i32
    %dma_wait3A_432 = arith.constant 192 : i32
    %dma_wait3A_433 = tpu.memref_slice %arg11[%dma_wait3A_426, %add3A_290, %dma_wait3A_431, %dma_wait3A_432] : memref<8x256x32x256xf32, #tpu.memory_space<hbm>> -> memref<1x1x32x32xf32, #tpu.memory_space<hbm>>
    %dma_wait3A_434 = tpu.memref_squeeze %dma_wait3A_433 : memref<1x1x32x32xf32, #tpu.memory_space<hbm>> -> memref<32x32xf32, #tpu.memory_space<hbm>>
    %dma_wait3A_435 = arith.constant 0 : i32
    %dma_wait3A_436 = arith.constant 192 : i32
    %dma_wait3A_437 = tpu.memref_slice %arg11[%dma_wait3A_426, %add3A_290, %dma_wait3A_435, %dma_wait3A_436] : memref<8x256x32x256xf32, #tpu.memory_space<hbm>> -> memref<1x1x32x32xf32, #tpu.memory_space<hbm>>
    %dma_wait3A_438 = tpu.memref_squeeze %dma_wait3A_437 : memref<1x1x32x32xf32, #tpu.memory_space<hbm>> -> memref<32x32xf32, #tpu.memory_space<hbm>>
    %dma_wait3A_439 = arith.constant 0 : i32
    %dma_wait3A_440 = arith.constant 0 : i32
    %dma_wait3A_441 = tpu.memref_slice %arg18[%dma_wait3A_424, %dma_wait3A_425, %dma_wait3A_439, %dma_wait3A_440] : memref<2x8x32x40xf32, #tpu.memory_space<vmem>> -> memref<1x1x32x32xf32, #tpu.memory_space<vmem>>
    %dma_wait3A_442 = tpu.memref_squeeze %dma_wait3A_441 : memref<1x1x32x32xf32, #tpu.memory_space<vmem>> -> memref<32x32xf32, #tpu.memory_space<vmem>>
    tpu.wait_dma2 semaphore(%arg22 : memref<!tpu.dma_semaphore, #tpu.memory_space<semaphore_mem>>) src(%dma_wait3A_442 : memref<32x32xf32, #tpu.memory_space<vmem>>) dst(%dma_wait3A_438 : memref<32x32xf32, #tpu.memory_space<hbm>>)
    %mul3A_443 = arith.constant 8 : i32
    %mul3A_444 = arith.muli %add3A, %mul3A_443 : i32
    %add3A_445 = arith.constant 7 : i32
    %add3A_446 = arith.addi %mul3A_444, %add3A_445 : i32
    %dma_wait3A_447 = arith.constant 1 : i32
    %dma_wait3A_448 = arith.constant 0 : i32
    %dma_wait3A_449 = arith.constant 0 : i32
    %dma_wait3A_450 = arith.constant 0 : i32
    %dma_wait3A_451 = arith.constant 0 : i32
    %dma_wait3A_452 = tpu.memref_slice %arg18[%dma_wait3A_447, %dma_wait3A_448, %dma_wait3A_450, %dma_wait3A_451] : memref<2x8x32x40xf32, #tpu.memory_space<vmem>> -> memref<1x1x32x32xf32, #tpu.memory_space<vmem>>
    %dma_wait3A_453 = tpu.memref_squeeze %dma_wait3A_452 : memref<1x1x32x32xf32, #tpu.memory_space<vmem>> -> memref<32x32xf32, #tpu.memory_space<vmem>>
    %dma_wait3A_454 = arith.constant 0 : i32
    %dma_wait3A_455 = arith.constant 224 : i32
    %dma_wait3A_456 = tpu.memref_slice %arg11[%dma_wait3A_449, %add3A_446, %dma_wait3A_454, %dma_wait3A_455] : memref<8x256x32x256xf32, #tpu.memory_space<hbm>> -> memref<1x1x32x32xf32, #tpu.memory_space<hbm>>
    %dma_wait3A_457 = tpu.memref_squeeze %dma_wait3A_456 : memref<1x1x32x32xf32, #tpu.memory_space<hbm>> -> memref<32x32xf32, #tpu.memory_space<hbm>>
    %dma_wait3A_458 = arith.constant 0 : i32
    %dma_wait3A_459 = arith.constant 224 : i32
    %dma_wait3A_460 = tpu.memref_slice %arg11[%dma_wait3A_449, %add3A_446, %dma_wait3A_458, %dma_wait3A_459] : memref<8x256x32x256xf32, #tpu.memory_space<hbm>> -> memref<1x1x32x32xf32, #tpu.memory_space<hbm>>
    %dma_wait3A_461 = tpu.memref_squeeze %dma_wait3A_460 : memref<1x1x32x32xf32, #tpu.memory_space<hbm>> -> memref<32x32xf32, #tpu.memory_space<hbm>>
    %dma_wait3A_462 = arith.constant 0 : i32
    %dma_wait3A_463 = arith.constant 0 : i32
    %dma_wait3A_464 = tpu.memref_slice %arg18[%dma_wait3A_447, %dma_wait3A_448, %dma_wait3A_462, %dma_wait3A_463] : memref<2x8x32x40xf32, #tpu.memory_space<vmem>> -> memref<1x1x32x32xf32, #tpu.memory_space<vmem>>
    %dma_wait3A_465 = tpu.memref_squeeze %dma_wait3A_464 : memref<1x1x32x32xf32, #tpu.memory_space<vmem>> -> memref<32x32xf32, #tpu.memory_space<vmem>>
    tpu.wait_dma2 semaphore(%arg23 : memref<!tpu.dma_semaphore, #tpu.memory_space<semaphore_mem>>) src(%dma_wait3A_465 : memref<32x32xf32, #tpu.memory_space<vmem>>) dst(%dma_wait3A_461 : memref<32x32xf32, #tpu.memory_space<hbm>>)
    %dma_wait3A_466 = arith.constant 1 : i32
    %dma_wait3A_467 = arith.constant 1 : i32
    %dma_wait3A_468 = arith.constant 1 : i32
    %dma_wait3A_469 = arith.constant 0 : i32
    %dma_wait3A_470 = arith.constant 0 : i32
    %dma_wait3A_471 = tpu.memref_slice %arg18[%dma_wait3A_466, %dma_wait3A_467, %dma_wait3A_469, %dma_wait3A_470] : memref<2x8x32x40xf32, #tpu.memory_space<vmem>> -> memref<1x1x32x32xf32, #tpu.memory_space<vmem>>
    %dma_wait3A_472 = tpu.memref_squeeze %dma_wait3A_471 : memref<1x1x32x32xf32, #tpu.memory_space<vmem>> -> memref<32x32xf32, #tpu.memory_space<vmem>>
    %dma_wait3A_473 = arith.constant 0 : i32
    %dma_wait3A_474 = arith.constant 224 : i32
    %dma_wait3A_475 = tpu.memref_slice %arg11[%dma_wait3A_468, %add3A_446, %dma_wait3A_473, %dma_wait3A_474] : memref<8x256x32x256xf32, #tpu.memory_space<hbm>> -> memref<1x1x32x32xf32, #tpu.memory_space<hbm>>
    %dma_wait3A_476 = tpu.memref_squeeze %dma_wait3A_475 : memref<1x1x32x32xf32, #tpu.memory_space<hbm>> -> memref<32x32xf32, #tpu.memory_space<hbm>>
    %dma_wait3A_477 = arith.constant 0 : i32
    %dma_wait3A_478 = arith.constant 224 : i32
    %dma_wait3A_479 = tpu.memref_slice %arg11[%dma_wait3A_468, %add3A_446, %dma_wait3A_477, %dma_wait3A_478] : memref<8x256x32x256xf32, #tpu.memory_space<hbm>> -> memref<1x1x32x32xf32, #tpu.memory_space<hbm>>
    %dma_wait3A_480 = tpu.memref_squeeze %dma_wait3A_479 : memref<1x1x32x32xf32, #tpu.memory_space<hbm>> -> memref<32x32xf32, #tpu.memory_space<hbm>>
    %dma_wait3A_481 = arith.constant 0 : i32
    %dma_wait3A_482 = arith.constant 0 : i32
    %dma_wait3A_483 = tpu.memref_slice %arg18[%dma_wait3A_466, %dma_wait3A_467, %dma_wait3A_481, %dma_wait3A_482] : memref<2x8x32x40xf32, #tpu.memory_space<vmem>> -> memref<1x1x32x32xf32, #tpu.memory_space<vmem>>
    %dma_wait3A_484 = tpu.memref_squeeze %dma_wait3A_483 : memref<1x1x32x32xf32, #tpu.memory_space<vmem>> -> memref<32x32xf32, #tpu.memory_space<vmem>>
    tpu.wait_dma2 semaphore(%arg23 : memref<!tpu.dma_semaphore, #tpu.memory_space<semaphore_mem>>) src(%dma_wait3A_484 : memref<32x32xf32, #tpu.memory_space<vmem>>) dst(%dma_wait3A_480 : memref<32x32xf32, #tpu.memory_space<hbm>>)
    %dma_wait3A_485 = arith.constant 1 : i32
    %dma_wait3A_486 = arith.constant 2 : i32
    %dma_wait3A_487 = arith.constant 2 : i32
    %dma_wait3A_488 = arith.constant 0 : i32
    %dma_wait3A_489 = arith.constant 0 : i32
    %dma_wait3A_490 = tpu.memref_slice %arg18[%dma_wait3A_485, %dma_wait3A_486, %dma_wait3A_488, %dma_wait3A_489] : memref<2x8x32x40xf32, #tpu.memory_space<vmem>> -> memref<1x1x32x32xf32, #tpu.memory_space<vmem>>
    %dma_wait3A_491 = tpu.memref_squeeze %dma_wait3A_490 : memref<1x1x32x32xf32, #tpu.memory_space<vmem>> -> memref<32x32xf32, #tpu.memory_space<vmem>>
    %dma_wait3A_492 = arith.constant 0 : i32
    %dma_wait3A_493 = arith.constant 224 : i32
    %dma_wait3A_494 = tpu.memref_slice %arg11[%dma_wait3A_487, %add3A_446, %dma_wait3A_492, %dma_wait3A_493] : memref<8x256x32x256xf32, #tpu.memory_space<hbm>> -> memref<1x1x32x32xf32, #tpu.memory_space<hbm>>
    %dma_wait3A_495 = tpu.memref_squeeze %dma_wait3A_494 : memref<1x1x32x32xf32, #tpu.memory_space<hbm>> -> memref<32x32xf32, #tpu.memory_space<hbm>>
    %dma_wait3A_496 = arith.constant 0 : i32
    %dma_wait3A_497 = arith.constant 224 : i32
    %dma_wait3A_498 = tpu.memref_slice %arg11[%dma_wait3A_487, %add3A_446, %dma_wait3A_496, %dma_wait3A_497] : memref<8x256x32x256xf32, #tpu.memory_space<hbm>> -> memref<1x1x32x32xf32, #tpu.memory_space<hbm>>
    %dma_wait3A_499 = tpu.memref_squeeze %dma_wait3A_498 : memref<1x1x32x32xf32, #tpu.memory_space<hbm>> -> memref<32x32xf32, #tpu.memory_space<hbm>>
    %dma_wait3A_500 = arith.constant 0 : i32
    %dma_wait3A_501 = arith.constant 0 : i32
    %dma_wait3A_502 = tpu.memref_slice %arg18[%dma_wait3A_485, %dma_wait3A_486, %dma_wait3A_500, %dma_wait3A_501] : memref<2x8x32x40xf32, #tpu.memory_space<vmem>> -> memref<1x1x32x32xf32, #tpu.memory_space<vmem>>
    %dma_wait3A_503 = tpu.memref_squeeze %dma_wait3A_502 : memref<1x1x32x32xf32, #tpu.memory_space<vmem>> -> memref<32x32xf32, #tpu.memory_space<vmem>>
    tpu.wait_dma2 semaphore(%arg23 : memref<!tpu.dma_semaphore, #tpu.memory_space<semaphore_mem>>) src(%dma_wait3A_503 : memref<32x32xf32, #tpu.memory_space<vmem>>) dst(%dma_wait3A_499 : memref<32x32xf32, #tpu.memory_space<hbm>>)
    %dma_wait3A_504 = arith.constant 1 : i32
    %dma_wait3A_505 = arith.constant 3 : i32
    %dma_wait3A_506 = arith.constant 3 : i32
    %dma_wait3A_507 = arith.constant 0 : i32
    %dma_wait3A_508 = arith.constant 0 : i32
    %dma_wait3A_509 = tpu.memref_slice %arg18[%dma_wait3A_504, %dma_wait3A_505, %dma_wait3A_507, %dma_wait3A_508] : memref<2x8x32x40xf32, #tpu.memory_space<vmem>> -> memref<1x1x32x32xf32, #tpu.memory_space<vmem>>
    %dma_wait3A_510 = tpu.memref_squeeze %dma_wait3A_509 : memref<1x1x32x32xf32, #tpu.memory_space<vmem>> -> memref<32x32xf32, #tpu.memory_space<vmem>>
    %dma_wait3A_511 = arith.constant 0 : i32
    %dma_wait3A_512 = arith.constant 224 : i32
    %dma_wait3A_513 = tpu.memref_slice %arg11[%dma_wait3A_506, %add3A_446, %dma_wait3A_511, %dma_wait3A_512] : memref<8x256x32x256xf32, #tpu.memory_space<hbm>> -> memref<1x1x32x32xf32, #tpu.memory_space<hbm>>
    %dma_wait3A_514 = tpu.memref_squeeze %dma_wait3A_513 : memref<1x1x32x32xf32, #tpu.memory_space<hbm>> -> memref<32x32xf32, #tpu.memory_space<hbm>>
    %dma_wait3A_515 = arith.constant 0 : i32
    %dma_wait3A_516 = arith.constant 224 : i32
    %dma_wait3A_517 = tpu.memref_slice %arg11[%dma_wait3A_506, %add3A_446, %dma_wait3A_515, %dma_wait3A_516] : memref<8x256x32x256xf32, #tpu.memory_space<hbm>> -> memref<1x1x32x32xf32, #tpu.memory_space<hbm>>
    %dma_wait3A_518 = tpu.memref_squeeze %dma_wait3A_517 : memref<1x1x32x32xf32, #tpu.memory_space<hbm>> -> memref<32x32xf32, #tpu.memory_space<hbm>>
    %dma_wait3A_519 = arith.constant 0 : i32
    %dma_wait3A_520 = arith.constant 0 : i32
    %dma_wait3A_521 = tpu.memref_slice %arg18[%dma_wait3A_504, %dma_wait3A_505, %dma_wait3A_519, %dma_wait3A_520] : memref<2x8x32x40xf32, #tpu.memory_space<vmem>> -> memref<1x1x32x32xf32, #tpu.memory_space<vmem>>
    %dma_wait3A_522 = tpu.memref_squeeze %dma_wait3A_521 : memref<1x1x32x32xf32, #tpu.memory_space<vmem>> -> memref<32x32xf32, #tpu.memory_space<vmem>>
    tpu.wait_dma2 semaphore(%arg23 : memref<!tpu.dma_semaphore, #tpu.memory_space<semaphore_mem>>) src(%dma_wait3A_522 : memref<32x32xf32, #tpu.memory_space<vmem>>) dst(%dma_wait3A_518 : memref<32x32xf32, #tpu.memory_space<hbm>>)
    %dma_wait3A_523 = arith.constant 1 : i32
    %dma_wait3A_524 = arith.constant 4 : i32
    %dma_wait3A_525 = arith.constant 4 : i32
    %dma_wait3A_526 = arith.constant 0 : i32
    %dma_wait3A_527 = arith.constant 0 : i32
    %dma_wait3A_528 = tpu.memref_slice %arg18[%dma_wait3A_523, %dma_wait3A_524, %dma_wait3A_526, %dma_wait3A_527] : memref<2x8x32x40xf32, #tpu.memory_space<vmem>> -> memref<1x1x32x32xf32, #tpu.memory_space<vmem>>
    %dma_wait3A_529 = tpu.memref_squeeze %dma_wait3A_528 : memref<1x1x32x32xf32, #tpu.memory_space<vmem>> -> memref<32x32xf32, #tpu.memory_space<vmem>>
    %dma_wait3A_530 = arith.constant 0 : i32
    %dma_wait3A_531 = arith.constant 224 : i32
    %dma_wait3A_532 = tpu.memref_slice %arg11[%dma_wait3A_525, %add3A_446, %dma_wait3A_530, %dma_wait3A_531] : memref<8x256x32x256xf32, #tpu.memory_space<hbm>> -> memref<1x1x32x32xf32, #tpu.memory_space<hbm>>
    %dma_wait3A_533 = tpu.memref_squeeze %dma_wait3A_532 : memref<1x1x32x32xf32, #tpu.memory_space<hbm>> -> memref<32x32xf32, #tpu.memory_space<hbm>>
    %dma_wait3A_534 = arith.constant 0 : i32
    %dma_wait3A_535 = arith.constant 224 : i32
    %dma_wait3A_536 = tpu.memref_slice %arg11[%dma_wait3A_525, %add3A_446, %dma_wait3A_534, %dma_wait3A_535] : memref<8x256x32x256xf32, #tpu.memory_space<hbm>> -> memref<1x1x32x32xf32, #tpu.memory_space<hbm>>
    %dma_wait3A_537 = tpu.memref_squeeze %dma_wait3A_536 : memref<1x1x32x32xf32, #tpu.memory_space<hbm>> -> memref<32x32xf32, #tpu.memory_space<hbm>>
    %dma_wait3A_538 = arith.constant 0 : i32
    %dma_wait3A_539 = arith.constant 0 : i32
    %dma_wait3A_540 = tpu.memref_slice %arg18[%dma_wait3A_523, %dma_wait3A_524, %dma_wait3A_538, %dma_wait3A_539] : memref<2x8x32x40xf32, #tpu.memory_space<vmem>> -> memref<1x1x32x32xf32, #tpu.memory_space<vmem>>
    %dma_wait3A_541 = tpu.memref_squeeze %dma_wait3A_540 : memref<1x1x32x32xf32, #tpu.memory_space<vmem>> -> memref<32x32xf32, #tpu.memory_space<vmem>>
    tpu.wait_dma2 semaphore(%arg23 : memref<!tpu.dma_semaphore, #tpu.memory_space<semaphore_mem>>) src(%dma_wait3A_541 : memref<32x32xf32, #tpu.memory_space<vmem>>) dst(%dma_wait3A_537 : memref<32x32xf32, #tpu.memory_space<hbm>>)
    %dma_wait3A_542 = arith.constant 1 : i32
    %dma_wait3A_543 = arith.constant 5 : i32
    %dma_wait3A_544 = arith.constant 5 : i32
    %dma_wait3A_545 = arith.constant 0 : i32
    %dma_wait3A_546 = arith.constant 0 : i32
    %dma_wait3A_547 = tpu.memref_slice %arg18[%dma_wait3A_542, %dma_wait3A_543, %dma_wait3A_545, %dma_wait3A_546] : memref<2x8x32x40xf32, #tpu.memory_space<vmem>> -> memref<1x1x32x32xf32, #tpu.memory_space<vmem>>
    %dma_wait3A_548 = tpu.memref_squeeze %dma_wait3A_547 : memref<1x1x32x32xf32, #tpu.memory_space<vmem>> -> memref<32x32xf32, #tpu.memory_space<vmem>>
    %dma_wait3A_549 = arith.constant 0 : i32
    %dma_wait3A_550 = arith.constant 224 : i32
    %dma_wait3A_551 = tpu.memref_slice %arg11[%dma_wait3A_544, %add3A_446, %dma_wait3A_549, %dma_wait3A_550] : memref<8x256x32x256xf32, #tpu.memory_space<hbm>> -> memref<1x1x32x32xf32, #tpu.memory_space<hbm>>
    %dma_wait3A_552 = tpu.memref_squeeze %dma_wait3A_551 : memref<1x1x32x32xf32, #tpu.memory_space<hbm>> -> memref<32x32xf32, #tpu.memory_space<hbm>>
    %dma_wait3A_553 = arith.constant 0 : i32
    %dma_wait3A_554 = arith.constant 224 : i32
    %dma_wait3A_555 = tpu.memref_slice %arg11[%dma_wait3A_544, %add3A_446, %dma_wait3A_553, %dma_wait3A_554] : memref<8x256x32x256xf32, #tpu.memory_space<hbm>> -> memref<1x1x32x32xf32, #tpu.memory_space<hbm>>
    %dma_wait3A_556 = tpu.memref_squeeze %dma_wait3A_555 : memref<1x1x32x32xf32, #tpu.memory_space<hbm>> -> memref<32x32xf32, #tpu.memory_space<hbm>>
    %dma_wait3A_557 = arith.constant 0 : i32
    %dma_wait3A_558 = arith.constant 0 : i32
    %dma_wait3A_559 = tpu.memref_slice %arg18[%dma_wait3A_542, %dma_wait3A_543, %dma_wait3A_557, %dma_wait3A_558] : memref<2x8x32x40xf32, #tpu.memory_space<vmem>> -> memref<1x1x32x32xf32, #tpu.memory_space<vmem>>
    %dma_wait3A_560 = tpu.memref_squeeze %dma_wait3A_559 : memref<1x1x32x32xf32, #tpu.memory_space<vmem>> -> memref<32x32xf32, #tpu.memory_space<vmem>>
    tpu.wait_dma2 semaphore(%arg23 : memref<!tpu.dma_semaphore, #tpu.memory_space<semaphore_mem>>) src(%dma_wait3A_560 : memref<32x32xf32, #tpu.memory_space<vmem>>) dst(%dma_wait3A_556 : memref<32x32xf32, #tpu.memory_space<hbm>>)
    %dma_wait3A_561 = arith.constant 1 : i32
    %dma_wait3A_562 = arith.constant 6 : i32
    %dma_wait3A_563 = arith.constant 6 : i32
    %dma_wait3A_564 = arith.constant 0 : i32
    %dma_wait3A_565 = arith.constant 0 : i32
    %dma_wait3A_566 = tpu.memref_slice %arg18[%dma_wait3A_561, %dma_wait3A_562, %dma_wait3A_564, %dma_wait3A_565] : memref<2x8x32x40xf32, #tpu.memory_space<vmem>> -> memref<1x1x32x32xf32, #tpu.memory_space<vmem>>
    %dma_wait3A_567 = tpu.memref_squeeze %dma_wait3A_566 : memref<1x1x32x32xf32, #tpu.memory_space<vmem>> -> memref<32x32xf32, #tpu.memory_space<vmem>>
    %dma_wait3A_568 = arith.constant 0 : i32
    %dma_wait3A_569 = arith.constant 224 : i32
    %dma_wait3A_570 = tpu.memref_slice %arg11[%dma_wait3A_563, %add3A_446, %dma_wait3A_568, %dma_wait3A_569] : memref<8x256x32x256xf32, #tpu.memory_space<hbm>> -> memref<1x1x32x32xf32, #tpu.memory_space<hbm>>
    %dma_wait3A_571 = tpu.memref_squeeze %dma_wait3A_570 : memref<1x1x32x32xf32, #tpu.memory_space<hbm>> -> memref<32x32xf32, #tpu.memory_space<hbm>>
    %dma_wait3A_572 = arith.constant 0 : i32
    %dma_wait3A_573 = arith.constant 224 : i32
    %dma_wait3A_574 = tpu.memref_slice %arg11[%dma_wait3A_563, %add3A_446, %dma_wait3A_572, %dma_wait3A_573] : memref<8x256x32x256xf32, #tpu.memory_space<hbm>> -> memref<1x1x32x32xf32, #tpu.memory_space<hbm>>
    %dma_wait3A_575 = tpu.memref_squeeze %dma_wait3A_574 : memref<1x1x32x32xf32, #tpu.memory_space<hbm>> -> memref<32x32xf32, #tpu.memory_space<hbm>>
    %dma_wait3A_576 = arith.constant 0 : i32
    %dma_wait3A_577 = arith.constant 0 : i32
    %dma_wait3A_578 = tpu.memref_slice %arg18[%dma_wait3A_561, %dma_wait3A_562, %dma_wait3A_576, %dma_wait3A_577] : memref<2x8x32x40xf32, #tpu.memory_space<vmem>> -> memref<1x1x32x32xf32, #tpu.memory_space<vmem>>
    %dma_wait3A_579 = tpu.memref_squeeze %dma_wait3A_578 : memref<1x1x32x32xf32, #tpu.memory_space<vmem>> -> memref<32x32xf32, #tpu.memory_space<vmem>>
    tpu.wait_dma2 semaphore(%arg23 : memref<!tpu.dma_semaphore, #tpu.memory_space<semaphore_mem>>) src(%dma_wait3A_579 : memref<32x32xf32, #tpu.memory_space<vmem>>) dst(%dma_wait3A_575 : memref<32x32xf32, #tpu.memory_space<hbm>>)
    %dma_wait3A_580 = arith.constant 1 : i32
    %dma_wait3A_581 = arith.constant 7 : i32
    %dma_wait3A_582 = arith.constant 7 : i32
    %dma_wait3A_583 = arith.constant 0 : i32
    %dma_wait3A_584 = arith.constant 0 : i32
    %dma_wait3A_585 = tpu.memref_slice %arg18[%dma_wait3A_580, %dma_wait3A_581, %dma_wait3A_583, %dma_wait3A_584] : memref<2x8x32x40xf32, #tpu.memory_space<vmem>> -> memref<1x1x32x32xf32, #tpu.memory_space<vmem>>
    %dma_wait3A_586 = tpu.memref_squeeze %dma_wait3A_585 : memref<1x1x32x32xf32, #tpu.memory_space<vmem>> -> memref<32x32xf32, #tpu.memory_space<vmem>>
    %dma_wait3A_587 = arith.constant 0 : i32
    %dma_wait3A_588 = arith.constant 224 : i32
    %dma_wait3A_589 = tpu.memref_slice %arg11[%dma_wait3A_582, %add3A_446, %dma_wait3A_587, %dma_wait3A_588] : memref<8x256x32x256xf32, #tpu.memory_space<hbm>> -> memref<1x1x32x32xf32, #tpu.memory_space<hbm>>
    %dma_wait3A_590 = tpu.memref_squeeze %dma_wait3A_589 : memref<1x1x32x32xf32, #tpu.memory_space<hbm>> -> memref<32x32xf32, #tpu.memory_space<hbm>>
    %dma_wait3A_591 = arith.constant 0 : i32
    %dma_wait3A_592 = arith.constant 224 : i32
    %dma_wait3A_593 = tpu.memref_slice %arg11[%dma_wait3A_582, %add3A_446, %dma_wait3A_591, %dma_wait3A_592] : memref<8x256x32x256xf32, #tpu.memory_space<hbm>> -> memref<1x1x32x32xf32, #tpu.memory_space<hbm>>
    %dma_wait3A_594 = tpu.memref_squeeze %dma_wait3A_593 : memref<1x1x32x32xf32, #tpu.memory_space<hbm>> -> memref<32x32xf32, #tpu.memory_space<hbm>>
    %dma_wait3A_595 = arith.constant 0 : i32
    %dma_wait3A_596 = arith.constant 0 : i32
    %dma_wait3A_597 = tpu.memref_slice %arg18[%dma_wait3A_580, %dma_wait3A_581, %dma_wait3A_595, %dma_wait3A_596] : memref<2x8x32x40xf32, #tpu.memory_space<vmem>> -> memref<1x1x32x32xf32, #tpu.memory_space<vmem>>
    %dma_wait3A_598 = tpu.memref_squeeze %dma_wait3A_597 : memref<1x1x32x32xf32, #tpu.memory_space<vmem>> -> memref<32x32xf32, #tpu.memory_space<vmem>>
    tpu.wait_dma2 semaphore(%arg23 : memref<!tpu.dma_semaphore, #tpu.memory_space<semaphore_mem>>) src(%dma_wait3A_598 : memref<32x32xf32, #tpu.memory_space<vmem>>) dst(%dma_wait3A_594 : memref<32x32xf32, #tpu.memory_space<hbm>>)
    return
  }
}

</mosaic_0001>

<sc_bundles>
// kernel: kernel.3.cloned.1.call-start
scs
__scs_entry_jumppad:
0x0: {  	(pc) =	sbr.rel $0x88, $3  }
0x1: {  	(tag) =	ssettag $0x0;
	lr =	simm.s32 $0x1  }
0x2: {  	[smem:$0x3F9C] =	sst lr;
	_ =	strace $0xD0000000  }
0x3: {  	_ = 	snop  }
0x4: {  	_ = 	snop  }
0x5: {  	_ = 	snop  }
0x6: {  	_ = 	snop  }
0x7: {  	_ = 	snop  }
__scs_overlays_trampoline_lowered:
0x8: {  	[smem:$0x3FAB] =	sst s0  }
0x9: {  	[smem:$0x3FAC] =	sst s1  }
0xa: {  	[smem:$0x3FAD] =	sst s2  }
0xb: {  	[smem:$0x3FAE] =	sst s3  }
0xc: {  	[smem:$0x3FAF] =	sst s4  }
0xd: {  	[smem:$0x3FB0] =	sst s5  }
0xe: {  	[smem:$0x3FB1] =	sst s6  }
0xf: {  	[smem:$0x3FB2] =	sst s7  }
0x10: {  	[smem:$0x3FB3] =	sst s8  }
0x11: {  	[smem:$0x3FB4] =	sst s9;
	s0 =	simm.s32 @!p0 $0x0  }
0x12: {  	s1 =	sld [smem:$0x3F9A];
	s0 =	simm.s32 @p0 $0x1  }
0x13: {  	[smem:$0x3FB5] =	sst s0;
	s0 =	simm.s32 @!p1 $0x0  }
0x14: {  	s2 =	sld [smem:$0x3F99];
	s0 =	simm.s32 @p1 $0x1  }
0x15: {  	[smem:$0x3FB6] =	sst s0;
	s0 =	simm.s32 @!p2 $0x0  }
0x16: {  	s3 =	sld [smem:$0x3FDB];
	s0 =	simm.s32 @p2 $0x1  }
0x17: {  	s4 =	simm.s32 $0x1BF5;
	[smem:$0x3FB8] =	sst s0  }
0x18: {  	s0 =	sld [smem:$0x3F9B];
	_ =	swait.ge [sflag:s4], $0x0  }
0x19: {  	s7 =	sld [smem:$0x3F9C]  }
0x1a: {  	s8 =	sadd.s32 $0xFFFFE003, lr  }
0x1b: {  	s9 =	sadd.s32 $0xFFFFFEF7, lr;
	s5 =	simm.s32 $0xFFFFFFFF;
	p2 =	slt.u32 s8, $0xFFFFF086  }
0x1c: {  	p1 =	slt.u32 s9, $0xF7A;
	s5 =	simm.s32 @!p2 $0x0  }
0x1d: {  	s5 =	simm.s32 @p1 $0x1;
	p0 =	seq.s32 s7, s2  }
0x1e: {  	s7 =	smul.u32 @!p0 $0xF7A, s2;
	p2 =	seq.s32 @!p0 s5, $0x0  }
0x1f: {  	s9 =	smul.u32 $0xF7A, s1;
	s8 =	simm.s32 @!p0 $0x1BF5;
	p2 =	por !p2, p0  }
0x20: {  	[sflag:s8] =	ssyncset.s32 @!p0 $0xFFFFF086;
	s6 =	sadd.s32 @!p0 s3, s7;
	s7 =	simm.s32 @!p0 $0x108  }
0x21: {  	s3 =	sadd.s32 s3, s9;
	s6 =	sadd.s32 @!p0 $0x88, s6;
	s7 =	simm.s32 @p2 $0x1082  }
0x22: {  	[simem:s7], [sflag:s8] =	dma.local @!p0 [hbm:s6], $0xF7A  }
0x23: {  	s9 =	sor.u32 $0xD0000000, s2;
	s6 =	simm.s32 $0x108;
	_ =	swait.ge @!p0 [sflag:s8], $0x0  }
0x24: {  	s3 =	sadd.s32 $0x88, s3;
	s6 =	simm.s32 @!p1 $0x1082;
	[sflag:s4] =	ssyncset.s32 $0xFFFFF086  }
0x25: {  	[simem:s6], [sflag:s4] =	dma.local [hbm:s3], $0xF7A  }
0x26: {  	[smem:$0x3F9C] =	sst s1;
	(tag) =	ssettag s2;
	_ =	strace s9  }
0x27: {  	s1 =	sld [smem:$0x3FAC]  }
0x28: {  	s2 =	sld [smem:$0x3FAD]  }
0x29: {  	s4 =	sld [smem:$0x3FAF]  }
0x2a: {  	p0 =	seq.s32 s5, $0x0;
	s5 =	sld [smem:$0x3FB0]  }
0x2b: {  	s6 =	sld [smem:$0x3FB1]  }
0x2c: {  	s7 =	sld [smem:$0x3FB2]  }
0x2d: {  	s3 =	simm.s32 $0x108;
	s8 =	sld [smem:$0x3FB3]  }
0x2e: {  	s3 =	simm.s32 @!p0 $0x1082;
	s9 =	sld [smem:$0x3FB4]  }
0x2f: {  	lr =	sadd.s32 s0, s3;
	s0 =	sld [smem:$0x3FAB]  }
0x30: {  	s3 =	sld [smem:$0x3FAE]  }
0x31: {  	[smem:$0x3FB7] =	sst s10  }
0x32: {  	s10 =	sld [smem:$0x3FB5];
	_ =	sdelay $0x3  }
0x33: {  	p0 =	seq.s32 s10, $0x1;
	s10 =	sld [smem:$0x3FB7];
	_ =	sdelay $0x3  }
0x34: {  	[smem:$0x3FB7] =	sst s10  }
0x35: {  	s10 =	sld [smem:$0x3FB6];
	_ =	sdelay $0x3  }
0x36: {  	p1 =	seq.s32 s10, $0x1;
	s10 =	sld [smem:$0x3FB7];
	_ =	sdelay $0x3  }
0x37: {  	[smem:$0x3FB7] =	sst s10  }
0x38: {  	s10 =	sld [smem:$0x3FB8]  }
0x39: {  	_ = 	snop;
	(pc) =	sbr.ind lr, $3  }
0x3a: {  	_ = 	snop  }
0x3b: {  	_ = 	snop  }
0x3c: {  	p2 =	seq.s32 s10, $0x1;
	s10 =	sld [smem:$0x3FB7]  }
0x3d: {  	_ =	shalt  }
0x3e: {  	_ =	shalt  }
0x3f: {  	_ =	shalt  }
0x40: {  	_ =	shalt  }
0x41: {  	_ =	shalt  }
0x42: {  	_ =	shalt  }
0x43: {  	_ =	shalt  }
0x44: {  	_ =	shalt  }
0x45: {  	_ =	shalt  }
0x46: {  	_ =	shalt  }
0x47: {  	_ =	shalt  }
0x48: {  	_ =	shalt  }
0x49: {  	_ =	shalt  }
0x4a: {  	_ =	shalt  }
0x4b: {  	_ =	shalt  }
0x4c: {  	_ =	shalt  }
0x4d: {  	_ =	shalt  }
0x4e: {  	_ =	shalt  }
0x4f: {  	_ =	shalt  }
0x50: {  	_ =	shalt  }
0x51: {  	_ =	shalt  }
0x52: {  	_ =	shalt  }
0x53: {  	_ =	shalt  }
0x54: {  	_ =	shalt  }
0x55: {  	_ =	shalt  }
0x56: {  	_ =	shalt  }
0x57: {  	_ =	shalt  }
0x58: {  	_ =	shalt  }
0x59: {  	_ =	shalt  }
0x5a: {  	_ =	shalt  }
0x5b: {  	_ =	shalt  }
0x5c: {  	_ =	shalt  }
0x5d: {  	_ =	shalt  }
0x5e: {  	_ =	shalt  }
0x5f: {  	_ =	shalt  }
0x60: {  	_ =	shalt  }
0x61: {  	_ =	shalt  }
0x62: {  	_ =	shalt  }
0x63: {  	_ =	shalt  }
0x64: {  	_ =	shalt  }
0x65: {  	_ =	shalt  }
0x66: {  	_ =	shalt  }
0x67: {  	_ =	shalt  }
0x68: {  	_ =	shalt  }
0x69: {  	_ =	shalt  }
0x6a: {  	_ =	shalt  }
0x6b: {  	_ =	shalt  }
0x6c: {  	_ =	shalt  }
0x6d: {  	_ =	shalt  }
0x6e: {  	_ =	shalt  }
0x6f: {  	_ =	shalt  }
0x70: {  	_ =	shalt  }
0x71: {  	_ =	shalt  }
0x72: {  	_ =	shalt  }
0x73: {  	_ =	shalt  }
0x74: {  	_ =	shalt  }
0x75: {  	_ =	shalt  }
0x76: {  	_ =	shalt  }
0x77: {  	_ =	shalt  }
0x78: {  	_ =	shalt  }
0x79: {  	_ =	shalt  }
0x7a: {  	_ =	shalt  }
0x7b: {  	_ =	shalt  }
0x7c: {  	_ =	shalt  }
0x7d: {  	_ =	shalt  }
0x7e: {  	_ =	shalt  }
0x7f: {  	_ =	shalt  }
0x80: {  	_ =	shalt  }
0x81: {  	_ =	shalt  }
0x82: {  	_ =	shalt  }
0x83: {  	_ =	shalt  }
0x84: {  	_ =	shalt  }
0x85: {  	_ =	shalt  }
0x86: {  	_ =	shalt  }
0x87: {  	_ =	shalt  }
.Lfunc_end0:
.L_simem_size_0:
called_computation_lowered:
.L_overlay_start_0:
0x88: {  	s2 =	sld [smem:$0x3FD9]  }
0x89: {  	s3 =	sld [smem:$0x3FFE];
	_ =	sdelay $0x1  }
0x8a: {  	s1 =	srdreg.scid  }
0x8b: {  	s0 =	sand.u32 $0x1, s1  }
0x8c: {  	s17 =	sshll.u32 s0, $0xA;
	s2 =	sadd.s32 s3, s2  }
0x8d: {  	s2 =	sadd.s32 s2, s17  }
0x8e: {  	[smem:$0x3FC3] =	sst s2  }
0x8f: {  	_ = 	snop  }
0x90: {  	s2 =	sld [smem:$0x3FD0];
	(tm) =	ssettm $0x1  }
0x91: {  	s18 =	sld [smem:$0x3FFB];
	_ =	sdelay $0x3  }
0x92: {  	_ =	strace s18  }
0x93: {  	s3 =	sld [smem:$0x3FFC];
	_ =	sdelay $0x3  }
0x94: {  	_ =	strace s3  }
0x95: {  	s3 =	sld [smem:$0x3FFD];
	_ =	sdelay $0x3  }
0x96: {  	_ =	strace s3  }
0x97: {  	_ =	strace $0x8FFFFFFF  }
0x98: {  	s19 =	sld [smem:$0x3FDB];
	_ =	sdelay $0x1  }
0x99: {  	s4 =	simm.s32 $_scs_section_size  }
0x9a: {  	s5 =	simm.s32 $_size__tile_overlayer_lowered;
	s6 =	simm.s32 $_tile_overlayer_lowered  }
0x9b: {  	s22 =	simm.s32 $0x1BFF;
	s21 =	sshll.u32 s6, $0x1;
	s3 =	sadd.s32 s4, s19  }
0x9c: {  	s7 =	simm.s32 $0x0;
	s20 =	sshll.u32 s5, $0x1;
	s5 =	sadd.s32 s21, s3  }
0x9d: {  	[timem:s7], [sflag:s22] =	dma.local [hbm:s5], s20  }
0x9e: {  	_ =	swait.ge [sflag:s22], s20  }
0x9f: {  	s4 =	ssub.s32 $0x0, s20;
	[sflag:s22] =	ssyncset.done $0x0  }
0xa0: {  	[sflag:s22] =	ssyncadd.s32 s4;
	_ =	sdelay $0x1  }
0xa1: {  	s23 =	simm.s32 $0x1B8B  }
0xa2: {  	_ =	swait.ge [sflag:s23], $0x1  }
0xa3: {  	[sflag:s23] =	ssyncset.done $0x0  }
0xa4: {  	s25 =	simm.s32 $0x1B8E;
	s24 =	sld [smem:$0x3FFE];
	[sflag:s23] =	ssyncadd.s32 $0xFFFFFFFF  }
0xa5: {  	s26 =	simm.s32 $execute0_lowered;
	[smem:$0x3FD2] =	sst s25  }
0xa6: {  	s5 =	sshll.u32 s26, $0x1;
	_ =	strace $0x80000046;
	[dreg:$0x1] =	wrdreg $0xFFFFFFFF  }
0xa7: {  	s28 =	simm.s32 $_size_execute0_lowered;
	s3 =	sadd.s32 s3, s5;
	[dreg:$0x0] =	wrdreg $0x0  }
0xa8: {  	s5 =	sshll.u32 s28, $0x1;
	[dreg:$0x2] =	wrdreg s3  }
0xa9: {  	[dreg:$0x3] =	wrdreg s5  }
0xaa: {  	[dreg:$0x4] =	wrdreg $0xC0  }
0xab: {  	_ =	task [dreg:s7], $0x5FFFF  }
0xac: {  	[dreg:$0x1] =	wrdreg $0xFFFFFFFF  }
0xad: {  	[dreg:$0x0] =	wrdreg $0x60  }
0xae: {  	[dreg:$0x2] =	wrdreg s2  }
0xaf: {  	[dreg:$0x3] =	wrdreg s24  }
0xb0: {  	[dreg:$0x4] =	wrdreg $0x9  }
0xb1: {  	_ =	task.clear_ibuf [dreg:s7], $0x5FFFF;
	_ =	strace $0x90000046  }
0xb2: {  	s29 =	simm.s32 $0x9;
	_ =	strace $0x80000048  }
0xb3: {  	_ =	swait.ge [sflag:s29], $0x1  }
0xb4: {  	[sflag:s29] =	ssyncadd.s32 $0xFFFFFFFF  }
0xb5: {  	_ =	strace $0x90000048  }
0xb6: {  	_ =	sfence  }
0xb7: {  	s30 =	sld [smem:$0x0];
	_ =	sdelay $0x2  }
0xb8: {  	s31 =	sshll.u32 s1, $0xD;
	s1 =	sshrl.u32 s1, $0x2  }
0xb9: {  	s3 =	sand.u32 $0x4000, s31;
	s1 =	sadd.s32 s1, s30  }
0xba: {  	s0 =	sor.u32 s3, s0;
	s1 =	sshll.u32 s1, $0x11  }
0xbb: {  	s0 =	sor.u32 s1, s0  }
0xbc: {  	s0 =	sadd.s32 $0x8F2B, s0  }
0xbd: {  	[sflag:s0] =	ssyncadd.remote.s32 $0x1  }
0xbe: {  	_ =	sfence.sel $0xFFFF  }
0xbf: {  	[dreg:$0x0] =	wrdreg $0xFFFFFFFF;
	(pc) =	sbr.abs _section_cstart, $3  }
0xc0: {  	[dreg:$0x1] =	wrdreg $0xFFFFFFFF  }
0xc1: {  	_ =	task.clear_ibuf [dreg:s7], $0x2FFFF;
	_ =	strace $0x9FFFFFFF  }
0xc2: {  	(tm) =	ssettm $0x7FFFFFFF  }
0xc3: {  	_ =	shalt  }
tec
execute0_lowered:
.L_overlay_start_1:
0x0: {  	(tag) =	ssettag $0x1  }
0x1: {  	s1 =	rddreg [dreg:$0x0];
	v44 =	vlaneseq.u32;
	s4 =	simm.s32 $0x0  }
0x2: {  	[smem:$0x7FF] =	sst s4;
	v7 =	vor.u32 $0xE0, v44  }
0x3: {  	s5 =	rddreg [dreg:$0x1];
	v25 =	vor.u32 $0xB0, v44;
	_ =	strace $0x80000047;
	[tilespmem:$0x1FD40] =	vst v7  }
0x4: {  	v39 =	vor.u32 $0x70, v44;
	[tilespmem:$0x1FF10] =	vst v25  }
0x5: {  	v26 =	vor.u32 $0x90, v44;
	[tilespmem:$0x1FF20] =	vst v39  }
0x6: {  	v45 =	vor.u32 $0x50, v44;
	[tilespmem:$0x1FF40] =	vst v26  }
0x7: {  	v43 =	vor.u32 $0x60, v44;
	[tilespmem:$0x1FF50] =	vst v45  }
0x8: {  	v56 =	vor.u32 $0x80, v44;
	[tilespmem:$0x1FF60] =	vst v43  }
0x9: {  	v57 =	vor.u32 $0x10, v44;
	[tilespmem:$0x1FF70] =	vst v56  }
0xa: {  	v11 =	vor.u32 $0x40, v44;
	[tilespmem:$0x1FF80] =	vst v57  }
0xb: {  	v10 =	vor.u32 $0x30, v44;
	[tilespmem:$0x1FF90] =	vst v11  }
0xc: {  	v38 =	vor.u32 $0xC0, v44;
	[tilespmem:$0x1FFA0] =	vst v10  }
0xd: {  	v41 =	vor.u32 $0xD0, v44;
	[tilespmem:$0x1FFB0] =	vst v38  }
0xe: {  	v28 =	vor.u32 $0xA0, v44;
	[tilespmem:$0x1FFC0] =	vst v41  }
0xf: {  	v8 =	vor.u32 $0x20, v44;
	v9 =	vmul.u32 $0x28, v44;
	[tilespmem:$0x1FFD0] =	vst v28  }
0x10: {  	[tilespmem:$0x1FFE0] =	vst v8  }
0x11: {  	v5 =	vadd.s32 $0x1B80, v9;
	[tilespmem:$0x1FDE0] =	vst v9  }
0x12: {  	v7 =	vadd.s32 $0x2300, v9;
	[tilespmem:$0x1FD20] =	vst v5  }
0x13: {  	v0 =	vadd.s32 $0x280, v9;
	[tilespmem:$0x1FD50] =	vst v7  }
0x14: {  	v1 =	vadd.s32 $0x500, v9;
	[tilespmem:$0x1FD70] =	vst v0  }
0x15: {  	v2 =	vadd.s32 $0x780, v9;
	[tilespmem:$0x1FD80] =	vst v1  }
0x16: {  	v3 =	vadd.s32 $0xA00, v9;
	[tilespmem:$0x1FD90] =	vst v2  }
0x17: {  	v4 =	vadd.s32 $0xC80, v9;
	[tilespmem:$0x1FDA0] =	vst v3  }
0x18: {  	v42 =	vadd.s32 $0xF00, v9;
	[tilespmem:$0x1FDB0] =	vst v4  }
0x19: {  	v32 =	vadd.s32 $0x1180, v9;
	[tilespmem:$0x1FDC0] =	vst v42  }
0x1a: {  	v40 =	vor.u32 $0x1400, v9;
	[tilespmem:$0x1FDD0] =	vst v32  }
0x1b: {  	v37 =	vadd.s32 $0x1680, v9;
	[tilespmem:$0x1FDF0] =	vst v40  }
0x1c: {  	v21 =	vor.u32 $0x2800, v9;
	[tilespmem:$0x1FE00] =	vst v37  }
0x1d: {  	v22 =	vadd.s32 $0x2A80, v9;
	[tilespmem:$0x1FE10] =	vst v21  }
0x1e: {  	v23 =	vadd.s32 $0x2D00, v9;
	[tilespmem:$0x1FE20] =	vst v22  }
0x1f: {  	v29 =	vadd.s32 $0x2F80, v9;
	[tilespmem:$0x1FE30] =	vst v23  }
0x20: {  	v30 =	vadd.s32 $0x3200, v9;
	[tilespmem:$0x1FE40] =	vst v29  }
0x21: {  	v31 =	vadd.s32 $0x3480, v9;
	[tilespmem:$0x1FE50] =	vst v30  }
0x22: {  	v36 =	vadd.s32 $0x3700, v9;
	[tilespmem:$0x1FE60] =	vst v31  }
0x23: {  	v47 =	vadd.s32 $0x3980, v9;
	[tilespmem:$0x1FE70] =	vst v36  }
0x24: {  	s0 =	srdreg.scid;
	s2 =	stileid.u32;
	s18 =	simm.s32 $0x8940;
	v48 =	vor.u32 $0x3C00, v9;
	[tilespmem:$0x1FE80] =	vst v47  }
0x25: {  	s23 =	simm.s32 $0xDF40;
	s19 =	simm.s32 $0xC710;
	s20 =	simm.s32 $0xCF20;
	v49 =	vadd.s32 $0x3E80, v9;
	[tilespmem:$0x1FE90] =	vst v48  }
0x26: {  	s21 =	simm.s32 $0xD730;
	s28 =	simm.s32 $0x3;
	s0 =	sand.u32 $0x1, s0;
	v50 =	vadd.s32 $0x4100, v9;
	[tilespmem:$0x1FEA0] =	vst v49  }
0x27: {  	s2 =	sshll.u32 s2, $0x1;
	s6 =	sadd.s32 $0x9800, s5;
	s24 =	sadd.s32 $0x1000, s5;
	v51 =	vadd.s32 $0x4380, v9;
	[tilespmem:$0x1FEB0] =	vst v50  }
0x28: {  	s25 =	sadd.s32 $0x800, s5;
	s2 =	sor.u32 s0, s2;
	[dreg:$0x3] =	wrdreg s6;
	v52 =	vadd.s32 $0x4600, v9;
	[tilespmem:$0x1FEC0] =	vst v51  }
0x29: {  	s8 =	sadd.s32 $0x9C00, s5;
	[dreg:$0x4] =	wrdreg s24;
	s3 =	sshll.u32 s2, $0x8;
	v53 =	vadd.s32 $0x4880, v9;
	[tilespmem:$0x1FED0] =	vst v52  }
0x2a: {  	[dreg:$0x5] =	wrdreg s25;
	s2 =	sshll.u32 s2, $0x10;
	v54 =	vadd.s32 $0x4B00, v9;
	s3 =	sadd.s32 s3, s5;
	[tilespmem:$0x1FEE0] =	vst v53  }
0x2b: {  	s0 =	ssub.s32 $0x2, s0;
	v20 =	vadd.s32 $0x2580, v9;
	[dreg:$0xa] =	wrdreg s2;
	[tilespmem:$0x1FEF0] =	vst v54;
	s29 =	sadd.s32 $0x1800, s3  }
0x2c: {  	s25 =	simm.s32 $0xE000;
	v46 =	vadd.s32 $0x1900, v9;
	[tilespmem:$0x1FF00] =	vst v20;
	s30 =	sadd.s32 $0x7800, s3;
	[dreg:$0x6] =	wrdreg s29  }
0x2d: {  	s26 =	sshrl.u32 s0, $0x1;
	v35 =	vadd.s32 $0x2080, v9;
	[tilespmem:$0x1FF30] =	vst v46;
	s31 =	sadd.s32 $0x5800, s3;
	[dreg:$0x7] =	wrdreg s30  }
0x2e: {  	s0 =	ssub.s32 s0, s26;
	v5 =	vadd.s32 $0x1E00, v9;
	[tilespmem:$0x1FFF0] =	vst v35;
	s3 =	sadd.s32 $0x3800, s3;
	[dreg:$0x8] =	wrdreg s31  }
0x2f: {  	v7 =	vor.u32 $0xF0, v44;
	s26 =	simm.s32 $0x1A000;
	s0 =	smax.u32 s0, $0x1;
	[tilespmem:$0x1FD30] =	vst v5;
	[dreg:$0x9] =	wrdreg s3  }
0x30: {  	s5 =	simm.s32 $0x0;
	[tilespmem:$0x1FD60] =	vst v7;
	[dreg:$0xb] =	wrdreg s0;
	s0 =	simm.s32 $0x2  }
.LBB2_1:
0x31: {  	[dreg:$0xc] =	wrdreg s5  }
0x32: {  	s2 =	rddreg [dreg:$0x3]  }
0x33: {  	[tilespmem:s4], [sflag:$0x1] =	stream.linear.gather [hbm4b:s2+s4], $0x1DA0, $0x38;
	[tilespmem:$0x1F000] =	vst v63  }
0x34: {  	s9 =	rddreg [dreg:$0x6];
	s3 =	simm.s32 $0xBF10  }
0x35: {  	[tilespmem:s3], [sflag:$0x1] =	stream.linear.gather [hbm4b:s9+s4], $0x800, $0x38;
	[tilespmem:$0x1F000] =	vst v63  }
0x36: {  	s10 =	rddreg [dreg:$0x4];
	s11 =	simm.s32 $0x1DA0  }
0x37: {  	[tilespmem:s11], [sflag:$0x1] =	stream.linear.gather [hbm4b:s10+s4], $0x35D0, $0x38;
	[tilespmem:$0x1F000] =	vst v63  }
0x38: {  	s12 =	rddreg [dreg:$0x5];
	s6 =	simm.s32 $0x5370  }
0x39: {  	[tilespmem:s6], [sflag:$0x1] =	stream.linear.gather [hbm4b:s12+s4], $0x35D0, $0x38;
	[tilespmem:$0x1F000] =	vst v63  }
0x3a: {  	s13 =	rddreg [dreg:$0x1]  }
0x3b: {  	[tilespmem:s18], [sflag:$0x1] =	stream.linear.gather [hbm4b:s13+s4], $0x35D0, $0x38;
	[tilespmem:$0x1F000] =	vst v63  }
0x3c: {  	s14 =	rddreg [dreg:$0x7];
	s7 =	simm.s32 $0xC720  }
0x3d: {  	[tilespmem:s7], [sflag:$0x1] =	stream.linear.gather [hbm4b:s14+s4], $0x800, $0x38;
	[tilespmem:$0x1F000] =	vst v63  }
0x3e: {  	s15 =	rddreg [dreg:$0x8];
	s16 =	simm.s32 $0xCF30  }
0x3f: {  	[tilespmem:s16], [sflag:$0x1] =	stream.linear.gather [hbm4b:s15+s4], $0x800, $0x38;
	[tilespmem:$0x1F000] =	vst v63  }
0x40: {  	s17 =	rddreg [dreg:$0x9];
	s22 =	simm.s32 $0xD740;
	s24 =	simm.s32 $0x1  }
0x41: {  	[tilespmem:s22], [sflag:$0x1] =	stream.linear.gather [hbm4b:s17+s4], $0x800, $0x38;
	[tilespmem:$0x1F000] =	vst v63  }
0x42: {  	_ =	swait.ge [sflag:s24], $0x1DA0  }
0x43: {  	[sflag:s24] =	ssyncset.done $0x0  }
0x44: {  	[sflag:s24] =	ssyncadd.s32 $0xFFFFE260  }
0x45: {  	_ =	swait.ge [sflag:s24], $0x800  }
0x46: {  	[sflag:s24] =	ssyncset.done $0x0  }
0x47: {  	[sflag:s24] =	ssyncadd.s32 $0xFFFFF800  }
0x48: {  	_ =	swait.ge [sflag:s24], $0x35D0  }
0x49: {  	[sflag:s24] =	ssyncset.done $0x0  }
0x4a: {  	[sflag:s24] =	ssyncadd.s32 $0xFFFFCA30  }
0x4b: {  	_ =	swait.ge [sflag:s24], $0x35D0  }
0x4c: {  	[sflag:s24] =	ssyncset.done $0x0  }
0x4d: {  	[sflag:s24] =	ssyncadd.s32 $0xFFFFCA30  }
0x4e: {  	_ =	swait.ge [sflag:s24], $0x35D0  }
0x4f: {  	[sflag:s24] =	ssyncset.done $0x0  }
0x50: {  	[sflag:s24] =	ssyncadd.s32 $0xFFFFCA30  }
0x51: {  	_ =	swait.ge [sflag:s24], $0x800  }
0x52: {  	[sflag:s24] =	ssyncset.done $0x0  }
0x53: {  	[sflag:s24] =	ssyncadd.s32 $0xFFFFF800  }
0x54: {  	_ =	swait.ge [sflag:s24], $0x800  }
0x55: {  	[sflag:s24] =	ssyncset.done $0x0  }
0x56: {  	[sflag:s24] =	ssyncadd.s32 $0xFFFFF800  }
0x57: {  	_ =	swait.ge [sflag:s24], $0x800  }
0x58: {  	[sflag:s24] =	ssyncset.done $0x0  }
0x59: {  	[sflag:s24] =	ssyncadd.s32 $0xFFFFF800  }
0x5a: {  	v7 =	vld.idx.msk [tilespmem:v44+s3+$0x0], $0xffff;
	_ =	sdelay $0x4  }
0x5b: {  	vm0 =	vgt.s32 v7, $0x0  }
0x5c: {  	v7 =	vnsel vm0, $0x0, v7  }
0x5d: {  	v7 =	vmin.u32 v7, $0x35CF;
	_ =	sdelay $0x4  }
0x5e: {  	v13 =	vld.idx.msk [tilespmem:v7+s11+$0x0], $0xffff;
	_ =	sdelay $0x7  }
0x5f: {  	v13 =	vld.idx.msk [tilespmem:v13+s4+$0x0], $0xffff;
	_ =	sdelay $0x4  }
0x60: {  	[tilespmem:v44+s23+$0x0] =	vst.idx.msk $0xffff, v13  }
0x61: {  	v13 =	vld.idx.msk [tilespmem:v7+s6+$0x0], $0xffff;
	_ =	sdelay $0x7  }
0x62: {  	v13 =	vld.idx.msk [tilespmem:v13+s4+$0x0], $0xffff;
	_ =	sdelay $0x4  }
0x63: {  	[tilespmem:v8+s23+$0x0] =	vst.idx.msk $0xffff, v13  }
0x64: {  	v7 =	vld.idx.msk [tilespmem:v7+s18+$0x0], $0xffff;
	_ =	sdelay $0x7  }
0x65: {  	v7 =	vld.idx.msk [tilespmem:v7+s4+$0x0], $0xffff;
	_ =	sdelay $0x4  }
0x66: {  	[tilespmem:v11+s23+$0x0] =	vst.idx.msk $0xffff, v7  }
0x67: {  	v7 =	vld.idx.msk [tilespmem:v57+s3+$0x0], $0xffff;
	_ =	sdelay $0x4  }
0x68: {  	vm15 =	vgt.s32 v7, $0x0  }
0x69: {  	v7 =	vnsel vm15, $0x0, v7  }
0x6a: {  	v7 =	vmin.u32 v7, $0x35CF;
	_ =	sdelay $0x4  }
0x6b: {  	v13 =	vld.idx.msk [tilespmem:v7+s11+$0x0], $0xffff;
	_ =	sdelay $0x7  }
0x6c: {  	v13 =	vld.idx.msk [tilespmem:v13+s4+$0x0], $0xffff;
	_ =	sdelay $0x4  }
0x6d: {  	[tilespmem:v57+s23+$0x0] =	vst.idx.msk $0xffff, v13  }
0x6e: {  	v13 =	vld.idx.msk [tilespmem:v7+s6+$0x0], $0xffff;
	_ =	sdelay $0x7  }
0x6f: {  	v13 =	vld.idx.msk [tilespmem:v13+s4+$0x0], $0xffff;
	_ =	sdelay $0x4  }
0x70: {  	[tilespmem:v10+s23+$0x0] =	vst.idx.msk $0xffff, v13  }
0x71: {  	v7 =	vld.idx.msk [tilespmem:v7+s18+$0x0], $0xffff;
	_ =	sdelay $0x7  }
0x72: {  	v7 =	vld.idx.msk [tilespmem:v7+s4+$0x0], $0xffff;
	_ =	sdelay $0x4  }
0x73: {  	s29 =	simm.s32 $0x30;
	s30 =	simm.s32 $0xDF70;
	[tilespmem:v45+s23+$0x0] =	vst.idx.msk $0xffff, v7  }
0x74: {  	[tilespmem:s25], [sflag:$0x2] =	stream.indirect.gather [hbm4b:s1+s29], $0x100, s23, s29, $0xb8;
	[tilespmem:$0x1F000] =	vst v63  }
0x75: {  	s31 =	simm.s32 $0x11000;
	s9 =	simm.s32 $0x0;
	s7 =	simm.s32 $0x0  }
0x76: {  	[tilespmem:s31], [sflag:$0x2] =	stream.indirect.gather [hbm4b:s1+s29], $0x100, s30, s29, $0xb8;
	[tilespmem:$0x1F000] =	vst v63  }
.LBB2_2:
0x77: {  	s11 =	sshll.u32 s9, $0x6  }
0x78: {  	s10 =	sor.u32 $0x20, s11  }
0x79: {  	v7 =	vor.u32 s10, v44;
	_ =	sdelay $0x3  }
0x7a: {  	s3 =	simm.s32 $0xBF10  }
0x7b: {  	v7 =	vld.idx.msk [tilespmem:v7+s3+$0x0], $0xffff;
	_ =	sdelay $0x4  }
0x7c: {  	vm0 =	vgt.s32 v7, $0x0  }
0x7d: {  	v7 =	vnsel vm0, $0x0, v7  }
0x7e: {  	v7 =	vmin.u32 v7, $0x35CF;
	_ =	sdelay $0x3  }
0x7f: {  	s5 =	simm.s32 $0x1DA0  }
0x80: {  	v13 =	vld.idx.msk [tilespmem:v7+s5+$0x0], $0xffff;
	_ =	sdelay $0x7  }
0x81: {  	v13 =	vld.idx.msk [tilespmem:v13+s4+$0x0], $0xffff;
	_ =	sdelay $0x4  }
0x82: {  	s6 =	simm.s32 $0x5370;
	[tilespmem:v43+s23+$0x0] =	vst.idx.msk $0xffff, v13  }
0x83: {  	v13 =	vld.idx.msk [tilespmem:v7+s6+$0x0], $0xffff;
	_ =	sdelay $0x7  }
0x84: {  	v13 =	vld.idx.msk [tilespmem:v13+s4+$0x0], $0xffff;
	_ =	sdelay $0x4  }
0x85: {  	[tilespmem:v56+s23+$0x0] =	vst.idx.msk $0xffff, v13  }
0x86: {  	v7 =	vld.idx.msk [tilespmem:v7+s18+$0x0], $0xffff;
	_ =	sdelay $0x7  }
0x87: {  	s2 =	sor.u32 $0x30, s11;
	v7 =	vld.idx.msk [tilespmem:v7+s4+$0x0], $0xffff  }
0x88: {  	v13 =	vor.u32 s2, v44;
	_ =	sdelay $0x3  }
0x89: {  	[tilespmem:v28+s23+$0x0] =	vst.idx.msk $0xffff, v7  }
0x8a: {  	v7 =	vld.idx.msk [tilespmem:v13+s3+$0x0], $0xffff;
	_ =	sdelay $0x4  }
0x8b: {  	vm15 =	vgt.s32 v7, $0x0  }
0x8c: {  	v7 =	vnsel vm15, $0x0, v7  }
0x8d: {  	v7 =	vmin.u32 v7, $0x35CF;
	_ =	sdelay $0x4  }
0x8e: {  	v13 =	vld.idx.msk [tilespmem:v7+s5+$0x0], $0xffff;
	_ =	sdelay $0x7  }
0x8f: {  	v13 =	vld.idx.msk [tilespmem:v13+s4+$0x0], $0xffff;
	_ =	sdelay $0x4  }
0x90: {  	[tilespmem:v39+s23+$0x0] =	vst.idx.msk $0xffff, v13  }
0x91: {  	v13 =	vld.idx.msk [tilespmem:v7+s6+$0x0], $0xffff;
	_ =	sdelay $0x7  }
0x92: {  	v13 =	vld.idx.msk [tilespmem:v13+s4+$0x0], $0xffff;
	_ =	sdelay $0x4  }
0x93: {  	[tilespmem:v26+s23+$0x0] =	vst.idx.msk $0xffff, v13  }
0x94: {  	v7 =	vld.idx.msk [tilespmem:v7+s18+$0x0], $0xffff;
	_ =	sdelay $0x7  }
0x95: {  	v7 =	vld.idx.msk [tilespmem:v7+s4+$0x0], $0xffff;
	_ =	sdelay $0x4  }
0x96: {  	s15 =	simm.s32 $0x30;
	s16 =	simm.s32 $0xDFA0;
	s17 =	simm.s32 $0x14000;
	[tilespmem:v25+s23+$0x0] =	vst.idx.msk $0xffff, v7  }
0x97: {  	[tilespmem:s17], [sflag:$0x3] =	stream.indirect.gather [hbm4b:s1+s15], $0x100, s16, s15, $0xb8;
	[tilespmem:$0x1F000] =	vst v63  }
0x98: {  	s22 =	simm.s32 $0xDFD0;
	s24 =	simm.s32 $0x17000  }
0x99: {  	[tilespmem:s24], [sflag:$0x3] =	stream.indirect.gather [hbm4b:s1+s15], $0x100, s22, s15, $0xb8;
	[tilespmem:$0x1F000] =	vst v63  }
0x9a: {  	_ =	swait.ge [sflag:s0], $0x3000  }
0x9b: {  	[sflag:s0] =	ssyncset.done $0x0  }
0x9c: {  	[sflag:s0] =	ssyncadd.s32 $0xFFFFD000  }
0x9d: {  	_ =	swait.ge [sflag:s0], $0x3000  }
0x9e: {  	p0 =	seq.s32 s9, $0x0;
	[sflag:s0] =	ssyncset.done $0x0  }
0x9f: {  	s3 =	simm.s32 @!p0 $0x4;
	[sflag:s0] =	ssyncadd.s32 $0xFFFFD000  }
0xa0: {  	_ =	swait.ge @!p0 [sflag:s3], $0x400  }
0xa1: {  	[sflag:s3] =	ssyncset.done @!p0 $0x0  }
0xa2: {  	[sflag:s3] =	ssyncadd.s32 @!p0 $0xFFFFFC00  }
0xa3: {  	_ =	swait.ge @!p0 [sflag:s3], $0x400  }
0xa4: {  	[sflag:s3] =	ssyncset.done @!p0 $0x0  }
0xa5: {  	[sflag:s3] =	ssyncadd.s32 @!p0 $0xFFFFFC00  }
0xa6: {  	_ =	swait.ge @!p0 [sflag:s3], $0x400  }
0xa7: {  	[sflag:s3] =	ssyncset.done @!p0 $0x0  }
0xa8: {  	[sflag:s3] =	ssyncadd.s32 @!p0 $0xFFFFFC00  }
0xa9: {  	_ =	swait.ge @!p0 [sflag:s3], $0x400  }
0xaa: {  	[sflag:s3] =	ssyncset.done @!p0 $0x0  }
0xab: {  	[sflag:s3] =	ssyncadd.s32 @!p0 $0xFFFFFC00  }
0xac: {  	_ =	swait.ge @!p0 [sflag:s3], $0x400  }
0xad: {  	[sflag:s3] =	ssyncset.done @!p0 $0x0  }
0xae: {  	[sflag:s3] =	ssyncadd.s32 @!p0 $0xFFFFFC00  }
0xaf: {  	_ =	swait.ge @!p0 [sflag:s3], $0x400  }
0xb0: {  	s5 =	simm.s32 $0x0;
	s6 =	sadd.s32 $0x0, s7;
	[sflag:s3] =	ssyncset.done @!p0 $0x0  }
0xb1: {  	s13 =	sadd.s32 $0x10, s6;
	v7 =	vmov s5;
	[sflag:s3] =	ssyncadd.s32 @!p0 $0xFFFFFC00  }
0xb2: {  	v13 =	vmov s13;
	v36 =	vshll.u32 v7, $0x8;
	_ =	swait.ge @!p0 [sflag:s3], $0x400  }
0xb3: {  	s2 =	simm.s32 $0x2000;
	v13 =	vand.u32 $0xFFFFFFFE, v13;
	v14 =	vor.u32 v44, v36;
	[sflag:s3] =	ssyncset.done @!p0 $0x0  }
0xb4: {  	v15 =	vor.u32 s2, v44;
	v13 =	vbroadcast v13, $0x0;
	[sflag:s3] =	ssyncadd.s32 @!p0 $0xFFFFFC00  }
0xb5: {  	_ =	swait.ge @!p0 [sflag:s3], $0x400  }
0xb6: {  	s13 =	simm.s32 $0x4000;
	[sflag:s3] =	ssyncset.done @!p0 $0x0  }
0xb7: {  	v16 =	vor.u32 s13, v44;
	[sflag:s3] =	ssyncadd.s32 @!p0 $0xFFFFFC00  }
0xb8: {  	v14 =	vld.idx.msk [tilespmem:v14+s25+$0x0], $0xffff  }
0xb9: {  	v15 =	vld.idx.msk [tilespmem:v15+s25+$0x0], $0xffff  }
0xba: {  	v47 =	vld.idx.msk [tilespmem:v13+s19+$0x0], $0xffff  }
0xbb: {  	v52 =	vld.idx.msk [tilespmem:v13+s20+$0x0], $0xffff  }
0xbc: {  	v16 =	vld.idx.msk [tilespmem:v16+s25+$0x0], $0xffff  }
0xbd: {  	v51 =	vld.idx.msk [tilespmem:v13+s21+$0x0], $0xffff;
	_ =	sdelay $0x2  }
0xbe: {  	v54 =	vand.u32 $0x1E, v7;
	v13 =	vmul.f32 v14, v47;
	v14 =	vmul.f32 v15, v52  }
0xbf: {  	v7 =	vadd.s32 v9, v54  }
0xc0: {  	v15 =	vor.u32 v57, v36;
	v13 =	vadd.f32 v14, v13;
	v14 =	vmul.f32 v16, v51  }
0xc1: {  	v16 =	vor.u32 s2, v57  }
0xc2: {  	v13 =	vadd.f32 v14, v13  }
0xc3: {  	v14 =	vor.u32 s13, v57  }
0xc4: {  	[tilespmem:v7+s26+$0x0] =	vst.idx.msk $0xffff, v13  }
0xc5: {  	v7 =	vld.idx.msk [tilespmem:v15+s25+$0x0], $0xffff  }
0xc6: {  	s15 =	sadd.s32 $0x11, s6;
	v15 =	vld.idx.msk [tilespmem:v16+s25+$0x0], $0xffff  }
0xc7: {  	v19 =	vmov s15  }
0xc8: {  	s14 =	simm.s32 $0x1;
	v14 =	vld.idx.msk [tilespmem:v14+s25+$0x0], $0xffff  }
0xc9: {  	v13 =	vmov s14;
	s14 =	simm.s32 $0x2100  }
0xca: {  	v33 =	vshll.u32 v13, $0x8;
	v18 =	vor.u32 s14, v44  }
0xcb: {  	s12 =	simm.s32 $0x4100;
	v17 =	vor.u32 v44, v33;
	v7 =	vmul.f32 v7, v47;
	v15 =	vmul.f32 v15, v52  }
0xcc: {  	v20 =	vadd.s32 v0, v54;
	v50 =	vld.idx.msk [tilespmem:v19+s19+$0x0], $0xffff;
	v16 =	vor.u32 s12, v44  }
0xcd: {  	v59 =	vld.idx.msk [tilespmem:v19+s20+$0x0], $0xffff;
	v7 =	vadd.f32 v15, v7;
	v14 =	vmul.f32 v14, v51;
	v15 =	vor.u32 v8, v36  }
0xce: {  	v21 =	vor.u32 s2, v8;
	v12 =	vld.idx.msk [tilespmem:v19+s21+$0x0], $0xffff  }
0xcf: {  	v18 =	vld.idx.msk [tilespmem:v18+s25+$0x0], $0xffff;
	v7 =	vadd.f32 v14, v7  }
0xd0: {  	v17 =	vld.idx.msk [tilespmem:v17+s25+$0x0], $0xffff;
	v14 =	vor.u32 s13, v8  }
0xd1: {  	v16 =	vld.idx.msk [tilespmem:v16+s25+$0x0], $0xffff;
	[tilespmem:v20+s26+$0x0] =	vst.idx.msk $0xffff, v7  }
0xd2: {  	v7 =	vld.idx.msk [tilespmem:v15+s25+$0x0], $0xffff  }
0xd3: {  	v15 =	vld.idx.msk [tilespmem:v21+s25+$0x0], $0xffff;
	_ =	sdelay $0x1  }
0xd4: {  	v49 =	vand.u32 $0x1F, v13;
	v13 =	vmul.f32 v17, v50;
	v17 =	vmul.f32 v18, v59;
	v14 =	vld.idx.msk [tilespmem:v14+s25+$0x0], $0xffff  }
0xd5: {  	v18 =	vadd.s32 v9, v49  }
0xd6: {  	v16 =	vmul.f32 v16, v12;
	v13 =	vadd.f32 v17, v13;
	v17 =	vor.u32 v57, v33  }
0xd7: {  	v19 =	vor.u32 s14, v57;
	v7 =	vmul.f32 v7, v47;
	v15 =	vmul.f32 v15, v52  }
0xd8: {  	v20 =	vadd.s32 v1, v54;
	v13 =	vadd.f32 v16, v13;
	v16 =	vor.u32 s12, v57  }
0xd9: {  	v7 =	vadd.f32 v15, v7;
	v14 =	vmul.f32 v14, v51;
	v15 =	vor.u32 v10, v36  }
0xda: {  	[tilespmem:v18+s26+$0x0] =	vst.idx.msk $0xffff, v13;
	v13 =	vor.u32 s2, v10  }
0xdb: {  	v17 =	vld.idx.msk [tilespmem:v17+s25+$0x0], $0xffff;
	v7 =	vadd.f32 v14, v7  }
0xdc: {  	v18 =	vor.u32 s13, v10;
	v14 =	vld.idx.msk [tilespmem:v19+s25+$0x0], $0xffff  }
0xdd: {  	v16 =	vld.idx.msk [tilespmem:v16+s25+$0x0], $0xffff;
	[tilespmem:v20+s26+$0x0] =	vst.idx.msk $0xffff, v7  }
0xde: {  	v7 =	vld.idx.msk [tilespmem:v15+s25+$0x0], $0xffff  }
0xdf: {  	v13 =	vld.idx.msk [tilespmem:v13+s25+$0x0], $0xffff;
	_ =	sdelay $0x1  }
0xe0: {  	v15 =	vmul.f32 v17, v50;
	v17 =	vld.idx.msk [tilespmem:v18+s25+$0x0], $0xffff;
	v14 =	vmul.f32 v14, v59  }
0xe1: {  	v18 =	vadd.s32 v0, v49  }
0xe2: {  	v19 =	vor.u32 v8, v33;
	v14 =	vadd.f32 v14, v15;
	v15 =	vmul.f32 v16, v12  }
0xe3: {  	v16 =	vor.u32 s14, v8;
	v7 =	vmul.f32 v7, v47;
	v13 =	vmul.f32 v13, v52  }
0xe4: {  	v20 =	vadd.s32 v2, v54;
	v14 =	vadd.f32 v15, v14;
	v15 =	vor.u32 s12, v8  }
0xe5: {  	v7 =	vadd.f32 v13, v7;
	v13 =	vmul.f32 v17, v51;
	v17 =	vor.u32 v11, v36  }
0xe6: {  	[tilespmem:v18+s26+$0x0] =	vst.idx.msk $0xffff, v14;
	v14 =	vor.u32 s2, v11  }
0xe7: {  	v18 =	vld.idx.msk [tilespmem:v19+s25+$0x0], $0xffff;
	v7 =	vadd.f32 v13, v7  }
0xe8: {  	v13 =	vld.idx.msk [tilespmem:v16+s25+$0x0], $0xffff;
	v16 =	vor.u32 s13, v11  }
0xe9: {  	v15 =	vld.idx.msk [tilespmem:v15+s25+$0x0], $0xffff;
	[tilespmem:v20+s26+$0x0] =	vst.idx.msk $0xffff, v7  }
0xea: {  	v7 =	vld.idx.msk [tilespmem:v17+s25+$0x0], $0xffff  }
0xeb: {  	v14 =	vld.idx.msk [tilespmem:v14+s25+$0x0], $0xffff;
	_ =	sdelay $0x1  }
0xec: {  	v17 =	vmul.f32 v18, v50;
	v13 =	vmul.f32 v13, v59;
	v16 =	vld.idx.msk [tilespmem:v16+s25+$0x0], $0xffff  }
0xed: {  	v18 =	vadd.s32 v1, v49  }
0xee: {  	v15 =	vmul.f32 v15, v12;
	v13 =	vadd.f32 v13, v17;
	v17 =	vor.u32 v10, v33  }
0xef: {  	v19 =	vor.u32 s14, v10;
	v7 =	vmul.f32 v7, v47;
	v14 =	vmul.f32 v14, v52  }
0xf0: {  	v20 =	vadd.s32 v3, v54;
	v13 =	vadd.f32 v15, v13;
	v15 =	vor.u32 s12, v10  }
0xf1: {  	v7 =	vadd.f32 v14, v7;
	v14 =	vmul.f32 v16, v51;
	v16 =	vor.u32 v45, v36  }
0xf2: {  	[tilespmem:v18+s26+$0x0] =	vst.idx.msk $0xffff, v13;
	v13 =	vor.u32 s2, v45  }
0xf3: {  	v17 =	vld.idx.msk [tilespmem:v17+s25+$0x0], $0xffff;
	v7 =	vadd.f32 v14, v7  }
0xf4: {  	v18 =	vor.u32 s13, v45;
	v14 =	vld.idx.msk [tilespmem:v19+s25+$0x0], $0xffff  }
0xf5: {  	v15 =	vld.idx.msk [tilespmem:v15+s25+$0x0], $0xffff;
	[tilespmem:v20+s26+$0x0] =	vst.idx.msk $0xffff, v7  }
0xf6: {  	v7 =	vld.idx.msk [tilespmem:v16+s25+$0x0], $0xffff  }
0xf7: {  	v13 =	vld.idx.msk [tilespmem:v13+s25+$0x0], $0xffff;
	_ =	sdelay $0x1  }
0xf8: {  	v16 =	vmul.f32 v17, v50;
	v17 =	vld.idx.msk [tilespmem:v18+s25+$0x0], $0xffff;
	v14 =	vmul.f32 v14, v59  }
0xf9: {  	v18 =	vadd.s32 v2, v49  }
0xfa: {  	v15 =	vmul.f32 v15, v12;
	v14 =	vadd.f32 v14, v16;
	v16 =	vor.u32 v11, v33  }
0xfb: {  	v19 =	vor.u32 s14, v11;
	v7 =	vmul.f32 v7, v47;
	v13 =	vmul.f32 v13, v52  }
0xfc: {  	v20 =	vor.u32 s12, v11;
	v14 =	vadd.f32 v15, v14;
	v15 =	vadd.s32 v4, v54  }
0xfd: {  	v7 =	vadd.f32 v13, v7;
	v13 =	vmul.f32 v17, v51;
	v17 =	vor.u32 v43, v36  }
0xfe: {  	[tilespmem:v18+s26+$0x0] =	vst.idx.msk $0xffff, v14;
	v14 =	vor.u32 s2, v43  }
0xff: {  	v16 =	vld.idx.msk [tilespmem:v16+s25+$0x0], $0xffff;
	v7 =	vadd.f32 v13, v7  }
0x100: {  	v18 =	vor.u32 s13, v43;
	v13 =	vld.idx.msk [tilespmem:v19+s25+$0x0], $0xffff  }
0x101: {  	v19 =	vld.idx.msk [tilespmem:v20+s25+$0x0], $0xffff;
	[tilespmem:v15+s26+$0x0] =	vst.idx.msk $0xffff, v7  }
0x102: {  	v7 =	vld.idx.msk [tilespmem:v17+s25+$0x0], $0xffff  }
0x103: {  	s15 =	sadd.s32 $0x2, s7;
	v14 =	vld.idx.msk [tilespmem:v14+s25+$0x0], $0xffff  }
0x104: {  	s22 =	sadd.s32 $0x10, s15;
	s15 =	sadd.s32 $0x11, s15  }
0x105: {  	v29 =	vmov s15;
	v17 =	vld.idx.msk [tilespmem:v18+s25+$0x0], $0xffff;
	v16 =	vmul.f32 v16, v50;
	v13 =	vmul.f32 v13, v59  }
0x106: {  	s3 =	simm.s32 $0x2200;
	v21 =	vadd.s32 v3, v49  }
0x107: {  	v27 =	vor.u32 s3, v44;
	v19 =	vmul.f32 v19, v12;
	v13 =	vadd.f32 v13, v16  }
0x108: {  	v22 =	vor.u32 s14, v45;
	v7 =	vmul.f32 v7, v47;
	v14 =	vmul.f32 v14, v52  }
0x109: {  	v23 =	vadd.s32 v42, v54;
	v16 =	vor.u32 v45, v33;
	v13 =	vadd.f32 v19, v13  }
0x10a: {  	v58 =	vld.idx.msk [tilespmem:v29+s19+$0x0], $0xffff;
	v7 =	vadd.f32 v14, v7;
	v14 =	vmul.f32 v17, v51;
	v17 =	vor.u32 v39, v36  }
0x10b: {  	s17 =	simm.s32 $0x2;
	v30 =	vld.idx.msk [tilespmem:v29+s20+$0x0], $0xffff;
	v20 =	vor.u32 s12, v45;
	[tilespmem:v21+s26+$0x0] =	vst.idx.msk $0xffff, v13;
	v13 =	vor.u32 s2, v39  }
0x10c: {  	v27 =	vld.idx.msk [tilespmem:v27+s25+$0x0], $0xffff;
	v19 =	vmov s17;
	v21 =	vmov s22;
	v7 =	vadd.f32 v14, v7  }
0x10d: {  	v61 =	vshll.u32 v19, $0x8;
	v21 =	vand.u32 $0xFFFFFFFE, v21;
	v14 =	vld.idx.msk [tilespmem:v22+s25+$0x0], $0xffff;
	v22 =	vor.u32 s13, v39  }
0x10e: {  	v24 =	vmov v25;
	v25 =	vor.u32 v44, v61;
	v16 =	vld.idx.msk [tilespmem:v16+s25+$0x0], $0xffff;
	v21 =	vbroadcast v21, $0x0;
	[tilespmem:v23+s26+$0x0] =	vst.idx.msk $0xffff, v7  }
0x10f: {  	v7 =	vld.idx.msk [tilespmem:v17+s25+$0x0], $0xffff  }
0x110: {  	s5 =	simm.s32 $0x4200;
	s16 =	simm.s32 $0x3;
	v13 =	vld.idx.msk [tilespmem:v13+s25+$0x0], $0xffff  }
0x111: {  	v15 =	vmov s16;
	v20 =	vld.idx.msk [tilespmem:v20+s25+$0x0], $0xffff;
	v17 =	vor.u32 s5, v44  }
0x112: {  	s6 =	simm.s32 $0x2300;
	v55 =	vshll.u32 v15, $0x8;
	v22 =	vld.idx.msk [tilespmem:v22+s25+$0x0], $0xffff  }
0x113: {  	v6 =	vmovc v43;
	v5 =	vmovc v56;
	v43 =	vmov v39;
	v18 =	vor.u32 v44, v55;
	s22 =	simm.s32 $0x4300;
	v23 =	vld.idx.msk [tilespmem:v25+s25+$0x0], $0xffff;
	v25 =	vor.u32 s6, v44  }
0x114: {  	v31 =	vor.u32 s22, v44;
	v39 =	vmovc v11;
	v16 =	vmul.f32 v16, v50;
	v14 =	vmul.f32 v14, v59;
	v62 =	vld.idx.msk [tilespmem:v21+s19+$0x0], $0xffff  }
0x115: {  	v11 =	vmovc v12;
	v12 =	vmov v57;
	v56 =	vld.idx.msk [tilespmem:v21+s20+$0x0], $0xffff;
	v7 =	vmul.f32 v7, v47;
	v13 =	vmul.f32 v13, v52  }
0x116: {  	v20 =	vmul.f32 v20, v11;
	v14 =	vadd.f32 v14, v16;
	v16 =	vld.idx.msk [tilespmem:v17+s25+$0x0], $0xffff;
	v17 =	vadd.s32 v32, v54  }
0x117: {  	v57 =	vld.idx.msk [tilespmem:v21+s21+$0x0], $0xffff;
	v21 =	vor.u32 v5, v36;
	v7 =	vadd.f32 v13, v7;
	v13 =	vmul.f32 v22, v51  }
0x118: {  	v34 =	vor.u32 s14, v6;
	v53 =	vadd.s32 v4, v49;
	v22 =	vld.idx.msk [tilespmem:v25+s25+$0x0], $0xffff;
	v25 =	vor.u32 s2, v5  }
0x119: {  	v48 =	vmovc v0;
	v18 =	vld.idx.msk [tilespmem:v18+s25+$0x0], $0xffff;
	v63 =	vand.u32 $0x1E, v19;
	v14 =	vadd.f32 v20, v14;
	v7 =	vadd.f32 v13, v7  }
0x11a: {  	v0 =	vmovc v32;
	v32 =	vld.idx.msk [tilespmem:v29+s21+$0x0], $0xffff;
	v20 =	vmul.f32 v23, v62;
	v23 =	vmul.f32 v27, v56;
	v13 =	vor.u32 s13, v5  }
0x11b: {  	v27 =	vld.idx.msk [tilespmem:v31+s25+$0x0], $0xffff;
	v31 =	vor.u32 v6, v33;
	[tilespmem:v17+s26+$0x0] =	vst.idx.msk $0xffff, v7;
	v7 =	vadd.s32 v9, v63  }
0x11c: {  	v19 =	vadd.f32 v23, v20;
	v16 =	vmul.f32 v16, v57;
	v20 =	vor.u32 s12, v6;
	v17 =	vld.idx.msk [tilespmem:v21+s25+$0x0], $0xffff  }
0x11d: {  	[tilespmem:v53+s26+$0x0] =	vst.idx.msk $0xffff, v14;
	v14 =	vor.u32 v12, v61;
	v21 =	vld.idx.msk [tilespmem:v25+s25+$0x0], $0xffff  }
0x11e: {  	v60 =	vand.u32 $0x1F, v15;
	v15 =	vld.idx.msk [tilespmem:v34+s25+$0x0], $0xffff;
	v16 =	vadd.f32 v16, v19;
	v19 =	vor.u32 s3, v12  }
0x11f: {  	v18 =	vmul.f32 v18, v58;
	v22 =	vmul.f32 v22, v30;
	v13 =	vld.idx.msk [tilespmem:v13+s25+$0x0], $0xffff  }
0x120: {  	v23 =	vld.idx.msk [tilespmem:v31+s25+$0x0], $0xffff;
	[tilespmem:v7+s26+$0x0] =	vst.idx.msk $0xffff, v16;
	v7 =	vor.u32 s5, v12  }
0x121: {  	v16 =	vadd.f32 v22, v18;
	v18 =	vld.idx.msk [tilespmem:v20+s25+$0x0], $0xffff;
	v20 =	vadd.s32 v9, v60;
	v22 =	vmul.f32 v27, v32  }
0x122: {  	v25 =	vor.u32 v12, v55;
	v17 =	vmul.f32 v17, v47;
	v21 =	vmul.f32 v21, v52;
	v14 =	vld.idx.msk [tilespmem:v14+s25+$0x0], $0xffff  }
0x123: {  	v27 =	vadd.s32 v40, v54;
	v19 =	vld.idx.msk [tilespmem:v19+s25+$0x0], $0xffff;
	v16 =	vadd.f32 v22, v16  }
0x124: {  	v17 =	vadd.f32 v21, v17;
	v13 =	vmul.f32 v13, v51;
	v21 =	vor.u32 v26, v36  }
0x125: {  	v29 =	vor.u32 s6, v12;
	v22 =	vor.u32 s2, v26  }
0x126: {  	v15 =	vmul.f32 v15, v59;
	v7 =	vld.idx.msk [tilespmem:v7+s25+$0x0], $0xffff;
	v13 =	vadd.f32 v13, v17;
	[tilespmem:v20+s26+$0x0] =	vst.idx.msk $0xffff, v16  }
0x127: {  	v23 =	vmul.f32 v23, v50;
	v17 =	vadd.s32 v42, v49;
	v16 =	vor.u32 s13, v26;
	v20 =	vld.idx.msk [tilespmem:v25+s25+$0x0], $0xffff  }
0x128: {  	v25 =	vor.u32 s22, v12;
	v14 =	vmul.f32 v14, v62;
	v19 =	vmul.f32 v19, v56;
	[tilespmem:v27+s26+$0x0] =	vst.idx.msk $0xffff, v13  }
0x129: {  	v18 =	vmul.f32 v18, v11;
	v13 =	vadd.f32 v15, v23;
	v15 =	vor.u32 v43, v33;
	v21 =	vld.idx.msk [tilespmem:v21+s25+$0x0], $0xffff  }
0x12a: {  	v23 =	vor.u32 s14, v43;
	v27 =	vadd.s32 v48, v63;
	v22 =	vld.idx.msk [tilespmem:v22+s25+$0x0], $0xffff;
	v14 =	vadd.f32 v19, v14  }
0x12b: {  	v19 =	vld.idx.msk [tilespmem:v29+s25+$0x0], $0xffff;
	v13 =	vadd.f32 v18, v13;
	v18 =	vor.u32 v8, v61;
	v7 =	vmul.f32 v7, v57  }
0x12c: {  	v29 =	vor.u32 s3, v8;
	v16 =	vld.idx.msk [tilespmem:v16+s25+$0x0], $0xffff  }
0x12d: {  	[tilespmem:v17+s26+$0x0] =	vst.idx.msk $0xffff, v13;
	v13 =	vld.idx.msk [tilespmem:v25+s25+$0x0], $0xffff;
	v7 =	vadd.f32 v7, v14  }
0x12e: {  	v14 =	vor.u32 s5, v8;
	v15 =	vld.idx.msk [tilespmem:v15+s25+$0x0], $0xffff  }
0x12f: {  	v17 =	vmul.f32 v20, v58;
	[tilespmem:v27+s26+$0x0] =	vst.idx.msk $0xffff, v7;
	v7 =	vld.idx.msk [tilespmem:v23+s25+$0x0], $0xffff  }
0x130: {  	v20 =	vor.u32 s12, v43;
	v21 =	vmul.f32 v21, v47;
	v22 =	vmul.f32 v22, v52;
	v18 =	vld.idx.msk [tilespmem:v18+s25+$0x0], $0xffff  }
0x131: {  	v25 =	vadd.s32 v48, v60;
	v19 =	vmul.f32 v19, v30;
	v27 =	vadd.s32 v37, v54;
	v23 =	vld.idx.msk [tilespmem:v29+s25+$0x0], $0xffff  }
0x132: {  	v21 =	vadd.f32 v22, v21;
	v16 =	vmul.f32 v16, v51;
	v22 =	vor.u32 v28, v36  }
0x133: {  	v17 =	vadd.f32 v19, v17;
	v19 =	vor.u32 s2, v28;
	v13 =	vmul.f32 v13, v32;
	v14 =	vld.idx.msk [tilespmem:v14+s25+$0x0], $0xffff  }
0x134: {  	v29 =	vor.u32 v8, v55;
	v16 =	vadd.f32 v16, v21;
	v15 =	vmul.f32 v15, v50  }
0x135: {  	v20 =	vld.idx.msk [tilespmem:v20+s25+$0x0], $0xffff;
	v13 =	vadd.f32 v13, v17;
	v17 =	vor.u32 s13, v28;
	v7 =	vmul.f32 v7, v59  }
0x136: {  	v21 =	vor.u32 s6, v8;
	[tilespmem:v27+s26+$0x0] =	vst.idx.msk $0xffff, v16;
	v16 =	vmul.f32 v18, v62;
	v18 =	vmul.f32 v23, v56  }
0x137: {  	v23 =	vor.u32 s22, v8;
	[tilespmem:v25+s26+$0x0] =	vst.idx.msk $0xffff, v13;
	v13 =	vld.idx.msk [tilespmem:v22+s25+$0x0], $0xffff;
	v22 =	vadd.s32 v1, v63  }
0x138: {  	v19 =	vld.idx.msk [tilespmem:v19+s25+$0x0], $0xffff;
	v16 =	vadd.f32 v18, v16;
	v14 =	vmul.f32 v14, v57;
	v18 =	vor.u32 v10, v61  }
0x139: {  	v31 =	vor.u32 s3, v10;
	v27 =	vadd.s32 v0, v49;
	v29 =	vld.idx.msk [tilespmem:v29+s25+$0x0], $0xffff  }
0x13a: {  	v7 =	vadd.f32 v7, v15;
	v15 =	vmul.f32 v20, v11;
	v17 =	vld.idx.msk [tilespmem:v17+s25+$0x0], $0xffff;
	v14 =	vadd.f32 v14, v16  }
0x13b: {  	v20 =	vor.u32 s5, v10;
	v16 =	vld.idx.msk [tilespmem:v21+s25+$0x0], $0xffff  }
0x13c: {  	v25 =	vor.u32 v5, v33;
	v7 =	vadd.f32 v15, v7;
	v21 =	vld.idx.msk [tilespmem:v23+s25+$0x0], $0xffff;
	[tilespmem:v22+s26+$0x0] =	vst.idx.msk $0xffff, v14  }
0x13d: {  	v13 =	vmul.f32 v13, v47;
	v19 =	vmul.f32 v19, v52;
	v18 =	vld.idx.msk [tilespmem:v18+s25+$0x0], $0xffff  }
0x13e: {  	[tilespmem:v27+s26+$0x0] =	vst.idx.msk $0xffff, v7;
	v22 =	vadd.s32 v46, v54;
	v7 =	vld.idx.msk [tilespmem:v31+s25+$0x0], $0xffff  }
0x13f: {  	v13 =	vadd.f32 v19, v13;
	v19 =	vor.u32 v24, v36;
	v17 =	vmul.f32 v17, v51  }
0x140: {  	v15 =	vor.u32 s14, v5;
	v27 =	vor.u32 s2, v24;
	v20 =	vld.idx.msk [tilespmem:v20+s25+$0x0], $0xffff  }
0x141: {  	v14 =	vor.u32 s12, v5;
	v23 =	vld.idx.msk [tilespmem:v25+s25+$0x0], $0xffff;
	v25 =	vmul.f32 v29, v58;
	v13 =	vadd.f32 v17, v13  }
0x142: {  	v29 =	vadd.s32 v1, v60;
	v16 =	vmul.f32 v16, v30;
	v21 =	vmul.f32 v21, v32  }
0x143: {  	v17 =	vor.u32 s13, v24;
	[tilespmem:v22+s26+$0x0] =	vst.idx.msk $0xffff, v13;
	v13 =	vmul.f32 v18, v62;
	v7 =	vmul.f32 v7, v56  }
0x144: {  	v16 =	vadd.f32 v16, v25;
	v25 =	vor.u32 v10, v55;
	v18 =	vld.idx.msk [tilespmem:v19+s25+$0x0], $0xffff;
	v19 =	vadd.s32 v2, v63  }
0x145: {  	v15 =	vld.idx.msk [tilespmem:v15+s25+$0x0], $0xffff;
	v7 =	vadd.f32 v7, v13;
	v13 =	vmul.f32 v20, v57  }
0x146: {  	v31 =	vor.u32 s6, v10;
	v14 =	vld.idx.msk [tilespmem:v14+s25+$0x0], $0xffff;
	v16 =	vadd.f32 v21, v16  }
0x147: {  	v21 =	vor.u32 s22, v10;
	v22 =	vld.idx.msk [tilespmem:v27+s25+$0x0], $0xffff;
	v7 =	vadd.f32 v13, v7  }
0x148: {  	v20 =	vor.u32 v39, v61;
	[tilespmem:v29+s26+$0x0] =	vst.idx.msk $0xffff, v16;
	v16 =	vld.idx.msk [tilespmem:v17+s25+$0x0], $0xffff  }
0x149: {  	v27 =	vor.u32 s3, v39;
	v13 =	vld.idx.msk [tilespmem:v25+s25+$0x0], $0xffff;
	[tilespmem:v19+s26+$0x0] =	vst.idx.msk $0xffff, v7  }
0x14a: {  	v15 =	vmul.f32 v15, v59;
	v17 =	vmul.f32 v23, v50;
	v10 =	vld [tilespmem:$0x1FD20]  }
0x14b: {  	v23 =	vadd.s32 v40, v49;
	v25 =	vor.u32 s5, v39;
	v29 =	vld.idx.msk [tilespmem:v31+s25+$0x0], $0xffff  }
0x14c: {  	v14 =	vmul.f32 v14, v11;
	v15 =	vadd.f32 v15, v17;
	v7 =	vld.idx.msk [tilespmem:v21+s25+$0x0], $0xffff  }
0x14d: {  	v17 =	vor.u32 v26, v33;
	v18 =	vmul.f32 v18, v47;
	v19 =	vld.idx.msk [tilespmem:v20+s25+$0x0], $0xffff;
	v20 =	vmul.f32 v22, v52  }
0x14e: {  	v21 =	vor.u32 s14, v26;
	v14 =	vadd.f32 v14, v15;
	v15 =	vor.u32 s12, v26;
	v22 =	vld.idx.msk [tilespmem:v27+s25+$0x0], $0xffff  }
0x14f: {  	v16 =	vmul.f32 v16, v51;
	v18 =	vadd.f32 v20, v18;
	v27 =	vadd.s32 v10, v54  }
0x150: {  	v25 =	vld.idx.msk [tilespmem:v25+s25+$0x0], $0xffff;
	v13 =	vmul.f32 v13, v58;
	[tilespmem:v23+s26+$0x0] =	vst.idx.msk $0xffff, v14;
	v23 =	vmul.f32 v29, v30  }
0x151: {  	v20 =	vor.u32 v38, v36;
	v16 =	vadd.f32 v16, v18;
	v18 =	vadd.s32 v2, v60  }
0x152: {  	v7 =	vmul.f32 v7, v32;
	v13 =	vadd.f32 v23, v13;
	v23 =	vor.u32 v39, v55  }
0x153: {  	v14 =	vor.u32 s2, v38;
	v19 =	vmul.f32 v19, v62;
	v22 =	vmul.f32 v22, v56  }
0x154: {  	v17 =	vld.idx.msk [tilespmem:v17+s25+$0x0], $0xffff;
	v7 =	vadd.f32 v7, v13;
	[tilespmem:v27+s26+$0x0] =	vst.idx.msk $0xffff, v16;
	v16 =	vadd.s32 v3, v63  }
0x155: {  	v21 =	vld.idx.msk [tilespmem:v21+s25+$0x0], $0xffff;
	v19 =	vadd.f32 v22, v19;
	v22 =	vmul.f32 v25, v57  }
0x156: {  	s29 =	simm.s32 $0x4500;
	v29 =	vor.u32 s13, v38;
	v15 =	vld.idx.msk [tilespmem:v15+s25+$0x0], $0xffff;
	[tilespmem:v18+s26+$0x0] =	vst.idx.msk $0xffff, v7  }
0x157: {  	v19 =	vadd.f32 v22, v19;
	v22 =	vor.u32 s29, v44;
	v23 =	vld.idx.msk [tilespmem:v23+s25+$0x0], $0xffff  }
0x158: {  	v25 =	vor.u32 v45, v61;
	v20 =	vld.idx.msk [tilespmem:v20+s25+$0x0], $0xffff  }
0x159: {  	v27 =	vor.u32 s3, v45;
	v14 =	vld.idx.msk [tilespmem:v14+s25+$0x0], $0xffff;
	[tilespmem:v16+s26+$0x0] =	vst.idx.msk $0xffff, v19  }
0x15a: {  	v31 =	vor.u32 s6, v39;
	v12 =	vld [tilespmem:$0x1FD30]  }
0x15b: {  	v17 =	vmul.f32 v17, v50;
	v18 =	vmul.f32 v21, v59;
	v21 =	vor.u32 s5, v45;
	v7 =	vld.idx.msk [tilespmem:v29+s25+$0x0], $0xffff  }
0x15c: {  	v1 =	vmov v35;
	v35 =	vadd.s32 v37, v49;
	v29 =	vor.u32 s22, v39;
	v9 =	vld.idx.msk [tilespmem:v22+s25+$0x0], $0xffff  }
0x15d: {  	v15 =	vmul.f32 v15, v11;
	v16 =	vadd.f32 v18, v17;
	v19 =	vor.u32 s14, v28;
	v18 =	vld.idx.msk [tilespmem:v25+s25+$0x0], $0xffff  }
0x15e: {  	s24 =	simm.s32 $0x5;
	v17 =	vor.u32 v28, v33;
	v20 =	vmul.f32 v20, v47;
	v14 =	vmul.f32 v14, v52;
	v25 =	vld.idx.msk [tilespmem:v27+s25+$0x0], $0xffff  }
0x15f: {  	v48 =	vmov s24;
	v27 =	vld.idx.msk [tilespmem:v31+s25+$0x0], $0xffff;
	v15 =	vadd.f32 v15, v16;
	v16 =	vadd.s32 v12, v54  }
0x160: {  	v31 =	vor.u32 s12, v28;
	v7 =	vmul.f32 v7, v51;
	v21 =	vld.idx.msk [tilespmem:v21+s25+$0x0], $0xffff;
	v14 =	vadd.f32 v14, v20  }
0x161: {  	v34 =	vshll.u32 v48, $0x8;
	v40 =	vor.u32 s2, v41;
	v29 =	vld.idx.msk [tilespmem:v29+s25+$0x0], $0xffff;
	v20 =	vor.u32 v41, v36;
	[tilespmem:v35+s26+$0x0] =	vst.idx.msk $0xffff, v15  }
0x162: {  	v2 =	vmovc v38;
	v39 =	vor.u32 s3, v6;
	v23 =	vmul.f32 v23, v58;
	v7 =	vadd.f32 v7, v14;
	v19 =	vld.idx.msk [tilespmem:v19+s25+$0x0], $0xffff  }
0x163: {  	v35 =	vor.u32 v44, v34;
	v14 =	vld.idx.msk [tilespmem:v17+s25+$0x0], $0xffff;
	v15 =	vmul.f32 v18, v62;
	v18 =	vmul.f32 v25, v56  }
0x164: {  	v17 =	vor.u32 s13, v41;
	v25 =	vmul.f32 v27, v30;
	[tilespmem:v16+s26+$0x0] =	vst.idx.msk $0xffff, v7;
	v16 =	vadd.s32 v4, v63  }
0x165: {  	v21 =	vmul.f32 v21, v57;
	v27 =	vor.u32 v6, v61;
	v18 =	vadd.f32 v18, v15;
	v7 =	vld.idx.msk [tilespmem:v31+s25+$0x0], $0xffff  }
0x166: {  	v29 =	vmul.f32 v29, v32;
	v22 =	vadd.f32 v25, v23;
	v31 =	vadd.s32 v3, v60;
	v20 =	vld.idx.msk [tilespmem:v20+s25+$0x0], $0xffff  }
0x167: {  	s16 =	simm.s32 $0x4;
	v23 =	vor.u32 v45, v55;
	v18 =	vadd.f32 v21, v18;
	v21 =	vmul.f32 v19, v59;
	v38 =	vld.idx.msk [tilespmem:v40+s25+$0x0], $0xffff  }
0x168: {  	v22 =	vadd.f32 v29, v22;
	v19 =	vld.idx.msk [tilespmem:v35+s25+$0x0], $0xffff;
	v29 =	vadd.s32 v1, v54;
	v1 =	vmov s16  }
0x169: {  	v25 =	vor.u32 s5, v6;
	v14 =	vmul.f32 v14, v50;
	v26 =	vshll.u32 v1, $0x8;
	v17 =	vld.idx.msk [tilespmem:v17+s25+$0x0], $0xffff;
	[tilespmem:v16+s26+$0x0] =	vst.idx.msk $0xffff, v18  }
0x16a: {  	v40 =	vor.u32 s22, v45;
	v45 =	vor.u32 s6, v45;
	v35 =	vor.u32 v44, v26;
	v18 =	vld.idx.msk [tilespmem:v27+s25+$0x0], $0xffff  }
0x16b: {  	v7 =	vmul.f32 v7, v11;
	v16 =	vadd.s32 v46, v49;
	[tilespmem:v31+s26+$0x0] =	vst.idx.msk $0xffff, v22;
	v22 =	vld.idx.msk [tilespmem:v39+s25+$0x0], $0xffff  }
0x16c: {  	v14 =	vadd.f32 v21, v14;
	v20 =	vmul.f32 v20, v47;
	v21 =	vmul.f32 v38, v52;
	v8 =	vld [tilespmem:$0x1FD40]  }
0x16d: {  	v37 =	vor.u32 v24, v33;
	v23 =	vld.idx.msk [tilespmem:v23+s25+$0x0], $0xffff;
	v27 =	vor.u32 s14, v24  }
0x16e: {  	v17 =	vmul.f32 v17, v51;
	v7 =	vadd.f32 v7, v14;
	v14 =	vadd.f32 v21, v20;
	v21 =	vld.idx.msk [tilespmem:v25+s25+$0x0], $0xffff  }
0x16f: {  	v38 =	vld.idx.msk [tilespmem:v40+s25+$0x0], $0xffff  }
0x170: {  	v46 =	vor.u32 s12, v24;
	v13 =	vld.idx.msk [tilespmem:v35+s25+$0x0], $0xffff;
	[tilespmem:v16+s26+$0x0] =	vst.idx.msk $0xffff, v7;
	v7 =	vadd.f32 v17, v14  }
0x171: {  	v25 =	vld.idx.msk [tilespmem:v45+s25+$0x0], $0xffff;
	v20 =	vor.u32 v8, v36;
	v17 =	vmul.f32 v18, v62;
	v18 =	vmul.f32 v22, v56  }
0x172: {  	v31 =	vor.u32 s2, v8;
	v22 =	vld.idx.msk [tilespmem:v27+s25+$0x0], $0xffff;
	v27 =	vadd.s32 v42, v63  }
0x173: {  	v14 =	vld.idx.msk [tilespmem:v37+s25+$0x0], $0xffff;
	[tilespmem:v29+s26+$0x0] =	vst.idx.msk $0xffff, v7;
	v17 =	vadd.f32 v18, v17;
	v18 =	vmul.f32 v21, v57  }
0x174: {  	s31 =	simm.s32 $0x2500;
	v16 =	vor.u32 s13, v8;
	v24 =	vld [tilespmem:$0x1FD60]  }
0x175: {  	v40 =	vld.idx.msk [tilespmem:v46+s25+$0x0], $0xffff;
	v7 =	vor.u32 s31, v44;
	v17 =	vadd.f32 v18, v17  }
0x176: {  	s24 =	sadd.s32 $0x4, s7;
	v29 =	vor.u32 v43, v61;
	v20 =	vld.idx.msk [tilespmem:v20+s25+$0x0], $0xffff  }
0x177: {  	s17 =	sadd.s32 $0x10, s24;
	v39 =	vor.u32 s3, v43;
	v31 =	vld.idx.msk [tilespmem:v31+s25+$0x0], $0xffff;
	[tilespmem:v27+s26+$0x0] =	vst.idx.msk $0xffff, v17  }
0x178: {  	s30 =	simm.s32 $0x4400;
	v21 =	vmov s17;
	v18 =	vmul.f32 v23, v58;
	v23 =	vor.u32 s5, v43;
	v8 =	vld [tilespmem:$0x1FD50]  }
0x179: {  	v53 =	vmovc v41;
	v41 =	vor.u32 s30, v44;
	v37 =	vand.u32 $0xFFFFFFFE, v21;
	v16 =	vld.idx.msk [tilespmem:v16+s25+$0x0], $0xffff;
	v46 =	vor.u32 s2, v24;
	s2 =	simm.s32 $0x2400  }
0x17a: {  	v21 =	vld.idx.msk [tilespmem:v7+s25+$0x0], $0xffff;
	v7 =	vmul.f32 v25, v30;
	v17 =	vbroadcast v37, $0x0;
	v25 =	vor.u32 s2, v44  }
0x17b: {  	v35 =	vadd.s32 v0, v63;
	v38 =	vmul.f32 v38, v32;
	v27 =	vld.idx.msk [tilespmem:v29+s25+$0x0], $0xffff  }
0x17c: {  	v43 =	vadd.s32 v4, v60;
	v39 =	vld.idx.msk [tilespmem:v39+s25+$0x0], $0xffff;
	v20 =	vmul.f32 v20, v47;
	v45 =	vmul.f32 v31, v52  }
0x17d: {  	v14 =	vmul.f32 v14, v50;
	v7 =	vadd.f32 v7, v18;
	v23 =	vld.idx.msk [tilespmem:v23+s25+$0x0], $0xffff;
	v18 =	vadd.s32 v8, v54  }
0x17e: {  	v36 =	vor.u32 v24, v36;
	v31 =	vld.idx.msk [tilespmem:v41+s25+$0x0], $0xffff;
	v16 =	vmul.f32 v16, v51;
	v20 =	vadd.f32 v45, v20  }
0x17f: {  	s24 =	sadd.s32 $0x11, s24;
	v22 =	vmul.f32 v22, v59;
	v40 =	vmul.f32 v40, v11;
	v37 =	vld.idx.msk [tilespmem:v25+s25+$0x0], $0xffff;
	v25 =	vadd.f32 v38, v7  }
0x180: {  	v29 =	vor.u32 s13, v24;
	v41 =	vld.idx.msk [tilespmem:v17+s19+$0x0], $0xffff;
	v7 =	vmov s24;
	v16 =	vadd.f32 v16, v20  }
0x181: {  	v14 =	vadd.f32 v22, v14;
	v45 =	vadd.s32 v10, v49;
	v42 =	vld.idx.msk [tilespmem:v17+s20+$0x0], $0xffff;
	[tilespmem:v43+s26+$0x0] =	vst.idx.msk $0xffff, v25  }
0x182: {  	v22 =	vmul.f32 v39, v56;
	v20 =	vmul.f32 v27, v62;
	v43 =	vld.idx.msk [tilespmem:v17+s21+$0x0], $0xffff;
	[tilespmem:v18+s26+$0x0] =	vst.idx.msk $0xffff, v16  }
0x183: {  	v27 =	vor.u32 v5, v61;
	v25 =	vor.u32 v6, v55;
	v16 =	vadd.f32 v40, v14;
	v44 =	vld.idx.msk [tilespmem:v36+s25+$0x0], $0xffff  }
0x184: {  	v18 =	vadd.f32 v22, v20;
	v20 =	vmul.f32 v23, v57;
	v14 =	vor.u32 v53, v33;
	v46 =	vld.idx.msk [tilespmem:v46+s25+$0x0], $0xffff  }
0x185: {  	v40 =	vand.u32 $0x1F, v48;
	v23 =	vor.u32 s3, v5;
	v22 =	vor.u32 s6, v6;
	v39 =	vld.idx.msk [tilespmem:v7+s19+$0x0], $0xffff  }
0x186: {  	v13 =	vmul.f32 v13, v41;
	v36 =	vor.u32 v24, v33;
	v38 =	vld.idx.msk [tilespmem:v7+s20+$0x0], $0xffff;
	v17 =	vadd.f32 v20, v18  }
0x187: {  	[tilespmem:v45+s26+$0x0] =	vst.idx.msk $0xffff, v16;
	v45 =	vld.idx.msk [tilespmem:v29+s25+$0x0], $0xffff;
	v16 =	vadd.s32 v12, v49;
	v20 =	vor.u32 s22, v6;
	v18 =	vor.u32 s12, v2  }
0x188: {  	s13 =	simm.s32 $0x6;
	v29 =	vor.u32 s5, v5;
	v2 =	vmovc v49;
	[tilespmem:v35+s26+$0x0] =	vst.idx.msk $0xffff, v17;
	v17 =	vmul.f32 v37, v42;
	v37 =	vand.u32 $0x1E, v1  }
.LBB2_3:
0x189: {  	_ =	sdelay $0x1  }
0x18a: {  	v3 =	vld [tilespmem:$0x1FDE0]  }
0x18b: {  	v27 =	vld.idx.msk [tilespmem:v27+s25+$0x0], $0xffff  }
0x18c: {  	v23 =	vld.idx.msk [tilespmem:v23+s25+$0x0], $0xffff  }
0x18d: {  	v1 =	vld [tilespmem:$0x1FF00]  }
0x18e: {  	v29 =	vld.idx.msk [tilespmem:v29+s25+$0x0], $0xffff  }
0x18f: {  	v25 =	vld.idx.msk [tilespmem:v25+s25+$0x0], $0xffff  }
0x190: {  	v49 =	vld [tilespmem:$0x1FFB0]  }
0x191: {  	v5 =	vld [tilespmem:$0x1FF20]  }
0x192: {  	v4 =	vld [tilespmem:$0x1FDC0];
	v44 =	vmul.f32 v44, v47;
	v46 =	vmul.f32 v46, v52  }
0x193: {  	v17 =	vadd.f32 v17, v13;
	v13 =	vld.idx.msk [tilespmem:v7+s21+$0x0], $0xffff;
	v31 =	vmul.f32 v31, v43;
	v53 =	vmul.f32 v45, v51  }
0x194: {  	v19 =	vmul.f32 v19, v39;
	v21 =	vmul.f32 v21, v38;
	v52 =	vadd.s32 v1, v54;
	v1 =	vld [tilespmem:$0x1FF80]  }
0x195: {  	v20 =	vld.idx.msk [tilespmem:v20+s25+$0x0], $0xffff;
	v47 =	vmovc v62;
	v0 =	vadd.s32 v3, v37;
	v35 =	vor.u32 v49, v33;
	v45 =	vor.u32 s14, v49  }
0x196: {  	v6 =	vld [tilespmem:$0x1FDF0];
	v27 =	vmul.f32 v27, v47;
	v23 =	vmul.f32 v23, v56;
	v7 =	vadd.f32 v46, v44  }
0x197: {  	v19 =	vadd.f32 v21, v19;
	v21 =	vadd.s32 v4, v60;
	v46 =	vadd.s32 v3, v40;
	v4 =	vld [tilespmem:$0x1FF40]  }
0x198: {  	v12 =	vld [tilespmem:$0x1FF70];
	v17 =	vadd.f32 v31, v17;
	v15 =	vmul.f32 v9, v13  }
0x199: {  	[tilespmem:$0x1FD00] =	vst v36;
	v3 =	vld [tilespmem:$0x1FD70];
	v23 =	vadd.f32 v23, v27;
	v27 =	vmul.f32 v29, v57;
	v36 =	vor.u32 v1, v26  }
0x19a: {  	v15 =	vadd.f32 v15, v19;
	v31 =	vor.u32 s2, v1;
	[tilespmem:v0+s26+$0x0] =	vst.idx.msk $0xffff, v17;
	v17 =	vld.idx.msk [tilespmem:v22+s25+$0x0], $0xffff  }
0x19b: {  	v48 =	vadd.s32 v6, v63;
	v7 =	vadd.f32 v53, v7;
	v0 =	vor.u32 s30, v1;
	v44 =	vld.idx.msk [tilespmem:v35+s25+$0x0], $0xffff  }
0x19c: {  	v23 =	vadd.f32 v27, v23;
	v27 =	vld.idx.msk [tilespmem:v45+s25+$0x0], $0xffff;
	v19 =	vor.u32 s3, v4;
	[tilespmem:v46+s26+$0x0] =	vst.idx.msk $0xffff, v15  }
0x19d: {  	[tilespmem:v52+s26+$0x0] =	vst.idx.msk $0xffff, v7;
	v29 =	vor.u32 v4, v61;
	v18 =	vld.idx.msk [tilespmem:v18+s25+$0x0], $0xffff  }
0x19e: {  	v7 =	vld.idx.msk [tilespmem:v36+s25+$0x0], $0xffff;
	v36 =	vor.u32 v1, v34  }
0x19f: {  	v25 =	vmul.f32 v25, v58;
	v31 =	vld.idx.msk [tilespmem:v31+s25+$0x0], $0xffff  }
0x1a0: {  	v15 =	vor.u32 s5, v4;
	v0 =	vld.idx.msk [tilespmem:v0+s25+$0x0], $0xffff;
	v17 =	vmul.f32 v17, v30;
	[tilespmem:v48+s26+$0x0] =	vst.idx.msk $0xffff, v23  }
0x1a1: {  	v35 =	vor.u32 s31, v1;
	v19 =	vld.idx.msk [tilespmem:v19+s25+$0x0], $0xffff  }
0x1a2: {  	v17 =	vadd.f32 v17, v25;
	v25 =	vld.idx.msk [tilespmem:v29+s25+$0x0], $0xffff  }
0x1a3: {  	v62 =	vmovc v41;
	v20 =	vmul.f32 v20, v32;
	v52 =	vmovc v56;
	v56 =	vmov v42;
	v42 =	vld.idx.msk [tilespmem:v36+s25+$0x0], $0xffff;
	v36 =	vor.u32 s29, v1  }
0x1a4: {  	v22 =	vor.u32 v5, v55;
	v7 =	vmul.f32 v7, v62;
	v23 =	vmul.f32 v31, v56;
	v1 =	vld [tilespmem:$0x1FFE0]  }
0x1a5: {  	v51 =	vmov v57;
	v57 =	vmov v43;
	v15 =	vld.idx.msk [tilespmem:v15+s25+$0x0], $0xffff;
	v8 =	vadd.f32 v20, v17  }
0x1a6: {  	v41 =	vld.idx.msk [tilespmem:v35+s25+$0x0], $0xffff;
	v31 =	vadd.s32 v3, v37;
	v0 =	vmul.f32 v0, v57;
	v7 =	vadd.f32 v23, v7  }
0x1a7: {  	v24 =	vld [tilespmem:$0x1FE00];
	v29 =	vor.u32 s6, v5;
	v20 =	vmul.f32 v44, v50;
	[tilespmem:v21+s26+$0x0] =	vst.idx.msk $0xffff, v8;
	v21 =	vmul.f32 v27, v59  }
0x1a8: {  	v19 =	vmul.f32 v19, v52;
	v25 =	vmul.f32 v25, v47;
	v0 =	vadd.f32 v0, v7;
	v7 =	vld.idx.msk [tilespmem:v36+s25+$0x0], $0xffff  }
0x1a9: {  	v54 =	vor.u32 s22, v5;
	v18 =	vmul.f32 v18, v11;
	v22 =	vld.idx.msk [tilespmem:v22+s25+$0x0], $0xffff;
	v53 =	vor.u32 s2, v1  }
0x1aa: {  	v10 =	vld [tilespmem:$0x1FFD0];
	v15 =	vmul.f32 v15, v51;
	v20 =	vadd.f32 v21, v20;
	v19 =	vadd.f32 v19, v25  }
0x1ab: {  	v9 =	vld [tilespmem:$0x1FFC0];
	v17 =	vmov v40;
	v42 =	vmul.f32 v42, v39;
	[tilespmem:v31+s26+$0x0] =	vst.idx.msk $0xffff, v0;
	v31 =	vmul.f32 v41, v38  }
0x1ac: {  	v40 =	vmovc v50;
	v21 =	vld.idx.msk [tilespmem:v29+s25+$0x0], $0xffff;
	v23 =	vor.u32 v1, v26;
	v35 =	vor.u32 s30, v1;
	v18 =	vadd.f32 v18, v20  }
0x1ad: {  	v28 =	vld [tilespmem:$0x1FD80];
	v50 =	vmovc v58;
	v0 =	vor.u32 v1, v34;
	v31 =	vadd.f32 v31, v42;
	v7 =	vmul.f32 v7, v13  }
0x1ae: {  	v15 =	vadd.f32 v15, v19;
	v19 =	vmul.f32 v22, v50;
	v22 =	vor.u32 s31, v1;
	v20 =	vld.idx.msk [tilespmem:v53+s25+$0x0], $0xffff  }
0x1af: {  	v53 =	vadd.s32 v24, v63;
	v7 =	vadd.f32 v7, v31;
	v31 =	vor.u32 s29, v1;
	v1 =	vld [tilespmem:$0x1FDD0]  }
0x1b0: {  	v27 =	vor.u32 s14, v9;
	v44 =	vld.idx.msk [tilespmem:v54+s25+$0x0], $0xffff;
	[tilespmem:v16+s26+$0x0] =	vst.idx.msk $0xffff, v18  }
0x1b1: {  	v36 =	vadd.s32 v3, v17;
	v18 =	vmul.f32 v21, v30;
	v21 =	vld.idx.msk [tilespmem:v14+s25+$0x0], $0xffff  }
0x1b2: {  	v23 =	vld.idx.msk [tilespmem:v23+s25+$0x0], $0xffff  }
0x1b3: {  	v25 =	vor.u32 v10, v61;
	v45 =	vld.idx.msk [tilespmem:v35+s25+$0x0], $0xffff  }
0x1b4: {  	v54 =	vor.u32 s3, v10;
	[tilespmem:v53+s26+$0x0] =	vst.idx.msk $0xffff, v15;
	v15 =	vadd.s32 v1, v60;
	v1 =	vld [tilespmem:$0x1FFA0]  }
0x1b5: {  	v27 =	vld.idx.msk [tilespmem:v27+s25+$0x0], $0xffff  }
0x1b6: {  	v58 =	vmov v39;
	v16 =	vor.u32 s5, v10;
	[tilespmem:v36+s26+$0x0] =	vst.idx.msk $0xffff, v7;
	v36 =	vld [tilespmem:$0x1FF30]  }
0x1b7: {  	v29 =	vor.u32 v12, v55;
	v23 =	vmul.f32 v23, v62;
	v20 =	vmul.f32 v20, v56;
	v0 =	vld.idx.msk [tilespmem:v0+s25+$0x0], $0xffff  }
0x1b8: {  	v18 =	vadd.f32 v18, v19;
	v19 =	vmul.f32 v44, v32;
	v7 =	vld.idx.msk [tilespmem:v25+s25+$0x0], $0xffff;
	v25 =	vadd.s32 v28, v37  }
0x1b9: {  	v39 =	vld.idx.msk [tilespmem:v54+s25+$0x0], $0xffff;
	v20 =	vadd.f32 v20, v23;
	v23 =	vmul.f32 v45, v57;
	v35 =	vor.u32 v1, v26  }
0x1ba: {  	v19 =	vadd.f32 v19, v18;
	v22 =	vld.idx.msk [tilespmem:v22+s25+$0x0], $0xffff  }
0x1bb: {  	v43 =	vld.idx.msk [tilespmem:v16+s25+$0x0], $0xffff;
	v20 =	vadd.f32 v23, v20  }
0x1bc: {  	v31 =	vld.idx.msk [tilespmem:v31+s25+$0x0], $0xffff;
	[tilespmem:v15+s26+$0x0] =	vst.idx.msk $0xffff, v19  }
0x1bd: {  	[tilespmem:v25+s26+$0x0] =	vst.idx.msk $0xffff, v20;
	v45 =	vor.u32 s2, v1;
	v19 =	vld.idx.msk [tilespmem:v29+s25+$0x0], $0xffff  }
0x1be: {  	v54 =	vmovc v63;
	v7 =	vmul.f32 v7, v47;
	v46 =	vor.u32 s30, v1;
	v29 =	vld.idx.msk [tilespmem:v35+s25+$0x0], $0xffff;
	v35 =	vmul.f32 v39, v52  }
0x1bf: {  	v3 =	vld [tilespmem:$0x1FF10];
	v14 =	vmov v59;
	v21 =	vmul.f32 v21, v40;
	v39 =	vadd.s32 v36, v54  }
0x1c0: {  	s15 =	sadd.s32 $0x1, s13;
	v8 =	vld [tilespmem:$0x1FD40];
	v63 =	vmul.f32 v43, v51;
	v15 =	vmul.f32 v27, v14;
	v7 =	vadd.f32 v35, v7  }
0x1c1: {  	v48 =	vmov s15;
	v41 =	vor.u32 v4, v55;
	v59 =	vmovc v30;
	v53 =	vld [tilespmem:$0x1FD90];
	v23 =	vor.u32 s6, v12  }
0x1c2: {  	v30 =	vmovc v38;
	v25 =	vor.u32 s12, v9;
	v21 =	vadd.f32 v15, v21;
	v15 =	vld.idx.msk [tilespmem:v45+s25+$0x0], $0xffff;
	v7 =	vadd.f32 v63, v7  }
0x1c3: {  	s24 =	sshll.u32 s15, $0x8;
	v0 =	vmul.f32 v0, v58;
	v22 =	vmul.f32 v22, v30;
	v20 =	vor.u32 s22, v12;
	v38 =	vld.idx.msk [tilespmem:v46+s25+$0x0], $0xffff  }
0x1c4: {  	s15 =	sadd.s32 $0x4000, s24;
	v43 =	vor.u32 v3, v61;
	v35 =	vlaneseq.u32;
	[tilespmem:v39+s26+$0x0] =	vst.idx.msk $0xffff, v7;
	v7 =	vadd.s32 v6, v60;
	v6 =	vld [tilespmem:$0x1FF90]  }
0x1c5: {  	v44 =	vadd.s32 v28, v17;
	v27 =	vor.u32 v8, v33;
	v46 =	vor.u32 s15, v35  }
0x1c6: {  	v33 =	vmovc v55;
	v31 =	vmul.f32 v31, v13;
	v0 =	vadd.f32 v22, v0;
	v22 =	vor.u32 s5, v3;
	v23 =	vld.idx.msk [tilespmem:v23+s25+$0x0], $0xffff  }
0x1c7: {  	v55 =	vmovc v34;
	v25 =	vld.idx.msk [tilespmem:v25+s25+$0x0], $0xffff;
	v63 =	vmov v37;
	v29 =	vmul.f32 v29, v62;
	v34 =	vmul.f32 v15, v56  }
0x1c8: {  	v0 =	vadd.f32 v31, v0;
	v20 =	vld.idx.msk [tilespmem:v20+s25+$0x0], $0xffff;
	v45 =	vor.u32 s3, v3;
	v39 =	vadd.s32 v53, v63  }
0x1c9: {  	v38 =	vmul.f32 v38, v57;
	v31 =	vld.idx.msk [tilespmem:v43+s25+$0x0], $0xffff;
	v29 =	vadd.f32 v34, v29;
	v34 =	vor.u32 v6, v26  }
0x1ca: {  	v42 =	vor.u32 s31, v1;
	v37 =	vor.u32 v1, v55;
	v43 =	vor.u32 s29, v1;
	v1 =	vld.idx.msk [tilespmem:v46+s25+$0x0], $0xffff  }
0x1cb: {  	[tilespmem:v44+s26+$0x0] =	vst.idx.msk $0xffff, v0;
	v0 =	vld.idx.msk [tilespmem:v22+s25+$0x0], $0xffff;
	v22 =	vadd.f32 v38, v29  }
0x1cc: {  	v28 =	vld [tilespmem:$0x1FFF0];
	v25 =	vmul.f32 v25, v11  }
0x1cd: {  	v45 =	vld.idx.msk [tilespmem:v45+s25+$0x0], $0xffff;
	[tilespmem:v39+s26+$0x0] =	vst.idx.msk $0xffff, v22  }
0x1ce: {  	v19 =	vmul.f32 v19, v50;
	v23 =	vmul.f32 v23, v59;
	v21 =	vadd.f32 v25, v21;
	v25 =	vld.idx.msk [tilespmem:v34+s25+$0x0], $0xffff  }
0x1cf: {  	v34 =	vld [tilespmem:$0x1FD20]  }
0x1d0: {  	v19 =	vadd.f32 v23, v19;
	v20 =	vmul.f32 v20, v32;
	v23 =	vld.idx.msk [tilespmem:v37+s25+$0x0], $0xffff  }
0x1d1: {  	v37 =	vld.idx.msk [tilespmem:v42+s25+$0x0], $0xffff;
	v42 =	vadd.s32 v28, v2;
	[tilespmem:$0x1FD10] =	vst v1;
	v1 =	vor.u32 s2, v6  }
0x1d2: {  	v16 =	vld [tilespmem:$0x1FD50];
	v19 =	vadd.f32 v20, v19;
	v29 =	vor.u32 s30, v6  }
0x1d3: {  	v38 =	vor.u32 s6, v4;
	v22 =	vld.idx.msk [tilespmem:v43+s25+$0x0], $0xffff;
	v31 =	vmul.f32 v31, v47;
	v39 =	vmul.f32 v45, v52  }
0x1d4: {  	v43 =	vor.u32 s22, v4;
	[tilespmem:v7+s26+$0x0] =	vst.idx.msk $0xffff, v19;
	v4 =	vld [tilespmem:$0x1FF50];
	v44 =	vadd.s32 v34, v54  }
0x1d5: {  	v0 =	vmul.f32 v0, v51;
	v7 =	vadd.f32 v39, v31;
	v31 =	vld.idx.msk [tilespmem:v41+s25+$0x0], $0xffff  }
0x1d6: {  	v19 =	vor.u32 v49, v61;
	v23 =	vmul.f32 v23, v58;
	[tilespmem:v42+s26+$0x0] =	vst.idx.msk $0xffff, v21;
	v1 =	vld.idx.msk [tilespmem:v1+s25+$0x0], $0xffff  }
0x1d7: {  	v21 =	vor.u32 s14, v8;
	v37 =	vmul.f32 v37, v30;
	v29 =	vld.idx.msk [tilespmem:v29+s25+$0x0], $0xffff;
	v0 =	vadd.f32 v0, v7  }
0x1d8: {  	v39 =	vor.u32 s3, v49;
	v41 =	vor.u32 s29, v6;
	v42 =	vor.u32 s5, v49;
	v7 =	vld.idx.msk [tilespmem:v38+s25+$0x0], $0xffff  }
0x1d9: {  	v38 =	vadd.s32 v53, v17;
	v23 =	vadd.f32 v37, v23;
	[tilespmem:v44+s26+$0x0] =	vst.idx.msk $0xffff, v0;
	v0 =	vld.idx.msk [tilespmem:v27+s25+$0x0], $0xffff  }
0x1da: {  	v53 =	vor.u32 v6, v55;
	v22 =	vmul.f32 v22, v13;
	v27 =	vor.u32 s31, v6;
	v6 =	vld [tilespmem:$0x1FDA0]  }
0x1db: {  	v43 =	vld.idx.msk [tilespmem:v43+s25+$0x0], $0xffff;
	v25 =	vmul.f32 v25, v62;
	v1 =	vmul.f32 v1, v56  }
0x1dc: {  	v22 =	vadd.f32 v22, v23;
	v21 =	vld.idx.msk [tilespmem:v21+s25+$0x0], $0xffff  }
0x1dd: {  	v1 =	vadd.f32 v1, v25;
	v19 =	vld.idx.msk [tilespmem:v19+s25+$0x0], $0xffff  }
0x1de: {  	v25 =	vmul.f32 v29, v57;
	[tilespmem:v38+s26+$0x0] =	vst.idx.msk $0xffff, v22;
	v38 =	vor.u32 s12, v8;
	v23 =	vld.idx.msk [tilespmem:v39+s25+$0x0], $0xffff  }
0x1df: {  	v22 =	vld.idx.msk [tilespmem:v42+s25+$0x0], $0xffff;
	v44 =	vadd.s32 v6, v63  }
0x1e0: {  	v31 =	vmul.f32 v31, v50;
	v7 =	vmul.f32 v7, v59;
	v1 =	vadd.f32 v25, v1;
	v25 =	vld.idx.msk [tilespmem:v53+s25+$0x0], $0xffff  }
0x1e1: {  	v29 =	vor.u32 v4, v26;
	v42 =	vadd.s32 v24, v60;
	v24 =	vld [tilespmem:$0x1FD30]  }
0x1e2: {  	v37 =	vmul.f32 v43, v32;
	v7 =	vadd.f32 v7, v31;
	v39 =	vor.u32 s2, v4;
	v27 =	vld.idx.msk [tilespmem:v27+s25+$0x0], $0xffff  }
0x1e3: {  	v31 =	vor.u32 v10, v33;
	v21 =	vmul.f32 v21, v14;
	v38 =	vld.idx.msk [tilespmem:v38+s25+$0x0], $0xffff;
	v19 =	vmul.f32 v19, v47  }
0x1e4: {  	v15 =	vshll.u32 v48, $0x8;
	v23 =	vmul.f32 v23, v52;
	[tilespmem:v44+s26+$0x0] =	vst.idx.msk $0xffff, v1;
	v1 =	vld.idx.msk [tilespmem:v41+s25+$0x0], $0xffff;
	v41 =	vor.u32 s6, v10  }
0x1e5: {  	v7 =	vadd.f32 v37, v7;
	v53 =	vor.u32 s30, v4;
	v44 =	vor.u32 s22, v10;
	v10 =	vld [tilespmem:$0x1FF60]  }
0x1e6: {  	v37 =	vor.u32 v35, v15;
	v22 =	vmul.f32 v22, v51;
	v19 =	vadd.f32 v23, v19;
	v29 =	vld.idx.msk [tilespmem:v29+s25+$0x0], $0xffff  }
0x1e7: {  	v0 =	vmul.f32 v0, v40;
	v45 =	vadd.s32 v24, v54;
	[tilespmem:v42+s26+$0x0] =	vst.idx.msk $0xffff, v7;
	v39 =	vld.idx.msk [tilespmem:v39+s25+$0x0], $0xffff  }
0x1e8: {  	v25 =	vmul.f32 v25, v58;
	v7 =	vmul.f32 v27, v30;
	v19 =	vadd.f32 v22, v19;
	v22 =	vld.idx.msk [tilespmem:v31+s25+$0x0], $0xffff  }
0x1e9: {  	v0 =	vadd.f32 v21, v0;
	v21 =	vadd.s32 v6, v17;
	v27 =	vor.u32 s5, v9;
	v31 =	vld.idx.msk [tilespmem:v41+s25+$0x0], $0xffff  }
0x1ea: {  	v18 =	vadd.s32 v16, v2;
	v43 =	vld.idx.msk [tilespmem:v53+s25+$0x0], $0xffff;
	v7 =	vadd.f32 v7, v25;
	v1 =	vmul.f32 v1, v13  }
0x1eb: {  	v46 =	vor.u32 s29, v4;
	v23 =	vor.u32 v9, v61;
	v42 =	vor.u32 s31, v4;
	v41 =	vld.idx.msk [tilespmem:v44+s25+$0x0], $0xffff  }
0x1ec: {  	v53 =	vmovc v2;
	v2 =	vor.u32 s3, v9;
	v25 =	vor.u32 v4, v55;
	v4 =	vld [tilespmem:$0x1FDB0];
	v1 =	vadd.f32 v1, v7  }
0x1ed: {  	[tilespmem:v45+s26+$0x0] =	vst.idx.msk $0xffff, v19;
	v19 =	vld.idx.msk [tilespmem:v37+s25+$0x0], $0xffff  }
0x1ee: {  	[tilespmem:v21+s26+$0x0] =	vst.idx.msk $0xffff, v1;
	v1 =	vld.idx.msk [tilespmem:v27+s25+$0x0], $0xffff;
	v21 =	vmul.f32 v22, v50;
	v27 =	vmul.f32 v31, v59  }
0x1ef: {  	v29 =	vmul.f32 v29, v62;
	v39 =	vmul.f32 v39, v56  }
0x1f0: {  	v20 =	vor.u32 v3, v33;
	v23 =	vld.idx.msk [tilespmem:v23+s25+$0x0], $0xffff;
	v31 =	vmul.f32 v41, v32;
	v21 =	vadd.f32 v27, v21  }
0x1f1: {  	v2 =	vld.idx.msk [tilespmem:v2+s25+$0x0], $0xffff;
	v45 =	vmul.f32 v43, v57;
	v44 =	vadd.s32 v4, v63;
	v29 =	vadd.f32 v39, v29  }
0x1f2: {  	v27 =	vor.u32 s6, v3;
	v21 =	vadd.f32 v31, v21;
	v31 =	vor.u32 s22, v3;
	v3 =	vld [tilespmem:$0x1FD00]  }
0x1f3: {  	v7 =	vmul.f32 v38, v11;
	v38 =	vor.u32 v10, v26  }
0x1f4: {  	v43 =	vor.u32 s2, v10;
	v22 =	vadd.f32 v45, v29;
	v25 =	vld.idx.msk [tilespmem:v25+s25+$0x0], $0xffff  }
0x1f5: {  	v23 =	vmul.f32 v23, v47;
	v0 =	vadd.f32 v7, v0;
	v29 =	vld.idx.msk [tilespmem:v42+s25+$0x0], $0xffff;
	v45 =	vadd.s32 v36, v60  }
0x1f6: {  	v7 =	vor.u32 s30, v10;
	v2 =	vmul.f32 v2, v52;
	[tilespmem:v44+s26+$0x0] =	vst.idx.msk $0xffff, v22;
	v22 =	vld.idx.msk [tilespmem:v46+s25+$0x0], $0xffff  }
0x1f7: {  	[tilespmem:v18+s26+$0x0] =	vst.idx.msk $0xffff, v0;
	v18 =	vadd.s32 v28, v54;
	v28 =	vld [tilespmem:$0x1FD60]  }
0x1f8: {  	v38 =	vld.idx.msk [tilespmem:v38+s25+$0x0], $0xffff;
	v2 =	vadd.f32 v2, v23;
	v23 =	vor.u32 v8, v61;
	v1 =	vmul.f32 v1, v51  }
0x1f9: {  	v0 =	vld.idx.msk [tilespmem:v43+s25+$0x0], $0xffff;
	v25 =	vmul.f32 v25, v58  }
0x1fa: {  	v1 =	vadd.f32 v1, v2;
	v36 =	vld.idx.msk [tilespmem:v3+s25+$0x0], $0xffff;
	[tilespmem:v45+s26+$0x0] =	vst.idx.msk $0xffff, v21;
	v21 =	vmul.f32 v29, v30  }
0x1fb: {  	v7 =	vld.idx.msk [tilespmem:v7+s25+$0x0], $0xffff  }
0x1fc: {  	v46 =	vor.u32 s3, v8;
	[tilespmem:v18+s26+$0x0] =	vst.idx.msk $0xffff, v1;
	v21 =	vadd.f32 v21, v25;
	v25 =	vadd.s32 v4, v17;
	v4 =	vld [tilespmem:$0x1FDC0]  }
0x1fd: {  	v37 =	vor.u32 s12, v28;
	v23 =	vld.idx.msk [tilespmem:v23+s25+$0x0], $0xffff  }
0x1fe: {  	s16 =	sshll.u32 s13, $0x8;
	s12 =	smov.u32 s22;
	v29 =	vor.u32 s5, v8;
	v2 =	vld.idx.msk [tilespmem:v20+s25+$0x0], $0xffff  }
0x1ff: {  	v42 =	vor.u32 v5, v26;
	v20 =	vor.u32 s14, v28;
	s14 =	smov.u32 s6;
	s6 =	smov.u32 s31;
	v27 =	vld.idx.msk [tilespmem:v27+s25+$0x0], $0xffff;
	s31 =	sadd.s32 $0x2000, s24  }
0x200: {  	s22 =	smov.u32 s29;
	s29 =	smov.u32 s15;
	s15 =	sadd.s32 $0x4000, s16;
	v0 =	vmul.f32 v0, v56;
	v1 =	vld.idx.msk [tilespmem:v31+s25+$0x0], $0xffff;
	v31 =	vmul.f32 v38, v62;
	v18 =	vor.u32 s31, v35  }
0x201: {  	v22 =	vmul.f32 v22, v13;
	v39 =	vld.idx.msk [tilespmem:v46+s25+$0x0], $0xffff;
	v38 =	vor.u32 s15, v35;
	v41 =	vadd.s32 v4, v63  }
0x202: {  	v7 =	vmul.f32 v7, v57;
	v3 =	vmov s13;
	s24 =	sadd.s32 s13, s7;
	v37 =	vld.idx.msk [tilespmem:v37+s25+$0x0], $0xffff;
	v0 =	vadd.f32 v0, v31  }
0x203: {  	v43 =	vor.u32 s2, v5;
	s17 =	sadd.s32 $0x10, s24;
	v22 =	vadd.f32 v22, v21;
	v29 =	vld.idx.msk [tilespmem:v29+s25+$0x0], $0xffff;
	v4 =	vshll.u32 v3, $0x8  }
0x204: {  	v21 =	vmov s17;
	v0 =	vadd.f32 v7, v0;
	v20 =	vld.idx.msk [tilespmem:v20+s25+$0x0], $0xffff;
	v44 =	vor.u32 v35, v4  }
0x205: {  	v31 =	vand.u32 $0xFFFFFFFE, v21;
	v27 =	vmul.f32 v27, v59;
	v21 =	vld.idx.msk [tilespmem:v18+s25+$0x0], $0xffff;
	[tilespmem:v25+s26+$0x0] =	vst.idx.msk $0xffff, v22  }
0x206: {  	v18 =	vor.u32 s30, v5;
	v22 =	vbroadcast v31, $0x0;
	v31 =	vld.idx.msk [tilespmem:v38+s25+$0x0], $0xffff;
	[tilespmem:v41+s26+$0x0] =	vst.idx.msk $0xffff, v0;
	v0 =	vmul.f32 v2, v50  }
0x207: {  	s16 =	sadd.s32 $0x2000, s16;
	v38 =	vmul.f32 v39, v52;
	v39 =	vadd.s32 v34, v60;
	v2 =	vld.idx.msk [tilespmem:v42+s25+$0x0], $0xffff  }
0x208: {  	v1 =	vmul.f32 v1, v32;
	v25 =	vor.u32 s16, v35;
	v43 =	vld.idx.msk [tilespmem:v43+s25+$0x0], $0xffff;
	v0 =	vadd.f32 v27, v0  }
0x209: {  	v23 =	vmul.f32 v23, v47;
	v5 =	vld.idx.msk [tilespmem:v44+s25+$0x0], $0xffff  }
0x20a: {  	v45 =	vadd.s32 v16, v54;
	v0 =	vadd.f32 v1, v0;
	v1 =	vld [tilespmem:$0x1FF00]  }
0x20b: {  	v23 =	vadd.f32 v38, v23;
	v38 =	vor.u32 v28, v61;
	v29 =	vmul.f32 v29, v51;
	v18 =	vld.idx.msk [tilespmem:v18+s25+$0x0], $0xffff  }
0x20c: {  	v35 =	vor.u32 s3, v28;
	[tilespmem:v39+s26+$0x0] =	vst.idx.msk $0xffff, v0;
	v0 =	vld [tilespmem:$0x1FDD0]  }
0x20d: {  	v16 =	vadd.s32 v24, v60;
	v14 =	vmul.f32 v20, v14;
	v23 =	vadd.f32 v29, v23;
	v6 =	vld.idx.msk [tilespmem:v25+s25+$0x0], $0xffff  }
0x20e: {  	s24 =	sadd.s32 $0x11, s24;
	v34 =	vmovc v15;
	v20 =	vmul.f32 v37, v11;
	v41 =	vld.idx.msk [tilespmem:v22+s19+$0x0], $0xffff;
	v25 =	vor.u32 s5, v28;
	v27 =	vmul.f32 v36, v40  }
0x20f: {  	v7 =	vmov s24;
	v61 =	vmovc v26;
	v37 =	vand.u32 $0x1E, v3;
	v42 =	vld.idx.msk [tilespmem:v22+s20+$0x0], $0xffff;
	[tilespmem:v45+s26+$0x0] =	vst.idx.msk $0xffff, v23;
	v1 =	vadd.s32 v1, v53  }
0x210: {  	v44 =	vld.idx.msk [tilespmem:v38+s25+$0x0], $0xffff;
	v23 =	vadd.f32 v14, v27;
	v2 =	vmul.f32 v2, v62;
	v27 =	vmul.f32 v43, v56  }
0x211: {  	p1 =	slt.u32 s13, $0x1E;
	v26 =	vmovc v4;
	v36 =	vor.u32 v28, v33;
	v40 =	vand.u32 $0x1F, v48;
	v46 =	vld.idx.msk [tilespmem:v35+s25+$0x0], $0xffff;
	v0 =	vadd.s32 v0, v63  }
.Ltmp0:
0x212: {  	s3 =	smov.u32 s2;
	s5 =	smov.u32 s30;
	v20 =	vadd.f32 v20, v23;
	v43 =	vld.idx.msk [tilespmem:v22+s21+$0x0], $0xffff;
	v18 =	vmul.f32 v18, v57;
	v8 =	vadd.f32 v27, v2;
	(pc) =	sbr.rel @p1 .LBB2_3-.Ltmp0, $4  }
0x213: {  	v11 =	vmovc v32;
	v32 =	vmovc v13;
	v29 =	vor.u32 s5, v12;
	v14 =	vor.u32 v9, v33;
	v23 =	vor.u32 s3, v12;
	v45 =	vld.idx.msk [tilespmem:v25+s25+$0x0], $0xffff  }
0x214: {  	v9 =	vld [tilespmem:$0x1FD10];
	v25 =	vor.u32 v10, v55;
	v22 =	vor.u32 s6, v10;
	[tilespmem:v1+s26+$0x0] =	vst.idx.msk $0xffff, v20;
	v1 =	vadd.f32 v18, v8  }
0x215: {  	v13 =	vmul.f32 v5, v41;
	v27 =	vor.u32 v12, v61;
	v2 =	vmovc v60;
	v60 =	vmov v17;
	v39 =	vld.idx.msk [tilespmem:v7+s19+$0x0], $0xffff  }
0x216: {  	s13 =	sadd.s32 $0x2, s13;
	s2 =	smov.u32 s16;
	s30 =	smov.u32 s15;
	v17 =	vmul.f32 v6, v42;
	v20 =	vor.u32 s22, v10;
	v18 =	vor.u32 s12, v49;
	v38 =	vld.idx.msk [tilespmem:v7+s20+$0x0], $0xffff;
	[tilespmem:v0+s26+$0x0] =	vst.idx.msk $0xffff, v1  }
0x217: {  	_ =	sdelay $0x3  }
0x218: {  	v10 =	vld.idx.msk [tilespmem:v7+s21+$0x0], $0xffff  }
0x219: {  	v7 =	vld [tilespmem:$0x1FDE0]  }
0x21a: {  	v12 =	vld [tilespmem:$0x1FF80];
	_ =	sdelay $0x3  }
0x21b: {  	v0 =	vadd.s32 v7, v37  }
0x21c: {  	v49 =	vmul.f32 v31, v43;
	v1 =	vadd.f32 v17, v13;
	v3 =	vor.u32 v12, v26  }
0x21d: {  	v5 =	vmul.f32 v19, v39;
	v6 =	vmul.f32 v21, v38;
	v4 =	vor.u32 s2, v12  }
0x21e: {  	v1 =	vadd.f32 v49, v1;
	v53 =	vor.u32 s30, v12;
	v7 =	vadd.s32 v7, v40  }
0x21f: {  	[tilespmem:$0x1FCE0] =	vst v2;
	v17 =	vor.u32 v12, v34;
	v5 =	vadd.f32 v6, v5;
	v6 =	vmul.f32 v9, v10  }
0x220: {  	[tilespmem:v0+s26+$0x0] =	vst.idx.msk $0xffff, v1  }
0x221: {  	v21 =	vadd.f32 v6, v5;
	v1 =	vld.idx.msk [tilespmem:v3+s25+$0x0], $0xffff  }
0x222: {  	v19 =	vor.u32 s31, v12;
	v4 =	vld.idx.msk [tilespmem:v4+s25+$0x0], $0xffff  }
0x223: {  	[tilespmem:v7+s26+$0x0] =	vst.idx.msk $0xffff, v21;
	v2 =	vld.idx.msk [tilespmem:v53+s25+$0x0], $0xffff  }
0x224: {  	v35 =	vor.u32 s29, v12;
	v3 =	vld.idx.msk [tilespmem:v17+s25+$0x0], $0xffff  }
0x225: {  	v9 =	vld [tilespmem:$0x1FD70]  }
0x226: {  	v49 =	vld [tilespmem:$0x1FFE0]  }
0x227: {  	v0 =	vld.idx.msk [tilespmem:v19+s25+$0x0], $0xffff;
	_ =	sdelay $0x1  }
0x228: {  	v5 =	vld.idx.msk [tilespmem:v35+s25+$0x0], $0xffff;
	v1 =	vmul.f32 v1, v41;
	v4 =	vmul.f32 v4, v42  }
0x229: {  	v6 =	vadd.s32 v9, v37  }
0x22a: {  	v2 =	vmul.f32 v2, v43;
	v48 =	vor.u32 v49, v26;
	v1 =	vadd.f32 v4, v1  }
0x22b: {  	v7 =	vor.u32 s2, v49;
	v3 =	vmul.f32 v3, v39;
	v0 =	vmul.f32 v0, v38  }
0x22c: {  	v8 =	vmovc v59;
	v53 =	vor.u32 s30, v49;
	v59 =	vadd.s32 v9, v40;
	v1 =	vadd.f32 v2, v1  }
0x22d: {  	v15 =	vor.u32 v49, v34;
	v12 =	vmul.f32 v5, v10;
	v0 =	vadd.f32 v0, v3  }
0x22e: {  	[tilespmem:v6+s26+$0x0] =	vst.idx.msk $0xffff, v1  }
0x22f: {  	v0 =	vadd.f32 v12, v0;
	v4 =	vld.idx.msk [tilespmem:v48+s25+$0x0], $0xffff  }
0x230: {  	v17 =	vor.u32 s31, v49;
	v19 =	vld.idx.msk [tilespmem:v7+s25+$0x0], $0xffff  }
0x231: {  	[tilespmem:v59+s26+$0x0] =	vst.idx.msk $0xffff, v0;
	v2 =	vld.idx.msk [tilespmem:v53+s25+$0x0], $0xffff  }
0x232: {  	v21 =	vor.u32 s29, v49;
	v0 =	vld.idx.msk [tilespmem:v15+s25+$0x0], $0xffff  }
0x233: {  	v9 =	vld [tilespmem:$0x1FD80]  }
0x234: {  	v53 =	vld [tilespmem:$0x1FFA0]  }
0x235: {  	v1 =	vld.idx.msk [tilespmem:v17+s25+$0x0], $0xffff;
	_ =	sdelay $0x1  }
0x236: {  	v5 =	vld.idx.msk [tilespmem:v21+s25+$0x0], $0xffff;
	v4 =	vmul.f32 v4, v41;
	v3 =	vmul.f32 v19, v42  }
0x237: {  	v6 =	vadd.s32 v9, v37  }
0x238: {  	v2 =	vmul.f32 v2, v43;
	v35 =	vor.u32 v53, v26;
	v3 =	vadd.f32 v3, v4  }
0x239: {  	v7 =	vor.u32 s2, v53;
	v0 =	vmul.f32 v0, v39;
	v1 =	vmul.f32 v1, v38  }
0x23a: {  	v48 =	vor.u32 s30, v53;
	v59 =	vadd.s32 v9, v40;
	v2 =	vadd.f32 v2, v3  }
0x23b: {  	v5 =	vmul.f32 v5, v10;
	v12 =	vor.u32 v53, v34;
	v0 =	vadd.f32 v1, v0  }
0x23c: {  	[tilespmem:v6+s26+$0x0] =	vst.idx.msk $0xffff, v2  }
0x23d: {  	v0 =	vadd.f32 v5, v0;
	v4 =	vld.idx.msk [tilespmem:v35+s25+$0x0], $0xffff  }
0x23e: {  	v15 =	vor.u32 s31, v53;
	v17 =	vld.idx.msk [tilespmem:v7+s25+$0x0], $0xffff  }
0x23f: {  	[tilespmem:v59+s26+$0x0] =	vst.idx.msk $0xffff, v0;
	v3 =	vld.idx.msk [tilespmem:v48+s25+$0x0], $0xffff  }
0x240: {  	v6 =	vor.u32 s29, v53;
	v0 =	vld.idx.msk [tilespmem:v12+s25+$0x0], $0xffff  }
0x241: {  	v9 =	vld [tilespmem:$0x1FD90]  }
0x242: {  	v12 =	vld [tilespmem:$0x1FF90]  }
0x243: {  	v19 =	vld.idx.msk [tilespmem:v15+s25+$0x0], $0xffff;
	_ =	sdelay $0x1  }
0x244: {  	v48 =	vld.idx.msk [tilespmem:v6+s25+$0x0], $0xffff;
	v21 =	vmul.f32 v4, v41;
	v35 =	vmul.f32 v17, v42  }
0x245: {  	v6 =	vadd.s32 v9, v37  }
0x246: {  	v3 =	vmul.f32 v3, v43;
	v59 =	vor.u32 v12, v26;
	v2 =	vadd.f32 v35, v21  }
0x247: {  	v7 =	vor.u32 s2, v12;
	v0 =	vmul.f32 v0, v39;
	v1 =	vmul.f32 v19, v38  }
0x248: {  	v17 =	vor.u32 s30, v12;
	v19 =	vadd.s32 v9, v40;
	v2 =	vadd.f32 v3, v2  }
0x249: {  	v0 =	vadd.f32 v1, v0;
	v5 =	vmul.f32 v48, v10  }
0x24a: {  	v21 =	vor.u32 v12, v34;
	[tilespmem:v6+s26+$0x0] =	vst.idx.msk $0xffff, v2  }
0x24b: {  	v35 =	vor.u32 s31, v12;
	v0 =	vadd.f32 v5, v0;
	v4 =	vld.idx.msk [tilespmem:v59+s25+$0x0], $0xffff  }
0x24c: {  	v6 =	vor.u32 s29, v12;
	v48 =	vld.idx.msk [tilespmem:v7+s25+$0x0], $0xffff  }
0x24d: {  	v3 =	vld.idx.msk [tilespmem:v17+s25+$0x0], $0xffff;
	[tilespmem:v19+s26+$0x0] =	vst.idx.msk $0xffff, v0  }
0x24e: {  	v9 =	vld [tilespmem:$0x1FDA0]  }
0x24f: {  	v0 =	vld.idx.msk [tilespmem:v21+s25+$0x0], $0xffff  }
0x250: {  	v59 =	vld.idx.msk [tilespmem:v35+s25+$0x0], $0xffff  }
0x251: {  	v35 =	vld.idx.msk [tilespmem:v6+s25+$0x0], $0xffff  }
0x252: {  	v6 =	vld.idx.msk [tilespmem:v27+s25+$0x0], $0xffff;
	v19 =	vmul.f32 v4, v41;
	v21 =	vmul.f32 v48, v42  }
0x253: {  	v27 =	vld [tilespmem:$0x1FF50];
	v7 =	vadd.s32 v9, v37  }
0x254: {  	v3 =	vmul.f32 v3, v43;
	v2 =	vadd.f32 v21, v19;
	_ =	sdelay $0x1  }
0x255: {  	v2 =	vadd.f32 v3, v2  }
0x256: {  	v13 =	vld.idx.msk [tilespmem:v23+s25+$0x0], $0xffff  }
0x257: {  	v22 =	vld.idx.msk [tilespmem:v22+s25+$0x0], $0xffff;
	v4 =	vor.u32 v27, v26;
	[tilespmem:v7+s26+$0x0] =	vst.idx.msk $0xffff, v2  }
0x258: {  	v0 =	vmul.f32 v0, v39;
	v1 =	vmul.f32 v59, v38;
	v17 =	vor.u32 s2, v27;
	v24 =	vld [tilespmem:$0x1FDF0]  }
0x259: {  	v15 =	vld.idx.msk [tilespmem:v29+s25+$0x0], $0xffff;
	v59 =	vadd.s32 v9, v40;
	v48 =	vor.u32 s30, v27  }
0x25a: {  	v20 =	vld.idx.msk [tilespmem:v20+s25+$0x0], $0xffff;
	v5 =	vmul.f32 v35, v10;
	v0 =	vadd.f32 v1, v0  }
0x25b: {  	v19 =	vld.idx.msk [tilespmem:v25+s25+$0x0], $0xffff;
	v35 =	vor.u32 v27, v34  }
0x25c: {  	v6 =	vmul.f32 v6, v62;
	v0 =	vadd.f32 v5, v0;
	v7 =	vmul.f32 v13, v56;
	v4 =	vld.idx.msk [tilespmem:v4+s25+$0x0], $0xffff  }
0x25d: {  	v13 =	vld.idx.msk [tilespmem:v17+s25+$0x0], $0xffff;
	v5 =	vadd.s32 v24, v63  }
0x25e: {  	[tilespmem:v59+s26+$0x0] =	vst.idx.msk $0xffff, v0;
	v6 =	vadd.f32 v7, v6;
	v7 =	vmul.f32 v15, v57;
	v3 =	vld.idx.msk [tilespmem:v48+s25+$0x0], $0xffff  }
0x25f: {  	v29 =	vld [tilespmem:$0x1FF40]  }
0x260: {  	v2 =	vor.u32 s31, v27;
	v9 =	vld [tilespmem:$0x1FDC0];
	v6 =	vadd.f32 v7, v6  }
0x261: {  	v59 =	vmul.f32 v22, v30;
	v48 =	vmul.f32 v19, v58;
	v1 =	vld.idx.msk [tilespmem:v35+s25+$0x0], $0xffff  }
0x262: {  	v17 =	vor.u32 s29, v27;
	v31 =	vld [tilespmem:$0x1FF20];
	[tilespmem:v5+s26+$0x0] =	vst.idx.msk $0xffff, v6  }
0x263: {  	v15 =	vadd.f32 v59, v48;
	v59 =	vld [tilespmem:$0x1FDB0]  }
0x264: {  	v25 =	vld [tilespmem:$0x1FF60]  }
0x265: {  	v2 =	vld.idx.msk [tilespmem:v2+s25+$0x0], $0xffff;
	v22 =	vadd.s32 v9, v60  }
0x266: {  	v35 =	vor.u32 s3, v29;
	v4 =	vmul.f32 v4, v41;
	v13 =	vmul.f32 v13, v42  }
0x267: {  	v7 =	vmul.f32 v20, v32;
	v0 =	vor.u32 v29, v61;
	v19 =	vor.u32 s5, v29;
	v17 =	vld.idx.msk [tilespmem:v17+s25+$0x0], $0xffff  }
0x268: {  	v3 =	vmul.f32 v3, v43;
	v4 =	vadd.f32 v13, v4;
	v6 =	vadd.s32 v59, v37  }
0x269: {  	v48 =	vadd.f32 v7, v15;
	v1 =	vmul.f32 v1, v39;
	v7 =	vor.u32 v25, v26  }
0x26a: {  	v2 =	vmul.f32 v2, v38;
	v3 =	vadd.f32 v3, v4;
	v15 =	vor.u32 s2, v25  }
0x26b: {  	v13 =	vld.idx.msk [tilespmem:v35+s25+$0x0], $0xffff;
	[tilespmem:v22+s26+$0x0] =	vst.idx.msk $0xffff, v48;
	v35 =	vor.u32 s30, v25;
	v48 =	vadd.s32 v59, v40  }
0x26c: {  	v0 =	vld.idx.msk [tilespmem:v0+s25+$0x0], $0xffff;
	v17 =	vmul.f32 v17, v10;
	v1 =	vadd.f32 v2, v1  }
0x26d: {  	v21 =	vor.u32 v31, v55;
	v19 =	vld.idx.msk [tilespmem:v19+s25+$0x0], $0xffff;
	[tilespmem:v6+s26+$0x0] =	vst.idx.msk $0xffff, v3  }
0x26e: {  	v1 =	vadd.f32 v17, v1;
	v6 =	vld.idx.msk [tilespmem:v7+s25+$0x0], $0xffff  }
0x26f: {  	v7 =	vld.idx.msk [tilespmem:v15+s25+$0x0], $0xffff  }
0x270: {  	v59 =	vor.u32 v25, v34;
	[tilespmem:v48+s26+$0x0] =	vst.idx.msk $0xffff, v1;
	v4 =	vld.idx.msk [tilespmem:v35+s25+$0x0], $0xffff  }
0x271: {  	v22 =	vor.u32 s31, v25;
	v35 =	vld [tilespmem:$0x1FE00]  }
0x272: {  	v20 =	vld.idx.msk [tilespmem:v21+s25+$0x0], $0xffff  }
0x273: {  	v0 =	vmul.f32 v0, v62;
	v23 =	vmul.f32 v13, v56;
	v15 =	vor.u32 s29, v25  }
0x274: {  	v17 =	vor.u32 s6, v31;
	v28 =	vld [tilespmem:$0x1FFD0]  }
0x275: {  	v5 =	vor.u32 s22, v31;
	v0 =	vadd.f32 v23, v0;
	v2 =	vld.idx.msk [tilespmem:v59+s25+$0x0], $0xffff  }
0x276: {  	v3 =	vld.idx.msk [tilespmem:v22+s25+$0x0], $0xffff;
	v13 =	vadd.s32 v35, v63;
	v6 =	vmul.f32 v6, v41;
	v7 =	vmul.f32 v7, v42  }
0x277: {  	v48 =	vmul.f32 v19, v57;
	v1 =	vmul.f32 v20, v58;
	v20 =	vadd.s32 v9, v37  }
0x278: {  	v15 =	vld.idx.msk [tilespmem:v15+s25+$0x0], $0xffff;
	v4 =	vmul.f32 v4, v43;
	v6 =	vadd.f32 v7, v6  }
0x279: {  	v17 =	vld.idx.msk [tilespmem:v17+s25+$0x0], $0xffff;
	v0 =	vadd.f32 v48, v0;
	v59 =	vor.u32 v28, v61  }
0x27a: {  	v21 =	vor.u32 s3, v28;
	v2 =	vmul.f32 v2, v39;
	v23 =	vadd.f32 v4, v6  }
0x27b: {  	v3 =	vmul.f32 v3, v38;
	v7 =	vor.u32 v31, v26;
	[tilespmem:v13+s26+$0x0] =	vst.idx.msk $0xffff, v0  }
0x27c: {  	v5 =	vld.idx.msk [tilespmem:v5+s25+$0x0], $0xffff;
	v22 =	vor.u32 s2, v31;
	v6 =	vadd.s32 v9, v40;
	[tilespmem:v20+s26+$0x0] =	vst.idx.msk $0xffff, v23  }
0x27d: {  	v2 =	vadd.f32 v3, v2;
	v15 =	vmul.f32 v15, v10;
	v9 =	vld [tilespmem:$0x1FDD0]  }
0x27e: {  	v48 =	vor.u32 s30, v31;
	v13 =	vld.idx.msk [tilespmem:v59+s25+$0x0], $0xffff;
	v59 =	vmul.f32 v17, v30  }
0x27f: {  	v17 =	vld.idx.msk [tilespmem:v21+s25+$0x0], $0xffff;
	v2 =	vadd.f32 v15, v2  }
0x280: {  	v7 =	vld.idx.msk [tilespmem:v7+s25+$0x0], $0xffff  }
0x281: {  	v19 =	vor.u32 v31, v34;
	v3 =	vmul.f32 v5, v32;
	v5 =	vld.idx.msk [tilespmem:v22+s25+$0x0], $0xffff;
	[tilespmem:v6+s26+$0x0] =	vst.idx.msk $0xffff, v2  }
0x282: {  	v21 =	vor.u32 s5, v28;
	v1 =	vadd.f32 v59, v1;
	v59 =	vmovc v30;
	v30 =	vmovc v50;
	v50 =	vld [tilespmem:$0x1FF70];
	v20 =	vadd.s32 v9, v60  }
0x283: {  	v0 =	vor.u32 s31, v31;
	v4 =	vld.idx.msk [tilespmem:v48+s25+$0x0], $0xffff;
	_ =	sdelay $0x1  }
0x284: {  	v15 =	vor.u32 s29, v31;
	v1 =	vadd.f32 v3, v1;
	v48 =	vld [tilespmem:$0x1FFB0]  }
0x285: {  	v3 =	vld.idx.msk [tilespmem:v19+s25+$0x0], $0xffff;
	v7 =	vmul.f32 v7, v41;
	v5 =	vmul.f32 v5, v42  }
0x286: {  	v2 =	vor.u32 v50, v55;
	[tilespmem:v20+s26+$0x0] =	vst.idx.msk $0xffff, v1;
	v20 =	vld.idx.msk [tilespmem:v21+s25+$0x0], $0xffff;
	v21 =	vadd.s32 v9, v37  }
0x287: {  	v0 =	vld.idx.msk [tilespmem:v0+s25+$0x0], $0xffff;
	v4 =	vmul.f32 v4, v43;
	v5 =	vadd.f32 v5, v7  }
0x288: {  	v6 =	vor.u32 s6, v50  }
0x289: {  	v15 =	vld.idx.msk [tilespmem:v15+s25+$0x0], $0xffff;
	v19 =	vor.u32 v48, v33;
	v4 =	vadd.f32 v4, v5  }
0x28a: {  	v18 =	vld.idx.msk [tilespmem:v18+s25+$0x0], $0xffff;
	v1 =	vor.u32 s22, v50  }
0x28b: {  	v25 =	vadd.s32 v9, v40;
	v22 =	vor.u32 s14, v48;
	v2 =	vld.idx.msk [tilespmem:v2+s25+$0x0], $0xffff;
	[tilespmem:v21+s26+$0x0] =	vst.idx.msk $0xffff, v4  }
0x28c: {  	v7 =	vor.u32 v50, v26;
	v3 =	vmul.f32 v3, v39;
	v0 =	vmul.f32 v0, v38;
	v9 =	vld [tilespmem:$0x1FF30]  }
0x28d: {  	v13 =	vmul.f32 v13, v62;
	v17 =	vmul.f32 v17, v56;
	v23 =	vor.u32 s2, v50;
	v6 =	vld.idx.msk [tilespmem:v6+s25+$0x0], $0xffff  }
0x28e: {  	v0 =	vadd.f32 v0, v3;
	v15 =	vmul.f32 v15, v10;
	v19 =	vld.idx.msk [tilespmem:v19+s25+$0x0], $0xffff  }
0x28f: {  	v13 =	vadd.f32 v17, v13;
	v5 =	vor.u32 s30, v50;
	v1 =	vld.idx.msk [tilespmem:v1+s25+$0x0], $0xffff  }
0x290: {  	v3 =	vor.u32 v50, v34;
	v0 =	vadd.f32 v15, v0;
	v17 =	vld.idx.msk [tilespmem:v22+s25+$0x0], $0xffff;
	v22 =	vor.u32 s29, v50  }
0x291: {  	v4 =	vor.u32 s31, v50;
	v20 =	vmul.f32 v20, v57;
	v7 =	vld.idx.msk [tilespmem:v7+s25+$0x0], $0xffff;
	v21 =	vadd.s32 v9, v63  }
0x292: {  	v15 =	vld.idx.msk [tilespmem:v23+s25+$0x0], $0xffff;
	[tilespmem:v25+s26+$0x0] =	vst.idx.msk $0xffff, v0;
	v2 =	vmul.f32 v2, v58;
	v6 =	vmul.f32 v6, v59  }
0x293: {  	v0 =	vor.u32 v29, v55;
	v23 =	vadd.s32 v24, v60;
	v25 =	vld [tilespmem:$0x1FF10]  }
0x294: {  	v5 =	vld.idx.msk [tilespmem:v5+s25+$0x0], $0xffff;
	v13 =	vadd.f32 v20, v13;
	v2 =	vadd.f32 v6, v2;
	v1 =	vmul.f32 v1, v32  }
0x295: {  	v3 =	vld.idx.msk [tilespmem:v3+s25+$0x0], $0xffff;
	v6 =	vmul.f32 v19, v30;
	v19 =	vor.u32 s6, v29  }
0x296: {  	v4 =	vld.idx.msk [tilespmem:v4+s25+$0x0], $0xffff;
	v1 =	vadd.f32 v1, v2;
	[tilespmem:v21+s26+$0x0] =	vst.idx.msk $0xffff, v13  }
0x297: {  	v7 =	vmul.f32 v7, v41;
	v2 =	vor.u32 s22, v29;
	v13 =	vmul.f32 v15, v42;
	v15 =	vld.idx.msk [tilespmem:v22+s25+$0x0], $0xffff;
	[tilespmem:$0x1FCF0] =	vst v8  }
0x298: {  	v21 =	vor.u32 s3, v25;
	[tilespmem:v23+s26+$0x0] =	vst.idx.msk $0xffff, v1;
	v1 =	vadd.s32 v24, v37  }
0x299: {  	v5 =	vmul.f32 v5, v43;
	v7 =	vadd.f32 v13, v7;
	v13 =	vor.u32 v29, v26;
	v0 =	vld.idx.msk [tilespmem:v0+s25+$0x0], $0xffff  }
0x29a: {  	v22 =	vor.u32 s2, v29;
	v19 =	vld.idx.msk [tilespmem:v19+s25+$0x0], $0xffff  }
0x29b: {  	v17 =	vmul.f32 v17, v8;
	v20 =	vor.u32 v25, v61;
	v5 =	vadd.f32 v5, v7  }
0x29c: {  	v3 =	vmul.f32 v3, v39;
	v4 =	vmul.f32 v4, v38;
	v2 =	vld.idx.msk [tilespmem:v2+s25+$0x0], $0xffff;
	v7 =	vor.u32 s30, v29  }
0x29d: {  	v6 =	vadd.f32 v17, v6;
	v17 =	vmul.f32 v18, v11;
	[tilespmem:v1+s26+$0x0] =	vst.idx.msk $0xffff, v5;
	v1 =	vld.idx.msk [tilespmem:v21+s25+$0x0], $0xffff  }
0x29e: {  	v3 =	vadd.f32 v4, v3;
	v23 =	vadd.s32 v24, v40;
	v15 =	vmul.f32 v15, v10;
	v13 =	vld.idx.msk [tilespmem:v13+s25+$0x0], $0xffff  }
0x29f: {  	v4 =	vor.u32 v29, v34;
	v0 =	vmul.f32 v0, v58;
	v21 =	vmul.f32 v19, v59;
	v18 =	vld.idx.msk [tilespmem:v22+s25+$0x0], $0xffff  }
0x2a0: {  	v6 =	vadd.f32 v17, v6;
	v17 =	vadd.s32 v35, v60;
	v5 =	vor.u32 s31, v29  }
0x2a1: {  	v3 =	vadd.f32 v15, v3;
	v2 =	vmul.f32 v2, v32;
	v7 =	vld.idx.msk [tilespmem:v7+s25+$0x0], $0xffff;
	v0 =	vadd.f32 v21, v0;
	_ =	sdelay $0x1  }
0x2a2: {  	v20 =	vld.idx.msk [tilespmem:v20+s25+$0x0], $0xffff;
	v19 =	vor.u32 s29, v29;
	[tilespmem:v23+s26+$0x0] =	vst.idx.msk $0xffff, v3;
	v0 =	vadd.f32 v2, v0  }
0x2a3: {  	v3 =	vor.u32 v28, v55;
	v4 =	vld.idx.msk [tilespmem:v4+s25+$0x0], $0xffff;
	v13 =	vmul.f32 v13, v41;
	v18 =	vmul.f32 v18, v42  }
0x2a4: {  	v24 =	vld [tilespmem:$0x1FFC0];
	v21 =	vor.u32 s6, v28;
	[tilespmem:v17+s26+$0x0] =	vst.idx.msk $0xffff, v0;
	v0 =	vadd.s32 v35, v37  }
0x2a5: {  	v5 =	vld.idx.msk [tilespmem:v5+s25+$0x0], $0xffff;
	v7 =	vmul.f32 v7, v43;
	v13 =	vadd.f32 v18, v13  }
0x2a6: {  	[tilespmem:v16+s26+$0x0] =	vst.idx.msk $0xffff, v6;
	v6 =	vor.u32 s5, v25  }
0x2a7: {  	v2 =	vor.u32 s22, v28;
	v19 =	vld.idx.msk [tilespmem:v19+s25+$0x0], $0xffff;
	v7 =	vadd.f32 v7, v13  }
0x2a8: {  	v3 =	vld.idx.msk [tilespmem:v3+s25+$0x0], $0xffff  }
0x2a9: {  	v16 =	vmul.f32 v20, v62;
	v17 =	vor.u32 v28, v26;
	v18 =	vld.idx.msk [tilespmem:v21+s25+$0x0], $0xffff;
	[tilespmem:v0+s26+$0x0] =	vst.idx.msk $0xffff, v7  }
0x2aa: {  	v20 =	vor.u32 s2, v28;
	v4 =	vmul.f32 v4, v39;
	v5 =	vmul.f32 v5, v38;
	v23 =	vld [tilespmem:$0x1FD20]  }
0x2ab: {  	v1 =	vmul.f32 v1, v56;
	v35 =	vadd.s32 v35, v40;
	v6 =	vld.idx.msk [tilespmem:v6+s25+$0x0], $0xffff  }
0x2ac: {  	v13 =	vor.u32 s30, v28;
	v2 =	vld.idx.msk [tilespmem:v2+s25+$0x0], $0xffff;
	v19 =	vmul.f32 v19, v10;
	v4 =	vadd.f32 v5, v4  }
0x2ad: {  	v1 =	vadd.f32 v1, v16  }
0x2ae: {  	v15 =	vor.u32 s14, v24;
	v5 =	vor.u32 v28, v34;
	v17 =	vld.idx.msk [tilespmem:v17+s25+$0x0], $0xffff;
	v4 =	vadd.f32 v19, v4  }
0x2af: {  	v3 =	vmul.f32 v3, v58;
	v18 =	vmul.f32 v18, v59;
	v19 =	vld.idx.msk [tilespmem:v20+s25+$0x0], $0xffff;
	v16 =	vadd.s32 v23, v63  }
0x2b0: {  	v6 =	vmul.f32 v6, v57;
	[tilespmem:v35+s26+$0x0] =	vst.idx.msk $0xffff, v4;
	v35 =	vadd.s32 v9, v60  }
0x2b1: {  	v7 =	vor.u32 s31, v28;
	v13 =	vld.idx.msk [tilespmem:v13+s25+$0x0], $0xffff;
	v2 =	vmul.f32 v2, v32;
	v3 =	vadd.f32 v18, v3  }
0x2b2: {  	v14 =	vld.idx.msk [tilespmem:v14+s25+$0x0], $0xffff;
	v0 =	vor.u32 s12, v24;
	v1 =	vadd.f32 v6, v1  }
0x2b3: {  	v15 =	vld.idx.msk [tilespmem:v15+s25+$0x0], $0xffff;
	v20 =	vor.u32 s29, v28;
	v2 =	vadd.f32 v2, v3  }
0x2b4: {  	v3 =	vor.u32 s6, v25;
	[tilespmem:v16+s26+$0x0] =	vst.idx.msk $0xffff, v1;
	v1 =	vmul.f32 v17, v41;
	v16 =	vmul.f32 v19, v42  }
0x2b5: {  	v5 =	vld.idx.msk [tilespmem:v5+s25+$0x0], $0xffff;
	[tilespmem:v35+s26+$0x0] =	vst.idx.msk $0xffff, v2;
	v2 =	vadd.s32 v9, v37;
	v35 =	vor.u32 s5, v48  }
0x2b6: {  	v6 =	vld.idx.msk [tilespmem:v7+s25+$0x0], $0xffff;
	v13 =	vmul.f32 v13, v43;
	v1 =	vadd.f32 v16, v1  }
0x2b7: {  	v0 =	vld.idx.msk [tilespmem:v0+s25+$0x0], $0xffff  }
0x2b8: {  	v18 =	vor.u32 v25, v55;
	v17 =	vld.idx.msk [tilespmem:v20+s25+$0x0], $0xffff;
	v1 =	vadd.f32 v13, v1  }
0x2b9: {  	v21 =	vor.u32 v48, v61;
	v3 =	vld.idx.msk [tilespmem:v3+s25+$0x0], $0xffff  }
0x2ba: {  	v14 =	vmul.f32 v14, v30;
	v19 =	vor.u32 s22, v25;
	v4 =	vld.idx.msk [tilespmem:v35+s25+$0x0], $0xffff;
	[tilespmem:v2+s26+$0x0] =	vst.idx.msk $0xffff, v1  }
0x2bb: {  	v5 =	vmul.f32 v5, v39;
	v6 =	vmul.f32 v6, v38;
	v22 =	vld [tilespmem:$0x1FFF0]  }
0x2bc: {  	v7 =	vor.u32 s3, v48;
	v15 =	vmul.f32 v15, v8;
	v13 =	vadd.s32 v9, v40;
	v35 =	vld [tilespmem:$0x1FCE0]  }
0x2bd: {  	v5 =	vadd.f32 v6, v5;
	v16 =	vld.idx.msk [tilespmem:v18+s25+$0x0], $0xffff;
	v18 =	vor.u32 v25, v26;
	v17 =	vmul.f32 v17, v10  }
0x2be: {  	v20 =	vld.idx.msk [tilespmem:v21+s25+$0x0], $0xffff;
	v21 =	vor.u32 s2, v25  }
0x2bf: {  	v14 =	vadd.f32 v15, v14;
	v15 =	vor.u32 s31, v25;
	v2 =	vld.idx.msk [tilespmem:v19+s25+$0x0], $0xffff;
	v5 =	vadd.f32 v17, v5  }
0x2c0: {  	v19 =	vor.u32 v25, v34;
	v9 =	vld [tilespmem:$0x1FD40]  }
0x2c1: {  	v7 =	vld.idx.msk [tilespmem:v7+s25+$0x0], $0xffff;
	[tilespmem:v13+s26+$0x0] =	vst.idx.msk $0xffff, v5;
	v5 =	vor.u32 s29, v25;
	v17 =	vadd.s32 v22, v35  }
0x2c2: {  	v0 =	vmul.f32 v0, v11;
	v18 =	vld.idx.msk [tilespmem:v18+s25+$0x0], $0xffff  }
0x2c3: {  	v3 =	vmul.f32 v3, v59;
	v16 =	vmul.f32 v16, v58;
	v21 =	vld.idx.msk [tilespmem:v21+s25+$0x0], $0xffff  }
0x2c4: {  	v6 =	vor.u32 s30, v25;
	v0 =	vadd.f32 v0, v14;
	v15 =	vld.idx.msk [tilespmem:v15+s25+$0x0], $0xffff  }
0x2c5: {  	v3 =	vadd.f32 v3, v16;
	v2 =	vmul.f32 v2, v32;
	v14 =	vld.idx.msk [tilespmem:v19+s25+$0x0], $0xffff;
	v1 =	vor.u32 v9, v33  }
0x2c6: {  	v33 =	vmul.f32 v20, v62;
	v20 =	vadd.s32 v23, v60;
	v5 =	vld.idx.msk [tilespmem:v5+s25+$0x0], $0xffff;
	[tilespmem:v17+s26+$0x0] =	vst.idx.msk $0xffff, v0  }
0x2c7: {  	v7 =	vmul.f32 v7, v56;
	v8 =	vld [tilespmem:$0x1FD30]  }
0x2c8: {  	v13 =	vor.u32 v48, v55;
	v21 =	vmul.f32 v21, v42;
	v2 =	vadd.f32 v2, v3  }
0x2c9: {  	v6 =	vld.idx.msk [tilespmem:v6+s25+$0x0], $0xffff;
	v7 =	vadd.f32 v7, v33;
	v33 =	vmul.f32 v18, v41;
	v15 =	vmul.f32 v15, v38  }
0x2ca: {  	v3 =	vor.u32 s6, v48;
	v14 =	vmul.f32 v14, v39;
	v0 =	vmul.f32 v4, v57  }
0x2cb: {  	v17 =	vadd.f32 v21, v33;
	v33 =	vadd.s32 v23, v40;
	[tilespmem:v20+s26+$0x0] =	vst.idx.msk $0xffff, v2;
	v2 =	vor.u32 s22, v48  }
0x2cc: {  	v14 =	vadd.f32 v15, v14;
	v5 =	vmul.f32 v5, v10;
	v4 =	vadd.s32 v8, v63  }
0x2cd: {  	v15 =	vor.u32 v48, v34;
	v0 =	vadd.f32 v0, v7;
	v7 =	vadd.s32 v23, v37  }
0x2ce: {  	v6 =	vmul.f32 v6, v43;
	v18 =	vor.u32 v48, v26;
	v13 =	vld.idx.msk [tilespmem:v13+s25+$0x0], $0xffff;
	v5 =	vadd.f32 v5, v14  }
0x2cf: {  	v20 =	vor.u32 s2, v48;
	v3 =	vld.idx.msk [tilespmem:v3+s25+$0x0], $0xffff  }
0x2d0: {  	v21 =	vor.u32 s31, v48;
	v1 =	vld.idx.msk [tilespmem:v1+s25+$0x0], $0xffff;
	v6 =	vadd.f32 v6, v17;
	[tilespmem:v33+s26+$0x0] =	vst.idx.msk $0xffff, v5  }
0x2d1: {  	v19 =	vor.u32 v24, v61;
	[tilespmem:v4+s26+$0x0] =	vst.idx.msk $0xffff, v0;
	v0 =	vld.idx.msk [tilespmem:v2+s25+$0x0], $0xffff  }
0x2d2: {  	v23 =	vor.u32 s30, v48;
	[tilespmem:v7+s26+$0x0] =	vst.idx.msk $0xffff, v6;
	v15 =	vld.idx.msk [tilespmem:v15+s25+$0x0], $0xffff  }
0x2d3: {  	v6 =	vor.u32 s3, v24;
	v7 =	vld.idx.msk [tilespmem:v18+s25+$0x0], $0xffff  }
0x2d4: {  	v14 =	vor.u32 s29, v48;
	v13 =	vmul.f32 v13, v58;
	v3 =	vmul.f32 v3, v59;
	v18 =	vld.idx.msk [tilespmem:v20+s25+$0x0], $0xffff  }
0x2d5: {  	v33 =	vadd.s32 v8, v60;
	v2 =	vld.idx.msk [tilespmem:v21+s25+$0x0], $0xffff  }
0x2d6: {  	v17 =	vor.u32 s5, v24;
	v3 =	vadd.f32 v3, v13;
	v4 =	vld.idx.msk [tilespmem:v19+s25+$0x0], $0xffff;
	v0 =	vmul.f32 v0, v32  }
0x2d7: {  	v48 =	vor.u32 v24, v55;
	v19 =	vld.idx.msk [tilespmem:v23+s25+$0x0], $0xffff  }
0x2d8: {  	v20 =	vor.u32 s6, v24;
	v6 =	vld.idx.msk [tilespmem:v6+s25+$0x0], $0xffff;
	v0 =	vadd.f32 v0, v3  }
0x2d9: {  	v16 =	vor.u32 s14, v9;
	v7 =	vmul.f32 v7, v41;
	v18 =	vmul.f32 v18, v42;
	v3 =	vld.idx.msk [tilespmem:v14+s25+$0x0], $0xffff  }
0x2da: {  	v5 =	vadd.s32 v8, v37;
	v21 =	vadd.s32 v8, v40;
	[tilespmem:v33+s26+$0x0] =	vst.idx.msk $0xffff, v0;
	v33 =	vor.u32 s22, v24  }
0x2db: {  	v17 =	vld.idx.msk [tilespmem:v17+s25+$0x0], $0xffff;
	v15 =	vmul.f32 v15, v39;
	v7 =	vadd.f32 v18, v7;
	v2 =	vmul.f32 v2, v38  }
0x2dc: {  	v4 =	vmul.f32 v4, v62;
	v13 =	vld.idx.msk [tilespmem:v48+s25+$0x0], $0xffff;
	v48 =	vmul.f32 v19, v43;
	v19 =	vor.u32 v24, v26  }
0x2dd: {  	v6 =	vmul.f32 v6, v56;
	v2 =	vadd.f32 v2, v15;
	v15 =	vor.u32 s2, v24;
	v20 =	vld.idx.msk [tilespmem:v20+s25+$0x0], $0xffff  }
0x2de: {  	v16 =	vld.idx.msk [tilespmem:v16+s25+$0x0], $0xffff;
	v18 =	vor.u32 v24, v34;
	v3 =	vmul.f32 v3, v10;
	v7 =	vadd.f32 v48, v7  }
0x2df: {  	v4 =	vadd.f32 v6, v4;
	v48 =	vor.u32 s30, v24;
	v0 =	vld.idx.msk [tilespmem:v33+s25+$0x0], $0xffff  }
0x2e0: {  	v6 =	vadd.s32 v22, v63;
	v2 =	vadd.f32 v3, v2;
	v33 =	vor.u32 s31, v24;
	[tilespmem:v5+s26+$0x0] =	vst.idx.msk $0xffff, v7  }
0x2e1: {  	v7 =	vmul.f32 v17, v57;
	v17 =	vld.idx.msk [tilespmem:v19+s25+$0x0], $0xffff;
	v13 =	vmul.f32 v13, v58  }
0x2e2: {  	v20 =	vmul.f32 v20, v59;
	v15 =	vld.idx.msk [tilespmem:v15+s25+$0x0], $0xffff;
	[tilespmem:v21+s26+$0x0] =	vst.idx.msk $0xffff, v2;
	v2 =	vor.u32 s29, v24  }
0x2e3: {  	v4 =	vadd.f32 v7, v4;
	v7 =	vadd.s32 v22, v60;
	v21 =	vor.u32 s3, v9;
	v18 =	vld.idx.msk [tilespmem:v18+s25+$0x0], $0xffff  }
0x2e4: {  	v13 =	vadd.f32 v20, v13;
	v5 =	vld.idx.msk [tilespmem:v48+s25+$0x0], $0xffff;
	v0 =	vmul.f32 v0, v32  }
0x2e5: {  	v14 =	vor.u32 s12, v9;
	[tilespmem:v6+s26+$0x0] =	vst.idx.msk $0xffff, v4;
	v3 =	vld.idx.msk [tilespmem:v33+s25+$0x0], $0xffff  }
0x2e6: {  	v19 =	vor.u32 v9, v61;
	v23 =	vld [tilespmem:$0x1FCF0];
	v0 =	vadd.f32 v0, v13  }
0x2e7: {  	v33 =	vor.u32 v9, v55;
	v2 =	vld.idx.msk [tilespmem:v2+s25+$0x0], $0xffff  }
0x2e8: {  	v48 =	vor.u32 s6, v9;
	[tilespmem:v7+s26+$0x0] =	vst.idx.msk $0xffff, v0;
	v7 =	vmul.f32 v17, v41;
	v17 =	vld.idx.msk [tilespmem:v21+s25+$0x0], $0xffff  }
0x2e9: {  	v1 =	vmul.f32 v1, v30;
	v15 =	vmul.f32 v15, v42;
	v21 =	vld [tilespmem:$0x1FD50]  }
0x2ea: {  	v14 =	vld.idx.msk [tilespmem:v14+s25+$0x0], $0xffff;
	v18 =	vmul.f32 v18, v39;
	v5 =	vmul.f32 v5, v43  }
0x2eb: {  	v13 =	vor.u32 s5, v9;
	v6 =	vmul.f32 v16, v23;
	v16 =	vld.idx.msk [tilespmem:v19+s25+$0x0], $0xffff;
	v3 =	vmul.f32 v3, v38  }
0x2ec: {  	v0 =	vor.u32 s22, v9;
	v19 =	vadd.s32 v22, v37;
	v20 =	vld.idx.msk [tilespmem:v33+s25+$0x0], $0xffff;
	v7 =	vadd.f32 v15, v7  }
0x2ed: {  	v33 =	vadd.s32 v22, v40;
	v4 =	vld.idx.msk [tilespmem:v48+s25+$0x0], $0xffff;
	v48 =	vor.u32 v9, v26;
	v3 =	vadd.f32 v3, v18  }
0x2ee: {  	v2 =	vmul.f32 v2, v10;
	v5 =	vadd.f32 v5, v7;
	v7 =	vadd.s32 v21, v35  }
0x2ef: {  	v14 =	vmul.f32 v14, v11;
	v1 =	vadd.f32 v6, v1  }
0x2f0: {  	v2 =	vadd.f32 v2, v3  }
0x2f1: {  	v6 =	vld.idx.msk [tilespmem:v13+s25+$0x0], $0xffff;
	v13 =	vor.u32 s2, v9;
	v1 =	vadd.f32 v14, v1;
	[tilespmem:v19+s26+$0x0] =	vst.idx.msk $0xffff, v5  }
0x2f2: {  	v0 =	vld.idx.msk [tilespmem:v0+s25+$0x0], $0xffff;
	v3 =	vor.u32 v9, v34;
	[tilespmem:v33+s26+$0x0] =	vst.idx.msk $0xffff, v2  }
0x2f3: {  	v17 =	vmul.f32 v17, v56;
	v5 =	vor.u32 s31, v9;
	v18 =	vld.idx.msk [tilespmem:v48+s25+$0x0], $0xffff;
	[tilespmem:v7+s26+$0x0] =	vst.idx.msk $0xffff, v1  }
0x2f4: {  	v16 =	vmul.f32 v16, v62;
	v2 =	vor.u32 s30, v9;
	v48 =	vor.u32 s29, v9;
	v9 =	vld [tilespmem:$0x1FD60]  }
0x2f5: {  	v19 =	vadd.s32 v21, v63;
	v4 =	vmul.f32 v4, v59  }
0x2f6: {  	v33 =	vmul.f32 v20, v58;
	v16 =	vadd.f32 v17, v16;
	v6 =	vmul.f32 v6, v57;
	v13 =	vld.idx.msk [tilespmem:v13+s25+$0x0], $0xffff  }
0x2f7: {  	v17 =	vadd.s32 v21, v60;
	v3 =	vld.idx.msk [tilespmem:v3+s25+$0x0], $0xffff  }
0x2f8: {  	v4 =	vadd.f32 v4, v33;
	v0 =	vmul.f32 v0, v32;
	v6 =	vadd.f32 v6, v16;
	v5 =	vld.idx.msk [tilespmem:v5+s25+$0x0], $0xffff  }
0x2f9: {  	v2 =	vld.idx.msk [tilespmem:v2+s25+$0x0], $0xffff;
	v33 =	vor.u32 s14, v9  }
0x2fa: {  	v0 =	vadd.f32 v0, v4;
	[tilespmem:v19+s26+$0x0] =	vst.idx.msk $0xffff, v6;
	v6 =	vld.idx.msk [tilespmem:v48+s25+$0x0], $0xffff;
	v22 =	vor.u32 s12, v9  }
0x2fb: {  	v13 =	vmul.f32 v13, v42;
	v7 =	vor.u32 v9, v61  }
0x2fc: {  	[tilespmem:v17+s26+$0x0] =	vst.idx.msk $0xffff, v0;
	v48 =	vor.u32 s3, v9;
	v15 =	vor.u32 v9, v55;
	v55 =	vmul.f32 v18, v41  }
0x2fd: {  	v17 =	vld.idx.msk [tilespmem:v36+s25+$0x0], $0xffff;
	v3 =	vmul.f32 v3, v39;
	v5 =	vmul.f32 v5, v38;
	v0 =	vor.u32 s5, v9  }
0x2fe: {  	v61 =	vadd.s32 v21, v37;
	v2 =	vmul.f32 v2, v43;
	v13 =	vadd.f32 v13, v55;
	v1 =	vld.idx.msk [tilespmem:v33+s25+$0x0], $0xffff  }
0x2ff: {  	v36 =	vor.u32 s6, v9;
	v6 =	vmul.f32 v6, v10;
	v3 =	vadd.f32 v5, v3;
	v4 =	vld.idx.msk [tilespmem:v22+s25+$0x0], $0xffff  }
0x300: {  	v2 =	vadd.f32 v2, v13;
	v13 =	vor.u32 s22, v9;
	v7 =	vld.idx.msk [tilespmem:v7+s25+$0x0], $0xffff  }
0x301: {  	v3 =	vadd.f32 v6, v3;
	v33 =	vadd.s32 v21, v40;
	v6 =	vld.idx.msk [tilespmem:v48+s25+$0x0], $0xffff;
	v48 =	vor.u32 v9, v26  }
0x302: {  	v0 =	vld.idx.msk [tilespmem:v0+s25+$0x0], $0xffff  }
0x303: {  	v15 =	vld.idx.msk [tilespmem:v15+s25+$0x0], $0xffff;
	[tilespmem:v61+s26+$0x0] =	vst.idx.msk $0xffff, v2;
	v2 =	vor.u32 s2, v9  }
0x304: {  	v55 =	vor.u32 v9, v34;
	v5 =	vld.idx.msk [tilespmem:v36+s25+$0x0], $0xffff  }
0x305: {  	v44 =	vmul.f32 v44, v47;
	v47 =	vmul.f32 v46, v52;
	v36 =	vor.u32 s31, v9;
	v13 =	vld.idx.msk [tilespmem:v13+s25+$0x0], $0xffff  }
0x306: {  	v46 =	vor.u32 s30, v9;
	[tilespmem:v33+s26+$0x0] =	vst.idx.msk $0xffff, v3;
	v14 =	vld.idx.msk [tilespmem:v48+s25+$0x0], $0xffff  }
0x307: {  	v52 =	vadd.f32 v47, v44;
	v17 =	vmul.f32 v17, v30;
	v1 =	vmul.f32 v1, v23;
	v44 =	vld [tilespmem:$0x1FF00]  }
0x308: {  	v48 =	vor.u32 s29, v9;
	v7 =	vmul.f32 v7, v62;
	v6 =	vmul.f32 v6, v56;
	v2 =	vld.idx.msk [tilespmem:v2+s25+$0x0], $0xffff  }
0x309: {  	v61 =	vmul.f32 v45, v51;
	v4 =	vmul.f32 v4, v11;
	v16 =	vld.idx.msk [tilespmem:v55+s25+$0x0], $0xffff  }
0x30a: {  	v0 =	vmul.f32 v0, v57;
	v1 =	vadd.f32 v1, v17;
	v51 =	vadd.f32 v6, v7;
	v6 =	vld.idx.msk [tilespmem:v36+s25+$0x0], $0xffff  }
0x30b: {  	v3 =	vadd.f32 v61, v52;
	v52 =	vmul.f32 v15, v58;
	v5 =	vmul.f32 v5, v59;
	v7 =	vld.idx.msk [tilespmem:v46+s25+$0x0], $0xffff  }
0x30c: {  	v1 =	vadd.f32 v4, v1;
	v0 =	vadd.f32 v0, v51;
	v45 =	vadd.s32 v44, v54  }
0x30d: {  	v55 =	vmul.f32 v13, v32;
	v57 =	vmul.f32 v14, v41;
	v47 =	vadd.s32 v44, v35;
	v54 =	vld.idx.msk [tilespmem:v48+s25+$0x0], $0xffff  }
0x30e: {  	v56 =	vadd.s32 v44, v63;
	v2 =	vmul.f32 v2, v42;
	v58 =	vadd.s32 v44, v60  }
0x30f: {  	v59 =	vmul.f32 v16, v39;
	v60 =	vadd.s32 v44, v37;
	v6 =	vmul.f32 v6, v38  }
0x310: {  	v61 =	vadd.s32 v44, v40;
	v7 =	vmul.f32 v7, v43;
	v2 =	vadd.f32 v2, v57  }
0x311: {  	v62 =	vadd.f32 v6, v59;
	[tilespmem:v45+s26+$0x0] =	vst.idx.msk $0xffff, v3;
	v3 =	vadd.f32 v5, v52  }
0x312: {  	s29 =	sshll.u32 s9, $0xB;
	v63 =	vadd.f32 v7, v2;
	[tilespmem:v47+s26+$0x0] =	vst.idx.msk $0xffff, v1;
	v1 =	vmul.f32 v54, v10  }
0x313: {  	s2 =	sand.u32 $0xE000, s29;
	s31 =	rddreg [dreg:$0xa];
	[tilespmem:v56+s26+$0x0] =	vst.idx.msk $0xffff, v0;
	v3 =	vadd.f32 v55, v3  }
0x314: {  	s30 =	sand.u32 $0xC0, s11;
	[tilespmem:v60+s26+$0x0] =	vst.idx.msk $0xffff, v63;
	s2 =	sor.u32 s31, s2;
	v1 =	vadd.f32 v1, v62  }
0x315: {  	s3 =	sor.u32 s30, s2;
	[tilespmem:v58+s26+$0x0] =	vst.idx.msk $0xffff, v3  }
0x316: {  	s3 =	sshrl.u32 s3, $0x3;
	[tilespmem:v61+s26+$0x0] =	vst.idx.msk $0xffff, v1  }
0x317: {  	s13 =	simm.s32 $0x1A028;
	v8 =	vmovc v49;
	v26 =	vmov v29;
	v11 =	vmov v12;
	v41 =	vmov v24;
	s5 =	sadd.s32 s8, s3;
	v57 =	vld [tilespmem:$0x1FF80]  }
0x318: {  	s6 =	simm.s32 $0x1A000;
	s12 =	simm.s32 $0x20;
	v24 =	vmovc v9;
	v39 =	vmovc v31;
	v10 =	vmov v53;
	v45 =	vmov v27;
	v56 =	vmov v50;
	v43 =	vld [tilespmem:$0x1FF60];
	s14 =	sadd.s32 $0x0, s5  }
.LBB2_5:
0x319: {  	[hbm4b:s14+s4] =	stream.linear.scatter [tilespmem:s6], [sflag:$0x4], $0x20, $0x38;
	[tilespmem:$0x1F000] =	vst v63  }
0x31a: {  	s14 =	smov.u32 s12;
	s6 =	smov.u32 s13;
	p1 =	sne.s32 s12, $0x3E0  }
.Ltmp1:
0x31b: {  	s12 =	sadd.s32 $0x20, s12;
	(pc) =	sbr.rel @p1 .LBB2_5-.Ltmp1, $2  }
0x31c: {  	_ =	sdelay $0x2  }
0x31d: {  	s13 =	sadd.s32 $0x28, s13;
	s14 =	sadd.s32 s14, s5  }
0x31e: {  	v21 =	vld [tilespmem:$0x1FE10]  }
0x31f: {  	v22 =	vld [tilespmem:$0x1FE20]  }
0x320: {  	v23 =	vld [tilespmem:$0x1FE30]  }
0x321: {  	v30 =	vld [tilespmem:$0x1FE50]  }
0x322: {  	v36 =	vld [tilespmem:$0x1FE70]  }
0x323: {  	v47 =	vld [tilespmem:$0x1FE80]  }
0x324: {  	v49 =	vld [tilespmem:$0x1FEA0]  }
0x325: {  	v50 =	vld [tilespmem:$0x1FEB0]  }
0x326: {  	[hbm4b:s14+s4] =	stream.linear.scatter [tilespmem:s6], [sflag:$0x4], $0x20, $0x38;
	v51 =	vld [tilespmem:$0x1FEC0]  }
0x327: {  	s3 =	sadd.s32 s3, s8;
	v52 =	vld [tilespmem:$0x1FED0]  }
0x328: {  	s6 =	simm.s32 $0x1A500;
	v53 =	vld [tilespmem:$0x1FEE0];
	s5 =	sadd.s32 $0x40000, s3  }
0x329: {  	s12 =	simm.s32 $0x20;
	s13 =	simm.s32 $0x1A528;
	v44 =	vlaneseq.u32;
	v54 =	vld [tilespmem:$0x1FEF0];
	s14 =	sadd.s32 $0x0, s5  }
.LBB2_7:
0x32a: {  	[hbm4b:s14+s4] =	stream.linear.scatter [tilespmem:s6], [sflag:$0x4], $0x20, $0x38;
	[tilespmem:$0x1F000] =	vst v63  }
0x32b: {  	s14 =	smov.u32 s12;
	s6 =	smov.u32 s13;
	p1 =	sne.s32 s12, $0x3E0  }
.Ltmp2:
0x32c: {  	s12 =	sadd.s32 $0x20, s12;
	(pc) =	sbr.rel @p1 .LBB2_7-.Ltmp2, $2  }
0x32d: {  	_ =	sdelay $0x2  }
0x32e: {  	s13 =	sadd.s32 $0x28, s13;
	s14 =	sadd.s32 s14, s5  }
0x32f: {  	v9 =	vld [tilespmem:$0x1FDE0]  }
0x330: {  	v40 =	vld [tilespmem:$0x1FDF0]  }
0x331: {  	v37 =	vld [tilespmem:$0x1FE00]  }
0x332: {  	v46 =	vld [tilespmem:$0x1FF30]  }
0x333: {  	[hbm4b:s14+s4] =	stream.linear.scatter [tilespmem:s6], [sflag:$0x4], $0x20, $0x38;
	v38 =	vld [tilespmem:$0x1FFB0]  }
0x334: {  	s5 =	sadd.s32 $0x80000, s3;
	s6 =	simm.s32 $0x1AA00;
	v35 =	vld [tilespmem:$0x1FFF0]  }
0x335: {  	s12 =	simm.s32 $0x20;
	s13 =	simm.s32 $0x1AA28;
	v19 =	vld [tilespmem:$0x1FD40];
	s14 =	sadd.s32 $0x0, s5  }
.LBB2_9:
0x336: {  	[hbm4b:s14+s4] =	stream.linear.scatter [tilespmem:s6], [sflag:$0x4], $0x20, $0x38;
	[tilespmem:$0x1F000] =	vst v63  }
0x337: {  	s14 =	smov.u32 s12;
	s6 =	smov.u32 s13;
	p1 =	sne.s32 s12, $0x3E0  }
.Ltmp3:
0x338: {  	s12 =	sadd.s32 $0x20, s12;
	(pc) =	sbr.rel @p1 .LBB2_9-.Ltmp3, $2  }
0x339: {  	_ =	sdelay $0x2  }
0x33a: {  	s13 =	sadd.s32 $0x28, s13;
	s14 =	sadd.s32 s14, s5  }
0x33b: {  	[hbm4b:s14+s4] =	stream.linear.scatter [tilespmem:s6], [sflag:$0x4], $0x20, $0x38;
	v29 =	vld [tilespmem:$0x1FE40]  }
0x33c: {  	s5 =	sadd.s32 $0xC0000, s3;
	s6 =	simm.s32 $0x1AF00;
	v31 =	vld [tilespmem:$0x1FE60]  }
0x33d: {  	s12 =	simm.s32 $0x20;
	s13 =	simm.s32 $0x1AF28;
	v48 =	vld [tilespmem:$0x1FE90];
	s14 =	sadd.s32 $0x0, s5  }
.LBB2_11:
0x33e: {  	[hbm4b:s14+s4] =	stream.linear.scatter [tilespmem:s6], [sflag:$0x4], $0x20, $0x38;
	[tilespmem:$0x1F000] =	vst v63  }
0x33f: {  	s14 =	smov.u32 s12;
	s6 =	smov.u32 s13;
	p1 =	sne.s32 s12, $0x3E0  }
.Ltmp4:
0x340: {  	s12 =	sadd.s32 $0x20, s12;
	(pc) =	sbr.rel @p1 .LBB2_11-.Ltmp4, $2  }
0x341: {  	_ =	sdelay $0x2  }
0x342: {  	s13 =	sadd.s32 $0x28, s13;
	s14 =	sadd.s32 s14, s5  }
0x343: {  	[hbm4b:s14+s4] =	stream.linear.scatter [tilespmem:s6], [sflag:$0x4], $0x20, $0x38;
	[tilespmem:$0x1F000] =	vst v63  }
0x344: {  	s5 =	sadd.s32 $0x100000, s3;
	s6 =	simm.s32 $0x1B400  }
0x345: {  	s12 =	simm.s32 $0x20;
	s13 =	simm.s32 $0x1B428;
	s14 =	sadd.s32 $0x0, s5  }
.LBB2_13:
0x346: {  	[hbm4b:s14+s4] =	stream.linear.scatter [tilespmem:s6], [sflag:$0x4], $0x20, $0x38;
	[tilespmem:$0x1F000] =	vst v63  }
0x347: {  	s14 =	smov.u32 s12;
	s6 =	smov.u32 s13;
	p1 =	sne.s32 s12, $0x3E0  }
.Ltmp5:
0x348: {  	s12 =	sadd.s32 $0x20, s12;
	(pc) =	sbr.rel @p1 .LBB2_13-.Ltmp5, $2  }
0x349: {  	_ =	sdelay $0x2  }
0x34a: {  	s13 =	sadd.s32 $0x28, s13;
	s14 =	sadd.s32 s14, s5  }
0x34b: {  	[hbm4b:s14+s4] =	stream.linear.scatter [tilespmem:s6], [sflag:$0x4], $0x20, $0x38;
	[tilespmem:$0x1F000] =	vst v63  }
0x34c: {  	s5 =	sadd.s32 $0x140000, s3;
	s6 =	simm.s32 $0x1B900  }
0x34d: {  	s12 =	simm.s32 $0x20;
	s13 =	simm.s32 $0x1B928;
	s14 =	sadd.s32 $0x0, s5  }
.LBB2_15:
0x34e: {  	[hbm4b:s14+s4] =	stream.linear.scatter [tilespmem:s6], [sflag:$0x4], $0x20, $0x38;
	[tilespmem:$0x1F000] =	vst v63  }
0x34f: {  	s14 =	smov.u32 s12;
	s6 =	smov.u32 s13;
	p1 =	sne.s32 s12, $0x3E0  }
.Ltmp6:
0x350: {  	s12 =	sadd.s32 $0x20, s12;
	(pc) =	sbr.rel @p1 .LBB2_15-.Ltmp6, $2  }
0x351: {  	_ =	sdelay $0x2  }
0x352: {  	s13 =	sadd.s32 $0x28, s13;
	s14 =	sadd.s32 s14, s5  }
0x353: {  	[hbm4b:s14+s4] =	stream.linear.scatter [tilespmem:s6], [sflag:$0x4], $0x20, $0x38;
	[tilespmem:$0x1F000] =	vst v63  }
0x354: {  	s5 =	sadd.s32 $0x180000, s3;
	s6 =	simm.s32 $0x1BE00  }
0x355: {  	s12 =	simm.s32 $0x20;
	s13 =	simm.s32 $0x1BE28;
	s14 =	sadd.s32 $0x0, s5  }
.LBB2_17:
0x356: {  	[hbm4b:s14+s4] =	stream.linear.scatter [tilespmem:s6], [sflag:$0x4], $0x20, $0x38;
	[tilespmem:$0x1F000] =	vst v63  }
0x357: {  	s14 =	smov.u32 s12;
	s6 =	smov.u32 s13;
	p1 =	sne.s32 s12, $0x3E0  }
.Ltmp7:
0x358: {  	s12 =	sadd.s32 $0x20, s12;
	(pc) =	sbr.rel @p1 .LBB2_17-.Ltmp7, $2  }
0x359: {  	_ =	sdelay $0x2  }
0x35a: {  	s13 =	sadd.s32 $0x28, s13;
	s14 =	sadd.s32 s14, s5  }
0x35b: {  	[hbm4b:s14+s4] =	stream.linear.scatter [tilespmem:s6], [sflag:$0x4], $0x20, $0x38;
	[tilespmem:$0x1F000] =	vst v63  }
0x35c: {  	s5 =	sadd.s32 $0x1C0000, s3;
	s3 =	simm.s32 $0x1C300  }
0x35d: {  	s6 =	simm.s32 $0x20;
	s12 =	simm.s32 $0x1C328;
	s13 =	sadd.s32 $0x0, s5  }
.LBB2_19:
0x35e: {  	[hbm4b:s13+s4] =	stream.linear.scatter [tilespmem:s3], [sflag:$0x4], $0x20, $0x38;
	[tilespmem:$0x1F000] =	vst v63  }
0x35f: {  	s13 =	smov.u32 s6;
	s3 =	smov.u32 s12;
	p1 =	sne.s32 s6, $0x3E0  }
.Ltmp8:
0x360: {  	s6 =	sadd.s32 $0x20, s6;
	(pc) =	sbr.rel @p1 .LBB2_19-.Ltmp8, $2  }
0x361: {  	_ =	sdelay $0x2  }
0x362: {  	s12 =	sadd.s32 $0x28, s12;
	s13 =	sadd.s32 s13, s5  }
0x363: {  	p1 =	seq.s32 s9, $0x1F  }
0x364: {  	s5 =	sadd.s32 @!p1 $0x40, s11;
	v0 =	vlaneseq.u32 @!p1  }
0x365: {  	v1 =	vor.u32 @!p1 s5, v0;
	_ =	sdelay $0x2  }
0x366: {  	[hbm4b:s13+s4] =	stream.linear.scatter [tilespmem:s3], [sflag:$0x4], $0x20, $0x38;
	[tilespmem:$0x1F000] =	vst v63  }
0x367: {  	s3 =	simm.s32 @!p1 $0xBF10  }
0x368: {  	v1 =	vld.idx.msk @!p1 [tilespmem:v1+s3+$0x0], $0xffff;
	_ =	sdelay $0x4  }
0x369: {  	vm0 =	vgt.s32 @!p1 v1, $0x0  }
0x36a: {  	v1 =	vnsel @!p1 vm0, $0x0, v1  }
0x36b: {  	v1 =	vmin.u32 @!p1 v1, $0x35CF;
	_ =	sdelay $0x3  }
0x36c: {  	s5 =	simm.s32 @!p1 $0x1DA0  }
0x36d: {  	v2 =	vld.idx.msk @!p1 [tilespmem:v1+s5+$0x0], $0xffff;
	_ =	sdelay $0x6  }
0x36e: {  	s6 =	simm.s32 @!p1 $0x0  }
0x36f: {  	v2 =	vld.idx.msk @!p1 [tilespmem:v2+s6+$0x0], $0xffff;
	_ =	sdelay $0x3  }
0x370: {  	s12 =	simm.s32 @!p1 $0xDF40  }
0x371: {  	s13 =	simm.s32 @!p1 $0x5370;
	[tilespmem:v0+s12+$0x0] =	vst.idx.msk @!p1 $0xffff, v2  }
0x372: {  	v2 =	vld.idx.msk @!p1 [tilespmem:v1+s13+$0x0], $0xffff;
	_ =	sdelay $0x7  }
0x373: {  	v3 =	vor.u32 @!p1 $0x20, v0;
	v2 =	vld.idx.msk @!p1 [tilespmem:v2+s6+$0x0], $0xffff;
	_ =	sdelay $0x4  }
0x374: {  	s14 =	simm.s32 @!p1 $0x8940;
	[tilespmem:v3+s12+$0x0] =	vst.idx.msk @!p1 $0xffff, v2  }
0x375: {  	v1 =	vld.idx.msk @!p1 [tilespmem:v1+s14+$0x0], $0xffff;
	_ =	sdelay $0x7  }
0x376: {  	s11 =	sadd.s32 @!p1 $0x50, s11;
	v2 =	vor.u32 @!p1 $0x40, v0;
	v1 =	vld.idx.msk @!p1 [tilespmem:v1+s6+$0x0], $0xffff  }
0x377: {  	v3 =	vor.u32 @!p1 s11, v0;
	_ =	sdelay $0x3  }
0x378: {  	[tilespmem:v2+s12+$0x0] =	vst.idx.msk @!p1 $0xffff, v1  }
0x379: {  	v1 =	vld.idx.msk @!p1 [tilespmem:v3+s3+$0x0], $0xffff;
	_ =	sdelay $0x4  }
0x37a: {  	vm0 =	vgt.s32 @!p1 v1, $0x0  }
0x37b: {  	v1 =	vnsel @!p1 vm0, $0x0, v1  }
0x37c: {  	v1 =	vmin.u32 @!p1 v1, $0x35CF;
	_ =	sdelay $0x4  }
0x37d: {  	v2 =	vld.idx.msk @!p1 [tilespmem:v1+s5+$0x0], $0xffff;
	_ =	sdelay $0x7  }
0x37e: {  	v3 =	vor.u32 @!p1 $0x10, v0;
	v2 =	vld.idx.msk @!p1 [tilespmem:v2+s6+$0x0], $0xffff;
	_ =	sdelay $0x4  }
0x37f: {  	[tilespmem:v3+s12+$0x0] =	vst.idx.msk @!p1 $0xffff, v2  }
0x380: {  	v2 =	vld.idx.msk @!p1 [tilespmem:v1+s13+$0x0], $0xffff;
	_ =	sdelay $0x7  }
0x381: {  	v3 =	vor.u32 @!p1 $0x30, v0;
	v2 =	vld.idx.msk @!p1 [tilespmem:v2+s6+$0x0], $0xffff;
	_ =	sdelay $0x4  }
0x382: {  	[tilespmem:v3+s12+$0x0] =	vst.idx.msk @!p1 $0xffff, v2  }
0x383: {  	v1 =	vld.idx.msk @!p1 [tilespmem:v1+s14+$0x0], $0xffff;
	_ =	sdelay $0x7  }
0x384: {  	v0 =	vor.u32 @!p1 $0x50, v0;
	v1 =	vld.idx.msk @!p1 [tilespmem:v1+s6+$0x0], $0xffff;
	_ =	sdelay $0x4  }
0x385: {  	s3 =	simm.s32 @!p1 $0x30;
	s5 =	simm.s32 @!p1 $0xE000;
	[tilespmem:v0+s12+$0x0] =	vst.idx.msk @!p1 $0xffff, v1  }
0x386: {  	[tilespmem:s5], [sflag:$0x2] =	stream.indirect.gather @!p1 [hbm4b:s1+s3], $0x100, s12, s3, $0xb8;
	[tilespmem:$0x1F000] =	vst v63  }
0x387: {  	s6 =	simm.s32 @!p1 $0x11000;
	s5 =	simm.s32 @!p1 $0xDF70  }
0x388: {  	[tilespmem:s6], [sflag:$0x2] =	stream.indirect.gather @!p1 [hbm4b:s1+s3], $0x100, s5, s3, $0xb8;
	[tilespmem:$0x1F000] =	vst v63  }
0x389: {  	_ =	swait.ge [sflag:s28], $0x3000  }
0x38a: {  	[sflag:s28] =	ssyncset.done $0x0  }
0x38b: {  	[sflag:s28] =	ssyncadd.s32 $0xFFFFD000  }
0x38c: {  	_ =	swait.ge [sflag:s28], $0x3000  }
0x38d: {  	[sflag:s28] =	ssyncset.done $0x0  }
0x38e: {  	s3 =	simm.s32 @!p0 $0x5;
	[sflag:s28] =	ssyncadd.s32 $0xFFFFD000  }
0x38f: {  	_ =	swait.ge @!p0 [sflag:s3], $0x400  }
0x390: {  	[sflag:s3] =	ssyncset.done @!p0 $0x0  }
0x391: {  	[sflag:s3] =	ssyncadd.s32 @!p0 $0xFFFFFC00  }
0x392: {  	_ =	swait.ge @!p0 [sflag:s3], $0x400  }
0x393: {  	[sflag:s3] =	ssyncset.done @!p0 $0x0  }
0x394: {  	[sflag:s3] =	ssyncadd.s32 @!p0 $0xFFFFFC00  }
0x395: {  	_ =	swait.ge @!p0 [sflag:s3], $0x400  }
0x396: {  	[sflag:s3] =	ssyncset.done @!p0 $0x0  }
0x397: {  	[sflag:s3] =	ssyncadd.s32 @!p0 $0xFFFFFC00  }
0x398: {  	_ =	swait.ge @!p0 [sflag:s3], $0x400  }
0x399: {  	[sflag:s3] =	ssyncset.done @!p0 $0x0  }
0x39a: {  	[sflag:s3] =	ssyncadd.s32 @!p0 $0xFFFFFC00  }
0x39b: {  	_ =	swait.ge @!p0 [sflag:s3], $0x400  }
0x39c: {  	[sflag:s3] =	ssyncset.done @!p0 $0x0  }
0x39d: {  	[sflag:s3] =	ssyncadd.s32 @!p0 $0xFFFFFC00  }
0x39e: {  	_ =	swait.ge @!p0 [sflag:s3], $0x400  }
0x39f: {  	[sflag:s3] =	ssyncset.done @!p0 $0x0  }
0x3a0: {  	[sflag:s3] =	ssyncadd.s32 @!p0 $0xFFFFFC00  }
0x3a1: {  	_ =	swait.ge @!p0 [sflag:s3], $0x400  }
0x3a2: {  	[sflag:s3] =	ssyncset.done @!p0 $0x0  }
0x3a3: {  	[sflag:s3] =	ssyncadd.s32 @!p0 $0xFFFFFC00  }
0x3a4: {  	_ =	swait.ge @!p0 [sflag:s3], $0x400  }
0x3a5: {  	[sflag:s3] =	ssyncset.done @!p0 $0x0  }
0x3a6: {  	s15 =	simm.s32 $0xFFFFFFFE;
	[sflag:s3] =	ssyncadd.s32 @!p0 $0xFFFFFC00  }
.LBB2_21:
0x3a7: {  	s13 =	sshll.u32 s15, $0x8  }
0x3a8: {  	s11 =	sadd.s32 $0x6200, s13  }
0x3a9: {  	s6 =	sadd.s32 $0x8200, s13;
	v1 =	vor.u32 s11, v44  }
0x3aa: {  	s3 =	sadd.s32 s15, s7;
	s29 =	sadd.s32 $0xA200, s13;
	v2 =	vor.u32 s6, v44  }
0x3ab: {  	s5 =	sadd.s32 $0x32, s3;
	s3 =	sadd.s32 $0x33, s3;
	v3 =	vor.u32 s29, v44  }
0x3ac: {  	v0 =	vmov s5;
	v4 =	vmov s3  }
0x3ad: {  	s12 =	sadd.s32 $0x6300, s13;
	v0 =	vand.u32 $0xFFFFFFFE, v0  }
0x3ae: {  	v61 =	vor.u32 s12, v44;
	v0 =	vbroadcast v0, $0x0;
	v60 =	vld.idx.msk [tilespmem:v1+s25+$0x0], $0xffff  }
0x3af: {  	v2 =	vld.idx.msk [tilespmem:v2+s25+$0x0], $0xffff  }
0x3b0: {  	s14 =	sadd.s32 $0x8300, s13;
	v3 =	vld.idx.msk [tilespmem:v3+s25+$0x0], $0xffff  }
0x3b1: {  	v5 =	vor.u32 s14, v44;
	v16 =	vld.idx.msk [tilespmem:v4+s19+$0x0], $0xffff  }
0x3b2: {  	v17 =	vld.idx.msk [tilespmem:v4+s20+$0x0], $0xffff  }
0x3b3: {  	s13 =	sadd.s32 $0xA300, s13;
	v1 =	vld.idx.msk [tilespmem:v61+s25+$0x0], $0xffff  }
0x3b4: {  	v6 =	vor.u32 s13, v44;
	v14 =	vld.idx.msk [tilespmem:v0+s19+$0x0], $0xffff  }
0x3b5: {  	v15 =	vld.idx.msk [tilespmem:v0+s20+$0x0], $0xffff  }
0x3b6: {  	v5 =	vld.idx.msk [tilespmem:v5+s25+$0x0], $0xffff  }
0x3b7: {  	s30 =	sadd.s32 $0x2, s15;
	v13 =	vld.idx.msk [tilespmem:v0+s21+$0x0], $0xffff  }
0x3b8: {  	v7 =	vmov s30;
	v32 =	vld.idx.msk [tilespmem:v4+s21+$0x0], $0xffff  }
0x3b9: {  	s31 =	sadd.s32 $0x3, s15;
	v33 =	vand.u32 $0x1E, v7;
	v7 =	vor.u32 s11, v57;
	v62 =	vld.idx.msk [tilespmem:v6+s25+$0x0], $0xffff  }
0x3ba: {  	v6 =	vmov s31;
	v0 =	vmul.f32 v60, v14;
	v2 =	vmul.f32 v2, v15  }
0x3bb: {  	v63 =	vadd.s32 v21, v33;
	v34 =	vand.u32 $0x1F, v6;
	v1 =	vmul.f32 v1, v16  }
0x3bc: {  	v5 =	vmul.f32 v5, v17;
	v3 =	vmul.f32 v3, v13;
	v0 =	vadd.f32 v2, v0  }
0x3bd: {  	v18 =	vor.u32 s6, v57;
	v42 =	vor.u32 s12, v57;
	v6 =	vadd.s32 v21, v34  }
0x3be: {  	v4 =	vmul.f32 v62, v32;
	v1 =	vadd.f32 v5, v1;
	v0 =	vadd.f32 v3, v0  }
0x3bf: {  	v12 =	vor.u32 s29, v57  }
0x3c0: {  	v55 =	vor.u32 s14, v57;
	v1 =	vadd.f32 v4, v1;
	[tilespmem:v63+s26+$0x0] =	vst.idx.msk $0xffff, v0  }
0x3c1: {  	v2 =	vld.idx.msk [tilespmem:v7+s25+$0x0], $0xffff  }
0x3c2: {  	[tilespmem:v6+s26+$0x0] =	vst.idx.msk $0xffff, v1;
	v58 =	vld.idx.msk [tilespmem:v18+s25+$0x0], $0xffff;
	v7 =	vor.u32 s13, v57  }
0x3c3: {  	v1 =	vld.idx.msk [tilespmem:v42+s25+$0x0], $0xffff  }
0x3c4: {  	v3 =	vld.idx.msk [tilespmem:v12+s25+$0x0], $0xffff  }
0x3c5: {  	v0 =	vld.idx.msk [tilespmem:v55+s25+$0x0], $0xffff;
	_ =	sdelay $0x1  }
0x3c6: {  	v2 =	vmul.f32 v2, v14;
	v4 =	vmul.f32 v58, v15;
	v59 =	vld.idx.msk [tilespmem:v7+s25+$0x0], $0xffff  }
0x3c7: {  	v6 =	vadd.s32 v22, v33  }
0x3c8: {  	v60 =	vor.u32 s11, v8;
	v3 =	vmul.f32 v3, v13;
	v2 =	vadd.f32 v4, v2  }
0x3c9: {  	v1 =	vmul.f32 v1, v16;
	v0 =	vmul.f32 v0, v17;
	v7 =	vor.u32 s6, v8  }
0x3ca: {  	v61 =	vor.u32 s29, v8;
	v18 =	vadd.s32 v22, v34;
	v2 =	vadd.f32 v3, v2  }
0x3cb: {  	v63 =	vor.u32 s12, v8;
	v0 =	vadd.f32 v0, v1;
	v62 =	vmul.f32 v59, v32  }
0x3cc: {  	v12 =	vor.u32 s14, v8;
	[tilespmem:v6+s26+$0x0] =	vst.idx.msk $0xffff, v2  }
0x3cd: {  	v4 =	vld.idx.msk [tilespmem:v60+s25+$0x0], $0xffff;
	v0 =	vadd.f32 v62, v0  }
0x3ce: {  	v6 =	vor.u32 s13, v8;
	v42 =	vld.idx.msk [tilespmem:v7+s25+$0x0], $0xffff  }
0x3cf: {  	v3 =	vld.idx.msk [tilespmem:v61+s25+$0x0], $0xffff;
	[tilespmem:v18+s26+$0x0] =	vst.idx.msk $0xffff, v0  }
0x3d0: {  	v0 =	vld.idx.msk [tilespmem:v63+s25+$0x0], $0xffff  }
0x3d1: {  	v2 =	vld.idx.msk [tilespmem:v12+s25+$0x0], $0xffff;
	_ =	sdelay $0x1  }
0x3d2: {  	v55 =	vld.idx.msk [tilespmem:v6+s25+$0x0], $0xffff;
	v4 =	vmul.f32 v4, v14;
	v1 =	vmul.f32 v42, v15  }
0x3d3: {  	v6 =	vadd.s32 v23, v33  }
0x3d4: {  	v58 =	vor.u32 s11, v10;
	v3 =	vmul.f32 v3, v13;
	v1 =	vadd.f32 v1, v4  }
0x3d5: {  	v7 =	vor.u32 s6, v10;
	v0 =	vmul.f32 v0, v16;
	v2 =	vmul.f32 v2, v17  }
0x3d6: {  	v59 =	vor.u32 s29, v10;
	v18 =	vadd.s32 v23, v34;
	v1 =	vadd.f32 v3, v1  }
0x3d7: {  	v61 =	vor.u32 s12, v10;
	v60 =	vmul.f32 v55, v32;
	v0 =	vadd.f32 v2, v0  }
0x3d8: {  	v62 =	vor.u32 s14, v10;
	[tilespmem:v6+s26+$0x0] =	vst.idx.msk $0xffff, v1  }
0x3d9: {  	v4 =	vld.idx.msk [tilespmem:v58+s25+$0x0], $0xffff;
	v0 =	vadd.f32 v60, v0  }
0x3da: {  	v6 =	vor.u32 s13, v10;
	v63 =	vld.idx.msk [tilespmem:v7+s25+$0x0], $0xffff  }
0x3db: {  	v3 =	vld.idx.msk [tilespmem:v59+s25+$0x0], $0xffff;
	[tilespmem:v18+s26+$0x0] =	vst.idx.msk $0xffff, v0  }
0x3dc: {  	v0 =	vld.idx.msk [tilespmem:v61+s25+$0x0], $0xffff  }
0x3dd: {  	v1 =	vld.idx.msk [tilespmem:v62+s25+$0x0], $0xffff;
	_ =	sdelay $0x1  }
0x3de: {  	v12 =	vld.idx.msk [tilespmem:v6+s25+$0x0], $0xffff;
	v4 =	vmul.f32 v4, v14;
	v2 =	vmul.f32 v63, v15  }
0x3df: {  	v6 =	vadd.s32 v29, v33  }
0x3e0: {  	v42 =	vor.u32 s11, v11;
	v3 =	vmul.f32 v3, v13;
	v2 =	vadd.f32 v2, v4  }
0x3e1: {  	v7 =	vor.u32 s6, v11;
	v0 =	vmul.f32 v0, v16;
	v1 =	vmul.f32 v1, v17  }
0x3e2: {  	v55 =	vor.u32 s29, v11;
	v18 =	vadd.s32 v29, v34;
	v2 =	vadd.f32 v3, v2  }
0x3e3: {  	v59 =	vor.u32 s12, v11;
	v58 =	vmul.f32 v12, v32;
	v0 =	vadd.f32 v1, v0  }
0x3e4: {  	v60 =	vor.u32 s14, v11;
	[tilespmem:v6+s26+$0x0] =	vst.idx.msk $0xffff, v2  }
0x3e5: {  	v4 =	vld.idx.msk [tilespmem:v42+s25+$0x0], $0xffff;
	v0 =	vadd.f32 v58, v0  }
0x3e6: {  	v6 =	vor.u32 s13, v11;
	v61 =	vld.idx.msk [tilespmem:v7+s25+$0x0], $0xffff  }
0x3e7: {  	v3 =	vld.idx.msk [tilespmem:v55+s25+$0x0], $0xffff;
	[tilespmem:v18+s26+$0x0] =	vst.idx.msk $0xffff, v0  }
0x3e8: {  	v0 =	vld.idx.msk [tilespmem:v59+s25+$0x0], $0xffff  }
0x3e9: {  	v2 =	vld.idx.msk [tilespmem:v60+s25+$0x0], $0xffff;
	_ =	sdelay $0x1  }
0x3ea: {  	v62 =	vld.idx.msk [tilespmem:v6+s25+$0x0], $0xffff;
	v4 =	vmul.f32 v4, v14;
	v1 =	vmul.f32 v61, v15  }
0x3eb: {  	v6 =	vadd.s32 v30, v33  }
0x3ec: {  	v63 =	vor.u32 s11, v45;
	v3 =	vmul.f32 v3, v13;
	v1 =	vadd.f32 v1, v4  }
0x3ed: {  	v7 =	vor.u32 s6, v45;
	v0 =	vmul.f32 v0, v16;
	v2 =	vmul.f32 v2, v17  }
0x3ee: {  	v12 =	vor.u32 s29, v45;
	v18 =	vadd.s32 v30, v34;
	v1 =	vadd.f32 v3, v1  }
0x3ef: {  	v55 =	vor.u32 s12, v45;
	v42 =	vmul.f32 v62, v32;
	v0 =	vadd.f32 v2, v0  }
0x3f0: {  	v58 =	vor.u32 s14, v45;
	[tilespmem:v6+s26+$0x0] =	vst.idx.msk $0xffff, v1  }
0x3f1: {  	v4 =	vld.idx.msk [tilespmem:v63+s25+$0x0], $0xffff;
	v0 =	vadd.f32 v42, v0  }
0x3f2: {  	v6 =	vor.u32 s13, v45;
	v59 =	vld.idx.msk [tilespmem:v7+s25+$0x0], $0xffff  }
0x3f3: {  	v3 =	vld.idx.msk [tilespmem:v12+s25+$0x0], $0xffff;
	[tilespmem:v18+s26+$0x0] =	vst.idx.msk $0xffff, v0  }
0x3f4: {  	v0 =	vld.idx.msk [tilespmem:v55+s25+$0x0], $0xffff  }
0x3f5: {  	v1 =	vld.idx.msk [tilespmem:v58+s25+$0x0], $0xffff;
	_ =	sdelay $0x1  }
0x3f6: {  	v60 =	vld.idx.msk [tilespmem:v6+s25+$0x0], $0xffff;
	v4 =	vmul.f32 v4, v14;
	v2 =	vmul.f32 v59, v15  }
0x3f7: {  	v6 =	vadd.s32 v31, v33  }
0x3f8: {  	v61 =	vor.u32 s11, v43;
	v3 =	vmul.f32 v3, v13;
	v2 =	vadd.f32 v2, v4  }
0x3f9: {  	v7 =	vor.u32 s6, v43;
	v0 =	vmul.f32 v0, v16;
	v1 =	vmul.f32 v1, v17  }
0x3fa: {  	v62 =	vor.u32 s29, v43;
	v18 =	vadd.s32 v31, v34;
	v2 =	vadd.f32 v3, v2  }
0x3fb: {  	v12 =	vor.u32 s12, v43;
	v63 =	vmul.f32 v60, v32;
	v0 =	vadd.f32 v1, v0  }
0x3fc: {  	v42 =	vor.u32 s14, v43;
	[tilespmem:v6+s26+$0x0] =	vst.idx.msk $0xffff, v2  }
0x3fd: {  	v4 =	vld.idx.msk [tilespmem:v61+s25+$0x0], $0xffff;
	v0 =	vadd.f32 v63, v0  }
0x3fe: {  	v6 =	vor.u32 s13, v43;
	v55 =	vld.idx.msk [tilespmem:v7+s25+$0x0], $0xffff  }
0x3ff: {  	v3 =	vld.idx.msk [tilespmem:v62+s25+$0x0], $0xffff;
	[tilespmem:v18+s26+$0x0] =	vst.idx.msk $0xffff, v0  }
0x400: {  	v0 =	vld.idx.msk [tilespmem:v12+s25+$0x0], $0xffff  }
0x401: {  	v2 =	vld.idx.msk [tilespmem:v42+s25+$0x0], $0xffff;
	_ =	sdelay $0x1  }
0x402: {  	v58 =	vld.idx.msk [tilespmem:v6+s25+$0x0], $0xffff;
	v4 =	vmul.f32 v4, v14;
	v1 =	vmul.f32 v55, v15  }
0x403: {  	v6 =	vadd.s32 v36, v33  }
0x404: {  	v59 =	vor.u32 s11, v39;
	v3 =	vmul.f32 v3, v13;
	v1 =	vadd.f32 v1, v4  }
0x405: {  	v7 =	vor.u32 s6, v39;
	v0 =	vmul.f32 v0, v16;
	v2 =	vmul.f32 v2, v17  }
0x406: {  	v60 =	vor.u32 s29, v39;
	v18 =	vadd.s32 v36, v34;
	v1 =	vadd.f32 v3, v1  }
0x407: {  	v62 =	vor.u32 s12, v39;
	v61 =	vmul.f32 v58, v32;
	v0 =	vadd.f32 v2, v0  }
0x408: {  	v63 =	vor.u32 s14, v39;
	[tilespmem:v6+s26+$0x0] =	vst.idx.msk $0xffff, v1  }
0x409: {  	v4 =	vld.idx.msk [tilespmem:v59+s25+$0x0], $0xffff;
	v0 =	vadd.f32 v61, v0  }
0x40a: {  	v6 =	vor.u32 s13, v39;
	v12 =	vld.idx.msk [tilespmem:v7+s25+$0x0], $0xffff  }
0x40b: {  	v3 =	vld.idx.msk [tilespmem:v60+s25+$0x0], $0xffff;
	[tilespmem:v18+s26+$0x0] =	vst.idx.msk $0xffff, v0  }
0x40c: {  	v0 =	vld.idx.msk [tilespmem:v62+s25+$0x0], $0xffff  }
0x40d: {  	v1 =	vld.idx.msk [tilespmem:v63+s25+$0x0], $0xffff;
	_ =	sdelay $0x1  }
0x40e: {  	v42 =	vld.idx.msk [tilespmem:v6+s25+$0x0], $0xffff;
	v4 =	vmul.f32 v4, v14;
	v2 =	vmul.f32 v12, v15  }
0x40f: {  	v6 =	vadd.s32 v47, v33  }
0x410: {  	v55 =	vor.u32 s11, v56;
	v3 =	vmul.f32 v3, v13;
	v2 =	vadd.f32 v2, v4  }
0x411: {  	v7 =	vor.u32 s6, v56;
	v0 =	vmul.f32 v0, v16;
	v1 =	vmul.f32 v1, v17  }
0x412: {  	v58 =	vor.u32 s29, v56;
	v18 =	vadd.s32 v47, v34;
	v2 =	vadd.f32 v3, v2  }
0x413: {  	v60 =	vor.u32 s12, v56;
	v59 =	vmul.f32 v42, v32;
	v0 =	vadd.f32 v1, v0  }
0x414: {  	v61 =	vor.u32 s14, v56;
	[tilespmem:v6+s26+$0x0] =	vst.idx.msk $0xffff, v2  }
0x415: {  	v4 =	vld.idx.msk [tilespmem:v55+s25+$0x0], $0xffff;
	v0 =	vadd.f32 v59, v0  }
0x416: {  	v6 =	vor.u32 s13, v56;
	v62 =	vld.idx.msk [tilespmem:v7+s25+$0x0], $0xffff  }
0x417: {  	v3 =	vld.idx.msk [tilespmem:v58+s25+$0x0], $0xffff;
	[tilespmem:v18+s26+$0x0] =	vst.idx.msk $0xffff, v0  }
0x418: {  	v0 =	vld.idx.msk [tilespmem:v60+s25+$0x0], $0xffff  }
0x419: {  	v2 =	vld.idx.msk [tilespmem:v61+s25+$0x0], $0xffff;
	_ =	sdelay $0x1  }
0x41a: {  	v63 =	vld.idx.msk [tilespmem:v6+s25+$0x0], $0xffff;
	v4 =	vmul.f32 v4, v14;
	v1 =	vmul.f32 v62, v15  }
0x41b: {  	v6 =	vadd.s32 v48, v33  }
0x41c: {  	v12 =	vor.u32 s11, v26;
	v3 =	vmul.f32 v3, v13;
	v1 =	vadd.f32 v1, v4  }
0x41d: {  	v7 =	vor.u32 s6, v26;
	v0 =	vmul.f32 v0, v16;
	v2 =	vmul.f32 v2, v17  }
0x41e: {  	v42 =	vor.u32 s29, v26;
	v18 =	vadd.s32 v48, v34;
	v1 =	vadd.f32 v3, v1  }
0x41f: {  	v58 =	vor.u32 s12, v26;
	v55 =	vmul.f32 v63, v32;
	v0 =	vadd.f32 v2, v0  }
0x420: {  	v59 =	vor.u32 s14, v26;
	[tilespmem:v6+s26+$0x0] =	vst.idx.msk $0xffff, v1  }
0x421: {  	v4 =	vld.idx.msk [tilespmem:v12+s25+$0x0], $0xffff;
	v0 =	vadd.f32 v55, v0  }
0x422: {  	v6 =	vor.u32 s13, v26;
	v60 =	vld.idx.msk [tilespmem:v7+s25+$0x0], $0xffff  }
0x423: {  	v3 =	vld.idx.msk [tilespmem:v42+s25+$0x0], $0xffff;
	[tilespmem:v18+s26+$0x0] =	vst.idx.msk $0xffff, v0  }
0x424: {  	v0 =	vld.idx.msk [tilespmem:v58+s25+$0x0], $0xffff  }
0x425: {  	v1 =	vld.idx.msk [tilespmem:v59+s25+$0x0], $0xffff;
	_ =	sdelay $0x1  }
0x426: {  	v61 =	vld.idx.msk [tilespmem:v6+s25+$0x0], $0xffff;
	v4 =	vmul.f32 v4, v14;
	v2 =	vmul.f32 v60, v15  }
0x427: {  	v6 =	vadd.s32 v49, v33  }
0x428: {  	v62 =	vor.u32 s11, v28;
	v3 =	vmul.f32 v3, v13;
	v2 =	vadd.f32 v2, v4  }
0x429: {  	v7 =	vor.u32 s6, v28;
	v0 =	vmul.f32 v0, v16;
	v1 =	vmul.f32 v1, v17  }
0x42a: {  	v63 =	vor.u32 s29, v28;
	v18 =	vadd.s32 v49, v34;
	v2 =	vadd.f32 v3, v2  }
0x42b: {  	v42 =	vor.u32 s12, v28;
	v12 =	vmul.f32 v61, v32;
	v0 =	vadd.f32 v1, v0  }
0x42c: {  	v55 =	vor.u32 s14, v28;
	[tilespmem:v6+s26+$0x0] =	vst.idx.msk $0xffff, v2  }
0x42d: {  	v4 =	vld.idx.msk [tilespmem:v62+s25+$0x0], $0xffff;
	v0 =	vadd.f32 v12, v0  }
0x42e: {  	v6 =	vor.u32 s13, v28;
	v58 =	vld.idx.msk [tilespmem:v7+s25+$0x0], $0xffff  }
0x42f: {  	v3 =	vld.idx.msk [tilespmem:v63+s25+$0x0], $0xffff;
	[tilespmem:v18+s26+$0x0] =	vst.idx.msk $0xffff, v0  }
0x430: {  	v0 =	vld.idx.msk [tilespmem:v42+s25+$0x0], $0xffff  }
0x431: {  	v2 =	vld.idx.msk [tilespmem:v55+s25+$0x0], $0xffff;
	_ =	sdelay $0x1  }
0x432: {  	v59 =	vld.idx.msk [tilespmem:v6+s25+$0x0], $0xffff;
	v4 =	vmul.f32 v4, v14;
	v1 =	vmul.f32 v58, v15  }
0x433: {  	v6 =	vadd.s32 v50, v33  }
0x434: {  	v60 =	vor.u32 s11, v25;
	v3 =	vmul.f32 v3, v13;
	v1 =	vadd.f32 v1, v4  }
0x435: {  	v7 =	vor.u32 s6, v25;
	v0 =	vmul.f32 v0, v16;
	v2 =	vmul.f32 v2, v17  }
0x436: {  	v61 =	vor.u32 s29, v25;
	v18 =	vadd.s32 v50, v34;
	v1 =	vadd.f32 v3, v1  }
0x437: {  	v63 =	vor.u32 s12, v25;
	v62 =	vmul.f32 v59, v32;
	v0 =	vadd.f32 v2, v0  }
0x438: {  	v12 =	vor.u32 s14, v25;
	[tilespmem:v6+s26+$0x0] =	vst.idx.msk $0xffff, v1  }
0x439: {  	v4 =	vld.idx.msk [tilespmem:v60+s25+$0x0], $0xffff;
	v0 =	vadd.f32 v62, v0  }
0x43a: {  	v6 =	vor.u32 s13, v25;
	v42 =	vld.idx.msk [tilespmem:v7+s25+$0x0], $0xffff  }
0x43b: {  	v3 =	vld.idx.msk [tilespmem:v61+s25+$0x0], $0xffff;
	[tilespmem:v18+s26+$0x0] =	vst.idx.msk $0xffff, v0  }
0x43c: {  	v0 =	vld.idx.msk [tilespmem:v63+s25+$0x0], $0xffff  }
0x43d: {  	v1 =	vld.idx.msk [tilespmem:v12+s25+$0x0], $0xffff;
	_ =	sdelay $0x1  }
0x43e: {  	v55 =	vld.idx.msk [tilespmem:v6+s25+$0x0], $0xffff;
	v4 =	vmul.f32 v4, v14;
	v2 =	vmul.f32 v42, v15  }
0x43f: {  	v6 =	vadd.s32 v51, v33  }
0x440: {  	v58 =	vor.u32 s11, v38;
	v3 =	vmul.f32 v3, v13;
	v2 =	vadd.f32 v2, v4  }
0x441: {  	v7 =	vor.u32 s6, v38;
	v0 =	vmul.f32 v0, v16;
	v1 =	vmul.f32 v1, v17  }
0x442: {  	v59 =	vor.u32 s29, v38;
	v18 =	vadd.s32 v51, v34;
	v2 =	vadd.f32 v3, v2  }
0x443: {  	v61 =	vor.u32 s12, v38;
	v60 =	vmul.f32 v55, v32;
	v0 =	vadd.f32 v1, v0  }
0x444: {  	v62 =	vor.u32 s14, v38;
	[tilespmem:v6+s26+$0x0] =	vst.idx.msk $0xffff, v2  }
0x445: {  	v4 =	vld.idx.msk [tilespmem:v58+s25+$0x0], $0xffff;
	v0 =	vadd.f32 v60, v0  }
0x446: {  	v6 =	vor.u32 s13, v38;
	v63 =	vld.idx.msk [tilespmem:v7+s25+$0x0], $0xffff  }
0x447: {  	v3 =	vld.idx.msk [tilespmem:v59+s25+$0x0], $0xffff;
	[tilespmem:v18+s26+$0x0] =	vst.idx.msk $0xffff, v0  }
0x448: {  	v0 =	vld.idx.msk [tilespmem:v61+s25+$0x0], $0xffff  }
0x449: {  	v2 =	vld.idx.msk [tilespmem:v62+s25+$0x0], $0xffff;
	_ =	sdelay $0x1  }
0x44a: {  	v12 =	vld.idx.msk [tilespmem:v6+s25+$0x0], $0xffff;
	v4 =	vmul.f32 v4, v14;
	v1 =	vmul.f32 v63, v15  }
0x44b: {  	v6 =	vadd.s32 v52, v33  }
0x44c: {  	v42 =	vor.u32 s11, v41;
	v3 =	vmul.f32 v3, v13;
	v1 =	vadd.f32 v1, v4  }
0x44d: {  	v7 =	vor.u32 s6, v41;
	v0 =	vmul.f32 v0, v16;
	v2 =	vmul.f32 v2, v17  }
0x44e: {  	v55 =	vor.u32 s29, v41;
	v18 =	vadd.s32 v52, v34;
	v1 =	vadd.f32 v3, v1  }
0x44f: {  	v59 =	vor.u32 s12, v41;
	v58 =	vmul.f32 v12, v32;
	v0 =	vadd.f32 v2, v0  }
0x450: {  	v60 =	vor.u32 s14, v41;
	[tilespmem:v6+s26+$0x0] =	vst.idx.msk $0xffff, v1  }
0x451: {  	v4 =	vld.idx.msk [tilespmem:v42+s25+$0x0], $0xffff;
	v0 =	vadd.f32 v58, v0  }
0x452: {  	v6 =	vor.u32 s13, v41;
	v61 =	vld.idx.msk [tilespmem:v7+s25+$0x0], $0xffff  }
0x453: {  	v3 =	vld.idx.msk [tilespmem:v55+s25+$0x0], $0xffff;
	[tilespmem:v18+s26+$0x0] =	vst.idx.msk $0xffff, v0  }
0x454: {  	v0 =	vld.idx.msk [tilespmem:v59+s25+$0x0], $0xffff  }
0x455: {  	v1 =	vld.idx.msk [tilespmem:v60+s25+$0x0], $0xffff;
	_ =	sdelay $0x1  }
0x456: {  	v62 =	vld.idx.msk [tilespmem:v6+s25+$0x0], $0xffff;
	v4 =	vmul.f32 v4, v14;
	v2 =	vmul.f32 v61, v15  }
0x457: {  	v6 =	vadd.s32 v53, v33  }
0x458: {  	v63 =	vor.u32 s11, v19;
	v3 =	vmul.f32 v3, v13;
	v2 =	vadd.f32 v2, v4  }
0x459: {  	v7 =	vor.u32 s6, v19;
	v0 =	vmul.f32 v0, v16;
	v1 =	vmul.f32 v1, v17  }
0x45a: {  	v12 =	vor.u32 s29, v19;
	v18 =	vadd.s32 v53, v34;
	v2 =	vadd.f32 v3, v2  }
0x45b: {  	v55 =	vor.u32 s12, v19;
	v42 =	vmul.f32 v62, v32;
	v0 =	vadd.f32 v1, v0  }
0x45c: {  	v58 =	vor.u32 s14, v19;
	[tilespmem:v6+s26+$0x0] =	vst.idx.msk $0xffff, v2  }
0x45d: {  	v4 =	vld.idx.msk [tilespmem:v63+s25+$0x0], $0xffff;
	v0 =	vadd.f32 v42, v0  }
0x45e: {  	v6 =	vor.u32 s13, v19;
	v59 =	vld.idx.msk [tilespmem:v7+s25+$0x0], $0xffff  }
0x45f: {  	v3 =	vld.idx.msk [tilespmem:v12+s25+$0x0], $0xffff;
	[tilespmem:v18+s26+$0x0] =	vst.idx.msk $0xffff, v0  }
0x460: {  	v0 =	vld.idx.msk [tilespmem:v55+s25+$0x0], $0xffff  }
0x461: {  	v2 =	vld.idx.msk [tilespmem:v58+s25+$0x0], $0xffff;
	_ =	sdelay $0x1  }
0x462: {  	v60 =	vld.idx.msk [tilespmem:v6+s25+$0x0], $0xffff  }
0x463: {  	v4 =	vmul.f32 v4, v14;
	v1 =	vmul.f32 v59, v15  }
0x464: {  	v61 =	vadd.s32 v54, v33;
	v6 =	vor.u32 s11, v24;
	v3 =	vmul.f32 v3, v13  }
0x465: {  	v1 =	vadd.f32 v1, v4;
	v0 =	vmul.f32 v0, v16;
	v2 =	vmul.f32 v2, v17  }
0x466: {  	v62 =	vor.u32 s6, v24;
	v7 =	vadd.s32 v54, v34;
	v12 =	vor.u32 s12, v24  }
0x467: {  	v1 =	vadd.f32 v3, v1;
	v63 =	vmul.f32 v60, v32;
	v0 =	vadd.f32 v2, v0  }
0x468: {  	v18 =	vor.u32 s14, v24  }
0x469: {  	v42 =	vor.u32 s29, v24;
	[tilespmem:v61+s26+$0x0] =	vst.idx.msk $0xffff, v1;
	v0 =	vadd.f32 v63, v0  }
0x46a: {  	v58 =	vor.u32 s13, v24;
	v55 =	vld.idx.msk [tilespmem:v6+s25+$0x0], $0xffff  }
0x46b: {  	v59 =	vld.idx.msk [tilespmem:v62+s25+$0x0], $0xffff;
	[tilespmem:v7+s26+$0x0] =	vst.idx.msk $0xffff, v0  }
0x46c: {  	v60 =	vld.idx.msk [tilespmem:v12+s25+$0x0], $0xffff  }
0x46d: {  	v61 =	vld.idx.msk [tilespmem:v18+s25+$0x0], $0xffff  }
0x46e: {  	v1 =	vld.idx.msk [tilespmem:v42+s25+$0x0], $0xffff  }
0x46f: {  	v4 =	vld.idx.msk [tilespmem:v58+s25+$0x0], $0xffff;
	_ =	sdelay $0x1  }
0x470: {  	v6 =	vadd.s32 $0x4D80, v9;
	v2 =	vmul.f32 v55, v14;
	v0 =	vmul.f32 v59, v15  }
0x471: {  	v7 =	vadd.s32 v6, v33;
	v3 =	vmul.f32 v60, v16;
	v5 =	vmul.f32 v61, v17  }
0x472: {  	p0 =	slt.u32 s30, $0x1E;
	v62 =	vadd.s32 v6, v34;
	v1 =	vmul.f32 v1, v13;
	v0 =	vadd.f32 v0, v2  }
.Ltmp9:
0x473: {  	v4 =	vmul.f32 v4, v32;
	v3 =	vadd.f32 v5, v3;
	(pc) =	sbr.rel @p0 .LBB2_21-.Ltmp9, $4  }
0x474: {  	v0 =	vadd.f32 v1, v0  }
0x475: {  	v63 =	vadd.f32 v4, v3  }
0x476: {  	[tilespmem:v7+s26+$0x0] =	vst.idx.msk $0xffff, v0  }
0x477: {  	s15 =	smov.u32 s30;
	[tilespmem:v62+s26+$0x0] =	vst.idx.msk $0xffff, v63  }
0x478: {  	s3 =	sand.u32 $0xE0, s10  }
0x479: {  	s2 =	sor.u32 s3, s2  }
0x47a: {  	s2 =	sshrl.u32 s2, $0x3  }
0x47b: {  	s5 =	simm.s32 $0x1C800;
	s3 =	sadd.s32 s8, s2  }
0x47c: {  	s6 =	simm.s32 $0x20;
	s10 =	simm.s32 $0x1C828;
	s11 =	sadd.s32 $0x0, s3  }
.LBB2_23:
0x47d: {  	[hbm4b:s11+s4] =	stream.linear.scatter [tilespmem:s5], [sflag:$0x5], $0x20, $0x38;
	[tilespmem:$0x1F000] =	vst v63  }
0x47e: {  	s11 =	smov.u32 s6;
	s5 =	smov.u32 s10;
	p0 =	sne.s32 s6, $0x3E0  }
.Ltmp10:
0x47f: {  	s6 =	sadd.s32 $0x20, s6;
	(pc) =	sbr.rel @p0 .LBB2_23-.Ltmp10, $2  }
0x480: {  	_ =	sdelay $0x2  }
0x481: {  	s10 =	sadd.s32 $0x28, s10;
	s11 =	sadd.s32 s11, s3  }
0x482: {  	v0 =	vld [tilespmem:$0x1FD70]  }
0x483: {  	v1 =	vld [tilespmem:$0x1FD80]  }
0x484: {  	v2 =	vld [tilespmem:$0x1FD90]  }
0x485: {  	[hbm4b:s11+s4] =	stream.linear.scatter [tilespmem:s5], [sflag:$0x5], $0x20, $0x38;
	v3 =	vld [tilespmem:$0x1FDA0]  }
0x486: {  	s2 =	sadd.s32 s2, s8;
	v4 =	vld [tilespmem:$0x1FDB0]  }
0x487: {  	s5 =	simm.s32 $0x1CD00;
	v42 =	vld [tilespmem:$0x1FDC0];
	s3 =	sadd.s32 $0x40000, s2  }
0x488: {  	s6 =	simm.s32 $0x20;
	s10 =	simm.s32 $0x1CD28;
	v32 =	vld [tilespmem:$0x1FDD0];
	s11 =	sadd.s32 $0x0, s3  }
.LBB2_25:
0x489: {  	[hbm4b:s11+s4] =	stream.linear.scatter [tilespmem:s5], [sflag:$0x5], $0x20, $0x38;
	[tilespmem:$0x1F000] =	vst v63  }
0x48a: {  	s11 =	smov.u32 s6;
	s5 =	smov.u32 s10;
	p0 =	sne.s32 s6, $0x3E0  }
.Ltmp11:
0x48b: {  	s6 =	sadd.s32 $0x20, s6;
	(pc) =	sbr.rel @p0 .LBB2_25-.Ltmp11, $2  }
0x48c: {  	_ =	sdelay $0x2  }
0x48d: {  	s10 =	sadd.s32 $0x28, s10;
	s11 =	sadd.s32 s11, s3  }
0x48e: {  	[hbm4b:s11+s4] =	stream.linear.scatter [tilespmem:s5], [sflag:$0x5], $0x20, $0x38;
	[tilespmem:$0x1F000] =	vst v63  }
0x48f: {  	s3 =	sadd.s32 $0x80000, s2;
	s5 =	simm.s32 $0x1D200  }
0x490: {  	s6 =	simm.s32 $0x20;
	s10 =	simm.s32 $0x1D228;
	s11 =	sadd.s32 $0x0, s3  }
.LBB2_27:
0x491: {  	[hbm4b:s11+s4] =	stream.linear.scatter [tilespmem:s5], [sflag:$0x5], $0x20, $0x38;
	[tilespmem:$0x1F000] =	vst v63  }
0x492: {  	s11 =	smov.u32 s6;
	s5 =	smov.u32 s10;
	p0 =	sne.s32 s6, $0x3E0  }
.Ltmp12:
0x493: {  	s6 =	sadd.s32 $0x20, s6;
	(pc) =	sbr.rel @p0 .LBB2_27-.Ltmp12, $2  }
0x494: {  	_ =	sdelay $0x2  }
0x495: {  	s10 =	sadd.s32 $0x28, s10;
	s11 =	sadd.s32 s11, s3  }
0x496: {  	[hbm4b:s11+s4] =	stream.linear.scatter [tilespmem:s5], [sflag:$0x5], $0x20, $0x38;
	[tilespmem:$0x1F000] =	vst v63  }
0x497: {  	s3 =	sadd.s32 $0xC0000, s2;
	s5 =	simm.s32 $0x1D700  }
0x498: {  	s6 =	simm.s32 $0x20;
	s10 =	simm.s32 $0x1D728;
	s11 =	sadd.s32 $0x0, s3  }
.LBB2_29:
0x499: {  	[hbm4b:s11+s4] =	stream.linear.scatter [tilespmem:s5], [sflag:$0x5], $0x20, $0x38;
	[tilespmem:$0x1F000] =	vst v63  }
0x49a: {  	s11 =	smov.u32 s6;
	s5 =	smov.u32 s10;
	p0 =	sne.s32 s6, $0x3E0  }
.Ltmp13:
0x49b: {  	s6 =	sadd.s32 $0x20, s6;
	(pc) =	sbr.rel @p0 .LBB2_29-.Ltmp13, $2  }
0x49c: {  	_ =	sdelay $0x2  }
0x49d: {  	s10 =	sadd.s32 $0x28, s10;
	s11 =	sadd.s32 s11, s3  }
0x49e: {  	[hbm4b:s11+s4] =	stream.linear.scatter [tilespmem:s5], [sflag:$0x5], $0x20, $0x38;
	[tilespmem:$0x1F000] =	vst v63  }
0x49f: {  	s3 =	sadd.s32 $0x100000, s2;
	s5 =	simm.s32 $0x1DC00  }
0x4a0: {  	s6 =	simm.s32 $0x20;
	s10 =	simm.s32 $0x1DC28;
	s11 =	sadd.s32 $0x0, s3  }
.LBB2_31:
0x4a1: {  	[hbm4b:s11+s4] =	stream.linear.scatter [tilespmem:s5], [sflag:$0x5], $0x20, $0x38;
	[tilespmem:$0x1F000] =	vst v63  }
0x4a2: {  	s11 =	smov.u32 s6;
	s5 =	smov.u32 s10;
	p0 =	sne.s32 s6, $0x3E0  }
.Ltmp14:
0x4a3: {  	s6 =	sadd.s32 $0x20, s6;
	(pc) =	sbr.rel @p0 .LBB2_31-.Ltmp14, $2  }
0x4a4: {  	_ =	sdelay $0x2  }
0x4a5: {  	s10 =	sadd.s32 $0x28, s10;
	s11 =	sadd.s32 s11, s3  }
0x4a6: {  	[hbm4b:s11+s4] =	stream.linear.scatter [tilespmem:s5], [sflag:$0x5], $0x20, $0x38;
	[tilespmem:$0x1F000] =	vst v63  }
0x4a7: {  	s3 =	sadd.s32 $0x140000, s2;
	s5 =	simm.s32 $0x1E100  }
0x4a8: {  	s6 =	simm.s32 $0x20;
	s10 =	simm.s32 $0x1E128;
	s11 =	sadd.s32 $0x0, s3  }
.LBB2_33:
0x4a9: {  	[hbm4b:s11+s4] =	stream.linear.scatter [tilespmem:s5], [sflag:$0x5], $0x20, $0x38;
	[tilespmem:$0x1F000] =	vst v63  }
0x4aa: {  	s11 =	smov.u32 s6;
	s5 =	smov.u32 s10;
	p0 =	sne.s32 s6, $0x3E0  }
.Ltmp15:
0x4ab: {  	s6 =	sadd.s32 $0x20, s6;
	(pc) =	sbr.rel @p0 .LBB2_33-.Ltmp15, $2  }
0x4ac: {  	_ =	sdelay $0x2  }
0x4ad: {  	s10 =	sadd.s32 $0x28, s10;
	s11 =	sadd.s32 s11, s3  }
0x4ae: {  	[hbm4b:s11+s4] =	stream.linear.scatter [tilespmem:s5], [sflag:$0x5], $0x20, $0x38;
	[tilespmem:$0x1F000] =	vst v63  }
0x4af: {  	s3 =	sadd.s32 $0x180000, s2;
	s5 =	simm.s32 $0x1E600  }
0x4b0: {  	s6 =	simm.s32 $0x20;
	s10 =	simm.s32 $0x1E628;
	s11 =	sadd.s32 $0x0, s3  }
.LBB2_35:
0x4b1: {  	[hbm4b:s11+s4] =	stream.linear.scatter [tilespmem:s5], [sflag:$0x5], $0x20, $0x38;
	[tilespmem:$0x1F000] =	vst v63  }
0x4b2: {  	s11 =	smov.u32 s6;
	s5 =	smov.u32 s10;
	p0 =	sne.s32 s6, $0x3E0  }
.Ltmp16:
0x4b3: {  	s6 =	sadd.s32 $0x20, s6;
	(pc) =	sbr.rel @p0 .LBB2_35-.Ltmp16, $2  }
0x4b4: {  	_ =	sdelay $0x2  }
0x4b5: {  	s10 =	sadd.s32 $0x28, s10;
	s11 =	sadd.s32 s11, s3  }
0x4b6: {  	[hbm4b:s11+s4] =	stream.linear.scatter [tilespmem:s5], [sflag:$0x5], $0x20, $0x38;
	[tilespmem:$0x1F000] =	vst v63  }
0x4b7: {  	s2 =	sadd.s32 $0x1C0000, s2;
	s3 =	simm.s32 $0x1EB00  }
0x4b8: {  	s5 =	simm.s32 $0x20;
	s6 =	simm.s32 $0x1EB28;
	s10 =	sadd.s32 $0x0, s2  }
.LBB2_37:
0x4b9: {  	[hbm4b:s10+s4] =	stream.linear.scatter [tilespmem:s3], [sflag:$0x5], $0x20, $0x38;
	[tilespmem:$0x1F000] =	vst v63  }
0x4ba: {  	s10 =	smov.u32 s5;
	s3 =	smov.u32 s6;
	p0 =	sne.s32 s5, $0x3E0  }
.Ltmp17:
0x4bb: {  	s5 =	sadd.s32 $0x20, s5;
	(pc) =	sbr.rel @p0 .LBB2_37-.Ltmp17, $2  }
0x4bc: {  	_ =	sdelay $0x2  }
0x4bd: {  	s6 =	sadd.s32 $0x28, s6;
	s10 =	sadd.s32 s10, s2  }
0x4be: {  	s9 =	sadd.s32 $0x1, s9  }
0x4bf: {  	p0 =	sne.s32 s9, $0x20  }
.Ltmp18:
0x4c0: {  	_ = 	snop;
	(pc) =	sbr.rel @p0 .LBB2_2-.Ltmp18, $3  }
0x4c1: {  	_ =	sdelay $0x1  }
0x4c2: {  	[hbm4b:s10+s4] =	stream.linear.scatter [tilespmem:s3], [sflag:$0x5], $0x20, $0x38;
	[tilespmem:$0x1F000] =	vst v63  }
0x4c3: {  	s7 =	sadd.s32 $0x40, s7  }
0x4c4: {  	s2 =	simm.s32 $0x4  }
0x4c5: {  	_ =	swait.ge [sflag:s2], $0x400  }
0x4c6: {  	[sflag:s2] =	ssyncset.done $0x0  }
0x4c7: {  	[sflag:s2] =	ssyncadd.s32 $0xFFFFFC00  }
0x4c8: {  	_ =	swait.ge [sflag:s2], $0x400  }
0x4c9: {  	[sflag:s2] =	ssyncset.done $0x0  }
0x4ca: {  	[sflag:s2] =	ssyncadd.s32 $0xFFFFFC00  }
0x4cb: {  	_ =	swait.ge [sflag:s2], $0x400  }
0x4cc: {  	[sflag:s2] =	ssyncset.done $0x0  }
0x4cd: {  	[sflag:s2] =	ssyncadd.s32 $0xFFFFFC00  }
0x4ce: {  	_ =	swait.ge [sflag:s2], $0x400  }
0x4cf: {  	[sflag:s2] =	ssyncset.done $0x0  }
0x4d0: {  	[sflag:s2] =	ssyncadd.s32 $0xFFFFFC00  }
0x4d1: {  	_ =	swait.ge [sflag:s2], $0x400  }
0x4d2: {  	[sflag:s2] =	ssyncset.done $0x0  }
0x4d3: {  	[sflag:s2] =	ssyncadd.s32 $0xFFFFFC00  }
0x4d4: {  	_ =	swait.ge [sflag:s2], $0x400  }
0x4d5: {  	[sflag:s2] =	ssyncset.done $0x0  }
0x4d6: {  	[sflag:s2] =	ssyncadd.s32 $0xFFFFFC00  }
0x4d7: {  	_ =	swait.ge [sflag:s2], $0x400  }
0x4d8: {  	[sflag:s2] =	ssyncset.done $0x0  }
0x4d9: {  	[sflag:s2] =	ssyncadd.s32 $0xFFFFFC00  }
0x4da: {  	_ =	swait.ge [sflag:s2], $0x400  }
0x4db: {  	[sflag:s2] =	ssyncset.done $0x0  }
0x4dc: {  	s3 =	simm.s32 $0x5;
	[sflag:s2] =	ssyncadd.s32 $0xFFFFFC00  }
0x4dd: {  	_ =	swait.ge [sflag:s3], $0x400  }
0x4de: {  	[sflag:s3] =	ssyncset.done $0x0  }
0x4df: {  	[sflag:s3] =	ssyncadd.s32 $0xFFFFFC00  }
0x4e0: {  	_ =	swait.ge [sflag:s3], $0x400  }
0x4e1: {  	[sflag:s3] =	ssyncset.done $0x0  }
0x4e2: {  	[sflag:s3] =	ssyncadd.s32 $0xFFFFFC00  }
0x4e3: {  	_ =	swait.ge [sflag:s3], $0x400  }
0x4e4: {  	[sflag:s3] =	ssyncset.done $0x0  }
0x4e5: {  	[sflag:s3] =	ssyncadd.s32 $0xFFFFFC00  }
0x4e6: {  	_ =	swait.ge [sflag:s3], $0x400  }
0x4e7: {  	[sflag:s3] =	ssyncset.done $0x0  }
0x4e8: {  	[sflag:s3] =	ssyncadd.s32 $0xFFFFFC00  }
0x4e9: {  	_ =	swait.ge [sflag:s3], $0x400  }
0x4ea: {  	[sflag:s3] =	ssyncset.done $0x0  }
0x4eb: {  	[sflag:s3] =	ssyncadd.s32 $0xFFFFFC00  }
0x4ec: {  	_ =	swait.ge [sflag:s3], $0x400  }
0x4ed: {  	[sflag:s3] =	ssyncset.done $0x0  }
0x4ee: {  	[sflag:s3] =	ssyncadd.s32 $0xFFFFFC00  }
0x4ef: {  	_ =	swait.ge [sflag:s3], $0x400  }
0x4f0: {  	[sflag:s3] =	ssyncset.done $0x0  }
0x4f1: {  	[sflag:s3] =	ssyncadd.s32 $0xFFFFFC00  }
0x4f2: {  	_ =	swait.ge [sflag:s3], $0x400  }
0x4f3: {  	s5 =	rddreg [dreg:$0xc]  }
0x4f4: {  	s31 =	rddreg [dreg:$0xb];
	s5 =	sadd.s32 $0x1, s5  }
0x4f5: {  	p0 =	sne.s32 s5, s31  }
.Ltmp19:
0x4f6: {  	_ = 	snop;
	(pc) =	sbr.rel @p0 .LBB2_1-.Ltmp19, $3  }
0x4f7: {  	_ =	sdelay $0x1  }
0x4f8: {  	[sflag:s3] =	ssyncset.done $0x0  }
0x4f9: {  	[sflag:s3] =	ssyncadd.s32 $0xFFFFFC00  }
0x4fa: {  	_ =	sfence.sel $0x180000  }
0x4fb: {  	[bflag:$0x0] =	sbarrier.arrive $0xFFFF  }
0x4fc: {  	_ =	strace $0x90000047  }
0x4fd: {  	s0 =	stileid.u32;
	[bflag:$0x2] =	sbarrier.arrive $0xFFFF  }
0x4fe: {  	p0 =	sne.s32 s0, $0x0;
	s0 =	rddreg [dreg:$0x2]  }
0x4ff: {  	s0 =	sadd.s32 @!p0 $0x100000, s0  }
0x500: {  	[sflag:s0] =	ssyncadd.tile.s32 @!p0 $0x1;
	_ =	shalt  }
.Lfunc_end2:
_tile_overlayer_lowered:
.L_overlay_start_2:
0x501: {  	(tag) =	ssettag $0x2  }
0x502: {  	s0 =	rddreg [dreg:$0x0];
	s2 =	stileid.u32  }
0x503: {  	s1 =	rddreg [dreg:$0x1];
	p0 =	sne.s32 s2, $0x0  }
0x504: {  	s3 =	rddreg [dreg:$0x2];
	[bflag:$0x3] =	sbarrier.arrive $0xFFFF;
	s2 =	simm.s32 @!p0 $0x1C06  }
0x505: {  	[timem:s3], [sflag:s2] =	dma.local @!p0 [hbm:s0], s1  }
0x506: {  	s0 =	simm.s32 @!p0 $0x6  }
0x507: {  	_ =	swait.ge @!p0 [sflag:s0], s1  }
0x508: {  	s1 =	ssub.s32 @!p0 $0x0, s1;
	[sflag:s0] =	ssyncset.done @!p0 $0x0  }
0x509: {  	[sflag:s0] =	ssyncadd.s32 @!p0 s1  }
0x50a: {  	[bflag:$0x3] =	sbarrier.arrive $0xFFFF  }
0x50b: {  	_ =	shalt  }

</sc_bundles>
